<compile_context>
chip_gen: v7x
topology: tpu7x:2x2x1
jax: 0.10.2.dev20260603
libtpu: 0.0.44.dev20260713+nightly
codegen_flags: <defaults>
</compile_context>

<pallas_src>
import functools

import jax
import jax.numpy as jnp
from jax import lax
from jax.experimental import pallas as pl
from jax.experimental.pallas import tpu as pltpu
from jax.experimental.pallas import tpu_sc as plsc

B = 16384
P = 12
V = 28
D = 24
DS = 25
FW = P * V * DS
NTOK = B * P
NW = 32
TOK_W = NTOK // NW
CT = 1536
NCH = TOK_W // CT
GRP = CT // 16
LANES = 16

_sc_mesh = plsc.VectorSubcoreMesh(core_axis_name="c", subcore_axis_name="s")


@functools.partial(
    pl.kernel,
    mesh=_sc_mesh,
    compiler_params=pltpu.CompilerParams(needs_layout_passes=False),
    out_type=jax.ShapeDtypeStruct((NTOK * D // 128, 128), jnp.float32),
    scratch_types=[
        pltpu.VMEM((V * D + P * D,), jnp.float32),
        pltpu.VMEM((FW,), jnp.float32),
        pltpu.VMEM((TOK_W,), jnp.int32),
        pltpu.VMEM((CT * D // 128, 128), jnp.float32),
        pltpu.VMEM((CT * D // 128, 128), jnp.float32),
        pltpu.SemaphoreType.DMA,
        pltpu.SemaphoreType.DMA,
    ],
)
def _sc_embed(wp_hbm, x_hbm, out_hbm, wp_v, fused_v, x_v, buf0, buf1,
              sem0, sem1):
    wid = lax.axis_index("s") * 2 + lax.axis_index("c")
    base = pl.multiple_of(wid * TOK_W, TOK_W)
    pltpu.sync_copy(wp_hbm, wp_v)
    pltpu.sync_copy(x_hbm.at[pl.ds(base, TOK_W)], x_v)

    lane = lax.iota(jnp.int32, LANES)

    @plsc.parallel_loop(0, FW // LANES, 1, unroll=4)
    def build(i):
        p = i * LANES + lane
        r = p // DS
        c = jnp.minimum(p - r * DS, D - 1)
        l = r // V
        v = r - l * V
        wv = plsc.load_gather(wp_v, [v * D + c])
        pv = plsc.load_gather(wp_v, [V * D + l * D + c])
        fused_v[pl.ds(i * LANES, LANES)] = wv + pv

    half = lane // 8
    c1 = jnp.where(lane < 8, lane + 16, lane - 8)
    c2 = lane + 8

    bufs = (buf0, buf1)
    sems = (sem0, sem1)

    def compute_chunk(c, buf):
        @plsc.parallel_loop(0, GRP, 1, unroll=2)
        def group(g):
            t = pl.multiple_of(c * CT + g * LANES, LANES)
            xv = x_v[pl.ds(t, LANES)]
            lv = lax.rem(t + lane, P)
            row = (lv * V + xv) * DS
            gr = g * 3
            for q in range(8):
                a = jnp.broadcast_to(row[2 * q], (LANES,))
                b = jnp.broadcast_to(row[2 * q + 1], (LANES,))
                ab = jnp.where(half == 0, a, b)
                o = q * 48
                for m, idx in ((0, a + lane), (1, ab + c1), (2, b + c2)):
                    om = o + m * LANES
                    buf[gr + om // 128, pl.ds(om % 128, LANES)] = (
                        plsc.load_gather(fused_v, [idx]))

    copies = []
    for c in range(NCH):
        bsel = c % 2
        if c >= 2:
            copies[c - 2].wait()
        compute_chunk(c, bufs[bsel])
        off = pl.multiple_of((base + c * CT) * D // 128, CT * D // 128)
        copies.append(
            pltpu.async_copy(bufs[bsel], out_hbm.at[pl.ds(off, CT * D // 128)],
                             sems[bsel]))
    copies[-2].wait()
    copies[-1].wait()


def kernel(X, word_table, pos_table):
    wp = jnp.concatenate([word_table.reshape(V * D), pos_table.reshape(P * D)])
    x_flat = X.reshape(NTOK).astype(jnp.int32)
    out2 = _sc_embed(wp, x_flat)
    return out2.reshape(B, P, D)

# --- scband reference (transcript-rebuilt; emitter-appended) ---
"""Pipeline reference for scband-embedding-11639361372762 (READ-ONLY COPY).

The authoritative reference and input builder live on the scoring server;
editing this copy changes nothing except your own understanding.
"""

import jax, jax.numpy as jnp
import numpy as np


def setup_inputs(seed: int = 0) -> dict:
    key = jax.random.key(seed)
    k1, k2, k3 = jax.random.split(key, 3)
    X = jax.random.randint(k1, (16384, 12), 0, 28)
    word_table = jax.random.normal(k2, (28, 24), dtype=jnp.float32)
    pos_table = jax.random.normal(k3, (12, 24), dtype=jnp.float32)
    return {"X": X, "word_table": word_table, "pos_table": pos_table}


def reference(X, word_table, pos_table):
    # word embedding lookup: [B, L, 24]
    word_emb = jnp.take(word_table, X, axis=0)
    # positional embedding: pos_test[:, :L] == arange(L), lookup then broadcast over batch
    L = X.shape[-1]
    pos_ids = jnp.arange(12)[:L]
    pos_emb = jnp.take(pos_table, pos_ids, axis=0)[None, :, :]
    return word_emb + pos_emb

if __name__ == "__main__":
    import jax
    _d = setup_inputs()
    print(jax.jit(kernel)(*tuple(_d.values())))

</pallas_src>

<mosaic_0001>
#map = affine_map<(d0, d1) -> (0)>
#map1 = affine_map<(d0, d1) -> (0, 0)>
module attributes {stable_mosaic.version = 14 : i64} {
  func.func @_sc_embed(%arg0: i32, %arg1: i32, %arg2: memref<960xf32, #tpu.memory_space<hbm>>, %arg3: memref<196608xi32, #tpu.memory_space<hbm>>, %arg4: memref<36864x128xf32, #tpu.memory_space<hbm>>, %arg5: memref<960xf32, #tpu.memory_space<vmem>>, %arg6: memref<8400xf32, #tpu.memory_space<vmem>>, %arg7: memref<6144xi32, #tpu.memory_space<vmem>>, %arg8: memref<288x128xf32, #tpu.memory_space<vmem>>, %arg9: memref<288x128xf32, #tpu.memory_space<vmem>>, %arg10: memref<!tpu.dma_semaphore, #tpu.memory_space<semaphore_mem>>, %arg11: memref<!tpu.dma_semaphore, #tpu.memory_space<semaphore_mem>>) attributes {dimension_semantics = [#tpu.dimension_semantics<core_parallel>, #tpu.dimension_semantics<subcore_parallel>], iteration_bounds = array<i64: 2, 16>, scalar_prefetch = 0 : i64, scratch_operands = 7 : i64, tpu.core_type = #tpu.core_type<sc_vector_subcore>, window_params = [{transform_indices = #map}, {transform_indices = #map}, {transform_indices = #map1}]} {
    %mul3A = arith.constant 2 : i32
    %mul3A_0 = arith.muli %arg1, %mul3A : i32
    %add3A = arith.addi %mul3A_0, %arg0 : i32
    %mul3A_1 = arith.constant 6144 : i32
    %mul3A_2 = arith.muli %add3A, %mul3A_1 : i32
    %multiple_of3A = tpu.assume_multiple %mul3A_2, 6144 : i32
    "tpu.region"() ({
      %run_scoped3A = tpu.sem_alloc : memref<!tpu.dma_semaphore, #tpu.memory_space<semaphore_mem>>
      tpu.enqueue_dma source(%arg2 : memref<960xf32, #tpu.memory_space<hbm>>) target(%arg5 : memref<960xf32, #tpu.memory_space<vmem>>) target_semaphore(%run_scoped3A : memref<!tpu.dma_semaphore, #tpu.memory_space<semaphore_mem>>)
      tpu.wait_dma2 semaphore(%run_scoped3A : memref<!tpu.dma_semaphore, #tpu.memory_space<semaphore_mem>>) src(%arg2 : memref<960xf32, #tpu.memory_space<hbm>>) dst(%arg5 : memref<960xf32, #tpu.memory_space<vmem>>)
      tpu.yield
    }) : () -> ()
    "tpu.region"() ({
      %run_scoped3A = tpu.sem_alloc : memref<!tpu.dma_semaphore, #tpu.memory_space<semaphore_mem>>
      %dma_start3A_198 = tpu.memref_slice %arg3[%multiple_of3A] : memref<196608xi32, #tpu.memory_space<hbm>> -> memref<6144xi32, #tpu.memory_space<hbm>>
      %dma_start3A_199 = tpu.memref_slice %arg3[%multiple_of3A] : memref<196608xi32, #tpu.memory_space<hbm>> -> memref<6144xi32, #tpu.memory_space<hbm>>
      tpu.enqueue_dma source(%dma_start3A_199 : memref<6144xi32, #tpu.memory_space<hbm>>) target(%arg7 : memref<6144xi32, #tpu.memory_space<vmem>>) target_semaphore(%run_scoped3A : memref<!tpu.dma_semaphore, #tpu.memory_space<semaphore_mem>>)
      %dma_wait3A_200 = tpu.memref_slice %arg3[%multiple_of3A] : memref<196608xi32, #tpu.memory_space<hbm>> -> memref<6144xi32, #tpu.memory_space<hbm>>
      %dma_wait3A_201 = tpu.memref_slice %arg3[%multiple_of3A] : memref<196608xi32, #tpu.memory_space<hbm>> -> memref<6144xi32, #tpu.memory_space<hbm>>
      tpu.wait_dma2 semaphore(%run_scoped3A : memref<!tpu.dma_semaphore, #tpu.memory_space<semaphore_mem>>) src(%dma_wait3A_201 : memref<6144xi32, #tpu.memory_space<hbm>>) dst(%arg7 : memref<6144xi32, #tpu.memory_space<vmem>>)
      tpu.yield
    }) : () -> ()
    %iota3A = tpu.iota {dimensions = array<i32: 0>} : vector<16xi32>
    %parallel_loop3A = arith.constant 0 : i32
    %parallel_loop3A_3 = arith.constant 525 : i32
    %parallel_loop3A_4 = arith.constant 1 : i32
    scf.for %parallel_loop3A_198 = %parallel_loop3A to %parallel_loop3A_3 step %parallel_loop3A_4  : i32 {
      %parallel_loop3A_199 = arith.constant 16 : i32
      %parallel_loop3A_200 = arith.muli %parallel_loop3A_198, %parallel_loop3A_199 : i32
      %parallel_loop3A_201 = vector.broadcast %parallel_loop3A_200 : i32 to vector<16xi32>
      %parallel_loop3A_202 = arith.addi %parallel_loop3A_201, %iota3A : vector<16xi32>
      %parallel_loop3A_203 = arith.constant 25 : i32
      %parallel_loop3A_204 = vector.broadcast %parallel_loop3A_203 : i32 to vector<16xi32>
      %parallel_loop3A_205 = arith.divsi %parallel_loop3A_202, %parallel_loop3A_204 : vector<16xi32>
      %parallel_loop3A_206 = arith.constant 0 : i32
      %parallel_loop3A_207 = vector.broadcast %parallel_loop3A_206 : i32 to vector<16xi32>
      %parallel_loop3A_208 = arith.cmpi sgt, %parallel_loop3A_202, %parallel_loop3A_207 : vector<16xi32>
      %parallel_loop3A_209 = arith.extui %parallel_loop3A_208 : vector<16xi1> to vector<16xi32>
      %parallel_loop3A_210 = arith.constant 0 : i32
      %parallel_loop3A_211 = vector.broadcast %parallel_loop3A_210 : i32 to vector<16xi32>
      %parallel_loop3A_212 = arith.cmpi slt, %parallel_loop3A_202, %parallel_loop3A_211 : vector<16xi32>
      %parallel_loop3A_213 = arith.extui %parallel_loop3A_212 : vector<16xi1> to vector<16xi32>
      %parallel_loop3A_214 = arith.subi %parallel_loop3A_209, %parallel_loop3A_213 : vector<16xi32>
      %parallel_loop3A_215 = arith.constant 0 : i32
      %parallel_loop3A_216 = arith.cmpi sgt, %parallel_loop3A_203, %parallel_loop3A_215 : i32
      %parallel_loop3A_217 = arith.extui %parallel_loop3A_216 : i1 to i32
      %parallel_loop3A_218 = arith.constant 0 : i32
      %parallel_loop3A_219 = arith.cmpi slt, %parallel_loop3A_203, %parallel_loop3A_218 : i32
      %parallel_loop3A_220 = arith.extui %parallel_loop3A_219 : i1 to i32
      %parallel_loop3A_221 = arith.subi %parallel_loop3A_217, %parallel_loop3A_220 : i32
      %parallel_loop3A_222 = vector.broadcast %parallel_loop3A_221 : i32 to vector<16xi32>
      %parallel_loop3A_223 = arith.cmpi ne, %parallel_loop3A_214, %parallel_loop3A_222 : vector<16xi32>
      %parallel_loop3A_224 = vector.broadcast %parallel_loop3A_203 : i32 to vector<16xi32>
      %parallel_loop3A_225 = arith.remsi %parallel_loop3A_202, %parallel_loop3A_224 : vector<16xi32>
      %parallel_loop3A_226 = arith.constant 0 : i32
      %parallel_loop3A_227 = vector.broadcast %parallel_loop3A_226 : i32 to vector<16xi32>
      %parallel_loop3A_228 = arith.cmpi ne, %parallel_loop3A_225, %parallel_loop3A_227 : vector<16xi32>
      %parallel_loop3A_229 = arith.andi %parallel_loop3A_223, %parallel_loop3A_228 : vector<16xi1>
      %parallel_loop3A_230 = arith.constant 1 : i32
      %parallel_loop3A_231 = vector.broadcast %parallel_loop3A_230 : i32 to vector<16xi32>
      %parallel_loop3A_232 = arith.subi %parallel_loop3A_205, %parallel_loop3A_231 : vector<16xi32>
      %parallel_loop3A_233 = arith.select %parallel_loop3A_229, %parallel_loop3A_232, %parallel_loop3A_205 : vector<16xi1>, vector<16xi32>
      %parallel_loop3A_234 = arith.constant 25 : i32
      %parallel_loop3A_235 = vector.broadcast %parallel_loop3A_234 : i32 to vector<16xi32>
      %parallel_loop3A_236 = arith.muli %parallel_loop3A_233, %parallel_loop3A_235 : vector<16xi32>
      %parallel_loop3A_237 = arith.subi %parallel_loop3A_202, %parallel_loop3A_236 : vector<16xi32>
      %parallel_loop3A_238 = arith.constant 23 : i32
      %parallel_loop3A_239 = vector.broadcast %parallel_loop3A_238 : i32 to vector<16xi32>
      %parallel_loop3A_240 = arith.minsi %parallel_loop3A_237, %parallel_loop3A_239 : vector<16xi32>
      %parallel_loop3A_241 = arith.constant 28 : i32
      %parallel_loop3A_242 = vector.broadcast %parallel_loop3A_241 : i32 to vector<16xi32>
      %parallel_loop3A_243 = arith.divsi %parallel_loop3A_233, %parallel_loop3A_242 : vector<16xi32>
      %parallel_loop3A_244 = arith.constant 0 : i32
      %parallel_loop3A_245 = vector.broadcast %parallel_loop3A_244 : i32 to vector<16xi32>
      %parallel_loop3A_246 = arith.cmpi sgt, %parallel_loop3A_233, %parallel_loop3A_245 : vector<16xi32>
      %parallel_loop3A_247 = arith.extui %parallel_loop3A_246 : vector<16xi1> to vector<16xi32>
      %parallel_loop3A_248 = arith.constant 0 : i32
      %parallel_loop3A_249 = vector.broadcast %parallel_loop3A_248 : i32 to vector<16xi32>
      %parallel_loop3A_250 = arith.cmpi slt, %parallel_loop3A_233, %parallel_loop3A_249 : vector<16xi32>
      %parallel_loop3A_251 = arith.extui %parallel_loop3A_250 : vector<16xi1> to vector<16xi32>
      %parallel_loop3A_252 = arith.subi %parallel_loop3A_247, %parallel_loop3A_251 : vector<16xi32>
      %parallel_loop3A_253 = arith.constant 0 : i32
      %parallel_loop3A_254 = arith.cmpi sgt, %parallel_loop3A_241, %parallel_loop3A_253 : i32
      %parallel_loop3A_255 = arith.extui %parallel_loop3A_254 : i1 to i32
      %parallel_loop3A_256 = arith.constant 0 : i32
      %parallel_loop3A_257 = arith.cmpi slt, %parallel_loop3A_241, %parallel_loop3A_256 : i32
      %parallel_loop3A_258 = arith.extui %parallel_loop3A_257 : i1 to i32
      %parallel_loop3A_259 = arith.subi %parallel_loop3A_255, %parallel_loop3A_258 : i32
      %parallel_loop3A_260 = vector.broadcast %parallel_loop3A_259 : i32 to vector<16xi32>
      %parallel_loop3A_261 = arith.cmpi ne, %parallel_loop3A_252, %parallel_loop3A_260 : vector<16xi32>
      %parallel_loop3A_262 = vector.broadcast %parallel_loop3A_241 : i32 to vector<16xi32>
      %parallel_loop3A_263 = arith.remsi %parallel_loop3A_233, %parallel_loop3A_262 : vector<16xi32>
      %parallel_loop3A_264 = arith.constant 0 : i32
      %parallel_loop3A_265 = vector.broadcast %parallel_loop3A_264 : i32 to vector<16xi32>
      %parallel_loop3A_266 = arith.cmpi ne, %parallel_loop3A_263, %parallel_loop3A_265 : vector<16xi32>
      %parallel_loop3A_267 = arith.andi %parallel_loop3A_261, %parallel_loop3A_266 : vector<16xi1>
      %parallel_loop3A_268 = arith.constant 1 : i32
      %parallel_loop3A_269 = vector.broadcast %parallel_loop3A_268 : i32 to vector<16xi32>
      %parallel_loop3A_270 = arith.subi %parallel_loop3A_243, %parallel_loop3A_269 : vector<16xi32>
      %parallel_loop3A_271 = arith.select %parallel_loop3A_267, %parallel_loop3A_270, %parallel_loop3A_243 : vector<16xi1>, vector<16xi32>
      %parallel_loop3A_272 = arith.constant 28 : i32
      %parallel_loop3A_273 = vector.broadcast %parallel_loop3A_272 : i32 to vector<16xi32>
      %parallel_loop3A_274 = arith.muli %parallel_loop3A_271, %parallel_loop3A_273 : vector<16xi32>
      %parallel_loop3A_275 = arith.subi %parallel_loop3A_233, %parallel_loop3A_274 : vector<16xi32>
      %parallel_loop3A_276 = arith.constant 24 : i32
      %parallel_loop3A_277 = vector.broadcast %parallel_loop3A_276 : i32 to vector<16xi32>
      %parallel_loop3A_278 = arith.muli %parallel_loop3A_275, %parallel_loop3A_277 : vector<16xi32>
      %parallel_loop3A_279 = arith.addi %parallel_loop3A_278, %parallel_loop3A_240 : vector<16xi32>
      %parallel_loop3A_280 = tpu.vector_load_idx %arg5[%parallel_loop3A_279] : memref<960xf32, #tpu.memory_space<vmem>>[vector<16xi32>], vector<16xf32>,
      %parallel_loop3A_281 = arith.constant 24 : i32
      %parallel_loop3A_282 = vector.broadcast %parallel_loop3A_281 : i32 to vector<16xi32>
      %parallel_loop3A_283 = arith.muli %parallel_loop3A_271, %parallel_loop3A_282 : vector<16xi32>
      %parallel_loop3A_284 = arith.constant 672 : i32
      %parallel_loop3A_285 = vector.broadcast %parallel_loop3A_284 : i32 to vector<16xi32>
      %parallel_loop3A_286 = arith.addi %parallel_loop3A_285, %parallel_loop3A_283 : vector<16xi32>
      %parallel_loop3A_287 = arith.addi %parallel_loop3A_286, %parallel_loop3A_240 : vector<16xi32>
      %parallel_loop3A_288 = tpu.vector_load_idx %arg5[%parallel_loop3A_287] : memref<960xf32, #tpu.memory_space<vmem>>[vector<16xi32>], vector<16xf32>,
      %parallel_loop3A_289 = arith.addf %parallel_loop3A_280, %parallel_loop3A_288 : vector<16xf32>
      %parallel_loop3A_290 = arith.constant 16 : i32
      %parallel_loop3A_291 = arith.muli %parallel_loop3A_198, %parallel_loop3A_290 : i32
      %parallel_loop3A_292 = arith.index_cast %parallel_loop3A_291 : i32 to index
      %parallel_loop3A_293 = tpu.vector_load %arg6[%parallel_loop3A_292] {strides = array<i32>} : memref<8400xf32, #tpu.memory_space<vmem>>, vector<16xf32>,
      tpu.vector_store %arg6[%parallel_loop3A_292], %parallel_loop3A_289 {strides = array<i32>} : memref<8400xf32, #tpu.memory_space<vmem>>, vector<16xf32>,
    } {sc.loop_unroll_factor = 4 : i64, sc.parallel_access}
    %jit3A = arith.constant 8 : i32
    %div3A = vector.broadcast %jit3A : i32 to vector<16xi32>
    %div3A_5 = arith.divsi %iota3A, %div3A : vector<16xi32>
    %sign3A = arith.constant 0 : i32
    %sign3A_6 = vector.broadcast %sign3A : i32 to vector<16xi32>
    %sign3A_7 = arith.cmpi sgt, %iota3A, %sign3A_6 : vector<16xi32>
    %sign3A_8 = arith.extui %sign3A_7 : vector<16xi1> to vector<16xi32>
    %sign3A_9 = arith.constant 0 : i32
    %sign3A_10 = vector.broadcast %sign3A_9 : i32 to vector<16xi32>
    %sign3A_11 = arith.cmpi slt, %iota3A, %sign3A_10 : vector<16xi32>
    %sign3A_12 = arith.extui %sign3A_11 : vector<16xi1> to vector<16xi32>
    %sign3A_13 = arith.subi %sign3A_8, %sign3A_12 : vector<16xi32>
    %sign3A_14 = arith.constant 0 : i32
    %sign3A_15 = arith.cmpi sgt, %jit3A, %sign3A_14 : i32
    %sign3A_16 = arith.extui %sign3A_15 : i1 to i32
    %sign3A_17 = arith.constant 0 : i32
    %sign3A_18 = arith.cmpi slt, %jit3A, %sign3A_17 : i32
    %sign3A_19 = arith.extui %sign3A_18 : i1 to i32
    %sign3A_20 = arith.subi %sign3A_16, %sign3A_19 : i32
    %ne3A = vector.broadcast %sign3A_20 : i32 to vector<16xi32>
    %ne3A_21 = arith.cmpi ne, %sign3A_13, %ne3A : vector<16xi32>
    %rem3A = vector.broadcast %jit3A : i32 to vector<16xi32>
    %rem3A_22 = arith.remsi %iota3A, %rem3A : vector<16xi32>
    %ne3A_23 = arith.constant 0 : i32
    %ne3A_24 = vector.broadcast %ne3A_23 : i32 to vector<16xi32>
    %ne3A_25 = arith.cmpi ne, %rem3A_22, %ne3A_24 : vector<16xi32>
    %and3A = arith.andi %ne3A_21, %ne3A_25 : vector<16xi1>
    %sub3A = arith.constant 1 : i32
    %sub3A_26 = vector.broadcast %sub3A : i32 to vector<16xi32>
    %sub3A_27 = arith.subi %div3A_5, %sub3A_26 : vector<16xi32>
    %select_n3A = arith.select %and3A, %sub3A_27, %div3A_5 : vector<16xi1>, vector<16xi32>
    %lt3A = arith.constant 8 : i32
    %lt3A_28 = vector.broadcast %lt3A : i32 to vector<16xi32>
    %lt3A_29 = arith.cmpi slt, %iota3A, %lt3A_28 : vector<16xi32>
    %add3A_30 = arith.constant 16 : i32
    %add3A_31 = vector.broadcast %add3A_30 : i32 to vector<16xi32>
    %add3A_32 = arith.addi %iota3A, %add3A_31 : vector<16xi32>
    %sub3A_33 = arith.constant 8 : i32
    %sub3A_34 = vector.broadcast %sub3A_33 : i32 to vector<16xi32>
    %sub3A_35 = arith.subi %iota3A, %sub3A_34 : vector<16xi32>
    %select_n3A_36 = arith.select %lt3A_29, %add3A_32, %sub3A_35 : vector<16xi1>, vector<16xi32>
    %add3A_37 = arith.constant 8 : i32
    %add3A_38 = vector.broadcast %add3A_37 : i32 to vector<16xi32>
    %add3A_39 = arith.addi %iota3A, %add3A_38 : vector<16xi32>
    %parallel_loop3A_40 = arith.constant 0 : i32
    %parallel_loop3A_41 = arith.constant 96 : i32
    %parallel_loop3A_42 = arith.constant 1 : i32
    scf.for %parallel_loop3A_198 = %parallel_loop3A_40 to %parallel_loop3A_41 step %parallel_loop3A_42  : i32 {
      %parallel_loop3A_199 = arith.constant 16 : i32
      %parallel_loop3A_200 = arith.muli %parallel_loop3A_198, %parallel_loop3A_199 : i32
      %parallel_loop3A_201 = arith.constant 0 : i32
      %parallel_loop3A_202 = arith.addi %parallel_loop3A_201, %parallel_loop3A_200 : i32
      %parallel_loop3A_203 = tpu.assume_multiple %parallel_loop3A_202, 16 : i32
      %parallel_loop3A_204 = arith.index_cast %parallel_loop3A_203 : i32 to index
      %parallel_loop3A_205 = tpu.vector_load %arg7[%parallel_loop3A_204] {strides = array<i32>} : memref<6144xi32, #tpu.memory_space<vmem>>, vector<16xi32>,
      %parallel_loop3A_206 = vector.broadcast %parallel_loop3A_203 : i32 to vector<16xi32>
      %parallel_loop3A_207 = arith.addi %parallel_loop3A_206, %iota3A : vector<16xi32>
      %parallel_loop3A_208 = arith.constant 12 : i32
      %parallel_loop3A_209 = vector.broadcast %parallel_loop3A_208 : i32 to vector<16xi32>
      %parallel_loop3A_210 = arith.remsi %parallel_loop3A_207, %parallel_loop3A_209 : vector<16xi32>
      %parallel_loop3A_211 = arith.constant 28 : i32
      %parallel_loop3A_212 = vector.broadcast %parallel_loop3A_211 : i32 to vector<16xi32>
      %parallel_loop3A_213 = arith.muli %parallel_loop3A_210, %parallel_loop3A_212 : vector<16xi32>
      %parallel_loop3A_214 = arith.addi %parallel_loop3A_213, %parallel_loop3A_205 : vector<16xi32>
      %parallel_loop3A_215 = arith.constant 25 : i32
      %parallel_loop3A_216 = vector.broadcast %parallel_loop3A_215 : i32 to vector<16xi32>
      %parallel_loop3A_217 = arith.muli %parallel_loop3A_214, %parallel_loop3A_216 : vector<16xi32>
      %parallel_loop3A_218 = arith.constant 3 : i32
      %parallel_loop3A_219 = arith.muli %parallel_loop3A_198, %parallel_loop3A_218 : i32
      %parallel_loop3A_220 = vector.extract_strided_slice %parallel_loop3A_217 {offsets = [0], sizes = [1], strides = [1]} : vector<16xi32> to vector<1xi32>
      %parallel_loop3A_221 = vector.extract %parallel_loop3A_220[0] : i32 from vector<1xi32>
      %parallel_loop3A_222 = vector.broadcast %parallel_loop3A_221 : i32 to vector<16xi32>
      %parallel_loop3A_223 = vector.extract_strided_slice %parallel_loop3A_217 {offsets = [1], sizes = [1], strides = [1]} : vector<16xi32> to vector<1xi32>
      %parallel_loop3A_224 = vector.extract %parallel_loop3A_223[0] : i32 from vector<1xi32>
      %parallel_loop3A_225 = vector.broadcast %parallel_loop3A_224 : i32 to vector<16xi32>
      %parallel_loop3A_226 = arith.constant 0 : i32
      %parallel_loop3A_227 = vector.broadcast %parallel_loop3A_226 : i32 to vector<16xi32>
      %parallel_loop3A_228 = arith.cmpi eq, %select_n3A, %parallel_loop3A_227 : vector<16xi32>
      %parallel_loop3A_229 = arith.select %parallel_loop3A_228, %parallel_loop3A_222, %parallel_loop3A_225 : vector<16xi1>, vector<16xi32>
      %parallel_loop3A_230 = arith.addi %parallel_loop3A_222, %iota3A : vector<16xi32>
      %parallel_loop3A_231 = arith.addi %parallel_loop3A_229, %select_n3A_36 : vector<16xi32>
      %parallel_loop3A_232 = arith.addi %parallel_loop3A_225, %add3A_39 : vector<16xi32>
      %parallel_loop3A_233 = tpu.vector_load_idx %arg6[%parallel_loop3A_230] : memref<8400xf32, #tpu.memory_space<vmem>>[vector<16xi32>], vector<16xf32>,
      %parallel_loop3A_234 = arith.constant 0 : i32
      %parallel_loop3A_235 = arith.addi %parallel_loop3A_219, %parallel_loop3A_234 : i32
      %parallel_loop3A_236 = arith.index_cast %parallel_loop3A_235 : i32 to index
      %parallel_loop3A_237 = arith.constant 0 : index
      %parallel_loop3A_238 = tpu.vector_load %arg8[%parallel_loop3A_236, %parallel_loop3A_237] {strides = array<i32>} : memref<288x128xf32, #tpu.memory_space<vmem>>, vector<16xf32>,
      tpu.vector_store %arg8[%parallel_loop3A_236, %parallel_loop3A_237], %parallel_loop3A_233 {strides = array<i32>} : memref<288x128xf32, #tpu.memory_space<vmem>>, vector<16xf32>,
      %parallel_loop3A_239 = tpu.vector_load_idx %arg6[%parallel_loop3A_231] : memref<8400xf32, #tpu.memory_space<vmem>>[vector<16xi32>], vector<16xf32>,
      %parallel_loop3A_240 = arith.constant 0 : i32
      %parallel_loop3A_241 = arith.addi %parallel_loop3A_219, %parallel_loop3A_240 : i32
      %parallel_loop3A_242 = arith.index_cast %parallel_loop3A_241 : i32 to index
      %parallel_loop3A_243 = arith.constant 16 : index
      %parallel_loop3A_244 = tpu.vector_load %arg8[%parallel_loop3A_242, %parallel_loop3A_243] {strides = array<i32>} : memref<288x128xf32, #tpu.memory_space<vmem>>, vector<16xf32>,
      tpu.vector_store %arg8[%parallel_loop3A_242, %parallel_loop3A_243], %parallel_loop3A_239 {strides = array<i32>} : memref<288x128xf32, #tpu.memory_space<vmem>>, vector<16xf32>,
      %parallel_loop3A_245 = tpu.vector_load_idx %arg6[%parallel_loop3A_232] : memref<8400xf32, #tpu.memory_space<vmem>>[vector<16xi32>], vector<16xf32>,
      %parallel_loop3A_246 = arith.constant 0 : i32
      %parallel_loop3A_247 = arith.addi %parallel_loop3A_219, %parallel_loop3A_246 : i32
      %parallel_loop3A_248 = arith.index_cast %parallel_loop3A_247 : i32 to index
      %parallel_loop3A_249 = arith.constant 32 : index
      %parallel_loop3A_250 = tpu.vector_load %arg8[%parallel_loop3A_248, %parallel_loop3A_249] {strides = array<i32>} : memref<288x128xf32, #tpu.memory_space<vmem>>, vector<16xf32>,
      tpu.vector_store %arg8[%parallel_loop3A_248, %parallel_loop3A_249], %parallel_loop3A_245 {strides = array<i32>} : memref<288x128xf32, #tpu.memory_space<vmem>>, vector<16xf32>,
      %parallel_loop3A_251 = vector.extract_strided_slice %parallel_loop3A_217 {offsets = [2], sizes = [1], strides = [1]} : vector<16xi32> to vector<1xi32>
      %parallel_loop3A_252 = vector.extract %parallel_loop3A_251[0] : i32 from vector<1xi32>
      %parallel_loop3A_253 = vector.broadcast %parallel_loop3A_252 : i32 to vector<16xi32>
      %parallel_loop3A_254 = vector.extract_strided_slice %parallel_loop3A_217 {offsets = [3], sizes = [1], strides = [1]} : vector<16xi32> to vector<1xi32>
      %parallel_loop3A_255 = vector.extract %parallel_loop3A_254[0] : i32 from vector<1xi32>
      %parallel_loop3A_256 = vector.broadcast %parallel_loop3A_255 : i32 to vector<16xi32>
      %parallel_loop3A_257 = arith.constant 0 : i32
      %parallel_loop3A_258 = vector.broadcast %parallel_loop3A_257 : i32 to vector<16xi32>
      %parallel_loop3A_259 = arith.cmpi eq, %select_n3A, %parallel_loop3A_258 : vector<16xi32>
      %parallel_loop3A_260 = arith.select %parallel_loop3A_259, %parallel_loop3A_253, %parallel_loop3A_256 : vector<16xi1>, vector<16xi32>
      %parallel_loop3A_261 = arith.addi %parallel_loop3A_253, %iota3A : vector<16xi32>
      %parallel_loop3A_262 = arith.addi %parallel_loop3A_260, %select_n3A_36 : vector<16xi32>
      %parallel_loop3A_263 = arith.addi %parallel_loop3A_256, %add3A_39 : vector<16xi32>
      %parallel_loop3A_264 = tpu.vector_load_idx %arg6[%parallel_loop3A_261] : memref<8400xf32, #tpu.memory_space<vmem>>[vector<16xi32>], vector<16xf32>,
      %parallel_loop3A_265 = arith.constant 0 : i32
      %parallel_loop3A_266 = arith.addi %parallel_loop3A_219, %parallel_loop3A_265 : i32
      %parallel_loop3A_267 = arith.index_cast %parallel_loop3A_266 : i32 to index
      %parallel_loop3A_268 = arith.constant 48 : index
      %parallel_loop3A_269 = tpu.vector_load %arg8[%parallel_loop3A_267, %parallel_loop3A_268] {strides = array<i32>} : memref<288x128xf32, #tpu.memory_space<vmem>>, vector<16xf32>,
      tpu.vector_store %arg8[%parallel_loop3A_267, %parallel_loop3A_268], %parallel_loop3A_264 {strides = array<i32>} : memref<288x128xf32, #tpu.memory_space<vmem>>, vector<16xf32>,
      %parallel_loop3A_270 = tpu.vector_load_idx %arg6[%parallel_loop3A_262] : memref<8400xf32, #tpu.memory_space<vmem>>[vector<16xi32>], vector<16xf32>,
      %parallel_loop3A_271 = arith.constant 0 : i32
      %parallel_loop3A_272 = arith.addi %parallel_loop3A_219, %parallel_loop3A_271 : i32
      %parallel_loop3A_273 = arith.index_cast %parallel_loop3A_272 : i32 to index
      %parallel_loop3A_274 = arith.constant 64 : index
      %parallel_loop3A_275 = tpu.vector_load %arg8[%parallel_loop3A_273, %parallel_loop3A_274] {strides = array<i32>} : memref<288x128xf32, #tpu.memory_space<vmem>>, vector<16xf32>,
      tpu.vector_store %arg8[%parallel_loop3A_273, %parallel_loop3A_274], %parallel_loop3A_270 {strides = array<i32>} : memref<288x128xf32, #tpu.memory_space<vmem>>, vector<16xf32>,
      %parallel_loop3A_276 = tpu.vector_load_idx %arg6[%parallel_loop3A_263] : memref<8400xf32, #tpu.memory_space<vmem>>[vector<16xi32>], vector<16xf32>,
      %parallel_loop3A_277 = arith.constant 0 : i32
      %parallel_loop3A_278 = arith.addi %parallel_loop3A_219, %parallel_loop3A_277 : i32
      %parallel_loop3A_279 = arith.index_cast %parallel_loop3A_278 : i32 to index
      %parallel_loop3A_280 = arith.constant 80 : index
      %parallel_loop3A_281 = tpu.vector_load %arg8[%parallel_loop3A_279, %parallel_loop3A_280] {strides = array<i32>} : memref<288x128xf32, #tpu.memory_space<vmem>>, vector<16xf32>,
      tpu.vector_store %arg8[%parallel_loop3A_279, %parallel_loop3A_280], %parallel_loop3A_276 {strides = array<i32>} : memref<288x128xf32, #tpu.memory_space<vmem>>, vector<16xf32>,
      %parallel_loop3A_282 = vector.extract_strided_slice %parallel_loop3A_217 {offsets = [4], sizes = [1], strides = [1]} : vector<16xi32> to vector<1xi32>
      %parallel_loop3A_283 = vector.extract %parallel_loop3A_282[0] : i32 from vector<1xi32>
      %parallel_loop3A_284 = vector.broadcast %parallel_loop3A_283 : i32 to vector<16xi32>
      %parallel_loop3A_285 = vector.extract_strided_slice %parallel_loop3A_217 {offsets = [5], sizes = [1], strides = [1]} : vector<16xi32> to vector<1xi32>
      %parallel_loop3A_286 = vector.extract %parallel_loop3A_285[0] : i32 from vector<1xi32>
      %parallel_loop3A_287 = vector.broadcast %parallel_loop3A_286 : i32 to vector<16xi32>
      %parallel_loop3A_288 = arith.constant 0 : i32
      %parallel_loop3A_289 = vector.broadcast %parallel_loop3A_288 : i32 to vector<16xi32>
      %parallel_loop3A_290 = arith.cmpi eq, %select_n3A, %parallel_loop3A_289 : vector<16xi32>
      %parallel_loop3A_291 = arith.select %parallel_loop3A_290, %parallel_loop3A_284, %parallel_loop3A_287 : vector<16xi1>, vector<16xi32>
      %parallel_loop3A_292 = arith.addi %parallel_loop3A_284, %iota3A : vector<16xi32>
      %parallel_loop3A_293 = arith.addi %parallel_loop3A_291, %select_n3A_36 : vector<16xi32>
      %parallel_loop3A_294 = arith.addi %parallel_loop3A_287, %add3A_39 : vector<16xi32>
      %parallel_loop3A_295 = tpu.vector_load_idx %arg6[%parallel_loop3A_292] : memref<8400xf32, #tpu.memory_space<vmem>>[vector<16xi32>], vector<16xf32>,
      %parallel_loop3A_296 = arith.constant 0 : i32
      %parallel_loop3A_297 = arith.addi %parallel_loop3A_219, %parallel_loop3A_296 : i32
      %parallel_loop3A_298 = arith.index_cast %parallel_loop3A_297 : i32 to index
      %parallel_loop3A_299 = arith.constant 96 : index
      %parallel_loop3A_300 = tpu.vector_load %arg8[%parallel_loop3A_298, %parallel_loop3A_299] {strides = array<i32>} : memref<288x128xf32, #tpu.memory_space<vmem>>, vector<16xf32>,
      tpu.vector_store %arg8[%parallel_loop3A_298, %parallel_loop3A_299], %parallel_loop3A_295 {strides = array<i32>} : memref<288x128xf32, #tpu.memory_space<vmem>>, vector<16xf32>,
      %parallel_loop3A_301 = tpu.vector_load_idx %arg6[%parallel_loop3A_293] : memref<8400xf32, #tpu.memory_space<vmem>>[vector<16xi32>], vector<16xf32>,
      %parallel_loop3A_302 = arith.constant 0 : i32
      %parallel_loop3A_303 = arith.addi %parallel_loop3A_219, %parallel_loop3A_302 : i32
      %parallel_loop3A_304 = arith.index_cast %parallel_loop3A_303 : i32 to index
      %parallel_loop3A_305 = arith.constant 112 : index
      %parallel_loop3A_306 = tpu.vector_load %arg8[%parallel_loop3A_304, %parallel_loop3A_305] {strides = array<i32>} : memref<288x128xf32, #tpu.memory_space<vmem>>, vector<16xf32>,
      tpu.vector_store %arg8[%parallel_loop3A_304, %parallel_loop3A_305], %parallel_loop3A_301 {strides = array<i32>} : memref<288x128xf32, #tpu.memory_space<vmem>>, vector<16xf32>,
      %parallel_loop3A_307 = tpu.vector_load_idx %arg6[%parallel_loop3A_294] : memref<8400xf32, #tpu.memory_space<vmem>>[vector<16xi32>], vector<16xf32>,
      %parallel_loop3A_308 = arith.constant 1 : i32
      %parallel_loop3A_309 = arith.addi %parallel_loop3A_219, %parallel_loop3A_308 : i32
      %parallel_loop3A_310 = arith.index_cast %parallel_loop3A_309 : i32 to index
      %parallel_loop3A_311 = arith.constant 0 : index
      %parallel_loop3A_312 = tpu.vector_load %arg8[%parallel_loop3A_310, %parallel_loop3A_311] {strides = array<i32>} : memref<288x128xf32, #tpu.memory_space<vmem>>, vector<16xf32>,
      tpu.vector_store %arg8[%parallel_loop3A_310, %parallel_loop3A_311], %parallel_loop3A_307 {strides = array<i32>} : memref<288x128xf32, #tpu.memory_space<vmem>>, vector<16xf32>,
      %parallel_loop3A_313 = vector.extract_strided_slice %parallel_loop3A_217 {offsets = [6], sizes = [1], strides = [1]} : vector<16xi32> to vector<1xi32>
      %parallel_loop3A_314 = vector.extract %parallel_loop3A_313[0] : i32 from vector<1xi32>
      %parallel_loop3A_315 = vector.broadcast %parallel_loop3A_314 : i32 to vector<16xi32>
      %parallel_loop3A_316 = vector.extract_strided_slice %parallel_loop3A_217 {offsets = [7], sizes = [1], strides = [1]} : vector<16xi32> to vector<1xi32>
      %parallel_loop3A_317 = vector.extract %parallel_loop3A_316[0] : i32 from vector<1xi32>
      %parallel_loop3A_318 = vector.broadcast %parallel_loop3A_317 : i32 to vector<16xi32>
      %parallel_loop3A_319 = arith.constant 0 : i32
      %parallel_loop3A_320 = vector.broadcast %parallel_loop3A_319 : i32 to vector<16xi32>
      %parallel_loop3A_321 = arith.cmpi eq, %select_n3A, %parallel_loop3A_320 : vector<16xi32>
      %parallel_loop3A_322 = arith.select %parallel_loop3A_321, %parallel_loop3A_315, %parallel_loop3A_318 : vector<16xi1>, vector<16xi32>
      %parallel_loop3A_323 = arith.addi %parallel_loop3A_315, %iota3A : vector<16xi32>
      %parallel_loop3A_324 = arith.addi %parallel_loop3A_322, %select_n3A_36 : vector<16xi32>
      %parallel_loop3A_325 = arith.addi %parallel_loop3A_318, %add3A_39 : vector<16xi32>
      %parallel_loop3A_326 = tpu.vector_load_idx %arg6[%parallel_loop3A_323] : memref<8400xf32, #tpu.memory_space<vmem>>[vector<16xi32>], vector<16xf32>,
      %parallel_loop3A_327 = arith.constant 1 : i32
      %parallel_loop3A_328 = arith.addi %parallel_loop3A_219, %parallel_loop3A_327 : i32
      %parallel_loop3A_329 = arith.index_cast %parallel_loop3A_328 : i32 to index
      %parallel_loop3A_330 = arith.constant 16 : index
      %parallel_loop3A_331 = tpu.vector_load %arg8[%parallel_loop3A_329, %parallel_loop3A_330] {strides = array<i32>} : memref<288x128xf32, #tpu.memory_space<vmem>>, vector<16xf32>,
      tpu.vector_store %arg8[%parallel_loop3A_329, %parallel_loop3A_330], %parallel_loop3A_326 {strides = array<i32>} : memref<288x128xf32, #tpu.memory_space<vmem>>, vector<16xf32>,
      %parallel_loop3A_332 = tpu.vector_load_idx %arg6[%parallel_loop3A_324] : memref<8400xf32, #tpu.memory_space<vmem>>[vector<16xi32>], vector<16xf32>,
      %parallel_loop3A_333 = arith.constant 1 : i32
      %parallel_loop3A_334 = arith.addi %parallel_loop3A_219, %parallel_loop3A_333 : i32
      %parallel_loop3A_335 = arith.index_cast %parallel_loop3A_334 : i32 to index
      %parallel_loop3A_336 = arith.constant 32 : index
      %parallel_loop3A_337 = tpu.vector_load %arg8[%parallel_loop3A_335, %parallel_loop3A_336] {strides = array<i32>} : memref<288x128xf32, #tpu.memory_space<vmem>>, vector<16xf32>,
      tpu.vector_store %arg8[%parallel_loop3A_335, %parallel_loop3A_336], %parallel_loop3A_332 {strides = array<i32>} : memref<288x128xf32, #tpu.memory_space<vmem>>, vector<16xf32>,
      %parallel_loop3A_338 = tpu.vector_load_idx %arg6[%parallel_loop3A_325] : memref<8400xf32, #tpu.memory_space<vmem>>[vector<16xi32>], vector<16xf32>,
      %parallel_loop3A_339 = arith.constant 1 : i32
      %parallel_loop3A_340 = arith.addi %parallel_loop3A_219, %parallel_loop3A_339 : i32
      %parallel_loop3A_341 = arith.index_cast %parallel_loop3A_340 : i32 to index
      %parallel_loop3A_342 = arith.constant 48 : index
      %parallel_loop3A_343 = tpu.vector_load %arg8[%parallel_loop3A_341, %parallel_loop3A_342] {strides = array<i32>} : memref<288x128xf32, #tpu.memory_space<vmem>>, vector<16xf32>,
      tpu.vector_store %arg8[%parallel_loop3A_341, %parallel_loop3A_342], %parallel_loop3A_338 {strides = array<i32>} : memref<288x128xf32, #tpu.memory_space<vmem>>, vector<16xf32>,
      %parallel_loop3A_344 = vector.extract_strided_slice %parallel_loop3A_217 {offsets = [8], sizes = [1], strides = [1]} : vector<16xi32> to vector<1xi32>
      %parallel_loop3A_345 = vector.extract %parallel_loop3A_344[0] : i32 from vector<1xi32>
      %parallel_loop3A_346 = vector.broadcast %parallel_loop3A_345 : i32 to vector<16xi32>
      %parallel_loop3A_347 = vector.extract_strided_slice %parallel_loop3A_217 {offsets = [9], sizes = [1], strides = [1]} : vector<16xi32> to vector<1xi32>
      %parallel_loop3A_348 = vector.extract %parallel_loop3A_347[0] : i32 from vector<1xi32>
      %parallel_loop3A_349 = vector.broadcast %parallel_loop3A_348 : i32 to vector<16xi32>
      %parallel_loop3A_350 = arith.constant 0 : i32
      %parallel_loop3A_351 = vector.broadcast %parallel_loop3A_350 : i32 to vector<16xi32>
      %parallel_loop3A_352 = arith.cmpi eq, %select_n3A, %parallel_loop3A_351 : vector<16xi32>
      %parallel_loop3A_353 = arith.select %parallel_loop3A_352, %parallel_loop3A_346, %parallel_loop3A_349 : vector<16xi1>, vector<16xi32>
      %parallel_loop3A_354 = arith.addi %parallel_loop3A_346, %iota3A : vector<16xi32>
      %parallel_loop3A_355 = arith.addi %parallel_loop3A_353, %select_n3A_36 : vector<16xi32>
      %parallel_loop3A_356 = arith.addi %parallel_loop3A_349, %add3A_39 : vector<16xi32>
      %parallel_loop3A_357 = tpu.vector_load_idx %arg6[%parallel_loop3A_354] : memref<8400xf32, #tpu.memory_space<vmem>>[vector<16xi32>], vector<16xf32>,
      %parallel_loop3A_358 = arith.constant 1 : i32
      %parallel_loop3A_359 = arith.addi %parallel_loop3A_219, %parallel_loop3A_358 : i32
      %parallel_loop3A_360 = arith.index_cast %parallel_loop3A_359 : i32 to index
      %parallel_loop3A_361 = arith.constant 64 : index
      %parallel_loop3A_362 = tpu.vector_load %arg8[%parallel_loop3A_360, %parallel_loop3A_361] {strides = array<i32>} : memref<288x128xf32, #tpu.memory_space<vmem>>, vector<16xf32>,
      tpu.vector_store %arg8[%parallel_loop3A_360, %parallel_loop3A_361], %parallel_loop3A_357 {strides = array<i32>} : memref<288x128xf32, #tpu.memory_space<vmem>>, vector<16xf32>,
      %parallel_loop3A_363 = tpu.vector_load_idx %arg6[%parallel_loop3A_355] : memref<8400xf32, #tpu.memory_space<vmem>>[vector<16xi32>], vector<16xf32>,
      %parallel_loop3A_364 = arith.constant 1 : i32
      %parallel_loop3A_365 = arith.addi %parallel_loop3A_219, %parallel_loop3A_364 : i32
      %parallel_loop3A_366 = arith.index_cast %parallel_loop3A_365 : i32 to index
      %parallel_loop3A_367 = arith.constant 80 : index
      %parallel_loop3A_368 = tpu.vector_load %arg8[%parallel_loop3A_366, %parallel_loop3A_367] {strides = array<i32>} : memref<288x128xf32, #tpu.memory_space<vmem>>, vector<16xf32>,
      tpu.vector_store %arg8[%parallel_loop3A_366, %parallel_loop3A_367], %parallel_loop3A_363 {strides = array<i32>} : memref<288x128xf32, #tpu.memory_space<vmem>>, vector<16xf32>,
      %parallel_loop3A_369 = tpu.vector_load_idx %arg6[%parallel_loop3A_356] : memref<8400xf32, #tpu.memory_space<vmem>>[vector<16xi32>], vector<16xf32>,
      %parallel_loop3A_370 = arith.constant 1 : i32
      %parallel_loop3A_371 = arith.addi %parallel_loop3A_219, %parallel_loop3A_370 : i32
      %parallel_loop3A_372 = arith.index_cast %parallel_loop3A_371 : i32 to index
      %parallel_loop3A_373 = arith.constant 96 : index
      %parallel_loop3A_374 = tpu.vector_load %arg8[%parallel_loop3A_372, %parallel_loop3A_373] {strides = array<i32>} : memref<288x128xf32, #tpu.memory_space<vmem>>, vector<16xf32>,
      tpu.vector_store %arg8[%parallel_loop3A_372, %parallel_loop3A_373], %parallel_loop3A_369 {strides = array<i32>} : memref<288x128xf32, #tpu.memory_space<vmem>>, vector<16xf32>,
      %parallel_loop3A_375 = vector.extract_strided_slice %parallel_loop3A_217 {offsets = [10], sizes = [1], strides = [1]} : vector<16xi32> to vector<1xi32>
      %parallel_loop3A_376 = vector.extract %parallel_loop3A_375[0] : i32 from vector<1xi32>
      %parallel_loop3A_377 = vector.broadcast %parallel_loop3A_376 : i32 to vector<16xi32>
      %parallel_loop3A_378 = vector.extract_strided_slice %parallel_loop3A_217 {offsets = [11], sizes = [1], strides = [1]} : vector<16xi32> to vector<1xi32>
      %parallel_loop3A_379 = vector.extract %parallel_loop3A_378[0] : i32 from vector<1xi32>
      %parallel_loop3A_380 = vector.broadcast %parallel_loop3A_379 : i32 to vector<16xi32>
      %parallel_loop3A_381 = arith.constant 0 : i32
      %parallel_loop3A_382 = vector.broadcast %parallel_loop3A_381 : i32 to vector<16xi32>
      %parallel_loop3A_383 = arith.cmpi eq, %select_n3A, %parallel_loop3A_382 : vector<16xi32>
      %parallel_loop3A_384 = arith.select %parallel_loop3A_383, %parallel_loop3A_377, %parallel_loop3A_380 : vector<16xi1>, vector<16xi32>
      %parallel_loop3A_385 = arith.addi %parallel_loop3A_377, %iota3A : vector<16xi32>
      %parallel_loop3A_386 = arith.addi %parallel_loop3A_384, %select_n3A_36 : vector<16xi32>
      %parallel_loop3A_387 = arith.addi %parallel_loop3A_380, %add3A_39 : vector<16xi32>
      %parallel_loop3A_388 = tpu.vector_load_idx %arg6[%parallel_loop3A_385] : memref<8400xf32, #tpu.memory_space<vmem>>[vector<16xi32>], vector<16xf32>,
      %parallel_loop3A_389 = arith.constant 1 : i32
      %parallel_loop3A_390 = arith.addi %parallel_loop3A_219, %parallel_loop3A_389 : i32
      %parallel_loop3A_391 = arith.index_cast %parallel_loop3A_390 : i32 to index
      %parallel_loop3A_392 = arith.constant 112 : index
      %parallel_loop3A_393 = tpu.vector_load %arg8[%parallel_loop3A_391, %parallel_loop3A_392] {strides = array<i32>} : memref<288x128xf32, #tpu.memory_space<vmem>>, vector<16xf32>,
      tpu.vector_store %arg8[%parallel_loop3A_391, %parallel_loop3A_392], %parallel_loop3A_388 {strides = array<i32>} : memref<288x128xf32, #tpu.memory_space<vmem>>, vector<16xf32>,
      %parallel_loop3A_394 = tpu.vector_load_idx %arg6[%parallel_loop3A_386] : memref<8400xf32, #tpu.memory_space<vmem>>[vector<16xi32>], vector<16xf32>,
      %parallel_loop3A_395 = arith.constant 2 : i32
      %parallel_loop3A_396 = arith.addi %parallel_loop3A_219, %parallel_loop3A_395 : i32
      %parallel_loop3A_397 = arith.index_cast %parallel_loop3A_396 : i32 to index
      %parallel_loop3A_398 = arith.constant 0 : index
      %parallel_loop3A_399 = tpu.vector_load %arg8[%parallel_loop3A_397, %parallel_loop3A_398] {strides = array<i32>} : memref<288x128xf32, #tpu.memory_space<vmem>>, vector<16xf32>,
      tpu.vector_store %arg8[%parallel_loop3A_397, %parallel_loop3A_398], %parallel_loop3A_394 {strides = array<i32>} : memref<288x128xf32, #tpu.memory_space<vmem>>, vector<16xf32>,
      %parallel_loop3A_400 = tpu.vector_load_idx %arg6[%parallel_loop3A_387] : memref<8400xf32, #tpu.memory_space<vmem>>[vector<16xi32>], vector<16xf32>,
      %parallel_loop3A_401 = arith.constant 2 : i32
      %parallel_loop3A_402 = arith.addi %parallel_loop3A_219, %parallel_loop3A_401 : i32
      %parallel_loop3A_403 = arith.index_cast %parallel_loop3A_402 : i32 to index
      %parallel_loop3A_404 = arith.constant 16 : index
      %parallel_loop3A_405 = tpu.vector_load %arg8[%parallel_loop3A_403, %parallel_loop3A_404] {strides = array<i32>} : memref<288x128xf32, #tpu.memory_space<vmem>>, vector<16xf32>,
      tpu.vector_store %arg8[%parallel_loop3A_403, %parallel_loop3A_404], %parallel_loop3A_400 {strides = array<i32>} : memref<288x128xf32, #tpu.memory_space<vmem>>, vector<16xf32>,
      %parallel_loop3A_406 = vector.extract_strided_slice %parallel_loop3A_217 {offsets = [12], sizes = [1], strides = [1]} : vector<16xi32> to vector<1xi32>
      %parallel_loop3A_407 = vector.extract %parallel_loop3A_406[0] : i32 from vector<1xi32>
      %parallel_loop3A_408 = vector.broadcast %parallel_loop3A_407 : i32 to vector<16xi32>
      %parallel_loop3A_409 = vector.extract_strided_slice %parallel_loop3A_217 {offsets = [13], sizes = [1], strides = [1]} : vector<16xi32> to vector<1xi32>
      %parallel_loop3A_410 = vector.extract %parallel_loop3A_409[0] : i32 from vector<1xi32>
      %parallel_loop3A_411 = vector.broadcast %parallel_loop3A_410 : i32 to vector<16xi32>
      %parallel_loop3A_412 = arith.constant 0 : i32
      %parallel_loop3A_413 = vector.broadcast %parallel_loop3A_412 : i32 to vector<16xi32>
      %parallel_loop3A_414 = arith.cmpi eq, %select_n3A, %parallel_loop3A_413 : vector<16xi32>
      %parallel_loop3A_415 = arith.select %parallel_loop3A_414, %parallel_loop3A_408, %parallel_loop3A_411 : vector<16xi1>, vector<16xi32>
      %parallel_loop3A_416 = arith.addi %parallel_loop3A_408, %iota3A : vector<16xi32>
      %parallel_loop3A_417 = arith.addi %parallel_loop3A_415, %select_n3A_36 : vector<16xi32>
      %parallel_loop3A_418 = arith.addi %parallel_loop3A_411, %add3A_39 : vector<16xi32>
      %parallel_loop3A_419 = tpu.vector_load_idx %arg6[%parallel_loop3A_416] : memref<8400xf32, #tpu.memory_space<vmem>>[vector<16xi32>], vector<16xf32>,
      %parallel_loop3A_420 = arith.constant 2 : i32
      %parallel_loop3A_421 = arith.addi %parallel_loop3A_219, %parallel_loop3A_420 : i32
      %parallel_loop3A_422 = arith.index_cast %parallel_loop3A_421 : i32 to index
      %parallel_loop3A_423 = arith.constant 32 : index
      %parallel_loop3A_424 = tpu.vector_load %arg8[%parallel_loop3A_422, %parallel_loop3A_423] {strides = array<i32>} : memref<288x128xf32, #tpu.memory_space<vmem>>, vector<16xf32>,
      tpu.vector_store %arg8[%parallel_loop3A_422, %parallel_loop3A_423], %parallel_loop3A_419 {strides = array<i32>} : memref<288x128xf32, #tpu.memory_space<vmem>>, vector<16xf32>,
      %parallel_loop3A_425 = tpu.vector_load_idx %arg6[%parallel_loop3A_417] : memref<8400xf32, #tpu.memory_space<vmem>>[vector<16xi32>], vector<16xf32>,
      %parallel_loop3A_426 = arith.constant 2 : i32
      %parallel_loop3A_427 = arith.addi %parallel_loop3A_219, %parallel_loop3A_426 : i32
      %parallel_loop3A_428 = arith.index_cast %parallel_loop3A_427 : i32 to index
      %parallel_loop3A_429 = arith.constant 48 : index
      %parallel_loop3A_430 = tpu.vector_load %arg8[%parallel_loop3A_428, %parallel_loop3A_429] {strides = array<i32>} : memref<288x128xf32, #tpu.memory_space<vmem>>, vector<16xf32>,
      tpu.vector_store %arg8[%parallel_loop3A_428, %parallel_loop3A_429], %parallel_loop3A_425 {strides = array<i32>} : memref<288x128xf32, #tpu.memory_space<vmem>>, vector<16xf32>,
      %parallel_loop3A_431 = tpu.vector_load_idx %arg6[%parallel_loop3A_418] : memref<8400xf32, #tpu.memory_space<vmem>>[vector<16xi32>], vector<16xf32>,
      %parallel_loop3A_432 = arith.constant 2 : i32
      %parallel_loop3A_433 = arith.addi %parallel_loop3A_219, %parallel_loop3A_432 : i32
      %parallel_loop3A_434 = arith.index_cast %parallel_loop3A_433 : i32 to index
      %parallel_loop3A_435 = arith.constant 64 : index
      %parallel_loop3A_436 = tpu.vector_load %arg8[%parallel_loop3A_434, %parallel_loop3A_435] {strides = array<i32>} : memref<288x128xf32, #tpu.memory_space<vmem>>, vector<16xf32>,
      tpu.vector_store %arg8[%parallel_loop3A_434, %parallel_loop3A_435], %parallel_loop3A_431 {strides = array<i32>} : memref<288x128xf32, #tpu.memory_space<vmem>>, vector<16xf32>,
      %parallel_loop3A_437 = vector.extract_strided_slice %parallel_loop3A_217 {offsets = [14], sizes = [1], strides = [1]} : vector<16xi32> to vector<1xi32>
      %parallel_loop3A_438 = vector.extract %parallel_loop3A_437[0] : i32 from vector<1xi32>
      %parallel_loop3A_439 = vector.broadcast %parallel_loop3A_438 : i32 to vector<16xi32>
      %parallel_loop3A_440 = vector.extract_strided_slice %parallel_loop3A_217 {offsets = [15], sizes = [1], strides = [1]} : vector<16xi32> to vector<1xi32>
      %parallel_loop3A_441 = vector.extract %parallel_loop3A_440[0] : i32 from vector<1xi32>
      %parallel_loop3A_442 = vector.broadcast %parallel_loop3A_441 : i32 to vector<16xi32>
      %parallel_loop3A_443 = arith.constant 0 : i32
      %parallel_loop3A_444 = vector.broadcast %parallel_loop3A_443 : i32 to vector<16xi32>
      %parallel_loop3A_445 = arith.cmpi eq, %select_n3A, %parallel_loop3A_444 : vector<16xi32>
      %parallel_loop3A_446 = arith.select %parallel_loop3A_445, %parallel_loop3A_439, %parallel_loop3A_442 : vector<16xi1>, vector<16xi32>
      %parallel_loop3A_447 = arith.addi %parallel_loop3A_439, %iota3A : vector<16xi32>
      %parallel_loop3A_448 = arith.addi %parallel_loop3A_446, %select_n3A_36 : vector<16xi32>
      %parallel_loop3A_449 = arith.addi %parallel_loop3A_442, %add3A_39 : vector<16xi32>
      %parallel_loop3A_450 = tpu.vector_load_idx %arg6[%parallel_loop3A_447] : memref<8400xf32, #tpu.memory_space<vmem>>[vector<16xi32>], vector<16xf32>,
      %parallel_loop3A_451 = arith.constant 2 : i32
      %parallel_loop3A_452 = arith.addi %parallel_loop3A_219, %parallel_loop3A_451 : i32
      %parallel_loop3A_453 = arith.index_cast %parallel_loop3A_452 : i32 to index
      %parallel_loop3A_454 = arith.constant 80 : index
      %parallel_loop3A_455 = tpu.vector_load %arg8[%parallel_loop3A_453, %parallel_loop3A_454] {strides = array<i32>} : memref<288x128xf32, #tpu.memory_space<vmem>>, vector<16xf32>,
      tpu.vector_store %arg8[%parallel_loop3A_453, %parallel_loop3A_454], %parallel_loop3A_450 {strides = array<i32>} : memref<288x128xf32, #tpu.memory_space<vmem>>, vector<16xf32>,
      %parallel_loop3A_456 = tpu.vector_load_idx %arg6[%parallel_loop3A_448] : memref<8400xf32, #tpu.memory_space<vmem>>[vector<16xi32>], vector<16xf32>,
      %parallel_loop3A_457 = arith.constant 2 : i32
      %parallel_loop3A_458 = arith.addi %parallel_loop3A_219, %parallel_loop3A_457 : i32
      %parallel_loop3A_459 = arith.index_cast %parallel_loop3A_458 : i32 to index
      %parallel_loop3A_460 = arith.constant 96 : index
      %parallel_loop3A_461 = tpu.vector_load %arg8[%parallel_loop3A_459, %parallel_loop3A_460] {strides = array<i32>} : memref<288x128xf32, #tpu.memory_space<vmem>>, vector<16xf32>,
      tpu.vector_store %arg8[%parallel_loop3A_459, %parallel_loop3A_460], %parallel_loop3A_456 {strides = array<i32>} : memref<288x128xf32, #tpu.memory_space<vmem>>, vector<16xf32>,
      %parallel_loop3A_462 = tpu.vector_load_idx %arg6[%parallel_loop3A_449] : memref<8400xf32, #tpu.memory_space<vmem>>[vector<16xi32>], vector<16xf32>,
      %parallel_loop3A_463 = arith.constant 2 : i32
      %parallel_loop3A_464 = arith.addi %parallel_loop3A_219, %parallel_loop3A_463 : i32
      %parallel_loop3A_465 = arith.index_cast %parallel_loop3A_464 : i32 to index
      %parallel_loop3A_466 = arith.constant 112 : index
      %parallel_loop3A_467 = tpu.vector_load %arg8[%parallel_loop3A_465, %parallel_loop3A_466] {strides = array<i32>} : memref<288x128xf32, #tpu.memory_space<vmem>>, vector<16xf32>,
      tpu.vector_store %arg8[%parallel_loop3A_465, %parallel_loop3A_466], %parallel_loop3A_462 {strides = array<i32>} : memref<288x128xf32, #tpu.memory_space<vmem>>, vector<16xf32>,
    } {sc.loop_unroll_factor = 2 : i64, sc.parallel_access}
    %add3A_43 = arith.constant 0 : i32
    %add3A_44 = arith.addi %multiple_of3A, %add3A_43 : i32
    %mul3A_45 = arith.constant 24 : i32
    %mul3A_46 = arith.muli %add3A_44, %mul3A_45 : i32
    %jit3A_47 = arith.constant 128 : i32
    %div3A_48 = arith.divsi %mul3A_46, %jit3A_47 : i32
    %sign3A_49 = arith.constant 0 : i32
    %sign3A_50 = arith.cmpi sgt, %mul3A_46, %sign3A_49 : i32
    %sign3A_51 = arith.extui %sign3A_50 : i1 to i32
    %sign3A_52 = arith.constant 0 : i32
    %sign3A_53 = arith.cmpi slt, %mul3A_46, %sign3A_52 : i32
    %sign3A_54 = arith.extui %sign3A_53 : i1 to i32
    %sign3A_55 = arith.subi %sign3A_51, %sign3A_54 : i32
    %sign3A_56 = arith.constant 0 : i32
    %sign3A_57 = arith.cmpi sgt, %jit3A_47, %sign3A_56 : i32
    %sign3A_58 = arith.extui %sign3A_57 : i1 to i32
    %sign3A_59 = arith.constant 0 : i32
    %sign3A_60 = arith.cmpi slt, %jit3A_47, %sign3A_59 : i32
    %sign3A_61 = arith.extui %sign3A_60 : i1 to i32
    %sign3A_62 = arith.subi %sign3A_58, %sign3A_61 : i32
    %ne3A_63 = arith.cmpi ne, %sign3A_55, %sign3A_62 : i32
    %rem3A_64 = arith.remsi %mul3A_46, %jit3A_47 : i32
    %ne3A_65 = arith.constant 0 : i32
    %ne3A_66 = arith.cmpi ne, %rem3A_64, %ne3A_65 : i32
    %and3A_67 = arith.andi %ne3A_63, %ne3A_66 : i1
    %sub3A_68 = arith.constant 1 : i32
    %sub3A_69 = arith.subi %div3A_48, %sub3A_68 : i32
    %select_n3A_70 = arith.select %and3A_67, %sub3A_69, %div3A_48 : i32
    %multiple_of3A_71 = tpu.assume_multiple %select_n3A_70, 288 : i32
    %dma_start3A = arith.constant 0 : i32
    %dma_start3A_72 = tpu.memref_slice %arg4[%multiple_of3A_71, %dma_start3A] : memref<36864x128xf32, #tpu.memory_space<hbm>> -> memref<288x128xf32, #tpu.memory_space<hbm>>
    %dma_start3A_73 = arith.constant 0 : i32
    %dma_start3A_74 = tpu.memref_slice %arg4[%multiple_of3A_71, %dma_start3A_73] : memref<36864x128xf32, #tpu.memory_space<hbm>> -> memref<288x128xf32, #tpu.memory_space<hbm>>
    tpu.enqueue_dma source(%arg8 : memref<288x128xf32, #tpu.memory_space<vmem>>) target(%dma_start3A_74 : memref<288x128xf32, #tpu.memory_space<hbm>>) target_semaphore(%arg10 : memref<!tpu.dma_semaphore, #tpu.memory_space<semaphore_mem>>)
    %parallel_loop3A_75 = arith.constant 0 : i32
    %parallel_loop3A_76 = arith.constant 96 : i32
    %parallel_loop3A_77 = arith.constant 1 : i32
    scf.for %parallel_loop3A_198 = %parallel_loop3A_75 to %parallel_loop3A_76 step %parallel_loop3A_77  : i32 {
      %parallel_loop3A_199 = arith.constant 16 : i32
      %parallel_loop3A_200 = arith.muli %parallel_loop3A_198, %parallel_loop3A_199 : i32
      %parallel_loop3A_201 = arith.constant 1536 : i32
      %parallel_loop3A_202 = arith.addi %parallel_loop3A_201, %parallel_loop3A_200 : i32
      %parallel_loop3A_203 = tpu.assume_multiple %parallel_loop3A_202, 16 : i32
      %parallel_loop3A_204 = arith.index_cast %parallel_loop3A_203 : i32 to index
      %parallel_loop3A_205 = tpu.vector_load %arg7[%parallel_loop3A_204] {strides = array<i32>} : memref<6144xi32, #tpu.memory_space<vmem>>, vector<16xi32>,
      %parallel_loop3A_206 = vector.broadcast %parallel_loop3A_203 : i32 to vector<16xi32>
      %parallel_loop3A_207 = arith.addi %parallel_loop3A_206, %iota3A : vector<16xi32>
      %parallel_loop3A_208 = arith.constant 12 : i32
      %parallel_loop3A_209 = vector.broadcast %parallel_loop3A_208 : i32 to vector<16xi32>
      %parallel_loop3A_210 = arith.remsi %parallel_loop3A_207, %parallel_loop3A_209 : vector<16xi32>
      %parallel_loop3A_211 = arith.constant 28 : i32
      %parallel_loop3A_212 = vector.broadcast %parallel_loop3A_211 : i32 to vector<16xi32>
      %parallel_loop3A_213 = arith.muli %parallel_loop3A_210, %parallel_loop3A_212 : vector<16xi32>
      %parallel_loop3A_214 = arith.addi %parallel_loop3A_213, %parallel_loop3A_205 : vector<16xi32>
      %parallel_loop3A_215 = arith.constant 25 : i32
      %parallel_loop3A_216 = vector.broadcast %parallel_loop3A_215 : i32 to vector<16xi32>
      %parallel_loop3A_217 = arith.muli %parallel_loop3A_214, %parallel_loop3A_216 : vector<16xi32>
      %parallel_loop3A_218 = arith.constant 3 : i32
      %parallel_loop3A_219 = arith.muli %parallel_loop3A_198, %parallel_loop3A_218 : i32
      %parallel_loop3A_220 = vector.extract_strided_slice %parallel_loop3A_217 {offsets = [0], sizes = [1], strides = [1]} : vector<16xi32> to vector<1xi32>
      %parallel_loop3A_221 = vector.extract %parallel_loop3A_220[0] : i32 from vector<1xi32>
      %parallel_loop3A_222 = vector.broadcast %parallel_loop3A_221 : i32 to vector<16xi32>
      %parallel_loop3A_223 = vector.extract_strided_slice %parallel_loop3A_217 {offsets = [1], sizes = [1], strides = [1]} : vector<16xi32> to vector<1xi32>
      %parallel_loop3A_224 = vector.extract %parallel_loop3A_223[0] : i32 from vector<1xi32>
      %parallel_loop3A_225 = vector.broadcast %parallel_loop3A_224 : i32 to vector<16xi32>
      %parallel_loop3A_226 = arith.constant 0 : i32
      %parallel_loop3A_227 = vector.broadcast %parallel_loop3A_226 : i32 to vector<16xi32>
      %parallel_loop3A_228 = arith.cmpi eq, %select_n3A, %parallel_loop3A_227 : vector<16xi32>
      %parallel_loop3A_229 = arith.select %parallel_loop3A_228, %parallel_loop3A_222, %parallel_loop3A_225 : vector<16xi1>, vector<16xi32>
      %parallel_loop3A_230 = arith.addi %parallel_loop3A_222, %iota3A : vector<16xi32>
      %parallel_loop3A_231 = arith.addi %parallel_loop3A_229, %select_n3A_36 : vector<16xi32>
      %parallel_loop3A_232 = arith.addi %parallel_loop3A_225, %add3A_39 : vector<16xi32>
      %parallel_loop3A_233 = tpu.vector_load_idx %arg6[%parallel_loop3A_230] : memref<8400xf32, #tpu.memory_space<vmem>>[vector<16xi32>], vector<16xf32>,
      %parallel_loop3A_234 = arith.constant 0 : i32
      %parallel_loop3A_235 = arith.addi %parallel_loop3A_219, %parallel_loop3A_234 : i32
      %parallel_loop3A_236 = arith.index_cast %parallel_loop3A_235 : i32 to index
      %parallel_loop3A_237 = arith.constant 0 : index
      %parallel_loop3A_238 = tpu.vector_load %arg9[%parallel_loop3A_236, %parallel_loop3A_237] {strides = array<i32>} : memref<288x128xf32, #tpu.memory_space<vmem>>, vector<16xf32>,
      tpu.vector_store %arg9[%parallel_loop3A_236, %parallel_loop3A_237], %parallel_loop3A_233 {strides = array<i32>} : memref<288x128xf32, #tpu.memory_space<vmem>>, vector<16xf32>,
      %parallel_loop3A_239 = tpu.vector_load_idx %arg6[%parallel_loop3A_231] : memref<8400xf32, #tpu.memory_space<vmem>>[vector<16xi32>], vector<16xf32>,
      %parallel_loop3A_240 = arith.constant 0 : i32
      %parallel_loop3A_241 = arith.addi %parallel_loop3A_219, %parallel_loop3A_240 : i32
      %parallel_loop3A_242 = arith.index_cast %parallel_loop3A_241 : i32 to index
      %parallel_loop3A_243 = arith.constant 16 : index
      %parallel_loop3A_244 = tpu.vector_load %arg9[%parallel_loop3A_242, %parallel_loop3A_243] {strides = array<i32>} : memref<288x128xf32, #tpu.memory_space<vmem>>, vector<16xf32>,
      tpu.vector_store %arg9[%parallel_loop3A_242, %parallel_loop3A_243], %parallel_loop3A_239 {strides = array<i32>} : memref<288x128xf32, #tpu.memory_space<vmem>>, vector<16xf32>,
      %parallel_loop3A_245 = tpu.vector_load_idx %arg6[%parallel_loop3A_232] : memref<8400xf32, #tpu.memory_space<vmem>>[vector<16xi32>], vector<16xf32>,
      %parallel_loop3A_246 = arith.constant 0 : i32
      %parallel_loop3A_247 = arith.addi %parallel_loop3A_219, %parallel_loop3A_246 : i32
      %parallel_loop3A_248 = arith.index_cast %parallel_loop3A_247 : i32 to index
      %parallel_loop3A_249 = arith.constant 32 : index
      %parallel_loop3A_250 = tpu.vector_load %arg9[%parallel_loop3A_248, %parallel_loop3A_249] {strides = array<i32>} : memref<288x128xf32, #tpu.memory_space<vmem>>, vector<16xf32>,
      tpu.vector_store %arg9[%parallel_loop3A_248, %parallel_loop3A_249], %parallel_loop3A_245 {strides = array<i32>} : memref<288x128xf32, #tpu.memory_space<vmem>>, vector<16xf32>,
      %parallel_loop3A_251 = vector.extract_strided_slice %parallel_loop3A_217 {offsets = [2], sizes = [1], strides = [1]} : vector<16xi32> to vector<1xi32>
      %parallel_loop3A_252 = vector.extract %parallel_loop3A_251[0] : i32 from vector<1xi32>
      %parallel_loop3A_253 = vector.broadcast %parallel_loop3A_252 : i32 to vector<16xi32>
      %parallel_loop3A_254 = vector.extract_strided_slice %parallel_loop3A_217 {offsets = [3], sizes = [1], strides = [1]} : vector<16xi32> to vector<1xi32>
      %parallel_loop3A_255 = vector.extract %parallel_loop3A_254[0] : i32 from vector<1xi32>
      %parallel_loop3A_256 = vector.broadcast %parallel_loop3A_255 : i32 to vector<16xi32>
      %parallel_loop3A_257 = arith.constant 0 : i32
      %parallel_loop3A_258 = vector.broadcast %parallel_loop3A_257 : i32 to vector<16xi32>
      %parallel_loop3A_259 = arith.cmpi eq, %select_n3A, %parallel_loop3A_258 : vector<16xi32>
      %parallel_loop3A_260 = arith.select %parallel_loop3A_259, %parallel_loop3A_253, %parallel_loop3A_256 : vector<16xi1>, vector<16xi32>
      %parallel_loop3A_261 = arith.addi %parallel_loop3A_253, %iota3A : vector<16xi32>
      %parallel_loop3A_262 = arith.addi %parallel_loop3A_260, %select_n3A_36 : vector<16xi32>
      %parallel_loop3A_263 = arith.addi %parallel_loop3A_256, %add3A_39 : vector<16xi32>
      %parallel_loop3A_264 = tpu.vector_load_idx %arg6[%parallel_loop3A_261] : memref<8400xf32, #tpu.memory_space<vmem>>[vector<16xi32>], vector<16xf32>,
      %parallel_loop3A_265 = arith.constant 0 : i32
      %parallel_loop3A_266 = arith.addi %parallel_loop3A_219, %parallel_loop3A_265 : i32
      %parallel_loop3A_267 = arith.index_cast %parallel_loop3A_266 : i32 to index
      %parallel_loop3A_268 = arith.constant 48 : index
      %parallel_loop3A_269 = tpu.vector_load %arg9[%parallel_loop3A_267, %parallel_loop3A_268] {strides = array<i32>} : memref<288x128xf32, #tpu.memory_space<vmem>>, vector<16xf32>,
      tpu.vector_store %arg9[%parallel_loop3A_267, %parallel_loop3A_268], %parallel_loop3A_264 {strides = array<i32>} : memref<288x128xf32, #tpu.memory_space<vmem>>, vector<16xf32>,
      %parallel_loop3A_270 = tpu.vector_load_idx %arg6[%parallel_loop3A_262] : memref<8400xf32, #tpu.memory_space<vmem>>[vector<16xi32>], vector<16xf32>,
      %parallel_loop3A_271 = arith.constant 0 : i32
      %parallel_loop3A_272 = arith.addi %parallel_loop3A_219, %parallel_loop3A_271 : i32
      %parallel_loop3A_273 = arith.index_cast %parallel_loop3A_272 : i32 to index
      %parallel_loop3A_274 = arith.constant 64 : index
      %parallel_loop3A_275 = tpu.vector_load %arg9[%parallel_loop3A_273, %parallel_loop3A_274] {strides = array<i32>} : memref<288x128xf32, #tpu.memory_space<vmem>>, vector<16xf32>,
      tpu.vector_store %arg9[%parallel_loop3A_273, %parallel_loop3A_274], %parallel_loop3A_270 {strides = array<i32>} : memref<288x128xf32, #tpu.memory_space<vmem>>, vector<16xf32>,
      %parallel_loop3A_276 = tpu.vector_load_idx %arg6[%parallel_loop3A_263] : memref<8400xf32, #tpu.memory_space<vmem>>[vector<16xi32>], vector<16xf32>,
      %parallel_loop3A_277 = arith.constant 0 : i32
      %parallel_loop3A_278 = arith.addi %parallel_loop3A_219, %parallel_loop3A_277 : i32
      %parallel_loop3A_279 = arith.index_cast %parallel_loop3A_278 : i32 to index
      %parallel_loop3A_280 = arith.constant 80 : index
      %parallel_loop3A_281 = tpu.vector_load %arg9[%parallel_loop3A_279, %parallel_loop3A_280] {strides = array<i32>} : memref<288x128xf32, #tpu.memory_space<vmem>>, vector<16xf32>,
      tpu.vector_store %arg9[%parallel_loop3A_279, %parallel_loop3A_280], %parallel_loop3A_276 {strides = array<i32>} : memref<288x128xf32, #tpu.memory_space<vmem>>, vector<16xf32>,
      %parallel_loop3A_282 = vector.extract_strided_slice %parallel_loop3A_217 {offsets = [4], sizes = [1], strides = [1]} : vector<16xi32> to vector<1xi32>
      %parallel_loop3A_283 = vector.extract %parallel_loop3A_282[0] : i32 from vector<1xi32>
      %parallel_loop3A_284 = vector.broadcast %parallel_loop3A_283 : i32 to vector<16xi32>
      %parallel_loop3A_285 = vector.extract_strided_slice %parallel_loop3A_217 {offsets = [5], sizes = [1], strides = [1]} : vector<16xi32> to vector<1xi32>
      %parallel_loop3A_286 = vector.extract %parallel_loop3A_285[0] : i32 from vector<1xi32>
      %parallel_loop3A_287 = vector.broadcast %parallel_loop3A_286 : i32 to vector<16xi32>
      %parallel_loop3A_288 = arith.constant 0 : i32
      %parallel_loop3A_289 = vector.broadcast %parallel_loop3A_288 : i32 to vector<16xi32>
      %parallel_loop3A_290 = arith.cmpi eq, %select_n3A, %parallel_loop3A_289 : vector<16xi32>
      %parallel_loop3A_291 = arith.select %parallel_loop3A_290, %parallel_loop3A_284, %parallel_loop3A_287 : vector<16xi1>, vector<16xi32>
      %parallel_loop3A_292 = arith.addi %parallel_loop3A_284, %iota3A : vector<16xi32>
      %parallel_loop3A_293 = arith.addi %parallel_loop3A_291, %select_n3A_36 : vector<16xi32>
      %parallel_loop3A_294 = arith.addi %parallel_loop3A_287, %add3A_39 : vector<16xi32>
      %parallel_loop3A_295 = tpu.vector_load_idx %arg6[%parallel_loop3A_292] : memref<8400xf32, #tpu.memory_space<vmem>>[vector<16xi32>], vector<16xf32>,
      %parallel_loop3A_296 = arith.constant 0 : i32
      %parallel_loop3A_297 = arith.addi %parallel_loop3A_219, %parallel_loop3A_296 : i32
      %parallel_loop3A_298 = arith.index_cast %parallel_loop3A_297 : i32 to index
      %parallel_loop3A_299 = arith.constant 96 : index
      %parallel_loop3A_300 = tpu.vector_load %arg9[%parallel_loop3A_298, %parallel_loop3A_299] {strides = array<i32>} : memref<288x128xf32, #tpu.memory_space<vmem>>, vector<16xf32>,
      tpu.vector_store %arg9[%parallel_loop3A_298, %parallel_loop3A_299], %parallel_loop3A_295 {strides = array<i32>} : memref<288x128xf32, #tpu.memory_space<vmem>>, vector<16xf32>,
      %parallel_loop3A_301 = tpu.vector_load_idx %arg6[%parallel_loop3A_293] : memref<8400xf32, #tpu.memory_space<vmem>>[vector<16xi32>], vector<16xf32>,
      %parallel_loop3A_302 = arith.constant 0 : i32
      %parallel_loop3A_303 = arith.addi %parallel_loop3A_219, %parallel_loop3A_302 : i32
      %parallel_loop3A_304 = arith.index_cast %parallel_loop3A_303 : i32 to index
      %parallel_loop3A_305 = arith.constant 112 : index
      %parallel_loop3A_306 = tpu.vector_load %arg9[%parallel_loop3A_304, %parallel_loop3A_305] {strides = array<i32>} : memref<288x128xf32, #tpu.memory_space<vmem>>, vector<16xf32>,
      tpu.vector_store %arg9[%parallel_loop3A_304, %parallel_loop3A_305], %parallel_loop3A_301 {strides = array<i32>} : memref<288x128xf32, #tpu.memory_space<vmem>>, vector<16xf32>,
      %parallel_loop3A_307 = tpu.vector_load_idx %arg6[%parallel_loop3A_294] : memref<8400xf32, #tpu.memory_space<vmem>>[vector<16xi32>], vector<16xf32>,
      %parallel_loop3A_308 = arith.constant 1 : i32
      %parallel_loop3A_309 = arith.addi %parallel_loop3A_219, %parallel_loop3A_308 : i32
      %parallel_loop3A_310 = arith.index_cast %parallel_loop3A_309 : i32 to index
      %parallel_loop3A_311 = arith.constant 0 : index
      %parallel_loop3A_312 = tpu.vector_load %arg9[%parallel_loop3A_310, %parallel_loop3A_311] {strides = array<i32>} : memref<288x128xf32, #tpu.memory_space<vmem>>, vector<16xf32>,
      tpu.vector_store %arg9[%parallel_loop3A_310, %parallel_loop3A_311], %parallel_loop3A_307 {strides = array<i32>} : memref<288x128xf32, #tpu.memory_space<vmem>>, vector<16xf32>,
      %parallel_loop3A_313 = vector.extract_strided_slice %parallel_loop3A_217 {offsets = [6], sizes = [1], strides = [1]} : vector<16xi32> to vector<1xi32>
      %parallel_loop3A_314 = vector.extract %parallel_loop3A_313[0] : i32 from vector<1xi32>
      %parallel_loop3A_315 = vector.broadcast %parallel_loop3A_314 : i32 to vector<16xi32>
      %parallel_loop3A_316 = vector.extract_strided_slice %parallel_loop3A_217 {offsets = [7], sizes = [1], strides = [1]} : vector<16xi32> to vector<1xi32>
      %parallel_loop3A_317 = vector.extract %parallel_loop3A_316[0] : i32 from vector<1xi32>
      %parallel_loop3A_318 = vector.broadcast %parallel_loop3A_317 : i32 to vector<16xi32>
      %parallel_loop3A_319 = arith.constant 0 : i32
      %parallel_loop3A_320 = vector.broadcast %parallel_loop3A_319 : i32 to vector<16xi32>
      %parallel_loop3A_321 = arith.cmpi eq, %select_n3A, %parallel_loop3A_320 : vector<16xi32>
      %parallel_loop3A_322 = arith.select %parallel_loop3A_321, %parallel_loop3A_315, %parallel_loop3A_318 : vector<16xi1>, vector<16xi32>
      %parallel_loop3A_323 = arith.addi %parallel_loop3A_315, %iota3A : vector<16xi32>
      %parallel_loop3A_324 = arith.addi %parallel_loop3A_322, %select_n3A_36 : vector<16xi32>
      %parallel_loop3A_325 = arith.addi %parallel_loop3A_318, %add3A_39 : vector<16xi32>
      %parallel_loop3A_326 = tpu.vector_load_idx %arg6[%parallel_loop3A_323] : memref<8400xf32, #tpu.memory_space<vmem>>[vector<16xi32>], vector<16xf32>,
      %parallel_loop3A_327 = arith.constant 1 : i32
      %parallel_loop3A_328 = arith.addi %parallel_loop3A_219, %parallel_loop3A_327 : i32
      %parallel_loop3A_329 = arith.index_cast %parallel_loop3A_328 : i32 to index
      %parallel_loop3A_330 = arith.constant 16 : index
      %parallel_loop3A_331 = tpu.vector_load %arg9[%parallel_loop3A_329, %parallel_loop3A_330] {strides = array<i32>} : memref<288x128xf32, #tpu.memory_space<vmem>>, vector<16xf32>,
      tpu.vector_store %arg9[%parallel_loop3A_329, %parallel_loop3A_330], %parallel_loop3A_326 {strides = array<i32>} : memref<288x128xf32, #tpu.memory_space<vmem>>, vector<16xf32>,
      %parallel_loop3A_332 = tpu.vector_load_idx %arg6[%parallel_loop3A_324] : memref<8400xf32, #tpu.memory_space<vmem>>[vector<16xi32>], vector<16xf32>,
      %parallel_loop3A_333 = arith.constant 1 : i32
      %parallel_loop3A_334 = arith.addi %parallel_loop3A_219, %parallel_loop3A_333 : i32
      %parallel_loop3A_335 = arith.index_cast %parallel_loop3A_334 : i32 to index
      %parallel_loop3A_336 = arith.constant 32 : index
      %parallel_loop3A_337 = tpu.vector_load %arg9[%parallel_loop3A_335, %parallel_loop3A_336] {strides = array<i32>} : memref<288x128xf32, #tpu.memory_space<vmem>>, vector<16xf32>,
      tpu.vector_store %arg9[%parallel_loop3A_335, %parallel_loop3A_336], %parallel_loop3A_332 {strides = array<i32>} : memref<288x128xf32, #tpu.memory_space<vmem>>, vector<16xf32>,
      %parallel_loop3A_338 = tpu.vector_load_idx %arg6[%parallel_loop3A_325] : memref<8400xf32, #tpu.memory_space<vmem>>[vector<16xi32>], vector<16xf32>,
      %parallel_loop3A_339 = arith.constant 1 : i32
      %parallel_loop3A_340 = arith.addi %parallel_loop3A_219, %parallel_loop3A_339 : i32
      %parallel_loop3A_341 = arith.index_cast %parallel_loop3A_340 : i32 to index
      %parallel_loop3A_342 = arith.constant 48 : index
      %parallel_loop3A_343 = tpu.vector_load %arg9[%parallel_loop3A_341, %parallel_loop3A_342] {strides = array<i32>} : memref<288x128xf32, #tpu.memory_space<vmem>>, vector<16xf32>,
      tpu.vector_store %arg9[%parallel_loop3A_341, %parallel_loop3A_342], %parallel_loop3A_338 {strides = array<i32>} : memref<288x128xf32, #tpu.memory_space<vmem>>, vector<16xf32>,
      %parallel_loop3A_344 = vector.extract_strided_slice %parallel_loop3A_217 {offsets = [8], sizes = [1], strides = [1]} : vector<16xi32> to vector<1xi32>
      %parallel_loop3A_345 = vector.extract %parallel_loop3A_344[0] : i32 from vector<1xi32>
      %parallel_loop3A_346 = vector.broadcast %parallel_loop3A_345 : i32 to vector<16xi32>
      %parallel_loop3A_347 = vector.extract_strided_slice %parallel_loop3A_217 {offsets = [9], sizes = [1], strides = [1]} : vector<16xi32> to vector<1xi32>
      %parallel_loop3A_348 = vector.extract %parallel_loop3A_347[0] : i32 from vector<1xi32>
      %parallel_loop3A_349 = vector.broadcast %parallel_loop3A_348 : i32 to vector<16xi32>
      %parallel_loop3A_350 = arith.constant 0 : i32
      %parallel_loop3A_351 = vector.broadcast %parallel_loop3A_350 : i32 to vector<16xi32>
      %parallel_loop3A_352 = arith.cmpi eq, %select_n3A, %parallel_loop3A_351 : vector<16xi32>
      %parallel_loop3A_353 = arith.select %parallel_loop3A_352, %parallel_loop3A_346, %parallel_loop3A_349 : vector<16xi1>, vector<16xi32>
      %parallel_loop3A_354 = arith.addi %parallel_loop3A_346, %iota3A : vector<16xi32>
      %parallel_loop3A_355 = arith.addi %parallel_loop3A_353, %select_n3A_36 : vector<16xi32>
      %parallel_loop3A_356 = arith.addi %parallel_loop3A_349, %add3A_39 : vector<16xi32>
      %parallel_loop3A_357 = tpu.vector_load_idx %arg6[%parallel_loop3A_354] : memref<8400xf32, #tpu.memory_space<vmem>>[vector<16xi32>], vector<16xf32>,
      %parallel_loop3A_358 = arith.constant 1 : i32
      %parallel_loop3A_359 = arith.addi %parallel_loop3A_219, %parallel_loop3A_358 : i32
      %parallel_loop3A_360 = arith.index_cast %parallel_loop3A_359 : i32 to index
      %parallel_loop3A_361 = arith.constant 64 : index
      %parallel_loop3A_362 = tpu.vector_load %arg9[%parallel_loop3A_360, %parallel_loop3A_361] {strides = array<i32>} : memref<288x128xf32, #tpu.memory_space<vmem>>, vector<16xf32>,
      tpu.vector_store %arg9[%parallel_loop3A_360, %parallel_loop3A_361], %parallel_loop3A_357 {strides = array<i32>} : memref<288x128xf32, #tpu.memory_space<vmem>>, vector<16xf32>,
      %parallel_loop3A_363 = tpu.vector_load_idx %arg6[%parallel_loop3A_355] : memref<8400xf32, #tpu.memory_space<vmem>>[vector<16xi32>], vector<16xf32>,
      %parallel_loop3A_364 = arith.constant 1 : i32
      %parallel_loop3A_365 = arith.addi %parallel_loop3A_219, %parallel_loop3A_364 : i32
      %parallel_loop3A_366 = arith.index_cast %parallel_loop3A_365 : i32 to index
      %parallel_loop3A_367 = arith.constant 80 : index
      %parallel_loop3A_368 = tpu.vector_load %arg9[%parallel_loop3A_366, %parallel_loop3A_367] {strides = array<i32>} : memref<288x128xf32, #tpu.memory_space<vmem>>, vector<16xf32>,
      tpu.vector_store %arg9[%parallel_loop3A_366, %parallel_loop3A_367], %parallel_loop3A_363 {strides = array<i32>} : memref<288x128xf32, #tpu.memory_space<vmem>>, vector<16xf32>,
      %parallel_loop3A_369 = tpu.vector_load_idx %arg6[%parallel_loop3A_356] : memref<8400xf32, #tpu.memory_space<vmem>>[vector<16xi32>], vector<16xf32>,
      %parallel_loop3A_370 = arith.constant 1 : i32
      %parallel_loop3A_371 = arith.addi %parallel_loop3A_219, %parallel_loop3A_370 : i32
      %parallel_loop3A_372 = arith.index_cast %parallel_loop3A_371 : i32 to index
      %parallel_loop3A_373 = arith.constant 96 : index
      %parallel_loop3A_374 = tpu.vector_load %arg9[%parallel_loop3A_372, %parallel_loop3A_373] {strides = array<i32>} : memref<288x128xf32, #tpu.memory_space<vmem>>, vector<16xf32>,
      tpu.vector_store %arg9[%parallel_loop3A_372, %parallel_loop3A_373], %parallel_loop3A_369 {strides = array<i32>} : memref<288x128xf32, #tpu.memory_space<vmem>>, vector<16xf32>,
      %parallel_loop3A_375 = vector.extract_strided_slice %parallel_loop3A_217 {offsets = [10], sizes = [1], strides = [1]} : vector<16xi32> to vector<1xi32>
      %parallel_loop3A_376 = vector.extract %parallel_loop3A_375[0] : i32 from vector<1xi32>
      %parallel_loop3A_377 = vector.broadcast %parallel_loop3A_376 : i32 to vector<16xi32>
      %parallel_loop3A_378 = vector.extract_strided_slice %parallel_loop3A_217 {offsets = [11], sizes = [1], strides = [1]} : vector<16xi32> to vector<1xi32>
      %parallel_loop3A_379 = vector.extract %parallel_loop3A_378[0] : i32 from vector<1xi32>
      %parallel_loop3A_380 = vector.broadcast %parallel_loop3A_379 : i32 to vector<16xi32>
      %parallel_loop3A_381 = arith.constant 0 : i32
      %parallel_loop3A_382 = vector.broadcast %parallel_loop3A_381 : i32 to vector<16xi32>
      %parallel_loop3A_383 = arith.cmpi eq, %select_n3A, %parallel_loop3A_382 : vector<16xi32>
      %parallel_loop3A_384 = arith.select %parallel_loop3A_383, %parallel_loop3A_377, %parallel_loop3A_380 : vector<16xi1>, vector<16xi32>
      %parallel_loop3A_385 = arith.addi %parallel_loop3A_377, %iota3A : vector<16xi32>
      %parallel_loop3A_386 = arith.addi %parallel_loop3A_384, %select_n3A_36 : vector<16xi32>
      %parallel_loop3A_387 = arith.addi %parallel_loop3A_380, %add3A_39 : vector<16xi32>
      %parallel_loop3A_388 = tpu.vector_load_idx %arg6[%parallel_loop3A_385] : memref<8400xf32, #tpu.memory_space<vmem>>[vector<16xi32>], vector<16xf32>,
      %parallel_loop3A_389 = arith.constant 1 : i32
      %parallel_loop3A_390 = arith.addi %parallel_loop3A_219, %parallel_loop3A_389 : i32
      %parallel_loop3A_391 = arith.index_cast %parallel_loop3A_390 : i32 to index
      %parallel_loop3A_392 = arith.constant 112 : index
      %parallel_loop3A_393 = tpu.vector_load %arg9[%parallel_loop3A_391, %parallel_loop3A_392] {strides = array<i32>} : memref<288x128xf32, #tpu.memory_space<vmem>>, vector<16xf32>,
      tpu.vector_store %arg9[%parallel_loop3A_391, %parallel_loop3A_392], %parallel_loop3A_388 {strides = array<i32>} : memref<288x128xf32, #tpu.memory_space<vmem>>, vector<16xf32>,
      %parallel_loop3A_394 = tpu.vector_load_idx %arg6[%parallel_loop3A_386] : memref<8400xf32, #tpu.memory_space<vmem>>[vector<16xi32>], vector<16xf32>,
      %parallel_loop3A_395 = arith.constant 2 : i32
      %parallel_loop3A_396 = arith.addi %parallel_loop3A_219, %parallel_loop3A_395 : i32
      %parallel_loop3A_397 = arith.index_cast %parallel_loop3A_396 : i32 to index
      %parallel_loop3A_398 = arith.constant 0 : index
      %parallel_loop3A_399 = tpu.vector_load %arg9[%parallel_loop3A_397, %parallel_loop3A_398] {strides = array<i32>} : memref<288x128xf32, #tpu.memory_space<vmem>>, vector<16xf32>,
      tpu.vector_store %arg9[%parallel_loop3A_397, %parallel_loop3A_398], %parallel_loop3A_394 {strides = array<i32>} : memref<288x128xf32, #tpu.memory_space<vmem>>, vector<16xf32>,
      %parallel_loop3A_400 = tpu.vector_load_idx %arg6[%parallel_loop3A_387] : memref<8400xf32, #tpu.memory_space<vmem>>[vector<16xi32>], vector<16xf32>,
      %parallel_loop3A_401 = arith.constant 2 : i32
      %parallel_loop3A_402 = arith.addi %parallel_loop3A_219, %parallel_loop3A_401 : i32
      %parallel_loop3A_403 = arith.index_cast %parallel_loop3A_402 : i32 to index
      %parallel_loop3A_404 = arith.constant 16 : index
      %parallel_loop3A_405 = tpu.vector_load %arg9[%parallel_loop3A_403, %parallel_loop3A_404] {strides = array<i32>} : memref<288x128xf32, #tpu.memory_space<vmem>>, vector<16xf32>,
      tpu.vector_store %arg9[%parallel_loop3A_403, %parallel_loop3A_404], %parallel_loop3A_400 {strides = array<i32>} : memref<288x128xf32, #tpu.memory_space<vmem>>, vector<16xf32>,
      %parallel_loop3A_406 = vector.extract_strided_slice %parallel_loop3A_217 {offsets = [12], sizes = [1], strides = [1]} : vector<16xi32> to vector<1xi32>
      %parallel_loop3A_407 = vector.extract %parallel_loop3A_406[0] : i32 from vector<1xi32>
      %parallel_loop3A_408 = vector.broadcast %parallel_loop3A_407 : i32 to vector<16xi32>
      %parallel_loop3A_409 = vector.extract_strided_slice %parallel_loop3A_217 {offsets = [13], sizes = [1], strides = [1]} : vector<16xi32> to vector<1xi32>
      %parallel_loop3A_410 = vector.extract %parallel_loop3A_409[0] : i32 from vector<1xi32>
      %parallel_loop3A_411 = vector.broadcast %parallel_loop3A_410 : i32 to vector<16xi32>
      %parallel_loop3A_412 = arith.constant 0 : i32
      %parallel_loop3A_413 = vector.broadcast %parallel_loop3A_412 : i32 to vector<16xi32>
      %parallel_loop3A_414 = arith.cmpi eq, %select_n3A, %parallel_loop3A_413 : vector<16xi32>
      %parallel_loop3A_415 = arith.select %parallel_loop3A_414, %parallel_loop3A_408, %parallel_loop3A_411 : vector<16xi1>, vector<16xi32>
      %parallel_loop3A_416 = arith.addi %parallel_loop3A_408, %iota3A : vector<16xi32>
      %parallel_loop3A_417 = arith.addi %parallel_loop3A_415, %select_n3A_36 : vector<16xi32>
      %parallel_loop3A_418 = arith.addi %parallel_loop3A_411, %add3A_39 : vector<16xi32>
      %parallel_loop3A_419 = tpu.vector_load_idx %arg6[%parallel_loop3A_416] : memref<8400xf32, #tpu.memory_space<vmem>>[vector<16xi32>], vector<16xf32>,
      %parallel_loop3A_420 = arith.constant 2 : i32
      %parallel_loop3A_421 = arith.addi %parallel_loop3A_219, %parallel_loop3A_420 : i32
      %parallel_loop3A_422 = arith.index_cast %parallel_loop3A_421 : i32 to index
      %parallel_loop3A_423 = arith.constant 32 : index
      %parallel_loop3A_424 = tpu.vector_load %arg9[%parallel_loop3A_422, %parallel_loop3A_423] {strides = array<i32>} : memref<288x128xf32, #tpu.memory_space<vmem>>, vector<16xf32>,
      tpu.vector_store %arg9[%parallel_loop3A_422, %parallel_loop3A_423], %parallel_loop3A_419 {strides = array<i32>} : memref<288x128xf32, #tpu.memory_space<vmem>>, vector<16xf32>,
      %parallel_loop3A_425 = tpu.vector_load_idx %arg6[%parallel_loop3A_417] : memref<8400xf32, #tpu.memory_space<vmem>>[vector<16xi32>], vector<16xf32>,
      %parallel_loop3A_426 = arith.constant 2 : i32
      %parallel_loop3A_427 = arith.addi %parallel_loop3A_219, %parallel_loop3A_426 : i32
      %parallel_loop3A_428 = arith.index_cast %parallel_loop3A_427 : i32 to index
      %parallel_loop3A_429 = arith.constant 48 : index
      %parallel_loop3A_430 = tpu.vector_load %arg9[%parallel_loop3A_428, %parallel_loop3A_429] {strides = array<i32>} : memref<288x128xf32, #tpu.memory_space<vmem>>, vector<16xf32>,
      tpu.vector_store %arg9[%parallel_loop3A_428, %parallel_loop3A_429], %parallel_loop3A_425 {strides = array<i32>} : memref<288x128xf32, #tpu.memory_space<vmem>>, vector<16xf32>,
      %parallel_loop3A_431 = tpu.vector_load_idx %arg6[%parallel_loop3A_418] : memref<8400xf32, #tpu.memory_space<vmem>>[vector<16xi32>], vector<16xf32>,
      %parallel_loop3A_432 = arith.constant 2 : i32
      %parallel_loop3A_433 = arith.addi %parallel_loop3A_219, %parallel_loop3A_432 : i32
      %parallel_loop3A_434 = arith.index_cast %parallel_loop3A_433 : i32 to index
      %parallel_loop3A_435 = arith.constant 64 : index
      %parallel_loop3A_436 = tpu.vector_load %arg9[%parallel_loop3A_434, %parallel_loop3A_435] {strides = array<i32>} : memref<288x128xf32, #tpu.memory_space<vmem>>, vector<16xf32>,
      tpu.vector_store %arg9[%parallel_loop3A_434, %parallel_loop3A_435], %parallel_loop3A_431 {strides = array<i32>} : memref<288x128xf32, #tpu.memory_space<vmem>>, vector<16xf32>,
      %parallel_loop3A_437 = vector.extract_strided_slice %parallel_loop3A_217 {offsets = [14], sizes = [1], strides = [1]} : vector<16xi32> to vector<1xi32>
      %parallel_loop3A_438 = vector.extract %parallel_loop3A_437[0] : i32 from vector<1xi32>
      %parallel_loop3A_439 = vector.broadcast %parallel_loop3A_438 : i32 to vector<16xi32>
      %parallel_loop3A_440 = vector.extract_strided_slice %parallel_loop3A_217 {offsets = [15], sizes = [1], strides = [1]} : vector<16xi32> to vector<1xi32>
      %parallel_loop3A_441 = vector.extract %parallel_loop3A_440[0] : i32 from vector<1xi32>
      %parallel_loop3A_442 = vector.broadcast %parallel_loop3A_441 : i32 to vector<16xi32>
      %parallel_loop3A_443 = arith.constant 0 : i32
      %parallel_loop3A_444 = vector.broadcast %parallel_loop3A_443 : i32 to vector<16xi32>
      %parallel_loop3A_445 = arith.cmpi eq, %select_n3A, %parallel_loop3A_444 : vector<16xi32>
      %parallel_loop3A_446 = arith.select %parallel_loop3A_445, %parallel_loop3A_439, %parallel_loop3A_442 : vector<16xi1>, vector<16xi32>
      %parallel_loop3A_447 = arith.addi %parallel_loop3A_439, %iota3A : vector<16xi32>
      %parallel_loop3A_448 = arith.addi %parallel_loop3A_446, %select_n3A_36 : vector<16xi32>
      %parallel_loop3A_449 = arith.addi %parallel_loop3A_442, %add3A_39 : vector<16xi32>
      %parallel_loop3A_450 = tpu.vector_load_idx %arg6[%parallel_loop3A_447] : memref<8400xf32, #tpu.memory_space<vmem>>[vector<16xi32>], vector<16xf32>,
      %parallel_loop3A_451 = arith.constant 2 : i32
      %parallel_loop3A_452 = arith.addi %parallel_loop3A_219, %parallel_loop3A_451 : i32
      %parallel_loop3A_453 = arith.index_cast %parallel_loop3A_452 : i32 to index
      %parallel_loop3A_454 = arith.constant 80 : index
      %parallel_loop3A_455 = tpu.vector_load %arg9[%parallel_loop3A_453, %parallel_loop3A_454] {strides = array<i32>} : memref<288x128xf32, #tpu.memory_space<vmem>>, vector<16xf32>,
      tpu.vector_store %arg9[%parallel_loop3A_453, %parallel_loop3A_454], %parallel_loop3A_450 {strides = array<i32>} : memref<288x128xf32, #tpu.memory_space<vmem>>, vector<16xf32>,
      %parallel_loop3A_456 = tpu.vector_load_idx %arg6[%parallel_loop3A_448] : memref<8400xf32, #tpu.memory_space<vmem>>[vector<16xi32>], vector<16xf32>,
      %parallel_loop3A_457 = arith.constant 2 : i32
      %parallel_loop3A_458 = arith.addi %parallel_loop3A_219, %parallel_loop3A_457 : i32
      %parallel_loop3A_459 = arith.index_cast %parallel_loop3A_458 : i32 to index
      %parallel_loop3A_460 = arith.constant 96 : index
      %parallel_loop3A_461 = tpu.vector_load %arg9[%parallel_loop3A_459, %parallel_loop3A_460] {strides = array<i32>} : memref<288x128xf32, #tpu.memory_space<vmem>>, vector<16xf32>,
      tpu.vector_store %arg9[%parallel_loop3A_459, %parallel_loop3A_460], %parallel_loop3A_456 {strides = array<i32>} : memref<288x128xf32, #tpu.memory_space<vmem>>, vector<16xf32>,
      %parallel_loop3A_462 = tpu.vector_load_idx %arg6[%parallel_loop3A_449] : memref<8400xf32, #tpu.memory_space<vmem>>[vector<16xi32>], vector<16xf32>,
      %parallel_loop3A_463 = arith.constant 2 : i32
      %parallel_loop3A_464 = arith.addi %parallel_loop3A_219, %parallel_loop3A_463 : i32
      %parallel_loop3A_465 = arith.index_cast %parallel_loop3A_464 : i32 to index
      %parallel_loop3A_466 = arith.constant 112 : index
      %parallel_loop3A_467 = tpu.vector_load %arg9[%parallel_loop3A_465, %parallel_loop3A_466] {strides = array<i32>} : memref<288x128xf32, #tpu.memory_space<vmem>>, vector<16xf32>,
      tpu.vector_store %arg9[%parallel_loop3A_465, %parallel_loop3A_466], %parallel_loop3A_462 {strides = array<i32>} : memref<288x128xf32, #tpu.memory_space<vmem>>, vector<16xf32>,
    } {sc.loop_unroll_factor = 2 : i64, sc.parallel_access}
    %add3A_78 = arith.constant 1536 : i32
    %add3A_79 = arith.addi %multiple_of3A, %add3A_78 : i32
    %mul3A_80 = arith.constant 24 : i32
    %mul3A_81 = arith.muli %add3A_79, %mul3A_80 : i32
    %jit3A_82 = arith.constant 128 : i32
    %div3A_83 = arith.divsi %mul3A_81, %jit3A_82 : i32
    %sign3A_84 = arith.constant 0 : i32
    %sign3A_85 = arith.cmpi sgt, %mul3A_81, %sign3A_84 : i32
    %sign3A_86 = arith.extui %sign3A_85 : i1 to i32
    %sign3A_87 = arith.constant 0 : i32
    %sign3A_88 = arith.cmpi slt, %mul3A_81, %sign3A_87 : i32
    %sign3A_89 = arith.extui %sign3A_88 : i1 to i32
    %sign3A_90 = arith.subi %sign3A_86, %sign3A_89 : i32
    %sign3A_91 = arith.constant 0 : i32
    %sign3A_92 = arith.cmpi sgt, %jit3A_82, %sign3A_91 : i32
    %sign3A_93 = arith.extui %sign3A_92 : i1 to i32
    %sign3A_94 = arith.constant 0 : i32
    %sign3A_95 = arith.cmpi slt, %jit3A_82, %sign3A_94 : i32
    %sign3A_96 = arith.extui %sign3A_95 : i1 to i32
    %sign3A_97 = arith.subi %sign3A_93, %sign3A_96 : i32
    %ne3A_98 = arith.cmpi ne, %sign3A_90, %sign3A_97 : i32
    %rem3A_99 = arith.remsi %mul3A_81, %jit3A_82 : i32
    %ne3A_100 = arith.constant 0 : i32
    %ne3A_101 = arith.cmpi ne, %rem3A_99, %ne3A_100 : i32
    %and3A_102 = arith.andi %ne3A_98, %ne3A_101 : i1
    %sub3A_103 = arith.constant 1 : i32
    %sub3A_104 = arith.subi %div3A_83, %sub3A_103 : i32
    %select_n3A_105 = arith.select %and3A_102, %sub3A_104, %div3A_83 : i32
    %multiple_of3A_106 = tpu.assume_multiple %select_n3A_105, 288 : i32
    %dma_start3A_107 = arith.constant 0 : i32
    %dma_start3A_108 = tpu.memref_slice %arg4[%multiple_of3A_106, %dma_start3A_107] : memref<36864x128xf32, #tpu.memory_space<hbm>> -> memref<288x128xf32, #tpu.memory_space<hbm>>
    %dma_start3A_109 = arith.constant 0 : i32
    %dma_start3A_110 = tpu.memref_slice %arg4[%multiple_of3A_106, %dma_start3A_109] : memref<36864x128xf32, #tpu.memory_space<hbm>> -> memref<288x128xf32, #tpu.memory_space<hbm>>
    tpu.enqueue_dma source(%arg9 : memref<288x128xf32, #tpu.memory_space<vmem>>) target(%dma_start3A_110 : memref<288x128xf32, #tpu.memory_space<hbm>>) target_semaphore(%arg11 : memref<!tpu.dma_semaphore, #tpu.memory_space<semaphore_mem>>)
    %dma_wait3A = arith.constant 0 : i32
    %dma_wait3A_111 = tpu.memref_slice %arg4[%multiple_of3A_71, %dma_wait3A] : memref<36864x128xf32, #tpu.memory_space<hbm>> -> memref<288x128xf32, #tpu.memory_space<hbm>>
    %dma_wait3A_112 = arith.constant 0 : i32
    %dma_wait3A_113 = tpu.memref_slice %arg4[%multiple_of3A_71, %dma_wait3A_112] : memref<36864x128xf32, #tpu.memory_space<hbm>> -> memref<288x128xf32, #tpu.memory_space<hbm>>
    tpu.wait_dma2 semaphore(%arg10 : memref<!tpu.dma_semaphore, #tpu.memory_space<semaphore_mem>>) src(%arg8 : memref<288x128xf32, #tpu.memory_space<vmem>>) dst(%dma_wait3A_113 : memref<288x128xf32, #tpu.memory_space<hbm>>)
    %parallel_loop3A_114 = arith.constant 0 : i32
    %parallel_loop3A_115 = arith.constant 96 : i32
    %parallel_loop3A_116 = arith.constant 1 : i32
    scf.for %parallel_loop3A_198 = %parallel_loop3A_114 to %parallel_loop3A_115 step %parallel_loop3A_116  : i32 {
      %parallel_loop3A_199 = arith.constant 16 : i32
      %parallel_loop3A_200 = arith.muli %parallel_loop3A_198, %parallel_loop3A_199 : i32
      %parallel_loop3A_201 = arith.constant 3072 : i32
      %parallel_loop3A_202 = arith.addi %parallel_loop3A_201, %parallel_loop3A_200 : i32
      %parallel_loop3A_203 = tpu.assume_multiple %parallel_loop3A_202, 16 : i32
      %parallel_loop3A_204 = arith.index_cast %parallel_loop3A_203 : i32 to index
      %parallel_loop3A_205 = tpu.vector_load %arg7[%parallel_loop3A_204] {strides = array<i32>} : memref<6144xi32, #tpu.memory_space<vmem>>, vector<16xi32>,
      %parallel_loop3A_206 = vector.broadcast %parallel_loop3A_203 : i32 to vector<16xi32>
      %parallel_loop3A_207 = arith.addi %parallel_loop3A_206, %iota3A : vector<16xi32>
      %parallel_loop3A_208 = arith.constant 12 : i32
      %parallel_loop3A_209 = vector.broadcast %parallel_loop3A_208 : i32 to vector<16xi32>
      %parallel_loop3A_210 = arith.remsi %parallel_loop3A_207, %parallel_loop3A_209 : vector<16xi32>
      %parallel_loop3A_211 = arith.constant 28 : i32
      %parallel_loop3A_212 = vector.broadcast %parallel_loop3A_211 : i32 to vector<16xi32>
      %parallel_loop3A_213 = arith.muli %parallel_loop3A_210, %parallel_loop3A_212 : vector<16xi32>
      %parallel_loop3A_214 = arith.addi %parallel_loop3A_213, %parallel_loop3A_205 : vector<16xi32>
      %parallel_loop3A_215 = arith.constant 25 : i32
      %parallel_loop3A_216 = vector.broadcast %parallel_loop3A_215 : i32 to vector<16xi32>
      %parallel_loop3A_217 = arith.muli %parallel_loop3A_214, %parallel_loop3A_216 : vector<16xi32>
      %parallel_loop3A_218 = arith.constant 3 : i32
      %parallel_loop3A_219 = arith.muli %parallel_loop3A_198, %parallel_loop3A_218 : i32
      %parallel_loop3A_220 = vector.extract_strided_slice %parallel_loop3A_217 {offsets = [0], sizes = [1], strides = [1]} : vector<16xi32> to vector<1xi32>
      %parallel_loop3A_221 = vector.extract %parallel_loop3A_220[0] : i32 from vector<1xi32>
      %parallel_loop3A_222 = vector.broadcast %parallel_loop3A_221 : i32 to vector<16xi32>
      %parallel_loop3A_223 = vector.extract_strided_slice %parallel_loop3A_217 {offsets = [1], sizes = [1], strides = [1]} : vector<16xi32> to vector<1xi32>
      %parallel_loop3A_224 = vector.extract %parallel_loop3A_223[0] : i32 from vector<1xi32>
      %parallel_loop3A_225 = vector.broadcast %parallel_loop3A_224 : i32 to vector<16xi32>
      %parallel_loop3A_226 = arith.constant 0 : i32
      %parallel_loop3A_227 = vector.broadcast %parallel_loop3A_226 : i32 to vector<16xi32>
      %parallel_loop3A_228 = arith.cmpi eq, %select_n3A, %parallel_loop3A_227 : vector<16xi32>
      %parallel_loop3A_229 = arith.select %parallel_loop3A_228, %parallel_loop3A_222, %parallel_loop3A_225 : vector<16xi1>, vector<16xi32>
      %parallel_loop3A_230 = arith.addi %parallel_loop3A_222, %iota3A : vector<16xi32>
      %parallel_loop3A_231 = arith.addi %parallel_loop3A_229, %select_n3A_36 : vector<16xi32>
      %parallel_loop3A_232 = arith.addi %parallel_loop3A_225, %add3A_39 : vector<16xi32>
      %parallel_loop3A_233 = tpu.vector_load_idx %arg6[%parallel_loop3A_230] : memref<8400xf32, #tpu.memory_space<vmem>>[vector<16xi32>], vector<16xf32>,
      %parallel_loop3A_234 = arith.constant 0 : i32
      %parallel_loop3A_235 = arith.addi %parallel_loop3A_219, %parallel_loop3A_234 : i32
      %parallel_loop3A_236 = arith.index_cast %parallel_loop3A_235 : i32 to index
      %parallel_loop3A_237 = arith.constant 0 : index
      %parallel_loop3A_238 = tpu.vector_load %arg8[%parallel_loop3A_236, %parallel_loop3A_237] {strides = array<i32>} : memref<288x128xf32, #tpu.memory_space<vmem>>, vector<16xf32>,
      tpu.vector_store %arg8[%parallel_loop3A_236, %parallel_loop3A_237], %parallel_loop3A_233 {strides = array<i32>} : memref<288x128xf32, #tpu.memory_space<vmem>>, vector<16xf32>,
      %parallel_loop3A_239 = tpu.vector_load_idx %arg6[%parallel_loop3A_231] : memref<8400xf32, #tpu.memory_space<vmem>>[vector<16xi32>], vector<16xf32>,
      %parallel_loop3A_240 = arith.constant 0 : i32
      %parallel_loop3A_241 = arith.addi %parallel_loop3A_219, %parallel_loop3A_240 : i32
      %parallel_loop3A_242 = arith.index_cast %parallel_loop3A_241 : i32 to index
      %parallel_loop3A_243 = arith.constant 16 : index
      %parallel_loop3A_244 = tpu.vector_load %arg8[%parallel_loop3A_242, %parallel_loop3A_243] {strides = array<i32>} : memref<288x128xf32, #tpu.memory_space<vmem>>, vector<16xf32>,
      tpu.vector_store %arg8[%parallel_loop3A_242, %parallel_loop3A_243], %parallel_loop3A_239 {strides = array<i32>} : memref<288x128xf32, #tpu.memory_space<vmem>>, vector<16xf32>,
      %parallel_loop3A_245 = tpu.vector_load_idx %arg6[%parallel_loop3A_232] : memref<8400xf32, #tpu.memory_space<vmem>>[vector<16xi32>], vector<16xf32>,
      %parallel_loop3A_246 = arith.constant 0 : i32
      %parallel_loop3A_247 = arith.addi %parallel_loop3A_219, %parallel_loop3A_246 : i32
      %parallel_loop3A_248 = arith.index_cast %parallel_loop3A_247 : i32 to index
      %parallel_loop3A_249 = arith.constant 32 : index
      %parallel_loop3A_250 = tpu.vector_load %arg8[%parallel_loop3A_248, %parallel_loop3A_249] {strides = array<i32>} : memref<288x128xf32, #tpu.memory_space<vmem>>, vector<16xf32>,
      tpu.vector_store %arg8[%parallel_loop3A_248, %parallel_loop3A_249], %parallel_loop3A_245 {strides = array<i32>} : memref<288x128xf32, #tpu.memory_space<vmem>>, vector<16xf32>,
      %parallel_loop3A_251 = vector.extract_strided_slice %parallel_loop3A_217 {offsets = [2], sizes = [1], strides = [1]} : vector<16xi32> to vector<1xi32>
      %parallel_loop3A_252 = vector.extract %parallel_loop3A_251[0] : i32 from vector<1xi32>
      %parallel_loop3A_253 = vector.broadcast %parallel_loop3A_252 : i32 to vector<16xi32>
      %parallel_loop3A_254 = vector.extract_strided_slice %parallel_loop3A_217 {offsets = [3], sizes = [1], strides = [1]} : vector<16xi32> to vector<1xi32>
      %parallel_loop3A_255 = vector.extract %parallel_loop3A_254[0] : i32 from vector<1xi32>
      %parallel_loop3A_256 = vector.broadcast %parallel_loop3A_255 : i32 to vector<16xi32>
      %parallel_loop3A_257 = arith.constant 0 : i32
      %parallel_loop3A_258 = vector.broadcast %parallel_loop3A_257 : i32 to vector<16xi32>
      %parallel_loop3A_259 = arith.cmpi eq, %select_n3A, %parallel_loop3A_258 : vector<16xi32>
      %parallel_loop3A_260 = arith.select %parallel_loop3A_259, %parallel_loop3A_253, %parallel_loop3A_256 : vector<16xi1>, vector<16xi32>
      %parallel_loop3A_261 = arith.addi %parallel_loop3A_253, %iota3A : vector<16xi32>
      %parallel_loop3A_262 = arith.addi %parallel_loop3A_260, %select_n3A_36 : vector<16xi32>
      %parallel_loop3A_263 = arith.addi %parallel_loop3A_256, %add3A_39 : vector<16xi32>
      %parallel_loop3A_264 = tpu.vector_load_idx %arg6[%parallel_loop3A_261] : memref<8400xf32, #tpu.memory_space<vmem>>[vector<16xi32>], vector<16xf32>,
      %parallel_loop3A_265 = arith.constant 0 : i32
      %parallel_loop3A_266 = arith.addi %parallel_loop3A_219, %parallel_loop3A_265 : i32
      %parallel_loop3A_267 = arith.index_cast %parallel_loop3A_266 : i32 to index
      %parallel_loop3A_268 = arith.constant 48 : index
      %parallel_loop3A_269 = tpu.vector_load %arg8[%parallel_loop3A_267, %parallel_loop3A_268] {strides = array<i32>} : memref<288x128xf32, #tpu.memory_space<vmem>>, vector<16xf32>,
      tpu.vector_store %arg8[%parallel_loop3A_267, %parallel_loop3A_268], %parallel_loop3A_264 {strides = array<i32>} : memref<288x128xf32, #tpu.memory_space<vmem>>, vector<16xf32>,
      %parallel_loop3A_270 = tpu.vector_load_idx %arg6[%parallel_loop3A_262] : memref<8400xf32, #tpu.memory_space<vmem>>[vector<16xi32>], vector<16xf32>,
      %parallel_loop3A_271 = arith.constant 0 : i32
      %parallel_loop3A_272 = arith.addi %parallel_loop3A_219, %parallel_loop3A_271 : i32
      %parallel_loop3A_273 = arith.index_cast %parallel_loop3A_272 : i32 to index
      %parallel_loop3A_274 = arith.constant 64 : index
      %parallel_loop3A_275 = tpu.vector_load %arg8[%parallel_loop3A_273, %parallel_loop3A_274] {strides = array<i32>} : memref<288x128xf32, #tpu.memory_space<vmem>>, vector<16xf32>,
      tpu.vector_store %arg8[%parallel_loop3A_273, %parallel_loop3A_274], %parallel_loop3A_270 {strides = array<i32>} : memref<288x128xf32, #tpu.memory_space<vmem>>, vector<16xf32>,
      %parallel_loop3A_276 = tpu.vector_load_idx %arg6[%parallel_loop3A_263] : memref<8400xf32, #tpu.memory_space<vmem>>[vector<16xi32>], vector<16xf32>,
      %parallel_loop3A_277 = arith.constant 0 : i32
      %parallel_loop3A_278 = arith.addi %parallel_loop3A_219, %parallel_loop3A_277 : i32
      %parallel_loop3A_279 = arith.index_cast %parallel_loop3A_278 : i32 to index
      %parallel_loop3A_280 = arith.constant 80 : index
      %parallel_loop3A_281 = tpu.vector_load %arg8[%parallel_loop3A_279, %parallel_loop3A_280] {strides = array<i32>} : memref<288x128xf32, #tpu.memory_space<vmem>>, vector<16xf32>,
      tpu.vector_store %arg8[%parallel_loop3A_279, %parallel_loop3A_280], %parallel_loop3A_276 {strides = array<i32>} : memref<288x128xf32, #tpu.memory_space<vmem>>, vector<16xf32>,
      %parallel_loop3A_282 = vector.extract_strided_slice %parallel_loop3A_217 {offsets = [4], sizes = [1], strides = [1]} : vector<16xi32> to vector<1xi32>
      %parallel_loop3A_283 = vector.extract %parallel_loop3A_282[0] : i32 from vector<1xi32>
      %parallel_loop3A_284 = vector.broadcast %parallel_loop3A_283 : i32 to vector<16xi32>
      %parallel_loop3A_285 = vector.extract_strided_slice %parallel_loop3A_217 {offsets = [5], sizes = [1], strides = [1]} : vector<16xi32> to vector<1xi32>
      %parallel_loop3A_286 = vector.extract %parallel_loop3A_285[0] : i32 from vector<1xi32>
      %parallel_loop3A_287 = vector.broadcast %parallel_loop3A_286 : i32 to vector<16xi32>
      %parallel_loop3A_288 = arith.constant 0 : i32
      %parallel_loop3A_289 = vector.broadcast %parallel_loop3A_288 : i32 to vector<16xi32>
      %parallel_loop3A_290 = arith.cmpi eq, %select_n3A, %parallel_loop3A_289 : vector<16xi32>
      %parallel_loop3A_291 = arith.select %parallel_loop3A_290, %parallel_loop3A_284, %parallel_loop3A_287 : vector<16xi1>, vector<16xi32>
      %parallel_loop3A_292 = arith.addi %parallel_loop3A_284, %iota3A : vector<16xi32>
      %parallel_loop3A_293 = arith.addi %parallel_loop3A_291, %select_n3A_36 : vector<16xi32>
      %parallel_loop3A_294 = arith.addi %parallel_loop3A_287, %add3A_39 : vector<16xi32>
      %parallel_loop3A_295 = tpu.vector_load_idx %arg6[%parallel_loop3A_292] : memref<8400xf32, #tpu.memory_space<vmem>>[vector<16xi32>], vector<16xf32>,
      %parallel_loop3A_296 = arith.constant 0 : i32
      %parallel_loop3A_297 = arith.addi %parallel_loop3A_219, %parallel_loop3A_296 : i32
      %parallel_loop3A_298 = arith.index_cast %parallel_loop3A_297 : i32 to index
      %parallel_loop3A_299 = arith.constant 96 : index
      %parallel_loop3A_300 = tpu.vector_load %arg8[%parallel_loop3A_298, %parallel_loop3A_299] {strides = array<i32>} : memref<288x128xf32, #tpu.memory_space<vmem>>, vector<16xf32>,
      tpu.vector_store %arg8[%parallel_loop3A_298, %parallel_loop3A_299], %parallel_loop3A_295 {strides = array<i32>} : memref<288x128xf32, #tpu.memory_space<vmem>>, vector<16xf32>,
      %parallel_loop3A_301 = tpu.vector_load_idx %arg6[%parallel_loop3A_293] : memref<8400xf32, #tpu.memory_space<vmem>>[vector<16xi32>], vector<16xf32>,
      %parallel_loop3A_302 = arith.constant 0 : i32
      %parallel_loop3A_303 = arith.addi %parallel_loop3A_219, %parallel_loop3A_302 : i32
      %parallel_loop3A_304 = arith.index_cast %parallel_loop3A_303 : i32 to index
      %parallel_loop3A_305 = arith.constant 112 : index
      %parallel_loop3A_306 = tpu.vector_load %arg8[%parallel_loop3A_304, %parallel_loop3A_305] {strides = array<i32>} : memref<288x128xf32, #tpu.memory_space<vmem>>, vector<16xf32>,
      tpu.vector_store %arg8[%parallel_loop3A_304, %parallel_loop3A_305], %parallel_loop3A_301 {strides = array<i32>} : memref<288x128xf32, #tpu.memory_space<vmem>>, vector<16xf32>,
      %parallel_loop3A_307 = tpu.vector_load_idx %arg6[%parallel_loop3A_294] : memref<8400xf32, #tpu.memory_space<vmem>>[vector<16xi32>], vector<16xf32>,
      %parallel_loop3A_308 = arith.constant 1 : i32
      %parallel_loop3A_309 = arith.addi %parallel_loop3A_219, %parallel_loop3A_308 : i32
      %parallel_loop3A_310 = arith.index_cast %parallel_loop3A_309 : i32 to index
      %parallel_loop3A_311 = arith.constant 0 : index
      %parallel_loop3A_312 = tpu.vector_load %arg8[%parallel_loop3A_310, %parallel_loop3A_311] {strides = array<i32>} : memref<288x128xf32, #tpu.memory_space<vmem>>, vector<16xf32>,
      tpu.vector_store %arg8[%parallel_loop3A_310, %parallel_loop3A_311], %parallel_loop3A_307 {strides = array<i32>} : memref<288x128xf32, #tpu.memory_space<vmem>>, vector<16xf32>,
      %parallel_loop3A_313 = vector.extract_strided_slice %parallel_loop3A_217 {offsets = [6], sizes = [1], strides = [1]} : vector<16xi32> to vector<1xi32>
      %parallel_loop3A_314 = vector.extract %parallel_loop3A_313[0] : i32 from vector<1xi32>
      %parallel_loop3A_315 = vector.broadcast %parallel_loop3A_314 : i32 to vector<16xi32>
      %parallel_loop3A_316 = vector.extract_strided_slice %parallel_loop3A_217 {offsets = [7], sizes = [1], strides = [1]} : vector<16xi32> to vector<1xi32>
      %parallel_loop3A_317 = vector.extract %parallel_loop3A_316[0] : i32 from vector<1xi32>
      %parallel_loop3A_318 = vector.broadcast %parallel_loop3A_317 : i32 to vector<16xi32>
      %parallel_loop3A_319 = arith.constant 0 : i32
      %parallel_loop3A_320 = vector.broadcast %parallel_loop3A_319 : i32 to vector<16xi32>
      %parallel_loop3A_321 = arith.cmpi eq, %select_n3A, %parallel_loop3A_320 : vector<16xi32>
      %parallel_loop3A_322 = arith.select %parallel_loop3A_321, %parallel_loop3A_315, %parallel_loop3A_318 : vector<16xi1>, vector<16xi32>
      %parallel_loop3A_323 = arith.addi %parallel_loop3A_315, %iota3A : vector<16xi32>
      %parallel_loop3A_324 = arith.addi %parallel_loop3A_322, %select_n3A_36 : vector<16xi32>
      %parallel_loop3A_325 = arith.addi %parallel_loop3A_318, %add3A_39 : vector<16xi32>
      %parallel_loop3A_326 = tpu.vector_load_idx %arg6[%parallel_loop3A_323] : memref<8400xf32, #tpu.memory_space<vmem>>[vector<16xi32>], vector<16xf32>,
      %parallel_loop3A_327 = arith.constant 1 : i32
      %parallel_loop3A_328 = arith.addi %parallel_loop3A_219, %parallel_loop3A_327 : i32
      %parallel_loop3A_329 = arith.index_cast %parallel_loop3A_328 : i32 to index
      %parallel_loop3A_330 = arith.constant 16 : index
      %parallel_loop3A_331 = tpu.vector_load %arg8[%parallel_loop3A_329, %parallel_loop3A_330] {strides = array<i32>} : memref<288x128xf32, #tpu.memory_space<vmem>>, vector<16xf32>,
      tpu.vector_store %arg8[%parallel_loop3A_329, %parallel_loop3A_330], %parallel_loop3A_326 {strides = array<i32>} : memref<288x128xf32, #tpu.memory_space<vmem>>, vector<16xf32>,
      %parallel_loop3A_332 = tpu.vector_load_idx %arg6[%parallel_loop3A_324] : memref<8400xf32, #tpu.memory_space<vmem>>[vector<16xi32>], vector<16xf32>,
      %parallel_loop3A_333 = arith.constant 1 : i32
      %parallel_loop3A_334 = arith.addi %parallel_loop3A_219, %parallel_loop3A_333 : i32
      %parallel_loop3A_335 = arith.index_cast %parallel_loop3A_334 : i32 to index
      %parallel_loop3A_336 = arith.constant 32 : index
      %parallel_loop3A_337 = tpu.vector_load %arg8[%parallel_loop3A_335, %parallel_loop3A_336] {strides = array<i32>} : memref<288x128xf32, #tpu.memory_space<vmem>>, vector<16xf32>,
      tpu.vector_store %arg8[%parallel_loop3A_335, %parallel_loop3A_336], %parallel_loop3A_332 {strides = array<i32>} : memref<288x128xf32, #tpu.memory_space<vmem>>, vector<16xf32>,
      %parallel_loop3A_338 = tpu.vector_load_idx %arg6[%parallel_loop3A_325] : memref<8400xf32, #tpu.memory_space<vmem>>[vector<16xi32>], vector<16xf32>,
      %parallel_loop3A_339 = arith.constant 1 : i32
      %parallel_loop3A_340 = arith.addi %parallel_loop3A_219, %parallel_loop3A_339 : i32
      %parallel_loop3A_341 = arith.index_cast %parallel_loop3A_340 : i32 to index
      %parallel_loop3A_342 = arith.constant 48 : index
      %parallel_loop3A_343 = tpu.vector_load %arg8[%parallel_loop3A_341, %parallel_loop3A_342] {strides = array<i32>} : memref<288x128xf32, #tpu.memory_space<vmem>>, vector<16xf32>,
      tpu.vector_store %arg8[%parallel_loop3A_341, %parallel_loop3A_342], %parallel_loop3A_338 {strides = array<i32>} : memref<288x128xf32, #tpu.memory_space<vmem>>, vector<16xf32>,
      %parallel_loop3A_344 = vector.extract_strided_slice %parallel_loop3A_217 {offsets = [8], sizes = [1], strides = [1]} : vector<16xi32> to vector<1xi32>
      %parallel_loop3A_345 = vector.extract %parallel_loop3A_344[0] : i32 from vector<1xi32>
      %parallel_loop3A_346 = vector.broadcast %parallel_loop3A_345 : i32 to vector<16xi32>
      %parallel_loop3A_347 = vector.extract_strided_slice %parallel_loop3A_217 {offsets = [9], sizes = [1], strides = [1]} : vector<16xi32> to vector<1xi32>
      %parallel_loop3A_348 = vector.extract %parallel_loop3A_347[0] : i32 from vector<1xi32>
      %parallel_loop3A_349 = vector.broadcast %parallel_loop3A_348 : i32 to vector<16xi32>
      %parallel_loop3A_350 = arith.constant 0 : i32
      %parallel_loop3A_351 = vector.broadcast %parallel_loop3A_350 : i32 to vector<16xi32>
      %parallel_loop3A_352 = arith.cmpi eq, %select_n3A, %parallel_loop3A_351 : vector<16xi32>
      %parallel_loop3A_353 = arith.select %parallel_loop3A_352, %parallel_loop3A_346, %parallel_loop3A_349 : vector<16xi1>, vector<16xi32>
      %parallel_loop3A_354 = arith.addi %parallel_loop3A_346, %iota3A : vector<16xi32>
      %parallel_loop3A_355 = arith.addi %parallel_loop3A_353, %select_n3A_36 : vector<16xi32>
      %parallel_loop3A_356 = arith.addi %parallel_loop3A_349, %add3A_39 : vector<16xi32>
      %parallel_loop3A_357 = tpu.vector_load_idx %arg6[%parallel_loop3A_354] : memref<8400xf32, #tpu.memory_space<vmem>>[vector<16xi32>], vector<16xf32>,
      %parallel_loop3A_358 = arith.constant 1 : i32
      %parallel_loop3A_359 = arith.addi %parallel_loop3A_219, %parallel_loop3A_358 : i32
      %parallel_loop3A_360 = arith.index_cast %parallel_loop3A_359 : i32 to index
      %parallel_loop3A_361 = arith.constant 64 : index
      %parallel_loop3A_362 = tpu.vector_load %arg8[%parallel_loop3A_360, %parallel_loop3A_361] {strides = array<i32>} : memref<288x128xf32, #tpu.memory_space<vmem>>, vector<16xf32>,
      tpu.vector_store %arg8[%parallel_loop3A_360, %parallel_loop3A_361], %parallel_loop3A_357 {strides = array<i32>} : memref<288x128xf32, #tpu.memory_space<vmem>>, vector<16xf32>,
      %parallel_loop3A_363 = tpu.vector_load_idx %arg6[%parallel_loop3A_355] : memref<8400xf32, #tpu.memory_space<vmem>>[vector<16xi32>], vector<16xf32>,
      %parallel_loop3A_364 = arith.constant 1 : i32
      %parallel_loop3A_365 = arith.addi %parallel_loop3A_219, %parallel_loop3A_364 : i32
      %parallel_loop3A_366 = arith.index_cast %parallel_loop3A_365 : i32 to index
      %parallel_loop3A_367 = arith.constant 80 : index
      %parallel_loop3A_368 = tpu.vector_load %arg8[%parallel_loop3A_366, %parallel_loop3A_367] {strides = array<i32>} : memref<288x128xf32, #tpu.memory_space<vmem>>, vector<16xf32>,
      tpu.vector_store %arg8[%parallel_loop3A_366, %parallel_loop3A_367], %parallel_loop3A_363 {strides = array<i32>} : memref<288x128xf32, #tpu.memory_space<vmem>>, vector<16xf32>,
      %parallel_loop3A_369 = tpu.vector_load_idx %arg6[%parallel_loop3A_356] : memref<8400xf32, #tpu.memory_space<vmem>>[vector<16xi32>], vector<16xf32>,
      %parallel_loop3A_370 = arith.constant 1 : i32
      %parallel_loop3A_371 = arith.addi %parallel_loop3A_219, %parallel_loop3A_370 : i32
      %parallel_loop3A_372 = arith.index_cast %parallel_loop3A_371 : i32 to index
      %parallel_loop3A_373 = arith.constant 96 : index
      %parallel_loop3A_374 = tpu.vector_load %arg8[%parallel_loop3A_372, %parallel_loop3A_373] {strides = array<i32>} : memref<288x128xf32, #tpu.memory_space<vmem>>, vector<16xf32>,
      tpu.vector_store %arg8[%parallel_loop3A_372, %parallel_loop3A_373], %parallel_loop3A_369 {strides = array<i32>} : memref<288x128xf32, #tpu.memory_space<vmem>>, vector<16xf32>,
      %parallel_loop3A_375 = vector.extract_strided_slice %parallel_loop3A_217 {offsets = [10], sizes = [1], strides = [1]} : vector<16xi32> to vector<1xi32>
      %parallel_loop3A_376 = vector.extract %parallel_loop3A_375[0] : i32 from vector<1xi32>
      %parallel_loop3A_377 = vector.broadcast %parallel_loop3A_376 : i32 to vector<16xi32>
      %parallel_loop3A_378 = vector.extract_strided_slice %parallel_loop3A_217 {offsets = [11], sizes = [1], strides = [1]} : vector<16xi32> to vector<1xi32>
      %parallel_loop3A_379 = vector.extract %parallel_loop3A_378[0] : i32 from vector<1xi32>
      %parallel_loop3A_380 = vector.broadcast %parallel_loop3A_379 : i32 to vector<16xi32>
      %parallel_loop3A_381 = arith.constant 0 : i32
      %parallel_loop3A_382 = vector.broadcast %parallel_loop3A_381 : i32 to vector<16xi32>
      %parallel_loop3A_383 = arith.cmpi eq, %select_n3A, %parallel_loop3A_382 : vector<16xi32>
      %parallel_loop3A_384 = arith.select %parallel_loop3A_383, %parallel_loop3A_377, %parallel_loop3A_380 : vector<16xi1>, vector<16xi32>
      %parallel_loop3A_385 = arith.addi %parallel_loop3A_377, %iota3A : vector<16xi32>
      %parallel_loop3A_386 = arith.addi %parallel_loop3A_384, %select_n3A_36 : vector<16xi32>
      %parallel_loop3A_387 = arith.addi %parallel_loop3A_380, %add3A_39 : vector<16xi32>
      %parallel_loop3A_388 = tpu.vector_load_idx %arg6[%parallel_loop3A_385] : memref<8400xf32, #tpu.memory_space<vmem>>[vector<16xi32>], vector<16xf32>,
      %parallel_loop3A_389 = arith.constant 1 : i32
      %parallel_loop3A_390 = arith.addi %parallel_loop3A_219, %parallel_loop3A_389 : i32
      %parallel_loop3A_391 = arith.index_cast %parallel_loop3A_390 : i32 to index
      %parallel_loop3A_392 = arith.constant 112 : index
      %parallel_loop3A_393 = tpu.vector_load %arg8[%parallel_loop3A_391, %parallel_loop3A_392] {strides = array<i32>} : memref<288x128xf32, #tpu.memory_space<vmem>>, vector<16xf32>,
      tpu.vector_store %arg8[%parallel_loop3A_391, %parallel_loop3A_392], %parallel_loop3A_388 {strides = array<i32>} : memref<288x128xf32, #tpu.memory_space<vmem>>, vector<16xf32>,
      %parallel_loop3A_394 = tpu.vector_load_idx %arg6[%parallel_loop3A_386] : memref<8400xf32, #tpu.memory_space<vmem>>[vector<16xi32>], vector<16xf32>,
      %parallel_loop3A_395 = arith.constant 2 : i32
      %parallel_loop3A_396 = arith.addi %parallel_loop3A_219, %parallel_loop3A_395 : i32
      %parallel_loop3A_397 = arith.index_cast %parallel_loop3A_396 : i32 to index
      %parallel_loop3A_398 = arith.constant 0 : index
      %parallel_loop3A_399 = tpu.vector_load %arg8[%parallel_loop3A_397, %parallel_loop3A_398] {strides = array<i32>} : memref<288x128xf32, #tpu.memory_space<vmem>>, vector<16xf32>,
      tpu.vector_store %arg8[%parallel_loop3A_397, %parallel_loop3A_398], %parallel_loop3A_394 {strides = array<i32>} : memref<288x128xf32, #tpu.memory_space<vmem>>, vector<16xf32>,
      %parallel_loop3A_400 = tpu.vector_load_idx %arg6[%parallel_loop3A_387] : memref<8400xf32, #tpu.memory_space<vmem>>[vector<16xi32>], vector<16xf32>,
      %parallel_loop3A_401 = arith.constant 2 : i32
      %parallel_loop3A_402 = arith.addi %parallel_loop3A_219, %parallel_loop3A_401 : i32
      %parallel_loop3A_403 = arith.index_cast %parallel_loop3A_402 : i32 to index
      %parallel_loop3A_404 = arith.constant 16 : index
      %parallel_loop3A_405 = tpu.vector_load %arg8[%parallel_loop3A_403, %parallel_loop3A_404] {strides = array<i32>} : memref<288x128xf32, #tpu.memory_space<vmem>>, vector<16xf32>,
      tpu.vector_store %arg8[%parallel_loop3A_403, %parallel_loop3A_404], %parallel_loop3A_400 {strides = array<i32>} : memref<288x128xf32, #tpu.memory_space<vmem>>, vector<16xf32>,
      %parallel_loop3A_406 = vector.extract_strided_slice %parallel_loop3A_217 {offsets = [12], sizes = [1], strides = [1]} : vector<16xi32> to vector<1xi32>
      %parallel_loop3A_407 = vector.extract %parallel_loop3A_406[0] : i32 from vector<1xi32>
      %parallel_loop3A_408 = vector.broadcast %parallel_loop3A_407 : i32 to vector<16xi32>
      %parallel_loop3A_409 = vector.extract_strided_slice %parallel_loop3A_217 {offsets = [13], sizes = [1], strides = [1]} : vector<16xi32> to vector<1xi32>
      %parallel_loop3A_410 = vector.extract %parallel_loop3A_409[0] : i32 from vector<1xi32>
      %parallel_loop3A_411 = vector.broadcast %parallel_loop3A_410 : i32 to vector<16xi32>
      %parallel_loop3A_412 = arith.constant 0 : i32
      %parallel_loop3A_413 = vector.broadcast %parallel_loop3A_412 : i32 to vector<16xi32>
      %parallel_loop3A_414 = arith.cmpi eq, %select_n3A, %parallel_loop3A_413 : vector<16xi32>
      %parallel_loop3A_415 = arith.select %parallel_loop3A_414, %parallel_loop3A_408, %parallel_loop3A_411 : vector<16xi1>, vector<16xi32>
      %parallel_loop3A_416 = arith.addi %parallel_loop3A_408, %iota3A : vector<16xi32>
      %parallel_loop3A_417 = arith.addi %parallel_loop3A_415, %select_n3A_36 : vector<16xi32>
      %parallel_loop3A_418 = arith.addi %parallel_loop3A_411, %add3A_39 : vector<16xi32>
      %parallel_loop3A_419 = tpu.vector_load_idx %arg6[%parallel_loop3A_416] : memref<8400xf32, #tpu.memory_space<vmem>>[vector<16xi32>], vector<16xf32>,
      %parallel_loop3A_420 = arith.constant 2 : i32
      %parallel_loop3A_421 = arith.addi %parallel_loop3A_219, %parallel_loop3A_420 : i32
      %parallel_loop3A_422 = arith.index_cast %parallel_loop3A_421 : i32 to index
      %parallel_loop3A_423 = arith.constant 32 : index
      %parallel_loop3A_424 = tpu.vector_load %arg8[%parallel_loop3A_422, %parallel_loop3A_423] {strides = array<i32>} : memref<288x128xf32, #tpu.memory_space<vmem>>, vector<16xf32>,
      tpu.vector_store %arg8[%parallel_loop3A_422, %parallel_loop3A_423], %parallel_loop3A_419 {strides = array<i32>} : memref<288x128xf32, #tpu.memory_space<vmem>>, vector<16xf32>,
      %parallel_loop3A_425 = tpu.vector_load_idx %arg6[%parallel_loop3A_417] : memref<8400xf32, #tpu.memory_space<vmem>>[vector<16xi32>], vector<16xf32>,
      %parallel_loop3A_426 = arith.constant 2 : i32
      %parallel_loop3A_427 = arith.addi %parallel_loop3A_219, %parallel_loop3A_426 : i32
      %parallel_loop3A_428 = arith.index_cast %parallel_loop3A_427 : i32 to index
      %parallel_loop3A_429 = arith.constant 48 : index
      %parallel_loop3A_430 = tpu.vector_load %arg8[%parallel_loop3A_428, %parallel_loop3A_429] {strides = array<i32>} : memref<288x128xf32, #tpu.memory_space<vmem>>, vector<16xf32>,
      tpu.vector_store %arg8[%parallel_loop3A_428, %parallel_loop3A_429], %parallel_loop3A_425 {strides = array<i32>} : memref<288x128xf32, #tpu.memory_space<vmem>>, vector<16xf32>,
      %parallel_loop3A_431 = tpu.vector_load_idx %arg6[%parallel_loop3A_418] : memref<8400xf32, #tpu.memory_space<vmem>>[vector<16xi32>], vector<16xf32>,
      %parallel_loop3A_432 = arith.constant 2 : i32
      %parallel_loop3A_433 = arith.addi %parallel_loop3A_219, %parallel_loop3A_432 : i32
      %parallel_loop3A_434 = arith.index_cast %parallel_loop3A_433 : i32 to index
      %parallel_loop3A_435 = arith.constant 64 : index
      %parallel_loop3A_436 = tpu.vector_load %arg8[%parallel_loop3A_434, %parallel_loop3A_435] {strides = array<i32>} : memref<288x128xf32, #tpu.memory_space<vmem>>, vector<16xf32>,
      tpu.vector_store %arg8[%parallel_loop3A_434, %parallel_loop3A_435], %parallel_loop3A_431 {strides = array<i32>} : memref<288x128xf32, #tpu.memory_space<vmem>>, vector<16xf32>,
      %parallel_loop3A_437 = vector.extract_strided_slice %parallel_loop3A_217 {offsets = [14], sizes = [1], strides = [1]} : vector<16xi32> to vector<1xi32>
      %parallel_loop3A_438 = vector.extract %parallel_loop3A_437[0] : i32 from vector<1xi32>
      %parallel_loop3A_439 = vector.broadcast %parallel_loop3A_438 : i32 to vector<16xi32>
      %parallel_loop3A_440 = vector.extract_strided_slice %parallel_loop3A_217 {offsets = [15], sizes = [1], strides = [1]} : vector<16xi32> to vector<1xi32>
      %parallel_loop3A_441 = vector.extract %parallel_loop3A_440[0] : i32 from vector<1xi32>
      %parallel_loop3A_442 = vector.broadcast %parallel_loop3A_441 : i32 to vector<16xi32>
      %parallel_loop3A_443 = arith.constant 0 : i32
      %parallel_loop3A_444 = vector.broadcast %parallel_loop3A_443 : i32 to vector<16xi32>
      %parallel_loop3A_445 = arith.cmpi eq, %select_n3A, %parallel_loop3A_444 : vector<16xi32>
      %parallel_loop3A_446 = arith.select %parallel_loop3A_445, %parallel_loop3A_439, %parallel_loop3A_442 : vector<16xi1>, vector<16xi32>
      %parallel_loop3A_447 = arith.addi %parallel_loop3A_439, %iota3A : vector<16xi32>
      %parallel_loop3A_448 = arith.addi %parallel_loop3A_446, %select_n3A_36 : vector<16xi32>
      %parallel_loop3A_449 = arith.addi %parallel_loop3A_442, %add3A_39 : vector<16xi32>
      %parallel_loop3A_450 = tpu.vector_load_idx %arg6[%parallel_loop3A_447] : memref<8400xf32, #tpu.memory_space<vmem>>[vector<16xi32>], vector<16xf32>,
      %parallel_loop3A_451 = arith.constant 2 : i32
      %parallel_loop3A_452 = arith.addi %parallel_loop3A_219, %parallel_loop3A_451 : i32
      %parallel_loop3A_453 = arith.index_cast %parallel_loop3A_452 : i32 to index
      %parallel_loop3A_454 = arith.constant 80 : index
      %parallel_loop3A_455 = tpu.vector_load %arg8[%parallel_loop3A_453, %parallel_loop3A_454] {strides = array<i32>} : memref<288x128xf32, #tpu.memory_space<vmem>>, vector<16xf32>,
      tpu.vector_store %arg8[%parallel_loop3A_453, %parallel_loop3A_454], %parallel_loop3A_450 {strides = array<i32>} : memref<288x128xf32, #tpu.memory_space<vmem>>, vector<16xf32>,
      %parallel_loop3A_456 = tpu.vector_load_idx %arg6[%parallel_loop3A_448] : memref<8400xf32, #tpu.memory_space<vmem>>[vector<16xi32>], vector<16xf32>,
      %parallel_loop3A_457 = arith.constant 2 : i32
      %parallel_loop3A_458 = arith.addi %parallel_loop3A_219, %parallel_loop3A_457 : i32
      %parallel_loop3A_459 = arith.index_cast %parallel_loop3A_458 : i32 to index
      %parallel_loop3A_460 = arith.constant 96 : index
      %parallel_loop3A_461 = tpu.vector_load %arg8[%parallel_loop3A_459, %parallel_loop3A_460] {strides = array<i32>} : memref<288x128xf32, #tpu.memory_space<vmem>>, vector<16xf32>,
      tpu.vector_store %arg8[%parallel_loop3A_459, %parallel_loop3A_460], %parallel_loop3A_456 {strides = array<i32>} : memref<288x128xf32, #tpu.memory_space<vmem>>, vector<16xf32>,
      %parallel_loop3A_462 = tpu.vector_load_idx %arg6[%parallel_loop3A_449] : memref<8400xf32, #tpu.memory_space<vmem>>[vector<16xi32>], vector<16xf32>,
      %parallel_loop3A_463 = arith.constant 2 : i32
      %parallel_loop3A_464 = arith.addi %parallel_loop3A_219, %parallel_loop3A_463 : i32
      %parallel_loop3A_465 = arith.index_cast %parallel_loop3A_464 : i32 to index
      %parallel_loop3A_466 = arith.constant 112 : index
      %parallel_loop3A_467 = tpu.vector_load %arg8[%parallel_loop3A_465, %parallel_loop3A_466] {strides = array<i32>} : memref<288x128xf32, #tpu.memory_space<vmem>>, vector<16xf32>,
      tpu.vector_store %arg8[%parallel_loop3A_465, %parallel_loop3A_466], %parallel_loop3A_462 {strides = array<i32>} : memref<288x128xf32, #tpu.memory_space<vmem>>, vector<16xf32>,
    } {sc.loop_unroll_factor = 2 : i64, sc.parallel_access}
    %add3A_117 = arith.constant 3072 : i32
    %add3A_118 = arith.addi %multiple_of3A, %add3A_117 : i32
    %mul3A_119 = arith.constant 24 : i32
    %mul3A_120 = arith.muli %add3A_118, %mul3A_119 : i32
    %jit3A_121 = arith.constant 128 : i32
    %div3A_122 = arith.divsi %mul3A_120, %jit3A_121 : i32
    %sign3A_123 = arith.constant 0 : i32
    %sign3A_124 = arith.cmpi sgt, %mul3A_120, %sign3A_123 : i32
    %sign3A_125 = arith.extui %sign3A_124 : i1 to i32
    %sign3A_126 = arith.constant 0 : i32
    %sign3A_127 = arith.cmpi slt, %mul3A_120, %sign3A_126 : i32
    %sign3A_128 = arith.extui %sign3A_127 : i1 to i32
    %sign3A_129 = arith.subi %sign3A_125, %sign3A_128 : i32
    %sign3A_130 = arith.constant 0 : i32
    %sign3A_131 = arith.cmpi sgt, %jit3A_121, %sign3A_130 : i32
    %sign3A_132 = arith.extui %sign3A_131 : i1 to i32
    %sign3A_133 = arith.constant 0 : i32
    %sign3A_134 = arith.cmpi slt, %jit3A_121, %sign3A_133 : i32
    %sign3A_135 = arith.extui %sign3A_134 : i1 to i32
    %sign3A_136 = arith.subi %sign3A_132, %sign3A_135 : i32
    %ne3A_137 = arith.cmpi ne, %sign3A_129, %sign3A_136 : i32
    %rem3A_138 = arith.remsi %mul3A_120, %jit3A_121 : i32
    %ne3A_139 = arith.constant 0 : i32
    %ne3A_140 = arith.cmpi ne, %rem3A_138, %ne3A_139 : i32
    %and3A_141 = arith.andi %ne3A_137, %ne3A_140 : i1
    %sub3A_142 = arith.constant 1 : i32
    %sub3A_143 = arith.subi %div3A_122, %sub3A_142 : i32
    %select_n3A_144 = arith.select %and3A_141, %sub3A_143, %div3A_122 : i32
    %multiple_of3A_145 = tpu.assume_multiple %select_n3A_144, 288 : i32
    %dma_start3A_146 = arith.constant 0 : i32
    %dma_start3A_147 = tpu.memref_slice %arg4[%multiple_of3A_145, %dma_start3A_146] : memref<36864x128xf32, #tpu.memory_space<hbm>> -> memref<288x128xf32, #tpu.memory_space<hbm>>
    %dma_start3A_148 = arith.constant 0 : i32
    %dma_start3A_149 = tpu.memref_slice %arg4[%multiple_of3A_145, %dma_start3A_148] : memref<36864x128xf32, #tpu.memory_space<hbm>> -> memref<288x128xf32, #tpu.memory_space<hbm>>
    tpu.enqueue_dma source(%arg8 : memref<288x128xf32, #tpu.memory_space<vmem>>) target(%dma_start3A_149 : memref<288x128xf32, #tpu.memory_space<hbm>>) target_semaphore(%arg10 : memref<!tpu.dma_semaphore, #tpu.memory_space<semaphore_mem>>)
    %dma_wait3A_150 = arith.constant 0 : i32
    %dma_wait3A_151 = tpu.memref_slice %arg4[%multiple_of3A_106, %dma_wait3A_150] : memref<36864x128xf32, #tpu.memory_space<hbm>> -> memref<288x128xf32, #tpu.memory_space<hbm>>
    %dma_wait3A_152 = arith.constant 0 : i32
    %dma_wait3A_153 = tpu.memref_slice %arg4[%multiple_of3A_106, %dma_wait3A_152] : memref<36864x128xf32, #tpu.memory_space<hbm>> -> memref<288x128xf32, #tpu.memory_space<hbm>>
    tpu.wait_dma2 semaphore(%arg11 : memref<!tpu.dma_semaphore, #tpu.memory_space<semaphore_mem>>) src(%arg9 : memref<288x128xf32, #tpu.memory_space<vmem>>) dst(%dma_wait3A_153 : memref<288x128xf32, #tpu.memory_space<hbm>>)
    %parallel_loop3A_154 = arith.constant 0 : i32
    %parallel_loop3A_155 = arith.constant 96 : i32
    %parallel_loop3A_156 = arith.constant 1 : i32
    scf.for %parallel_loop3A_198 = %parallel_loop3A_154 to %parallel_loop3A_155 step %parallel_loop3A_156  : i32 {
      %parallel_loop3A_199 = arith.constant 16 : i32
      %parallel_loop3A_200 = arith.muli %parallel_loop3A_198, %parallel_loop3A_199 : i32
      %parallel_loop3A_201 = arith.constant 4608 : i32
      %parallel_loop3A_202 = arith.addi %parallel_loop3A_201, %parallel_loop3A_200 : i32
      %parallel_loop3A_203 = tpu.assume_multiple %parallel_loop3A_202, 16 : i32
      %parallel_loop3A_204 = arith.index_cast %parallel_loop3A_203 : i32 to index
      %parallel_loop3A_205 = tpu.vector_load %arg7[%parallel_loop3A_204] {strides = array<i32>} : memref<6144xi32, #tpu.memory_space<vmem>>, vector<16xi32>,
      %parallel_loop3A_206 = vector.broadcast %parallel_loop3A_203 : i32 to vector<16xi32>
      %parallel_loop3A_207 = arith.addi %parallel_loop3A_206, %iota3A : vector<16xi32>
      %parallel_loop3A_208 = arith.constant 12 : i32
      %parallel_loop3A_209 = vector.broadcast %parallel_loop3A_208 : i32 to vector<16xi32>
      %parallel_loop3A_210 = arith.remsi %parallel_loop3A_207, %parallel_loop3A_209 : vector<16xi32>
      %parallel_loop3A_211 = arith.constant 28 : i32
      %parallel_loop3A_212 = vector.broadcast %parallel_loop3A_211 : i32 to vector<16xi32>
      %parallel_loop3A_213 = arith.muli %parallel_loop3A_210, %parallel_loop3A_212 : vector<16xi32>
      %parallel_loop3A_214 = arith.addi %parallel_loop3A_213, %parallel_loop3A_205 : vector<16xi32>
      %parallel_loop3A_215 = arith.constant 25 : i32
      %parallel_loop3A_216 = vector.broadcast %parallel_loop3A_215 : i32 to vector<16xi32>
      %parallel_loop3A_217 = arith.muli %parallel_loop3A_214, %parallel_loop3A_216 : vector<16xi32>
      %parallel_loop3A_218 = arith.constant 3 : i32
      %parallel_loop3A_219 = arith.muli %parallel_loop3A_198, %parallel_loop3A_218 : i32
      %parallel_loop3A_220 = vector.extract_strided_slice %parallel_loop3A_217 {offsets = [0], sizes = [1], strides = [1]} : vector<16xi32> to vector<1xi32>
      %parallel_loop3A_221 = vector.extract %parallel_loop3A_220[0] : i32 from vector<1xi32>
      %parallel_loop3A_222 = vector.broadcast %parallel_loop3A_221 : i32 to vector<16xi32>
      %parallel_loop3A_223 = vector.extract_strided_slice %parallel_loop3A_217 {offsets = [1], sizes = [1], strides = [1]} : vector<16xi32> to vector<1xi32>
      %parallel_loop3A_224 = vector.extract %parallel_loop3A_223[0] : i32 from vector<1xi32>
      %parallel_loop3A_225 = vector.broadcast %parallel_loop3A_224 : i32 to vector<16xi32>
      %parallel_loop3A_226 = arith.constant 0 : i32
      %parallel_loop3A_227 = vector.broadcast %parallel_loop3A_226 : i32 to vector<16xi32>
      %parallel_loop3A_228 = arith.cmpi eq, %select_n3A, %parallel_loop3A_227 : vector<16xi32>
      %parallel_loop3A_229 = arith.select %parallel_loop3A_228, %parallel_loop3A_222, %parallel_loop3A_225 : vector<16xi1>, vector<16xi32>
      %parallel_loop3A_230 = arith.addi %parallel_loop3A_222, %iota3A : vector<16xi32>
      %parallel_loop3A_231 = arith.addi %parallel_loop3A_229, %select_n3A_36 : vector<16xi32>
      %parallel_loop3A_232 = arith.addi %parallel_loop3A_225, %add3A_39 : vector<16xi32>
      %parallel_loop3A_233 = tpu.vector_load_idx %arg6[%parallel_loop3A_230] : memref<8400xf32, #tpu.memory_space<vmem>>[vector<16xi32>], vector<16xf32>,
      %parallel_loop3A_234 = arith.constant 0 : i32
      %parallel_loop3A_235 = arith.addi %parallel_loop3A_219, %parallel_loop3A_234 : i32
      %parallel_loop3A_236 = arith.index_cast %parallel_loop3A_235 : i32 to index
      %parallel_loop3A_237 = arith.constant 0 : index
      %parallel_loop3A_238 = tpu.vector_load %arg9[%parallel_loop3A_236, %parallel_loop3A_237] {strides = array<i32>} : memref<288x128xf32, #tpu.memory_space<vmem>>, vector<16xf32>,
      tpu.vector_store %arg9[%parallel_loop3A_236, %parallel_loop3A_237], %parallel_loop3A_233 {strides = array<i32>} : memref<288x128xf32, #tpu.memory_space<vmem>>, vector<16xf32>,
      %parallel_loop3A_239 = tpu.vector_load_idx %arg6[%parallel_loop3A_231] : memref<8400xf32, #tpu.memory_space<vmem>>[vector<16xi32>], vector<16xf32>,
      %parallel_loop3A_240 = arith.constant 0 : i32
      %parallel_loop3A_241 = arith.addi %parallel_loop3A_219, %parallel_loop3A_240 : i32
      %parallel_loop3A_242 = arith.index_cast %parallel_loop3A_241 : i32 to index
      %parallel_loop3A_243 = arith.constant 16 : index
      %parallel_loop3A_244 = tpu.vector_load %arg9[%parallel_loop3A_242, %parallel_loop3A_243] {strides = array<i32>} : memref<288x128xf32, #tpu.memory_space<vmem>>, vector<16xf32>,
      tpu.vector_store %arg9[%parallel_loop3A_242, %parallel_loop3A_243], %parallel_loop3A_239 {strides = array<i32>} : memref<288x128xf32, #tpu.memory_space<vmem>>, vector<16xf32>,
      %parallel_loop3A_245 = tpu.vector_load_idx %arg6[%parallel_loop3A_232] : memref<8400xf32, #tpu.memory_space<vmem>>[vector<16xi32>], vector<16xf32>,
      %parallel_loop3A_246 = arith.constant 0 : i32
      %parallel_loop3A_247 = arith.addi %parallel_loop3A_219, %parallel_loop3A_246 : i32
      %parallel_loop3A_248 = arith.index_cast %parallel_loop3A_247 : i32 to index
      %parallel_loop3A_249 = arith.constant 32 : index
      %parallel_loop3A_250 = tpu.vector_load %arg9[%parallel_loop3A_248, %parallel_loop3A_249] {strides = array<i32>} : memref<288x128xf32, #tpu.memory_space<vmem>>, vector<16xf32>,
      tpu.vector_store %arg9[%parallel_loop3A_248, %parallel_loop3A_249], %parallel_loop3A_245 {strides = array<i32>} : memref<288x128xf32, #tpu.memory_space<vmem>>, vector<16xf32>,
      %parallel_loop3A_251 = vector.extract_strided_slice %parallel_loop3A_217 {offsets = [2], sizes = [1], strides = [1]} : vector<16xi32> to vector<1xi32>
      %parallel_loop3A_252 = vector.extract %parallel_loop3A_251[0] : i32 from vector<1xi32>
      %parallel_loop3A_253 = vector.broadcast %parallel_loop3A_252 : i32 to vector<16xi32>
      %parallel_loop3A_254 = vector.extract_strided_slice %parallel_loop3A_217 {offsets = [3], sizes = [1], strides = [1]} : vector<16xi32> to vector<1xi32>
      %parallel_loop3A_255 = vector.extract %parallel_loop3A_254[0] : i32 from vector<1xi32>
      %parallel_loop3A_256 = vector.broadcast %parallel_loop3A_255 : i32 to vector<16xi32>
      %parallel_loop3A_257 = arith.constant 0 : i32
      %parallel_loop3A_258 = vector.broadcast %parallel_loop3A_257 : i32 to vector<16xi32>
      %parallel_loop3A_259 = arith.cmpi eq, %select_n3A, %parallel_loop3A_258 : vector<16xi32>
      %parallel_loop3A_260 = arith.select %parallel_loop3A_259, %parallel_loop3A_253, %parallel_loop3A_256 : vector<16xi1>, vector<16xi32>
      %parallel_loop3A_261 = arith.addi %parallel_loop3A_253, %iota3A : vector<16xi32>
      %parallel_loop3A_262 = arith.addi %parallel_loop3A_260, %select_n3A_36 : vector<16xi32>
      %parallel_loop3A_263 = arith.addi %parallel_loop3A_256, %add3A_39 : vector<16xi32>
      %parallel_loop3A_264 = tpu.vector_load_idx %arg6[%parallel_loop3A_261] : memref<8400xf32, #tpu.memory_space<vmem>>[vector<16xi32>], vector<16xf32>,
      %parallel_loop3A_265 = arith.constant 0 : i32
      %parallel_loop3A_266 = arith.addi %parallel_loop3A_219, %parallel_loop3A_265 : i32
      %parallel_loop3A_267 = arith.index_cast %parallel_loop3A_266 : i32 to index
      %parallel_loop3A_268 = arith.constant 48 : index
      %parallel_loop3A_269 = tpu.vector_load %arg9[%parallel_loop3A_267, %parallel_loop3A_268] {strides = array<i32>} : memref<288x128xf32, #tpu.memory_space<vmem>>, vector<16xf32>,
      tpu.vector_store %arg9[%parallel_loop3A_267, %parallel_loop3A_268], %parallel_loop3A_264 {strides = array<i32>} : memref<288x128xf32, #tpu.memory_space<vmem>>, vector<16xf32>,
      %parallel_loop3A_270 = tpu.vector_load_idx %arg6[%parallel_loop3A_262] : memref<8400xf32, #tpu.memory_space<vmem>>[vector<16xi32>], vector<16xf32>,
      %parallel_loop3A_271 = arith.constant 0 : i32
      %parallel_loop3A_272 = arith.addi %parallel_loop3A_219, %parallel_loop3A_271 : i32
      %parallel_loop3A_273 = arith.index_cast %parallel_loop3A_272 : i32 to index
      %parallel_loop3A_274 = arith.constant 64 : index
      %parallel_loop3A_275 = tpu.vector_load %arg9[%parallel_loop3A_273, %parallel_loop3A_274] {strides = array<i32>} : memref<288x128xf32, #tpu.memory_space<vmem>>, vector<16xf32>,
      tpu.vector_store %arg9[%parallel_loop3A_273, %parallel_loop3A_274], %parallel_loop3A_270 {strides = array<i32>} : memref<288x128xf32, #tpu.memory_space<vmem>>, vector<16xf32>,
      %parallel_loop3A_276 = tpu.vector_load_idx %arg6[%parallel_loop3A_263] : memref<8400xf32, #tpu.memory_space<vmem>>[vector<16xi32>], vector<16xf32>,
      %parallel_loop3A_277 = arith.constant 0 : i32
      %parallel_loop3A_278 = arith.addi %parallel_loop3A_219, %parallel_loop3A_277 : i32
      %parallel_loop3A_279 = arith.index_cast %parallel_loop3A_278 : i32 to index
      %parallel_loop3A_280 = arith.constant 80 : index
      %parallel_loop3A_281 = tpu.vector_load %arg9[%parallel_loop3A_279, %parallel_loop3A_280] {strides = array<i32>} : memref<288x128xf32, #tpu.memory_space<vmem>>, vector<16xf32>,
      tpu.vector_store %arg9[%parallel_loop3A_279, %parallel_loop3A_280], %parallel_loop3A_276 {strides = array<i32>} : memref<288x128xf32, #tpu.memory_space<vmem>>, vector<16xf32>,
      %parallel_loop3A_282 = vector.extract_strided_slice %parallel_loop3A_217 {offsets = [4], sizes = [1], strides = [1]} : vector<16xi32> to vector<1xi32>
      %parallel_loop3A_283 = vector.extract %parallel_loop3A_282[0] : i32 from vector<1xi32>
      %parallel_loop3A_284 = vector.broadcast %parallel_loop3A_283 : i32 to vector<16xi32>
      %parallel_loop3A_285 = vector.extract_strided_slice %parallel_loop3A_217 {offsets = [5], sizes = [1], strides = [1]} : vector<16xi32> to vector<1xi32>
      %parallel_loop3A_286 = vector.extract %parallel_loop3A_285[0] : i32 from vector<1xi32>
      %parallel_loop3A_287 = vector.broadcast %parallel_loop3A_286 : i32 to vector<16xi32>
      %parallel_loop3A_288 = arith.constant 0 : i32
      %parallel_loop3A_289 = vector.broadcast %parallel_loop3A_288 : i32 to vector<16xi32>
      %parallel_loop3A_290 = arith.cmpi eq, %select_n3A, %parallel_loop3A_289 : vector<16xi32>
      %parallel_loop3A_291 = arith.select %parallel_loop3A_290, %parallel_loop3A_284, %parallel_loop3A_287 : vector<16xi1>, vector<16xi32>
      %parallel_loop3A_292 = arith.addi %parallel_loop3A_284, %iota3A : vector<16xi32>
      %parallel_loop3A_293 = arith.addi %parallel_loop3A_291, %select_n3A_36 : vector<16xi32>
      %parallel_loop3A_294 = arith.addi %parallel_loop3A_287, %add3A_39 : vector<16xi32>
      %parallel_loop3A_295 = tpu.vector_load_idx %arg6[%parallel_loop3A_292] : memref<8400xf32, #tpu.memory_space<vmem>>[vector<16xi32>], vector<16xf32>,
      %parallel_loop3A_296 = arith.constant 0 : i32
      %parallel_loop3A_297 = arith.addi %parallel_loop3A_219, %parallel_loop3A_296 : i32
      %parallel_loop3A_298 = arith.index_cast %parallel_loop3A_297 : i32 to index
      %parallel_loop3A_299 = arith.constant 96 : index
      %parallel_loop3A_300 = tpu.vector_load %arg9[%parallel_loop3A_298, %parallel_loop3A_299] {strides = array<i32>} : memref<288x128xf32, #tpu.memory_space<vmem>>, vector<16xf32>,
      tpu.vector_store %arg9[%parallel_loop3A_298, %parallel_loop3A_299], %parallel_loop3A_295 {strides = array<i32>} : memref<288x128xf32, #tpu.memory_space<vmem>>, vector<16xf32>,
      %parallel_loop3A_301 = tpu.vector_load_idx %arg6[%parallel_loop3A_293] : memref<8400xf32, #tpu.memory_space<vmem>>[vector<16xi32>], vector<16xf32>,
      %parallel_loop3A_302 = arith.constant 0 : i32
      %parallel_loop3A_303 = arith.addi %parallel_loop3A_219, %parallel_loop3A_302 : i32
      %parallel_loop3A_304 = arith.index_cast %parallel_loop3A_303 : i32 to index
      %parallel_loop3A_305 = arith.constant 112 : index
      %parallel_loop3A_306 = tpu.vector_load %arg9[%parallel_loop3A_304, %parallel_loop3A_305] {strides = array<i32>} : memref<288x128xf32, #tpu.memory_space<vmem>>, vector<16xf32>,
      tpu.vector_store %arg9[%parallel_loop3A_304, %parallel_loop3A_305], %parallel_loop3A_301 {strides = array<i32>} : memref<288x128xf32, #tpu.memory_space<vmem>>, vector<16xf32>,
      %parallel_loop3A_307 = tpu.vector_load_idx %arg6[%parallel_loop3A_294] : memref<8400xf32, #tpu.memory_space<vmem>>[vector<16xi32>], vector<16xf32>,
      %parallel_loop3A_308 = arith.constant 1 : i32
      %parallel_loop3A_309 = arith.addi %parallel_loop3A_219, %parallel_loop3A_308 : i32
      %parallel_loop3A_310 = arith.index_cast %parallel_loop3A_309 : i32 to index
      %parallel_loop3A_311 = arith.constant 0 : index
      %parallel_loop3A_312 = tpu.vector_load %arg9[%parallel_loop3A_310, %parallel_loop3A_311] {strides = array<i32>} : memref<288x128xf32, #tpu.memory_space<vmem>>, vector<16xf32>,
      tpu.vector_store %arg9[%parallel_loop3A_310, %parallel_loop3A_311], %parallel_loop3A_307 {strides = array<i32>} : memref<288x128xf32, #tpu.memory_space<vmem>>, vector<16xf32>,
      %parallel_loop3A_313 = vector.extract_strided_slice %parallel_loop3A_217 {offsets = [6], sizes = [1], strides = [1]} : vector<16xi32> to vector<1xi32>
      %parallel_loop3A_314 = vector.extract %parallel_loop3A_313[0] : i32 from vector<1xi32>
      %parallel_loop3A_315 = vector.broadcast %parallel_loop3A_314 : i32 to vector<16xi32>
      %parallel_loop3A_316 = vector.extract_strided_slice %parallel_loop3A_217 {offsets = [7], sizes = [1], strides = [1]} : vector<16xi32> to vector<1xi32>
      %parallel_loop3A_317 = vector.extract %parallel_loop3A_316[0] : i32 from vector<1xi32>
      %parallel_loop3A_318 = vector.broadcast %parallel_loop3A_317 : i32 to vector<16xi32>
      %parallel_loop3A_319 = arith.constant 0 : i32
      %parallel_loop3A_320 = vector.broadcast %parallel_loop3A_319 : i32 to vector<16xi32>
      %parallel_loop3A_321 = arith.cmpi eq, %select_n3A, %parallel_loop3A_320 : vector<16xi32>
      %parallel_loop3A_322 = arith.select %parallel_loop3A_321, %parallel_loop3A_315, %parallel_loop3A_318 : vector<16xi1>, vector<16xi32>
      %parallel_loop3A_323 = arith.addi %parallel_loop3A_315, %iota3A : vector<16xi32>
      %parallel_loop3A_324 = arith.addi %parallel_loop3A_322, %select_n3A_36 : vector<16xi32>
      %parallel_loop3A_325 = arith.addi %parallel_loop3A_318, %add3A_39 : vector<16xi32>
      %parallel_loop3A_326 = tpu.vector_load_idx %arg6[%parallel_loop3A_323] : memref<8400xf32, #tpu.memory_space<vmem>>[vector<16xi32>], vector<16xf32>,
      %parallel_loop3A_327 = arith.constant 1 : i32
      %parallel_loop3A_328 = arith.addi %parallel_loop3A_219, %parallel_loop3A_327 : i32
      %parallel_loop3A_329 = arith.index_cast %parallel_loop3A_328 : i32 to index
      %parallel_loop3A_330 = arith.constant 16 : index
      %parallel_loop3A_331 = tpu.vector_load %arg9[%parallel_loop3A_329, %parallel_loop3A_330] {strides = array<i32>} : memref<288x128xf32, #tpu.memory_space<vmem>>, vector<16xf32>,
      tpu.vector_store %arg9[%parallel_loop3A_329, %parallel_loop3A_330], %parallel_loop3A_326 {strides = array<i32>} : memref<288x128xf32, #tpu.memory_space<vmem>>, vector<16xf32>,
      %parallel_loop3A_332 = tpu.vector_load_idx %arg6[%parallel_loop3A_324] : memref<8400xf32, #tpu.memory_space<vmem>>[vector<16xi32>], vector<16xf32>,
      %parallel_loop3A_333 = arith.constant 1 : i32
      %parallel_loop3A_334 = arith.addi %parallel_loop3A_219, %parallel_loop3A_333 : i32
      %parallel_loop3A_335 = arith.index_cast %parallel_loop3A_334 : i32 to index
      %parallel_loop3A_336 = arith.constant 32 : index
      %parallel_loop3A_337 = tpu.vector_load %arg9[%parallel_loop3A_335, %parallel_loop3A_336] {strides = array<i32>} : memref<288x128xf32, #tpu.memory_space<vmem>>, vector<16xf32>,
      tpu.vector_store %arg9[%parallel_loop3A_335, %parallel_loop3A_336], %parallel_loop3A_332 {strides = array<i32>} : memref<288x128xf32, #tpu.memory_space<vmem>>, vector<16xf32>,
      %parallel_loop3A_338 = tpu.vector_load_idx %arg6[%parallel_loop3A_325] : memref<8400xf32, #tpu.memory_space<vmem>>[vector<16xi32>], vector<16xf32>,
      %parallel_loop3A_339 = arith.constant 1 : i32
      %parallel_loop3A_340 = arith.addi %parallel_loop3A_219, %parallel_loop3A_339 : i32
      %parallel_loop3A_341 = arith.index_cast %parallel_loop3A_340 : i32 to index
      %parallel_loop3A_342 = arith.constant 48 : index
      %parallel_loop3A_343 = tpu.vector_load %arg9[%parallel_loop3A_341, %parallel_loop3A_342] {strides = array<i32>} : memref<288x128xf32, #tpu.memory_space<vmem>>, vector<16xf32>,
      tpu.vector_store %arg9[%parallel_loop3A_341, %parallel_loop3A_342], %parallel_loop3A_338 {strides = array<i32>} : memref<288x128xf32, #tpu.memory_space<vmem>>, vector<16xf32>,
      %parallel_loop3A_344 = vector.extract_strided_slice %parallel_loop3A_217 {offsets = [8], sizes = [1], strides = [1]} : vector<16xi32> to vector<1xi32>
      %parallel_loop3A_345 = vector.extract %parallel_loop3A_344[0] : i32 from vector<1xi32>
      %parallel_loop3A_346 = vector.broadcast %parallel_loop3A_345 : i32 to vector<16xi32>
      %parallel_loop3A_347 = vector.extract_strided_slice %parallel_loop3A_217 {offsets = [9], sizes = [1], strides = [1]} : vector<16xi32> to vector<1xi32>
      %parallel_loop3A_348 = vector.extract %parallel_loop3A_347[0] : i32 from vector<1xi32>
      %parallel_loop3A_349 = vector.broadcast %parallel_loop3A_348 : i32 to vector<16xi32>
      %parallel_loop3A_350 = arith.constant 0 : i32
      %parallel_loop3A_351 = vector.broadcast %parallel_loop3A_350 : i32 to vector<16xi32>
      %parallel_loop3A_352 = arith.cmpi eq, %select_n3A, %parallel_loop3A_351 : vector<16xi32>
      %parallel_loop3A_353 = arith.select %parallel_loop3A_352, %parallel_loop3A_346, %parallel_loop3A_349 : vector<16xi1>, vector<16xi32>
      %parallel_loop3A_354 = arith.addi %parallel_loop3A_346, %iota3A : vector<16xi32>
      %parallel_loop3A_355 = arith.addi %parallel_loop3A_353, %select_n3A_36 : vector<16xi32>
      %parallel_loop3A_356 = arith.addi %parallel_loop3A_349, %add3A_39 : vector<16xi32>
      %parallel_loop3A_357 = tpu.vector_load_idx %arg6[%parallel_loop3A_354] : memref<8400xf32, #tpu.memory_space<vmem>>[vector<16xi32>], vector<16xf32>,
      %parallel_loop3A_358 = arith.constant 1 : i32
      %parallel_loop3A_359 = arith.addi %parallel_loop3A_219, %parallel_loop3A_358 : i32
      %parallel_loop3A_360 = arith.index_cast %parallel_loop3A_359 : i32 to index
      %parallel_loop3A_361 = arith.constant 64 : index
      %parallel_loop3A_362 = tpu.vector_load %arg9[%parallel_loop3A_360, %parallel_loop3A_361] {strides = array<i32>} : memref<288x128xf32, #tpu.memory_space<vmem>>, vector<16xf32>,
      tpu.vector_store %arg9[%parallel_loop3A_360, %parallel_loop3A_361], %parallel_loop3A_357 {strides = array<i32>} : memref<288x128xf32, #tpu.memory_space<vmem>>, vector<16xf32>,
      %parallel_loop3A_363 = tpu.vector_load_idx %arg6[%parallel_loop3A_355] : memref<8400xf32, #tpu.memory_space<vmem>>[vector<16xi32>], vector<16xf32>,
      %parallel_loop3A_364 = arith.constant 1 : i32
      %parallel_loop3A_365 = arith.addi %parallel_loop3A_219, %parallel_loop3A_364 : i32
      %parallel_loop3A_366 = arith.index_cast %parallel_loop3A_365 : i32 to index
      %parallel_loop3A_367 = arith.constant 80 : index
      %parallel_loop3A_368 = tpu.vector_load %arg9[%parallel_loop3A_366, %parallel_loop3A_367] {strides = array<i32>} : memref<288x128xf32, #tpu.memory_space<vmem>>, vector<16xf32>,
      tpu.vector_store %arg9[%parallel_loop3A_366, %parallel_loop3A_367], %parallel_loop3A_363 {strides = array<i32>} : memref<288x128xf32, #tpu.memory_space<vmem>>, vector<16xf32>,
      %parallel_loop3A_369 = tpu.vector_load_idx %arg6[%parallel_loop3A_356] : memref<8400xf32, #tpu.memory_space<vmem>>[vector<16xi32>], vector<16xf32>,
      %parallel_loop3A_370 = arith.constant 1 : i32
      %parallel_loop3A_371 = arith.addi %parallel_loop3A_219, %parallel_loop3A_370 : i32
      %parallel_loop3A_372 = arith.index_cast %parallel_loop3A_371 : i32 to index
      %parallel_loop3A_373 = arith.constant 96 : index
      %parallel_loop3A_374 = tpu.vector_load %arg9[%parallel_loop3A_372, %parallel_loop3A_373] {strides = array<i32>} : memref<288x128xf32, #tpu.memory_space<vmem>>, vector<16xf32>,
      tpu.vector_store %arg9[%parallel_loop3A_372, %parallel_loop3A_373], %parallel_loop3A_369 {strides = array<i32>} : memref<288x128xf32, #tpu.memory_space<vmem>>, vector<16xf32>,
      %parallel_loop3A_375 = vector.extract_strided_slice %parallel_loop3A_217 {offsets = [10], sizes = [1], strides = [1]} : vector<16xi32> to vector<1xi32>
      %parallel_loop3A_376 = vector.extract %parallel_loop3A_375[0] : i32 from vector<1xi32>
      %parallel_loop3A_377 = vector.broadcast %parallel_loop3A_376 : i32 to vector<16xi32>
      %parallel_loop3A_378 = vector.extract_strided_slice %parallel_loop3A_217 {offsets = [11], sizes = [1], strides = [1]} : vector<16xi32> to vector<1xi32>
      %parallel_loop3A_379 = vector.extract %parallel_loop3A_378[0] : i32 from vector<1xi32>
      %parallel_loop3A_380 = vector.broadcast %parallel_loop3A_379 : i32 to vector<16xi32>
      %parallel_loop3A_381 = arith.constant 0 : i32
      %parallel_loop3A_382 = vector.broadcast %parallel_loop3A_381 : i32 to vector<16xi32>
      %parallel_loop3A_383 = arith.cmpi eq, %select_n3A, %parallel_loop3A_382 : vector<16xi32>
      %parallel_loop3A_384 = arith.select %parallel_loop3A_383, %parallel_loop3A_377, %parallel_loop3A_380 : vector<16xi1>, vector<16xi32>
      %parallel_loop3A_385 = arith.addi %parallel_loop3A_377, %iota3A : vector<16xi32>
      %parallel_loop3A_386 = arith.addi %parallel_loop3A_384, %select_n3A_36 : vector<16xi32>
      %parallel_loop3A_387 = arith.addi %parallel_loop3A_380, %add3A_39 : vector<16xi32>
      %parallel_loop3A_388 = tpu.vector_load_idx %arg6[%parallel_loop3A_385] : memref<8400xf32, #tpu.memory_space<vmem>>[vector<16xi32>], vector<16xf32>,
      %parallel_loop3A_389 = arith.constant 1 : i32
      %parallel_loop3A_390 = arith.addi %parallel_loop3A_219, %parallel_loop3A_389 : i32
      %parallel_loop3A_391 = arith.index_cast %parallel_loop3A_390 : i32 to index
      %parallel_loop3A_392 = arith.constant 112 : index
      %parallel_loop3A_393 = tpu.vector_load %arg9[%parallel_loop3A_391, %parallel_loop3A_392] {strides = array<i32>} : memref<288x128xf32, #tpu.memory_space<vmem>>, vector<16xf32>,
      tpu.vector_store %arg9[%parallel_loop3A_391, %parallel_loop3A_392], %parallel_loop3A_388 {strides = array<i32>} : memref<288x128xf32, #tpu.memory_space<vmem>>, vector<16xf32>,
      %parallel_loop3A_394 = tpu.vector_load_idx %arg6[%parallel_loop3A_386] : memref<8400xf32, #tpu.memory_space<vmem>>[vector<16xi32>], vector<16xf32>,
      %parallel_loop3A_395 = arith.constant 2 : i32
      %parallel_loop3A_396 = arith.addi %parallel_loop3A_219, %parallel_loop3A_395 : i32
      %parallel_loop3A_397 = arith.index_cast %parallel_loop3A_396 : i32 to index
      %parallel_loop3A_398 = arith.constant 0 : index
      %parallel_loop3A_399 = tpu.vector_load %arg9[%parallel_loop3A_397, %parallel_loop3A_398] {strides = array<i32>} : memref<288x128xf32, #tpu.memory_space<vmem>>, vector<16xf32>,
      tpu.vector_store %arg9[%parallel_loop3A_397, %parallel_loop3A_398], %parallel_loop3A_394 {strides = array<i32>} : memref<288x128xf32, #tpu.memory_space<vmem>>, vector<16xf32>,
      %parallel_loop3A_400 = tpu.vector_load_idx %arg6[%parallel_loop3A_387] : memref<8400xf32, #tpu.memory_space<vmem>>[vector<16xi32>], vector<16xf32>,
      %parallel_loop3A_401 = arith.constant 2 : i32
      %parallel_loop3A_402 = arith.addi %parallel_loop3A_219, %parallel_loop3A_401 : i32
      %parallel_loop3A_403 = arith.index_cast %parallel_loop3A_402 : i32 to index
      %parallel_loop3A_404 = arith.constant 16 : index
      %parallel_loop3A_405 = tpu.vector_load %arg9[%parallel_loop3A_403, %parallel_loop3A_404] {strides = array<i32>} : memref<288x128xf32, #tpu.memory_space<vmem>>, vector<16xf32>,
      tpu.vector_store %arg9[%parallel_loop3A_403, %parallel_loop3A_404], %parallel_loop3A_400 {strides = array<i32>} : memref<288x128xf32, #tpu.memory_space<vmem>>, vector<16xf32>,
      %parallel_loop3A_406 = vector.extract_strided_slice %parallel_loop3A_217 {offsets = [12], sizes = [1], strides = [1]} : vector<16xi32> to vector<1xi32>
      %parallel_loop3A_407 = vector.extract %parallel_loop3A_406[0] : i32 from vector<1xi32>
      %parallel_loop3A_408 = vector.broadcast %parallel_loop3A_407 : i32 to vector<16xi32>
      %parallel_loop3A_409 = vector.extract_strided_slice %parallel_loop3A_217 {offsets = [13], sizes = [1], strides = [1]} : vector<16xi32> to vector<1xi32>
      %parallel_loop3A_410 = vector.extract %parallel_loop3A_409[0] : i32 from vector<1xi32>
      %parallel_loop3A_411 = vector.broadcast %parallel_loop3A_410 : i32 to vector<16xi32>
      %parallel_loop3A_412 = arith.constant 0 : i32
      %parallel_loop3A_413 = vector.broadcast %parallel_loop3A_412 : i32 to vector<16xi32>
      %parallel_loop3A_414 = arith.cmpi eq, %select_n3A, %parallel_loop3A_413 : vector<16xi32>
      %parallel_loop3A_415 = arith.select %parallel_loop3A_414, %parallel_loop3A_408, %parallel_loop3A_411 : vector<16xi1>, vector<16xi32>
      %parallel_loop3A_416 = arith.addi %parallel_loop3A_408, %iota3A : vector<16xi32>
      %parallel_loop3A_417 = arith.addi %parallel_loop3A_415, %select_n3A_36 : vector<16xi32>
      %parallel_loop3A_418 = arith.addi %parallel_loop3A_411, %add3A_39 : vector<16xi32>
      %parallel_loop3A_419 = tpu.vector_load_idx %arg6[%parallel_loop3A_416] : memref<8400xf32, #tpu.memory_space<vmem>>[vector<16xi32>], vector<16xf32>,
      %parallel_loop3A_420 = arith.constant 2 : i32
      %parallel_loop3A_421 = arith.addi %parallel_loop3A_219, %parallel_loop3A_420 : i32
      %parallel_loop3A_422 = arith.index_cast %parallel_loop3A_421 : i32 to index
      %parallel_loop3A_423 = arith.constant 32 : index
      %parallel_loop3A_424 = tpu.vector_load %arg9[%parallel_loop3A_422, %parallel_loop3A_423] {strides = array<i32>} : memref<288x128xf32, #tpu.memory_space<vmem>>, vector<16xf32>,
      tpu.vector_store %arg9[%parallel_loop3A_422, %parallel_loop3A_423], %parallel_loop3A_419 {strides = array<i32>} : memref<288x128xf32, #tpu.memory_space<vmem>>, vector<16xf32>,
      %parallel_loop3A_425 = tpu.vector_load_idx %arg6[%parallel_loop3A_417] : memref<8400xf32, #tpu.memory_space<vmem>>[vector<16xi32>], vector<16xf32>,
      %parallel_loop3A_426 = arith.constant 2 : i32
      %parallel_loop3A_427 = arith.addi %parallel_loop3A_219, %parallel_loop3A_426 : i32
      %parallel_loop3A_428 = arith.index_cast %parallel_loop3A_427 : i32 to index
      %parallel_loop3A_429 = arith.constant 48 : index
      %parallel_loop3A_430 = tpu.vector_load %arg9[%parallel_loop3A_428, %parallel_loop3A_429] {strides = array<i32>} : memref<288x128xf32, #tpu.memory_space<vmem>>, vector<16xf32>,
      tpu.vector_store %arg9[%parallel_loop3A_428, %parallel_loop3A_429], %parallel_loop3A_425 {strides = array<i32>} : memref<288x128xf32, #tpu.memory_space<vmem>>, vector<16xf32>,
      %parallel_loop3A_431 = tpu.vector_load_idx %arg6[%parallel_loop3A_418] : memref<8400xf32, #tpu.memory_space<vmem>>[vector<16xi32>], vector<16xf32>,
      %parallel_loop3A_432 = arith.constant 2 : i32
      %parallel_loop3A_433 = arith.addi %parallel_loop3A_219, %parallel_loop3A_432 : i32
      %parallel_loop3A_434 = arith.index_cast %parallel_loop3A_433 : i32 to index
      %parallel_loop3A_435 = arith.constant 64 : index
      %parallel_loop3A_436 = tpu.vector_load %arg9[%parallel_loop3A_434, %parallel_loop3A_435] {strides = array<i32>} : memref<288x128xf32, #tpu.memory_space<vmem>>, vector<16xf32>,
      tpu.vector_store %arg9[%parallel_loop3A_434, %parallel_loop3A_435], %parallel_loop3A_431 {strides = array<i32>} : memref<288x128xf32, #tpu.memory_space<vmem>>, vector<16xf32>,
      %parallel_loop3A_437 = vector.extract_strided_slice %parallel_loop3A_217 {offsets = [14], sizes = [1], strides = [1]} : vector<16xi32> to vector<1xi32>
      %parallel_loop3A_438 = vector.extract %parallel_loop3A_437[0] : i32 from vector<1xi32>
      %parallel_loop3A_439 = vector.broadcast %parallel_loop3A_438 : i32 to vector<16xi32>
      %parallel_loop3A_440 = vector.extract_strided_slice %parallel_loop3A_217 {offsets = [15], sizes = [1], strides = [1]} : vector<16xi32> to vector<1xi32>
      %parallel_loop3A_441 = vector.extract %parallel_loop3A_440[0] : i32 from vector<1xi32>
      %parallel_loop3A_442 = vector.broadcast %parallel_loop3A_441 : i32 to vector<16xi32>
      %parallel_loop3A_443 = arith.constant 0 : i32
      %parallel_loop3A_444 = vector.broadcast %parallel_loop3A_443 : i32 to vector<16xi32>
      %parallel_loop3A_445 = arith.cmpi eq, %select_n3A, %parallel_loop3A_444 : vector<16xi32>
      %parallel_loop3A_446 = arith.select %parallel_loop3A_445, %parallel_loop3A_439, %parallel_loop3A_442 : vector<16xi1>, vector<16xi32>
      %parallel_loop3A_447 = arith.addi %parallel_loop3A_439, %iota3A : vector<16xi32>
      %parallel_loop3A_448 = arith.addi %parallel_loop3A_446, %select_n3A_36 : vector<16xi32>
      %parallel_loop3A_449 = arith.addi %parallel_loop3A_442, %add3A_39 : vector<16xi32>
      %parallel_loop3A_450 = tpu.vector_load_idx %arg6[%parallel_loop3A_447] : memref<8400xf32, #tpu.memory_space<vmem>>[vector<16xi32>], vector<16xf32>,
      %parallel_loop3A_451 = arith.constant 2 : i32
      %parallel_loop3A_452 = arith.addi %parallel_loop3A_219, %parallel_loop3A_451 : i32
      %parallel_loop3A_453 = arith.index_cast %parallel_loop3A_452 : i32 to index
      %parallel_loop3A_454 = arith.constant 80 : index
      %parallel_loop3A_455 = tpu.vector_load %arg9[%parallel_loop3A_453, %parallel_loop3A_454] {strides = array<i32>} : memref<288x128xf32, #tpu.memory_space<vmem>>, vector<16xf32>,
      tpu.vector_store %arg9[%parallel_loop3A_453, %parallel_loop3A_454], %parallel_loop3A_450 {strides = array<i32>} : memref<288x128xf32, #tpu.memory_space<vmem>>, vector<16xf32>,
      %parallel_loop3A_456 = tpu.vector_load_idx %arg6[%parallel_loop3A_448] : memref<8400xf32, #tpu.memory_space<vmem>>[vector<16xi32>], vector<16xf32>,
      %parallel_loop3A_457 = arith.constant 2 : i32
      %parallel_loop3A_458 = arith.addi %parallel_loop3A_219, %parallel_loop3A_457 : i32
      %parallel_loop3A_459 = arith.index_cast %parallel_loop3A_458 : i32 to index
      %parallel_loop3A_460 = arith.constant 96 : index
      %parallel_loop3A_461 = tpu.vector_load %arg9[%parallel_loop3A_459, %parallel_loop3A_460] {strides = array<i32>} : memref<288x128xf32, #tpu.memory_space<vmem>>, vector<16xf32>,
      tpu.vector_store %arg9[%parallel_loop3A_459, %parallel_loop3A_460], %parallel_loop3A_456 {strides = array<i32>} : memref<288x128xf32, #tpu.memory_space<vmem>>, vector<16xf32>,
      %parallel_loop3A_462 = tpu.vector_load_idx %arg6[%parallel_loop3A_449] : memref<8400xf32, #tpu.memory_space<vmem>>[vector<16xi32>], vector<16xf32>,
      %parallel_loop3A_463 = arith.constant 2 : i32
      %parallel_loop3A_464 = arith.addi %parallel_loop3A_219, %parallel_loop3A_463 : i32
      %parallel_loop3A_465 = arith.index_cast %parallel_loop3A_464 : i32 to index
      %parallel_loop3A_466 = arith.constant 112 : index
      %parallel_loop3A_467 = tpu.vector_load %arg9[%parallel_loop3A_465, %parallel_loop3A_466] {strides = array<i32>} : memref<288x128xf32, #tpu.memory_space<vmem>>, vector<16xf32>,
      tpu.vector_store %arg9[%parallel_loop3A_465, %parallel_loop3A_466], %parallel_loop3A_462 {strides = array<i32>} : memref<288x128xf32, #tpu.memory_space<vmem>>, vector<16xf32>,
    } {sc.loop_unroll_factor = 2 : i64, sc.parallel_access}
    %add3A_157 = arith.constant 4608 : i32
    %add3A_158 = arith.addi %multiple_of3A, %add3A_157 : i32
    %mul3A_159 = arith.constant 24 : i32
    %mul3A_160 = arith.muli %add3A_158, %mul3A_159 : i32
    %jit3A_161 = arith.constant 128 : i32
    %div3A_162 = arith.divsi %mul3A_160, %jit3A_161 : i32
    %sign3A_163 = arith.constant 0 : i32
    %sign3A_164 = arith.cmpi sgt, %mul3A_160, %sign3A_163 : i32
    %sign3A_165 = arith.extui %sign3A_164 : i1 to i32
    %sign3A_166 = arith.constant 0 : i32
    %sign3A_167 = arith.cmpi slt, %mul3A_160, %sign3A_166 : i32
    %sign3A_168 = arith.extui %sign3A_167 : i1 to i32
    %sign3A_169 = arith.subi %sign3A_165, %sign3A_168 : i32
    %sign3A_170 = arith.constant 0 : i32
    %sign3A_171 = arith.cmpi sgt, %jit3A_161, %sign3A_170 : i32
    %sign3A_172 = arith.extui %sign3A_171 : i1 to i32
    %sign3A_173 = arith.constant 0 : i32
    %sign3A_174 = arith.cmpi slt, %jit3A_161, %sign3A_173 : i32
    %sign3A_175 = arith.extui %sign3A_174 : i1 to i32
    %sign3A_176 = arith.subi %sign3A_172, %sign3A_175 : i32
    %ne3A_177 = arith.cmpi ne, %sign3A_169, %sign3A_176 : i32
    %rem3A_178 = arith.remsi %mul3A_160, %jit3A_161 : i32
    %ne3A_179 = arith.constant 0 : i32
    %ne3A_180 = arith.cmpi ne, %rem3A_178, %ne3A_179 : i32
    %and3A_181 = arith.andi %ne3A_177, %ne3A_180 : i1
    %sub3A_182 = arith.constant 1 : i32
    %sub3A_183 = arith.subi %div3A_162, %sub3A_182 : i32
    %select_n3A_184 = arith.select %and3A_181, %sub3A_183, %div3A_162 : i32
    %multiple_of3A_185 = tpu.assume_multiple %select_n3A_184, 288 : i32
    %dma_start3A_186 = arith.constant 0 : i32
    %dma_start3A_187 = tpu.memref_slice %arg4[%multiple_of3A_185, %dma_start3A_186] : memref<36864x128xf32, #tpu.memory_space<hbm>> -> memref<288x128xf32, #tpu.memory_space<hbm>>
    %dma_start3A_188 = arith.constant 0 : i32
    %dma_start3A_189 = tpu.memref_slice %arg4[%multiple_of3A_185, %dma_start3A_188] : memref<36864x128xf32, #tpu.memory_space<hbm>> -> memref<288x128xf32, #tpu.memory_space<hbm>>
    tpu.enqueue_dma source(%arg9 : memref<288x128xf32, #tpu.memory_space<vmem>>) target(%dma_start3A_189 : memref<288x128xf32, #tpu.memory_space<hbm>>) target_semaphore(%arg11 : memref<!tpu.dma_semaphore, #tpu.memory_space<semaphore_mem>>)
    %dma_wait3A_190 = arith.constant 0 : i32
    %dma_wait3A_191 = tpu.memref_slice %arg4[%multiple_of3A_145, %dma_wait3A_190] : memref<36864x128xf32, #tpu.memory_space<hbm>> -> memref<288x128xf32, #tpu.memory_space<hbm>>
    %dma_wait3A_192 = arith.constant 0 : i32
    %dma_wait3A_193 = tpu.memref_slice %arg4[%multiple_of3A_145, %dma_wait3A_192] : memref<36864x128xf32, #tpu.memory_space<hbm>> -> memref<288x128xf32, #tpu.memory_space<hbm>>
    tpu.wait_dma2 semaphore(%arg10 : memref<!tpu.dma_semaphore, #tpu.memory_space<semaphore_mem>>) src(%arg8 : memref<288x128xf32, #tpu.memory_space<vmem>>) dst(%dma_wait3A_193 : memref<288x128xf32, #tpu.memory_space<hbm>>)
    %dma_wait3A_194 = arith.constant 0 : i32
    %dma_wait3A_195 = tpu.memref_slice %arg4[%multiple_of3A_185, %dma_wait3A_194] : memref<36864x128xf32, #tpu.memory_space<hbm>> -> memref<288x128xf32, #tpu.memory_space<hbm>>
    %dma_wait3A_196 = arith.constant 0 : i32
    %dma_wait3A_197 = tpu.memref_slice %arg4[%multiple_of3A_185, %dma_wait3A_196] : memref<36864x128xf32, #tpu.memory_space<hbm>> -> memref<288x128xf32, #tpu.memory_space<hbm>>
    tpu.wait_dma2 semaphore(%arg11 : memref<!tpu.dma_semaphore, #tpu.memory_space<semaphore_mem>>) src(%arg9 : memref<288x128xf32, #tpu.memory_space<vmem>>) dst(%dma_wait3A_197 : memref<288x128xf32, #tpu.memory_space<hbm>>)
    return
  }
}

</mosaic_0001>

<sc_bundles>
// kernel: kernel.3.cloned.1.call-start
scs
__scs_entry_jumppad:
0x0: {  	(pc) =	sbr.rel $0x88, $3  }
0x1: {  	(tag) =	ssettag $0x0;
	lr =	simm.s32 $0x1  }
0x2: {  	[smem:$0x3F9E] =	sst lr;
	_ =	strace $0xD0000000  }
0x3: {  	_ = 	snop  }
0x4: {  	_ = 	snop  }
0x5: {  	_ = 	snop  }
0x6: {  	_ = 	snop  }
0x7: {  	_ = 	snop  }
__scs_overlays_trampoline_lowered:
0x8: {  	[smem:$0x3FAD] =	sst s0  }
0x9: {  	[smem:$0x3FAE] =	sst s1  }
0xa: {  	[smem:$0x3FAF] =	sst s2  }
0xb: {  	[smem:$0x3FB0] =	sst s3  }
0xc: {  	[smem:$0x3FB1] =	sst s4  }
0xd: {  	[smem:$0x3FB2] =	sst s5  }
0xe: {  	[smem:$0x3FB3] =	sst s6  }
0xf: {  	[smem:$0x3FB4] =	sst s7  }
0x10: {  	[smem:$0x3FB5] =	sst s8  }
0x11: {  	[smem:$0x3FB6] =	sst s9;
	s0 =	simm.s32 @!p0 $0x0  }
0x12: {  	s1 =	sld [smem:$0x3F9C];
	s0 =	simm.s32 @p0 $0x1  }
0x13: {  	[smem:$0x3FB7] =	sst s0;
	s0 =	simm.s32 @!p1 $0x0  }
0x14: {  	s2 =	sld [smem:$0x3F9B];
	s0 =	simm.s32 @p1 $0x1  }
0x15: {  	[smem:$0x3FB8] =	sst s0;
	s0 =	simm.s32 @!p2 $0x0  }
0x16: {  	s3 =	sld [smem:$0x3FDB];
	s0 =	simm.s32 @p2 $0x1  }
0x17: {  	s4 =	simm.s32 $0x1BF5;
	[smem:$0x3FBA] =	sst s0  }
0x18: {  	s0 =	sld [smem:$0x3F9D];
	_ =	swait.ge [sflag:s4], $0x0  }
0x19: {  	s7 =	sld [smem:$0x3F9E]  }
0x1a: {  	s8 =	sadd.s32 $0xFFFFE003, lr  }
0x1b: {  	s9 =	sadd.s32 $0xFFFFFEF7, lr;
	s5 =	simm.s32 $0xFFFFFFFF;
	p2 =	slt.u32 s8, $0xFFFFF086  }
0x1c: {  	p1 =	slt.u32 s9, $0xF7A;
	s5 =	simm.s32 @!p2 $0x0  }
0x1d: {  	s5 =	simm.s32 @p1 $0x1;
	p0 =	seq.s32 s7, s2  }
0x1e: {  	s7 =	smul.u32 @!p0 $0xF7A, s2;
	p2 =	seq.s32 @!p0 s5, $0x0  }
0x1f: {  	s9 =	smul.u32 $0xF7A, s1;
	s8 =	simm.s32 @!p0 $0x1BF5;
	p2 =	por !p2, p0  }
0x20: {  	[sflag:s8] =	ssyncset.s32 @!p0 $0xFFFFF086;
	s6 =	sadd.s32 @!p0 s3, s7;
	s7 =	simm.s32 @!p0 $0x108  }
0x21: {  	s3 =	sadd.s32 s3, s9;
	s6 =	sadd.s32 @!p0 $0x88, s6;
	s7 =	simm.s32 @p2 $0x1082  }
0x22: {  	[simem:s7], [sflag:s8] =	dma.local @!p0 [hbm:s6], $0xF7A  }
0x23: {  	s9 =	sor.u32 $0xD0000000, s2;
	s6 =	simm.s32 $0x108;
	_ =	swait.ge @!p0 [sflag:s8], $0x0  }
0x24: {  	s3 =	sadd.s32 $0x88, s3;
	s6 =	simm.s32 @!p1 $0x1082;
	[sflag:s4] =	ssyncset.s32 $0xFFFFF086  }
0x25: {  	[simem:s6], [sflag:s4] =	dma.local [hbm:s3], $0xF7A  }
0x26: {  	[smem:$0x3F9E] =	sst s1;
	(tag) =	ssettag s2;
	_ =	strace s9  }
0x27: {  	s1 =	sld [smem:$0x3FAE]  }
0x28: {  	s2 =	sld [smem:$0x3FAF]  }
0x29: {  	s4 =	sld [smem:$0x3FB1]  }
0x2a: {  	p0 =	seq.s32 s5, $0x0;
	s5 =	sld [smem:$0x3FB2]  }
0x2b: {  	s6 =	sld [smem:$0x3FB3]  }
0x2c: {  	s7 =	sld [smem:$0x3FB4]  }
0x2d: {  	s3 =	simm.s32 $0x108;
	s8 =	sld [smem:$0x3FB5]  }
0x2e: {  	s3 =	simm.s32 @!p0 $0x1082;
	s9 =	sld [smem:$0x3FB6]  }
0x2f: {  	lr =	sadd.s32 s0, s3;
	s0 =	sld [smem:$0x3FAD]  }
0x30: {  	s3 =	sld [smem:$0x3FB0]  }
0x31: {  	[smem:$0x3FB9] =	sst s10  }
0x32: {  	s10 =	sld [smem:$0x3FB7];
	_ =	sdelay $0x3  }
0x33: {  	p0 =	seq.s32 s10, $0x1;
	s10 =	sld [smem:$0x3FB9];
	_ =	sdelay $0x3  }
0x34: {  	[smem:$0x3FB9] =	sst s10  }
0x35: {  	s10 =	sld [smem:$0x3FB8];
	_ =	sdelay $0x3  }
0x36: {  	p1 =	seq.s32 s10, $0x1;
	s10 =	sld [smem:$0x3FB9];
	_ =	sdelay $0x3  }
0x37: {  	[smem:$0x3FB9] =	sst s10  }
0x38: {  	s10 =	sld [smem:$0x3FBA]  }
0x39: {  	_ = 	snop;
	(pc) =	sbr.ind lr, $3  }
0x3a: {  	_ = 	snop  }
0x3b: {  	_ = 	snop  }
0x3c: {  	p2 =	seq.s32 s10, $0x1;
	s10 =	sld [smem:$0x3FB9]  }
0x3d: {  	_ =	shalt  }
0x3e: {  	_ =	shalt  }
0x3f: {  	_ =	shalt  }
0x40: {  	_ =	shalt  }
0x41: {  	_ =	shalt  }
0x42: {  	_ =	shalt  }
0x43: {  	_ =	shalt  }
0x44: {  	_ =	shalt  }
0x45: {  	_ =	shalt  }
0x46: {  	_ =	shalt  }
0x47: {  	_ =	shalt  }
0x48: {  	_ =	shalt  }
0x49: {  	_ =	shalt  }
0x4a: {  	_ =	shalt  }
0x4b: {  	_ =	shalt  }
0x4c: {  	_ =	shalt  }
0x4d: {  	_ =	shalt  }
0x4e: {  	_ =	shalt  }
0x4f: {  	_ =	shalt  }
0x50: {  	_ =	shalt  }
0x51: {  	_ =	shalt  }
0x52: {  	_ =	shalt  }
0x53: {  	_ =	shalt  }
0x54: {  	_ =	shalt  }
0x55: {  	_ =	shalt  }
0x56: {  	_ =	shalt  }
0x57: {  	_ =	shalt  }
0x58: {  	_ =	shalt  }
0x59: {  	_ =	shalt  }
0x5a: {  	_ =	shalt  }
0x5b: {  	_ =	shalt  }
0x5c: {  	_ =	shalt  }
0x5d: {  	_ =	shalt  }
0x5e: {  	_ =	shalt  }
0x5f: {  	_ =	shalt  }
0x60: {  	_ =	shalt  }
0x61: {  	_ =	shalt  }
0x62: {  	_ =	shalt  }
0x63: {  	_ =	shalt  }
0x64: {  	_ =	shalt  }
0x65: {  	_ =	shalt  }
0x66: {  	_ =	shalt  }
0x67: {  	_ =	shalt  }
0x68: {  	_ =	shalt  }
0x69: {  	_ =	shalt  }
0x6a: {  	_ =	shalt  }
0x6b: {  	_ =	shalt  }
0x6c: {  	_ =	shalt  }
0x6d: {  	_ =	shalt  }
0x6e: {  	_ =	shalt  }
0x6f: {  	_ =	shalt  }
0x70: {  	_ =	shalt  }
0x71: {  	_ =	shalt  }
0x72: {  	_ =	shalt  }
0x73: {  	_ =	shalt  }
0x74: {  	_ =	shalt  }
0x75: {  	_ =	shalt  }
0x76: {  	_ =	shalt  }
0x77: {  	_ =	shalt  }
0x78: {  	_ =	shalt  }
0x79: {  	_ =	shalt  }
0x7a: {  	_ =	shalt  }
0x7b: {  	_ =	shalt  }
0x7c: {  	_ =	shalt  }
0x7d: {  	_ =	shalt  }
0x7e: {  	_ =	shalt  }
0x7f: {  	_ =	shalt  }
0x80: {  	_ =	shalt  }
0x81: {  	_ =	shalt  }
0x82: {  	_ =	shalt  }
0x83: {  	_ =	shalt  }
0x84: {  	_ =	shalt  }
0x85: {  	_ =	shalt  }
0x86: {  	_ =	shalt  }
0x87: {  	_ =	shalt  }
.Lfunc_end0:
.L_simem_size_0:
called_computation_lowered:
.L_overlay_start_0:
0x88: {  	s2 =	sld [smem:$0x3FD9]  }
0x89: {  	s3 =	sld [smem:$0x3FFE];
	_ =	sdelay $0x1  }
0x8a: {  	s1 =	srdreg.scid  }
0x8b: {  	s0 =	sand.u32 $0x1, s1  }
0x8c: {  	s17 =	sshll.u32 s0, $0xA;
	s2 =	sadd.s32 s3, s2  }
0x8d: {  	s2 =	sadd.s32 s2, s17  }
0x8e: {  	[smem:$0x3FC5] =	sst s2  }
0x8f: {  	_ = 	snop  }
0x90: {  	s2 =	sld [smem:$0x3FD0];
	(tm) =	ssettm $0x1  }
0x91: {  	s18 =	sld [smem:$0x3FFB];
	_ =	sdelay $0x3  }
0x92: {  	_ =	strace s18  }
0x93: {  	s3 =	sld [smem:$0x3FFC];
	_ =	sdelay $0x3  }
0x94: {  	_ =	strace s3  }
0x95: {  	s3 =	sld [smem:$0x3FFD];
	_ =	sdelay $0x3  }
0x96: {  	_ =	strace s3  }
0x97: {  	_ =	strace $0x8FFFFFFF  }
0x98: {  	s19 =	sld [smem:$0x3FDB];
	_ =	sdelay $0x1  }
0x99: {  	s4 =	simm.s32 $_scs_section_size  }
0x9a: {  	s5 =	simm.s32 $_size__tile_overlayer_lowered;
	s6 =	simm.s32 $_tile_overlayer_lowered  }
0x9b: {  	s22 =	simm.s32 $0x1BFF;
	s21 =	sshll.u32 s6, $0x1;
	s3 =	sadd.s32 s4, s19  }
0x9c: {  	s7 =	simm.s32 $0x0;
	s20 =	sshll.u32 s5, $0x1;
	s5 =	sadd.s32 s21, s3  }
0x9d: {  	[timem:s7], [sflag:s22] =	dma.local [hbm:s5], s20  }
0x9e: {  	_ =	swait.ge [sflag:s22], s20  }
0x9f: {  	s4 =	ssub.s32 $0x0, s20;
	[sflag:s22] =	ssyncset.done $0x0  }
0xa0: {  	[sflag:s22] =	ssyncadd.s32 s4;
	_ =	sdelay $0x1  }
0xa1: {  	s23 =	simm.s32 $0x1B8B  }
0xa2: {  	_ =	swait.ge [sflag:s23], $0x1  }
0xa3: {  	[sflag:s23] =	ssyncset.done $0x0  }
0xa4: {  	s25 =	simm.s32 $0x1B8E;
	s24 =	sld [smem:$0x3FFE];
	[sflag:s23] =	ssyncadd.s32 $0xFFFFFFFF  }
0xa5: {  	s26 =	simm.s32 $execute0_lowered;
	[smem:$0x3FD2] =	sst s25  }
0xa6: {  	s5 =	sshll.u32 s26, $0x1;
	_ =	strace $0x80000046;
	[dreg:$0x1] =	wrdreg $0xFFFFFFFF  }
0xa7: {  	s28 =	simm.s32 $_size_execute0_lowered;
	s3 =	sadd.s32 s3, s5;
	[dreg:$0x0] =	wrdreg $0x0  }
0xa8: {  	s5 =	sshll.u32 s28, $0x1;
	[dreg:$0x2] =	wrdreg s3  }
0xa9: {  	[dreg:$0x3] =	wrdreg s5  }
0xaa: {  	[dreg:$0x4] =	wrdreg $0xC0  }
0xab: {  	_ =	task [dreg:s7], $0x5FFFF  }
0xac: {  	[dreg:$0x1] =	wrdreg $0xFFFFFFFF  }
0xad: {  	[dreg:$0x0] =	wrdreg $0x60  }
0xae: {  	[dreg:$0x2] =	wrdreg s24  }
0xaf: {  	[dreg:$0x3] =	wrdreg s2  }
0xb0: {  	[dreg:$0x4] =	wrdreg $0x9  }
0xb1: {  	_ =	task.clear_ibuf [dreg:s7], $0x5FFFF;
	_ =	strace $0x90000046  }
0xb2: {  	s29 =	simm.s32 $0x9;
	_ =	strace $0x80000048  }
0xb3: {  	_ =	swait.ge [sflag:s29], $0x1  }
0xb4: {  	[sflag:s29] =	ssyncadd.s32 $0xFFFFFFFF  }
0xb5: {  	_ =	strace $0x90000048  }
0xb6: {  	_ =	sfence  }
0xb7: {  	s30 =	sld [smem:$0x0];
	_ =	sdelay $0x2  }
0xb8: {  	s31 =	sshll.u32 s1, $0xD;
	s1 =	sshrl.u32 s1, $0x2  }
0xb9: {  	s3 =	sand.u32 $0x4000, s31;
	s1 =	sadd.s32 s1, s30  }
0xba: {  	s0 =	sor.u32 s3, s0;
	s1 =	sshll.u32 s1, $0x11  }
0xbb: {  	s0 =	sor.u32 s1, s0  }
0xbc: {  	s0 =	sadd.s32 $0x8F2B, s0  }
0xbd: {  	[sflag:s0] =	ssyncadd.remote.s32 $0x1  }
0xbe: {  	_ =	sfence.sel $0xFFFF  }
0xbf: {  	[dreg:$0x0] =	wrdreg $0xFFFFFFFF;
	(pc) =	sbr.abs _section_cstart, $3  }
0xc0: {  	[dreg:$0x1] =	wrdreg $0xFFFFFFFF  }
0xc1: {  	_ =	task.clear_ibuf [dreg:s7], $0x2FFFF;
	_ =	strace $0x9FFFFFFF  }
0xc2: {  	(tm) =	ssettm $0x7FFFFFFF  }
0xc3: {  	_ =	shalt  }
tec
execute0_lowered:
.L_overlay_start_1:
0x0: {  	(tag) =	ssettag $0x1  }
0x1: {  	v5 =	vlaneseq.u32;
	vm0 =	vcmask $0x300;
	v0 =	vimm.s32 $0x29F  }
0x2: {  	vm6 =	vcmask $0x704;
	vm1 =	vcmask $0xB08;
	v1 =	vimm.s32 $0xECA86420  }
0x3: {  	vm7 =	vcmask $0xF0C;
	vm2 =	vcmask $0x1310;
	vm3 =	vcmask $0x1B18  }
0x4: {  	vm11 =	vcmask $0x1714;
	vm4 =	vcmask $0x2320;
	v61 =	vimm.s32 $0x3BF  }
0x5: {  	vm10 =	vcmask $0x1F1C;
	vm5 =	vcmask $0x2B28;
	v1 =	vunpack.c.l.s4.s8 v1  }
0x6: {  	vm9 =	vcmask $0x2724;
	vm8 =	vcmask $0x2F2C;
	v0 =	vsel vm0, $0x291, v0  }
0x7: {  	v0 =	vsel vm6, $0x292, v0;
	v32 =	vunpack.c.0.s8.s32 v1;
	v1 =	vsel vm0, $0x3B1, v61  }
0x8: {  	v2 =	vimm.s32 $0x13121110;
	v0 =	vsel vm1, $0x293, v0;
	v1 =	vsel vm6, $0x3B2, v1  }
0x9: {  	s0 =	srdreg.scid;
	s2 =	rddreg [dreg:$0x0];
	v3 =	vimm.s32 $0x17161514;
	v0 =	vsel vm7, $0x294, v0;
	v1 =	vsel vm1, $0x3B3, v1  }
0xa: {  	s1 =	stileid.u32;
	s4 =	rddreg [dreg:$0x1];
	v4 =	vimm.s32 $0x76543210;
	v0 =	vsel vm2, $0x295, v0;
	v1 =	vsel vm7, $0x3B4, v1  }
0xb: {  	s16 =	simm.s32 $0x0;
	s0 =	sand.u32 $0x1, s0;
	s3 =	sshll.u32 s1, $0x1;
	v2 =	vunpack.c.0.s8.s32 v2;
	v0 =	vsel vm11, $0x296, v0;
	v1 =	vsel vm2, $0x3B5, v1  }
0xc: {  	[smem:$0x7FF] =	sst s16;
	v3 =	vunpack.c.0.s8.s32 v3;
	s3 =	sor.u32 s0, s3;
	s0 =	ssub.s32 $0x2, s0;
	v0 =	vsel vm3, $0x297, v0;
	v1 =	vsel vm11, $0x3B6, v1  }
0xd: {  	s25 =	sadd.s32 $0x6400, s2;
	v62 =	vunpack.c.l.s4.s8 v4;
	s5 =	smul.u32 $0x300, s3;
	s26 =	sshrl.u32 s0, $0x1;
	v0 =	vsel vm10, $0x298, v0;
	v1 =	vsel vm3, $0x3B7, v1  }
0xe: {  	v33 =	vmul.u32 $0x2, v5;
	_ =	strace $0x80000047;
	s3 =	smul.u32 $0x24000, s3;
	s0 =	ssub.s32 s0, s26;
	v0 =	vsel vm4, $0x299, v0;
	v1 =	vsel vm10, $0x3B8, v1  }
0xf: {  	[dreg:$0x5] =	wrdreg s25;
	vm6 =	vcmask $0x3330;
	s2 =	sadd.s32 s5, s2;
	s0 =	smax.u32 s0, $0x1;
	v0 =	vsel vm9, $0x29A, v0;
	v1 =	vsel vm4, $0x3B9, v1  }
0x10: {  	s3 =	sshrl.u32 s3, $0x3;
	s28 =	sadd.s32 $0x400, s2;
	[dreg:$0xb] =	wrdreg s0;
	vm10 =	vcmask $0x1F10;
	v0 =	vsel vm5, $0x29B, v0;
	v1 =	vsel vm9, $0x3BA, v1  }
0x11: {  	s29 =	sadd.s32 s4, s3;
	[dreg:$0x6] =	wrdreg s28;
	v2 =	vsel vm10, v3, v2;
	v0 =	vsel vm8, $0x29C, v0;
	v1 =	vsel vm5, $0x3BB, v1  }
0x12: {  	[tilespmem:$0x1FFF0] =	vst v33;
	s30 =	sadd.s32 $0x1200, s29;
	[dreg:$0x7] =	wrdreg s29;
	vm9 =	vcmask $0x3734;
	v0 =	vsel vm6, $0x29D, v0;
	v1 =	vsel vm8, $0x3BC, v1  }
0x13: {  	[tilespmem:$0x1FFE0] =	vst v32;
	s31 =	sadd.s32 $0x2400, s29;
	[dreg:$0x8] =	wrdreg s30;
	v3 =	vunpack.c.0.s8.s32 v62;
	v0 =	vsel vm9, $0x29E, v0;
	v63 =	vsel vm6, $0x3BD, v1  }
0x14: {  	v31 =	vimm.s32 $0x0;
	v7 =	vadd.s32 $0x8, v5;
	s1 =	sadd.s32 $0x3600, s29;
	[dreg:$0x9] =	wrdreg s31;
	[tilespmem:$0x1FFC0] =	vst v0;
	v0 =	vsel vm9, $0x3BE, v63  }
0x15: {  	s12 =	simm.s32 $0x400;
	vm7 =	vcmask $0x3B38;
	[dreg:$0xa] =	wrdreg s1;
	s1 =	simm.s32 $0x0;
	v6 =	vcombine.low v2, v3;
	vm8 =	vmmov $0xff;
	[tilespmem:$0x1FFD0] =	vst v0  }
.LBB2_1:
0x16: {  	v29 =	vlaneseq.u32  }
0x17: {  	s25 =	simm.s32 $0x30;
	v0 =	vor.u32 s16, v29  }
0x18: {  	s2 =	simm.s32 $0x10;
	v2 =	vor.u32 s25, v29;
	v1 =	vmulhi.u32 $0x51EB851F, v0  }
0x19: {  	s26 =	simm.s32 $0x20;
	v3 =	vor.u32 s2, v29;
	v4 =	vmulhi.u32 $0x51EB851F, v2  }
0x1a: {  	v8 =	vor.u32 s26, v29;
	v5 =	vmulhi.u32 $0x5D9F7391, v3  }
0x1b: {  	v11 =	vmov s16;
	v10 =	vmulhi.u32 $0x5D9F7391, v8  }
0x1c: {  	s5 =	simm.s32 $0x40;
	vm9 =	veq.s32 v11, v29;
	v13 =	vmulhi.u32 $0x51EB851F, v8  }
0x1d: {  	v23 =	vor.u32 s5, v29;
	v12 =	vsub.s32 $0x0, v0;
	v11 =	vmulhi.u32 $0x51EB851F, v3  }
0x1e: {  	v1 =	vshrl.u32 v1, $0x3;
	v4 =	vshrl.u32 v4, $0x3;
	v10 =	vshrl.u32 v10, $0x8  }
0x1f: {  	[dreg:$0xc] =	wrdreg s1;
	v11 =	vshrl.u32 v11, $0x3;
	v5 =	vshrl.u32 v5, $0x8;
	v9 =	vmul.u32 $0xFFFFFFE7, v1  }
0x20: {  	s0 =	rddreg [dreg:$0x5];
	s28 =	simm.s32 $0x3;
	v15 =	vmul.u32 $0xFFFFFFE4, v10;
	v10 =	vmul.u32 $0x18, v10;
	v16 =	vmul.u32 $0xFFFFFFE7, v11  }
0x21: {  	[tilespmem:s16], [sflag:$0x3] =	stream.linear.gather [hbm4b:s0+s16], $0x400, $0x38;
	v17 =	vmul.u32 $0xB6DB6DB7, v11;
	vm10 =	vne.s32 v9, v12;
	v12 =	vshrl.u32 v13, $0x3;
	[tilespmem:$0x15D00] =	vst v63  }
0x22: {  	_ =	swait.ge [sflag:s28], $0x400;
	v9 =	vmulhi.u32 $0x5D9F7391, v2;
	vm9 =	vmand vm9, vm10;
	v14 =	vmul.u32 $0xFFFFFFE7, v12  }
0x23: {  	s30 =	simm.s32 $0x2500;
	[sflag:s28] =	ssyncset.done $0x0;
	v12 =	vadd.s32 v12, v15;
	v15 =	vshrl.u32 v17, $0x2;
	v13 =	vsel vm9, $0xFFFFFFFF, v31  }
0x24: {  	s8 =	simm.s32 $0x60;
	s29 =	rddreg [dreg:$0x6];
	[sflag:s28] =	ssyncadd.s32 $0xFFFFFC00;
	vm9 =	vlt.u32 v3, $0x19;
	v9 =	vshrl.u32 v9, $0x8;
	v3 =	vadd.s32 v3, v16  }
0x25: {  	[tilespmem:s30], [sflag:$0x3] =	stream.linear.gather [hbm4b:s29+s16], $0x1800, $0x38;
	v12 =	vmul.u32 $0x18, v12;
	v16 =	vor.u32 s8, v29;
	v1 =	vadd.s32 v13, v1;
	[tilespmem:$0x15D00] =	vst v63  }
0x26: {  	_ =	swait.ge [sflag:s28], $0x1800;
	v13 =	vmul.u32 $0xFFFFFFE7, v4;
	v8 =	vadd.s32 v8, v14;
	v14 =	vshll.u32 v17, $0x1E  }
0x27: {  	v17 =	vmulhi.u32 $0x5D9F7391, v16;
	(v2sf) =	vpush v1, $0xF;
	v14 =	vor.u32 v14, v15  }
0x28: {  	v54 =	vsub.s32 $0x0, v1;
	(v2sf) =	vpush v1, $0xE;
	v2 =	vadd.s32 v2, v13  }
0x29: {  	v13 =	vmul.u32 $0x18, v9;
	v9 =	vmul.u32 $0xFFFFFFE4, v9;
	vm11 =	vgt.u32 v14, $0x9249249  }
0x2a: {  	v17 =	vshrl.u32 v17, $0x8;
	(v2sf) =	vpush v1, $0xD;
	vm10 =	vlt.s32 v2, $0x17  }
0x2b: {  	vm9 =	vmand vm9, vm11;
	(v2sf) =	vpush v1, $0xC;
	v2 =	vnsel vm10, $0x17, v2  }
0x2c: {  	vm10 =	vlt.s32 v8, $0x17;
	v4 =	vadd.s32 v4, v9;
	v9 =	vmul.u32 $0xFFFFFFE7, v1  }
0x2d: {  	v14 =	vsel vm9, $0xFFFFFFFF, v31;
	(v2sf) =	vpush v1, $0x8;
	v13 =	vadd.s32 v2, v13  }
0x2e: {  	v8 =	vnsel vm10, $0x17, v8;
	v4 =	vmul.u32 $0x18, v4;
	v5 =	vadd.s32 v14, v5  }
0x2f: {  	vm10 =	vlt.s32 v3, $0x17;
	(v2sf) =	vpush v1, $0x2;
	v13 =	vadd.s32 $0x2A0, v13  }
0x30: {  	v3 =	vnsel vm10, $0x17, v3;
	(v2sf) =	vpush v1, $0x1;
	v4 =	vadd.s32 v2, v4  }
0x31: {  	v2 =	vadd.s32 v0, v9;
	v0 =	vmul.u32 $0xFFFFFFE4, v5;
	v9 =	vadd.s32 v8, v10  }
0x32: {  	v5 =	vmul.u32 $0x18, v5;
	v8 =	vadd.s32 v8, v12;
	v12 =	vmulhi.u32 $0x51EB851F, v16  }
0x33: {  	(v2sf) =	vpush v1, $0x0;
	vm9 =	vlt.s32 v2, $0x17;
	v9 =	vadd.s32 $0x2A0, v9  }
0x34: {  	[sflag:s28] =	ssyncset.done $0x0;
	(v2sf) =	vpush v1, $0xA;
	v0 =	vadd.s32 v11, v0;
	vm9 =	vmmov vm9  }
0x35: {  	s6 =	simm.s32 $0x50;
	[sflag:s28] =	ssyncadd.s32 $0xFFFFE800;
	v5 =	vadd.s32 v5, v3;
	v12 =	vshrl.u32 v12, $0x3;
	(v2sf) =	vpush v1, $0x3  }
0x36: {  	s3 =	simm.s32 $0x70;
	v11 =	vmul.u32 $0x18, v0;
	v0 =	vor.u32 s6, v29;
	v19 =	vmul.u32 $0xFFFFFFE7, v12;
	v10 =	vld.idx.msk [tilespmem:v13+s16+$0x0], $0xffff  }
0x37: {  	(v2sf) =	vpush v1, $0x4;
	v13 =	vor.u32 s3, v29;
	v15 =	vmulhi.u32 $0x5D9F7391, v0;
	v4 =	vld.idx.msk [tilespmem:v4+s16+$0x0], $0xffff  }
0x38: {  	v5 =	vadd.s32 $0x2A0, v5;
	(v2sf) =	vpush v1, $0xB;
	v14 =	vmulhi.u32 $0x51EB851F, v13;
	s31 =	spop (v2sf)  }
0x39: {  	vm10 =	vlt.u32 v0, $0x19;
	v16 =	vadd.s32 v16, v19;
	v19 =	vmulhi.u32 $0x51EB851F, v23;
	s18 =	spop (v2sf);
	s4 =	smulhi.u32 $0x92492493, s31  }
0x3a: {  	v18 =	vadd.s32 v3, v11;
	v11 =	vmulhi.u32 $0x5D9F7391, v13;
	v14 =	vshrl.u32 v14, $0x3;
	s7 =	sshra.s32 s31, $0x1F;
	s19 =	smulhi.u32 $0x92492493, s18  }
0x3b: {  	v15 =	vshrl.u32 v15, $0x8;
	v19 =	vshrl.u32 v19, $0x3;
	v20 =	vmul.u32 $0xFFFFFFE7, v14;
	s6 =	smul.u32 $0x92492493, s7;
	s13 =	sshra.s32 s18, $0x1F  }
0x3c: {  	v26 =	vmul.u32 $0xFFFFFFE7, v19;
	(v2sf) =	vpush v1, $0x9;
	v3 =	vadd.f32 v10, v4;
	s20 =	spop (v2sf);
	s3 =	smul.u32 $0x92492493, s13  }
0x3d: {  	v4 =	vmulhi.u32 $0x51EB851F, v0;
	v13 =	vadd.s32 v13, v20;
	v20 =	vshrl.u32 v11, $0x8;
	s9 =	spop (v2sf);
	s21 =	smulhi.u32 $0x92492493, s20  }
0x3e: {  	v8 =	vld.idx.msk [tilespmem:v8+s16+$0x0], $0xffff;
	(v2sf) =	vpush v1, $0x5;
	vm11 =	vlt.s32 v13, $0x17;
	v21 =	vmul.u32 $0x18, v20;
	s14 =	spop (v2sf);
	s10 =	smulhi.u32 $0x92492493, s9  }
0x3f: {  	v9 =	vld.idx.msk [tilespmem:v9+s16+$0x0], $0xffff;
	v20 =	vmul.u32 $0xFFFFFFE4, v20;
	s22 =	ssub.s32 s4, s31;
	v10 =	vshrl.u32 v4, $0x3;
	v4 =	vmul.u32 $0xFFFFFFE4, v17;
	s29 =	sshra.s32 s9, $0x1F;
	s25 =	smulhi.u32 $0x92492493, s14  }
0x40: {  	v17 =	vmul.u32 $0x18, v17;
	v13 =	vnsel vm11, $0x17, v13;
	vm11 =	vlt.s32 v16, $0x17;
	s22 =	sadd.s32 s6, s22;
	s23 =	spop (v2sf);
	s29 =	smul.u32 $0x92492493, s29  }
0x41: {  	v5 =	vld.idx.msk [tilespmem:v5+s16+$0x0], $0xffff;
	(v2sf) =	vpush v1, $0x6;
	v11 =	vmul.u32 $0xFFFFFFE7, v10;
	v22 =	vmul.u32 $0xB6DB6DB7, v10;
	s18 =	ssub.s32 s19, s18;
	s15 =	sshra.s32 s14, $0x1F;
	s24 =	smulhi.u32 $0x92492493, s23  }
0x42: {  	v18 =	vld.idx.msk [tilespmem:v18+s16+$0x0], $0xffff;
	v21 =	vadd.s32 v13, v21;
	v16 =	vnsel vm11, $0x17, v16;
	v14 =	vadd.s32 v14, v20;
	s11 =	sshra.s32 s23, $0x1F;
	s8 =	spop (v2sf);
	s15 =	smul.u32 $0x92492493, s15  }
0x43: {  	(v2sf) =	vpush v1, $0x7;
	v12 =	vadd.s32 v12, v4;
	v21 =	vadd.s32 $0x2A0, v21;
	s31 =	ssub.s32 s10, s9;
	s11 =	smul.u32 $0x92492493, s11;
	s26 =	spop (v2sf)  }
0x44: {  	v4 =	vadd.f32 v9, v8;
	v8 =	vmov s5;
	v9 =	vsub.s32 $0x0, v23;
	s28 =	smulhi.u32 $0x92492493, s8;
	s25 =	ssub.s32 s25, s14;
	s7 =	spop (v2sf)  }
0x45: {  	v17 =	vadd.s32 v16, v17;
	v14 =	vmul.u32 $0x18, v14;
	v24 =	vshll.u32 v22, $0x1E;
	s29 =	sadd.s32 s29, s31;
	s30 =	smulhi.u32 $0x92492493, s26;
	s13 =	spop (v2sf)  }
0x46: {  	v22 =	vshrl.u32 v22, $0x2;
	vm12 =	veq.s32 v8, v29;
	vm13 =	vne.s32 v26, v9;
	s17 =	sshra.s32 s26, $0x1F;
	s24 =	ssub.s32 s24, s23;
	s4 =	spop (v2sf)  }
0x47: {  	v5 =	vadd.f32 v5, v18;
	v0 =	vadd.s32 v0, v11;
	v12 =	vmul.u32 $0x18, v12;
	s10 =	smul.u32 $0x92492493, s17;
	s1 =	sshra.s32 s13, $0x1F;
	s0 =	spop (v2sf)  }
0x48: {  	v17 =	vadd.s32 $0x2A0, v17;
	v9 =	vor.u32 v24, v22;
	vm12 =	vmand vm12, vm13;
	s15 =	sadd.s32 s15, s25;
	s23 =	smul.u32 $0x92492493, s1;
	s17 =	sshra.s32 s0, $0x1F  }
0x49: {  	v13 =	vadd.s32 v13, v14;
	v37 =	vsel vm12, $0xFFFFFFFF, v31;
	v38 =	vmov s29;
	s26 =	ssub.s32 s30, s26;
	s1 =	sshra.s32 s8, $0x1F;
	s2 =	smul.u32 $0x92492493, s17  }
0x4a: {  	vm11 =	vgt.u32 v9, $0x9249249;
	vm12 =	vlt.s32 v0, $0x17;
	v12 =	vadd.s32 v16, v12;
	s28 =	ssub.s32 s28, s8;
	s10 =	sadd.s32 s10, s26;
	s17 =	smul.u32 $0x92492493, s1  }
0x4b: {  	v27 =	vmov s15;
	s11 =	sadd.s32 s11, s24;
	vm10 =	vmand vm10, vm11;
	s30 =	sshra.s32 s20, $0x1F;
	s29 =	smulhi.u32 $0x92492493, s13;
	v25 =	vmov s10  }
0x4c: {  	v0 =	vnsel vm12, $0x17, v0;
	s20 =	ssub.s32 s21, s20;
	v20 =	vsel vm10, $0xFFFFFFFF, v31;
	s14 =	smulhi.u32 $0x92492493, s4;
	v8 =	vnsel vm0, $0x0, v25;
	s31 =	sadd.s32 s17, s28  }
0x4d: {  	vm10 =	vmmov vm9;
	s15 =	smul.u32 $0x92492493, s30;
	v15 =	vadd.s32 v20, v15;
	s13 =	ssub.s32 s29, s13;
	s29 =	simm.s32 $0xB0;
	v8 =	vsel vm1, s31, v8  }
0x4e: {  	s1 =	smulhi.u32 $0x92492493, s7;
	s14 =	ssub.s32 s14, s4;
	s4 =	sshra.s32 s4, $0x1F;
	v41 =	vor.u32 s29, v29;
	v39 =	vsel vm2, s11, v8;
	v8 =	vadd.s32 v37, v19  }
0x4f: {  	s3 =	sadd.s32 s3, s18;
	v20 =	vmul.u32 $0x18, v15;
	s15 =	sadd.s32 s15, s20;
	s4 =	smul.u32 $0x92492493, s4;
	v42 =	vmulhi.u32 $0x51EB851F, v41;
	(v2sf) =	vpush v8, $0xF  }
0x50: {  	v2 =	vnsel vm10, $0x17, v2;
	v9 =	vsel vm1, s15, v38;
	s28 =	sshra.s32 s7, $0x1F;
	s7 =	ssub.s32 s1, s7;
	s1 =	smulhi.u32 $0x92492493, s0;
	(v2sf) =	vpush v8, $0xE  }
0x51: {  	s13 =	sadd.s32 s23, s13;
	v44 =	vadd.s32 v20, v0;
	v20 =	vmulhi.u32 $0x5D9F7391, v41;
	s9 =	spop (v2sf);
	v9 =	vsel vm2, s3, v9;
	s18 =	smul.u32 $0x92492493, s28  }
0x52: {  	v24 =	vadd.s32 $0x2A0, v44;
	s30 =	smulhi.u32 $0x92492493, s9;
	s31 =	sshra.s32 s9, $0x1F;
	v40 =	vsel vm3, s22, v9;
	s26 =	spop (v2sf);
	(v2sf) =	vpush v8, $0xD  }
0x53: {  	s21 =	sadd.s32 s4, s14;
	v22 =	vshrl.u32 v42, $0x3;
	v48 =	vshrl.u32 v20, $0x8;
	s15 =	smul.u32 $0x92492493, s31;
	s31 =	simm.s32 $0xA0;
	(v2sf) =	vpush v8, $0xC  }
0x54: {  	s0 =	ssub.s32 s1, s0;
	s10 =	smulhi.u32 $0x92492493, s26;
	s17 =	sshra.s32 s26, $0x1F;
	v19 =	vmul.u32 $0xFFFFFFE7, v8;
	v43 =	vor.u32 s31, v29;
	(v2sf) =	vpush v8, $0x8  }
0x55: {  	v28 =	vmul.u32 $0xFFFFFFE4, v48;
	s3 =	ssub.s32 s30, s9;
	s7 =	sadd.s32 s18, s7;
	s0 =	sadd.s32 s2, s0;
	v16 =	vmulhi.u32 $0x5D9F7391, v43;
	(v2sf) =	vpush v8, $0x2  }
0x56: {  	s8 =	spop (v2sf);
	s24 =	smul.u32 $0x92492493, s17;
	s3 =	sadd.s32 s15, s3;
	v9 =	vadd.s32 v23, v19;
	v19 =	vmul.u32 $0xFFFFFFE4, v15;
	(v2sf) =	vpush v8, $0x1  }
0x57: {  	s5 =	smulhi.u32 $0x92492493, s8;
	s6 =	spop (v2sf);
	s10 =	ssub.s32 s10, s26;
	v14 =	vsel vm1, s3, v27;
	v15 =	vsel vm3, s13, v39;
	(v2sf) =	vpush v8, $0x0  }
0x58: {  	s17 =	sshra.s32 s8, $0x1F;
	s11 =	smulhi.u32 $0x92492493, s6;
	s10 =	sadd.s32 s24, s10;
	vm11 =	vlt.s32 v9, $0x17;
	v14 =	vsel vm2, s7, v14;
	v15 =	vsel vm4, s21, v15  }
0x59: {  	s9 =	smul.u32 $0x92492493, s17;
	s20 =	sshra.s32 s6, $0x1F;
	v16 =	vshrl.u32 v16, $0x8;
	v14 =	vsel vm3, s0, v14;
	v15 =	vsel vm5, s10, v15  }
0x5a: {  	s22 =	ssub.s32 s5, s8;
	s23 =	smul.u32 $0x92492493, s20;
	v10 =	vadd.s32 v10, v19;
	vm9 =	vmmov vm11;
	v14 =	vcombine.low v14, v40  }
0x5b: {  	v18 =	vld.idx.msk [tilespmem:v13+s16+$0x0], $0xffff;
	v47 =	vmul.u32 $0xFFFFFFE4, v16;
	s24 =	ssub.s32 s11, s6;
	s25 =	sadd.s32 s9, s22;
	v10 =	vmul.u32 $0x18, v10;
	(v2sf) =	vpush v8, $0xA  }
0x5c: {  	s26 =	sadd.s32 s23, s24;
	v15 =	vsel vm6, s25, v15;
	v19 =	vperm.xlane v14, v32;
	v14 =	vld.idx.msk [tilespmem:v21+s16+$0x0], $0xffff;
	(v2sf) =	vpush v8, $0x3  }
0x5d: {  	s28 =	simm.s32 $0x90;
	v16 =	vmul.u32 $0x18, v16;
	v11 =	vsel vm7, s26, v15;
	(v2sf) =	vpush v8, $0x4  }
0x5e: {  	s25 =	simm.s32 $0x80;
	v15 =	vor.u32 s28, v29;
	v13 =	vadd.s32 v0, v10;
	v10 =	vmulhi.u32 $0x51EB851F, v43;
	s30 =	spop (v2sf)  }
0x5f: {  	v56 =	vmov s25;
	v11 =	vperm.xlane v11, v33;
	v59 =	vmulhi.u32 $0x5D9F7391, v15;
	s18 =	spop (v2sf);
	s17 =	smulhi.u32 $0x92492493, s30  }
0x60: {  	v21 =	vmul.u32 $0x18, v48;
	v10 =	vshrl.u32 v10, $0x3;
	(v2sf) =	vpush v8, $0xB;
	s23 =	sshra.s32 s30, $0x1F;
	s2 =	smulhi.u32 $0x92492493, s18  }
0x61: {  	v46 =	vld.idx.msk [tilespmem:v17+s16+$0x0], $0xffff;
	v11 =	vsel vm8, v11, v19;
	v0 =	vadd.f32 v14, v18;
	v14 =	vmulhi.u32 $0x51EB851F, v15;
	s0 =	spop (v2sf);
	s24 =	smul.u32 $0x92492493, s23;
	s31 =	sshra.s32 s18, $0x1F  }
0x62: {  	v12 =	vld.idx.msk [tilespmem:v12+s16+$0x0], $0xffff;
	v45 =	vmul.u32 $0xFFFFFFE7, v10;
	v25 =	vshrl.u32 v59, $0x8;
	v11 =	vadd.s32 v1, v11;
	s4 =	spop (v2sf);
	s7 =	smul.u32 $0x92492493, s31  }
0x63: {  	v18 =	vmul.u32 $0xFFFFFFE7, v22;
	v51 =	vshrl.u32 v11, $0x1F;
	v17 =	vshrl.u32 v14, $0x3;
	s1 =	spop (v2sf);
	s26 =	smulhi.u32 $0x92492493, s4  }
0x64: {  	v11 =	vshra.s32 v11, $0x4;
	(v2sf) =	vpush v8, $0x9;
	v20 =	vmul.u32 $0xB6DB6DB7, v17;
	s5 =	ssub.s32 s17, s30;
	s15 =	spop (v2sf);
	s30 =	smulhi.u32 $0x92492493, s1  }
0x65: {  	v23 =	vadd.s32 v43, v45;
	v52 =	vadd.s32 v51, v11;
	v14 =	vadd.s32 v41, v18;
	s6 =	sshra.s32 s1, $0x1F;
	s3 =	spop (v2sf);
	s29 =	smulhi.u32 $0x92492493, s15  }
0x66: {  	v18 =	vadd.s32 v10, v47;
	v53 =	vmul.u32 $0xFFFFFFE4, v52;
	v10 =	vshll.u32 v20, $0x1E;
	s28 =	sshra.s32 s15, $0x1F;
	s6 =	smul.u32 $0x92492493, s6;
	s19 =	spop (v2sf)  }
0x67: {  	v49 =	vshrl.u32 v20, $0x2;
	v20 =	vadd.f32 v46, v12;
	v12 =	vor.u32 s25, v29;
	s8 =	ssub.s32 s30, s1;
	s1 =	sshra.s32 s4, $0x1F;
	s21 =	smulhi.u32 $0x92492493, s19  }
0x68: {  	v22 =	vadd.s32 v22, v28;
	vm11 =	vlt.s32 v14, $0x17;
	v19 =	vmulhi.u32 $0x51EB851F, v12;
	s20 =	sshra.s32 s19, $0x1F;
	s14 =	ssub.s32 s29, s15;
	s15 =	smul.u32 $0x92492493, s1  }
0x69: {  	v14 =	vnsel vm11, $0x17, v14;
	vm11 =	vlt.s32 v23, $0x17;
	(v2sf) =	vpush v8, $0x5;
	s13 =	ssub.s32 s26, s4;
	s4 =	sadd.s32 s24, s5;
	s22 =	smul.u32 $0x92492493, s20  }
0x6a: {  	vm12 =	vne.s32 v53, v54;
	v11 =	vnsel vm11, $0x17, v23;
	v19 =	vshrl.u32 v19, $0x3;
	s5 =	spop (v2sf);
	s9 =	ssub.s32 s21, s19;
	s19 =	smulhi.u32 $0x92492493, s3  }
0x6b: {  	vm11 =	vlt.s32 v1, $0x1;
	(v2sf) =	vpush v8, $0x6;
	v28 =	vmul.u32 $0xFFFFFFE7, v19;
	s17 =	spop (v2sf);
	s21 =	smulhi.u32 $0x92492493, s0  }
0x6c: {  	v55 =	vsub.s32 $0x0, v12;
	vm11 =	vmand vm11, vm12;
	s2 =	ssub.s32 s2, s18;
	(v2sf) =	vpush v8, $0x7;
	s20 =	spop (v2sf);
	s26 =	smulhi.u32 $0x92492493, s17  }
0x6d: {  	vm12 =	veq.s32 v56, v29;
	v58 =	vsel vm11, $0xFFFFFFFF, v31;
	vm13 =	vne.s32 v28, v55;
	s23 =	sshra.s32 s17, $0x1F;
	s9 =	sadd.s32 s22, s9;
	s22 =	smulhi.u32 $0x92492493, s20  }
0x6e: {  	v24 =	vld.idx.msk [tilespmem:v24+s16+$0x0], $0xffff;
	v10 =	vor.u32 v10, v49;
	v23 =	vadd.s32 v58, v52;
	s8 =	sadd.s32 s6, s8;
	vm11 =	vmand vm12, vm13;
	s10 =	sadd.s32 s15, s13;
	s13 =	smul.u32 $0x92492493, s23  }
0x6f: {  	v63 =	vld.idx.msk [tilespmem:v13+s16+$0x0], $0xffff;
	vm13 =	vgt.u32 v10, $0x9249249;
	v10 =	vsel vm11, $0xFFFFFFFF, v31;
	s24 =	spop (v2sf);
	s6 =	sshra.s32 s20, $0x1F;
	v50 =	vmov s9;
	s9 =	smul.u32 $0x92492493, s28  }
0x70: {  	v29 =	vmul.u32 $0xFFFFFFE7, v17;
	v10 =	vadd.s32 v10, v19;
	v19 =	vmul.u32 $0xFFFFFFE4, v23;
	s11 =	ssub.s32 s19, s3;
	s3 =	sshra.s32 s3, $0x1F;
	s6 =	smul.u32 $0x92492493, s6  }
0x71: {  	v61 =	vmul.u32 $0x18, v23;
	v57 =	vmov s8;
	vm12 =	vlt.u32 v15, $0x19;
	s8 =	ssub.s32 s21, s0;
	s0 =	sshra.s32 s0, $0x1F;
	s3 =	smul.u32 $0x92492493, s3  }
0x72: {  	vm11 =	vmand vm12, vm13;
	s30 =	ssub.s32 s26, s17;
	s26 =	simm.s32 $0x420;
	s0 =	smul.u32 $0x92492493, s0;
	v19 =	vadd.s32 v1, v19;
	v1 =	vmul.u32 $0xFFFFFFE7, v10  }
0x73: {  	v28 =	vmov s10;
	(v2sf) =	vpush v10, $0xF;
	v27 =	vnsel vm0, $0x0, v50;
	s9 =	sadd.s32 s9, s14;
	s14 =	smulhi.u32 $0x92492493, s24;
	s25 =	spop (v2sf)  }
0x74: {  	[tilespmem:s26+$0x0] =	vst v4;
	v4 =	vadd.f32 v24, v63;
	v19 =	vmul.u32 $0x18, v19;
	s3 =	sadd.s32 s3, s11;
	v12 =	vadd.s32 v12, v1;
	s28 =	sshra.s32 s25, $0x1F;
	s29 =	smulhi.u32 $0x92492493, s25  }
0x75: {  	s2 =	sadd.s32 s7, s2;
	s0 =	sadd.s32 s0, s8;
	v1 =	vadd.s32 v14, v21;
	(v2sf) =	vpush v10, $0xE;
	v27 =	vsel vm1, s3, v27;
	s31 =	smul.u32 $0x92492493, s28  }
0x76: {  	s1 =	sshra.s32 s24, $0x1F;
	s15 =	ssub.s32 s22, s20;
	v28 =	vsel vm1, s0, v28;
	(v2sf) =	vpush v10, $0xD;
	v27 =	vsel vm2, s9, v27;
	s9 =	smulhi.u32 $0x92492493, s5  }
0x77: {  	s7 =	sadd.s32 s13, s30;
	s6 =	sadd.s32 s6, s15;
	vm10 =	vlt.s32 v12, $0x17;
	v60 =	vsel vm2, s2, v28;
	v28 =	vadd.s32 $0x2A0, v1;
	s2 =	smul.u32 $0x92492493, s1  }
0x78: {  	v1 =	vadd.s32 v11, v16;
	v16 =	vmul.u32 $0x18, v22;
	s0 =	ssub.s32 s29, s25;
	v21 =	vsel vm3, s4, v60;
	s4 =	ssub.s32 s14, s24;
	s17 =	spop (v2sf)  }
0x79: {  	v22 =	vadd.s32 v61, v2;
	(v2sf) =	vpush v10, $0xC;
	v2 =	vadd.s32 v2, v19;
	s3 =	ssub.s32 s9, s5;
	s5 =	sshra.s32 s5, $0x1F;
	s19 =	smulhi.u32 $0x92492493, s17  }
0x7a: {  	v19 =	vsel vm11, $0xFFFFFFFF, v31;
	v13 =	vsel vm3, s7, v27;
	(v2sf) =	vpush v10, $0x8;
	s29 =	simm.s32 $0x460;
	s5 =	smul.u32 $0x92492493, s5;
	s18 =	spop (v2sf)  }
0x7b: {  	v22 =	vadd.s32 $0x2A0, v22;
	s0 =	sadd.s32 s31, s0;
	(v2sf) =	vpush v10, $0x2;
	v27 =	vsel vm4, s6, v13;
	s21 =	smulhi.u32 $0x92492493, s18;
	s20 =	spop (v2sf)  }
0x7c: {  	s22 =	sshra.s32 s17, $0x1F;
	v13 =	vadd.s32 v19, v25;
	v30 =	vadd.s32 v14, v16;
	v62 =	vsel vm1, s0, v57;
	s3 =	sadd.s32 s5, s3;
	s23 =	smulhi.u32 $0x92492493, s20  }
0x7d: {  	s2 =	sadd.s32 s2, s4;
	v19 =	vadd.s32 v15, v29;
	(v2sf) =	vpush v10, $0x1;
	s24 =	sshra.s32 s18, $0x1F;
	v23 =	vsel vm2, s3, v62;
	s3 =	smul.u32 $0x92492493, s22  }
0x7e: {  	[tilespmem:s26+$0x10] =	vst v3;
	v25 =	vmul.u32 $0xFFFFFFE4, v13;
	(v2sf) =	vpush v10, $0x0;
	s5 =	ssub.s32 s19, s17;
	s25 =	sshra.s32 s20, $0x1F;
	v23 =	vsel vm3, s2, v23;
	s2 =	smul.u32 $0x92492493, s24  }
0x7f: {  	[tilespmem:s26+$0xFFFFFFF0] =	vst v5;
	v13 =	vmul.u32 $0x18, v13;
	vm11 =	vlt.s32 v19, $0x17;
	(v2sf) =	vpush v10, $0xA;
	s0 =	ssub.s32 s21, s18;
	s28 =	smul.u32 $0x92492493, s25;
	s3 =	sadd.s32 s3, s5  }
0x80: {  	[tilespmem:s29+$0x10] =	vst v0;
	v16 =	vld.idx.msk [tilespmem:v2+s16+$0x0], $0xffff;
	v0 =	vadd.s32 v17, v25;
	v17 =	vmul.u32 $0x18, v18;
	s4 =	ssub.s32 s23, s20;
	s0 =	sadd.s32 s2, s0;
	v3 =	vsel vm5, s3, v27  }
0x81: {  	[tilespmem:s29+$0x0] =	vst v20;
	s31 =	simm.s32 $0x460;
	v5 =	vld.idx.msk [tilespmem:v28+s16+$0x0], $0xffff;
	(v2sf) =	vpush v10, $0x3;
	v21 =	vcombine.low v23, v21;
	s30 =	sadd.s32 s28, s4;
	v3 =	vsel vm6, s0, v3  }
0x82: {  	v14 =	vld.idx.msk [tilespmem:v22+s16+$0x0], $0xffff;
	[dreg:$0x3] =	wrdreg s31;
	v0 =	vmul.u32 $0x18, v0;
	(v2sf) =	vpush v10, $0x4;
	v3 =	vsel vm7, s30, v3  }
0x83: {  	s21 =	simm.s32 $0x8;
	s18 =	simm.s32 $0x4A0;
	s22 =	simm.s32 $0xC0;
	[tilespmem:s29+$0xFFFFFFF0] =	vst v4;
	v15 =	vld.idx.msk [tilespmem:v30+s16+$0x0], $0xffff;
	(v2sf) =	vpush v10, $0xB;
	v2 =	vperm.xlane v21, v32;
	v3 =	vperm.xlane v3, v33  }
.LBB2_2:
0x84: {  	v1 =	vadd.s32 $0x2A0, v1;
	vm12 =	vmmov vm9  }
0x85: {  	s0 =	sadd.s32 $0x10, s22;
	vm9 =	vmmov vm10;
	v29 =	vlaneseq.u32;
	v18 =	vnsel vm11, $0x17, v19  }
0x86: {  	s20 =	sadd.s32 $0x20, s22;
	v56 =	vsub.s32 $0x0, v8;
	v27 =	vmov s22;
	v4 =	vor.u32 s0, v29  }
0x87: {  	v20 =	vadd.s32 v13, v18;
	v11 =	vadd.s32 v11, v17;
	v21 =	vor.u32 s20, v29  }
0x88: {  	v13 =	vadd.s32 v18, v0;
	v2 =	vsel vm8, v3, v2;
	v17 =	vmulhi.u32 $0x5D9F7391, v4  }
0x89: {  	v3 =	vor.u32 s22, v29;
	v53 =	vnsel vm12, $0x17, v9;
	v22 =	vmulhi.u32 $0x5D9F7391, v21;
	s3 =	spop (v2sf)  }
0x8a: {  	s2 =	sadd.s32 $0x30, s22;
	v9 =	vmovc v12;
	vm13 =	veq.s32 v27, v29;
	vm10 =	vlt.u32 v4, $0x19;
	v12 =	vmulhi.u32 $0x51EB851F, v3;
	s23 =	smulhi.u32 $0x92492493, s3;
	s30 =	spop (v2sf)  }
0x8b: {  	s21 =	sadd.s32 $0x4, s21;
	v2 =	vadd.s32 v8, v2;
	v28 =	vsub.s32 $0x0, v3;
	(v2sf) =	vpush v10, $0x9;
	s6 =	sshra.s32 s3, $0x1F;
	s31 =	smulhi.u32 $0x92492493, s30  }
0x8c: {  	v54 =	vshrl.u32 v2, $0x1F;
	v2 =	vshra.s32 v2, $0x4;
	v14 =	vadd.f32 v14, v16;
	s4 =	spop (v2sf);
	s7 =	smul.u32 $0x92492493, s6;
	s8 =	sshra.s32 s30, $0x1F;
	v1 =	vld.idx.msk [tilespmem:v1+s16+$0x0], $0xffff  }
0x8d: {  	p0 =	slt.u32 s21, $0x208;
	v16 =	vor.u32 s2, v29;
	v0 =	vadd.f32 v5, v15;
	v5 =	vmulhi.u32 $0x51EB851F, v21;
	s24 =	spop (v2sf);
	v11 =	vld.idx.msk [tilespmem:v11+s16+$0x0], $0xffff;
	s16 =	smul.u32 $0x92492493, s8  }
0x8e: {  	v2 =	vadd.s32 v54, v2;
	v12 =	vshrl.u32 v12, $0x3;
	v19 =	vmulhi.u32 $0x51EB851F, v16;
	s5 =	ssub.s32 s23, s3;
	s17 =	sshra.s32 s4, $0x1F;
	s25 =	smulhi.u32 $0x92492493, s24  }
0x8f: {  	v15 =	vmulhi.u32 $0x5D9F7391, v16;
	v57 =	vmul.u32 $0xFFFFFFE7, v12;
	[tilespmem:s26+$0xFFFFFFE0] =	vst v14;
	(v2sf) =	vpush v10, $0x5;
	s9 =	spop (v2sf);
	s13 =	sshra.s32 s24, $0x1F;
	[dreg:$0x4] =	wrdreg s17  }
0x90: {  	v14 =	vadd.s32 $0x2A0, v20;
	[tilespmem:s18+$0x10] =	vst v0;
	v0 =	vmulhi.u32 $0x51EB851F, v4;
	v20 =	vshrl.u32 v5, $0x3;
	s31 =	ssub.s32 s31, s30;
	s26 =	spop (v2sf);
	s15 =	smulhi.u32 $0x92492493, s9  }
0x91: {  	v5 =	vshrl.u32 v22, $0x8;
	v19 =	vshrl.u32 v19, $0x3;
	v23 =	vmul.u32 $0xFFFFFFE7, v20;
	s20 =	sshra.s32 s9, $0x1F;
	s29 =	sshra.s32 s26, $0x1F;
	s1 =	smulhi.u32 $0x92492493, s26  }
0x92: {  	v22 =	vmul.u32 $0xFFFFFFE4, v5;
	v24 =	vmul.u32 $0x18, v5;
	(v2sf) =	vpush v10, $0x6;
	s11 =	spop (v2sf);
	s14 =	ssub.s32 s25, s24;
	s3 =	smul.u32 $0x92492493, s29  }
0x93: {  	v15 =	vshrl.u32 v15, $0x8;
	vm14 =	vne.s32 v57, v28;
	v18 =	vmul.u32 $0xFFFFFFE7, v19;
	s10 =	spop (v2sf);
	s23 =	smulhi.u32 $0x92492493, s11;
	s15 =	ssub.s32 s15, s9  }
0x94: {  	v0 =	vshrl.u32 v0, $0x3;
	v25 =	vmul.u32 $0xFFFFFFE4, v15;
	(v2sf) =	vpush v10, $0x7;
	s28 =	sshra.s32 s10, $0x1F;
	s0 =	spop (v2sf);
	s29 =	smulhi.u32 $0x92492493, s10  }
0x95: {  	v5 =	vmul.u32 $0xFFFFFFE7, v0;
	v26 =	vmul.u32 $0xB6DB6DB7, v0;
	v21 =	vadd.s32 v21, v23;
	s8 =	ssub.s32 s1, s26;
	s1 =	smulhi.u32 $0x92492493, s4;
	s25 =	spop (v2sf)  }
0x96: {  	v16 =	vadd.s32 v16, v18;
	v18 =	vshrl.u32 v17, $0x8;
	v17 =	vmul.u32 $0x18, v15;
	s2 =	sshra.s32 s0, $0x1F;
	s9 =	ssub.s32 s23, s11;
	s28 =	smul.u32 $0x92492493, s28  }
0x97: {  	v19 =	vadd.s32 v19, v25;
	vm11 =	vlt.s32 v16, $0x17;
	v51 =	vshrl.u32 v26, $0x2;
	s23 =	sadd.s32 s7, s5;
	s19 =	ssub.s32 s29, s10;
	s10 =	smul.u32 $0x92492493, s20  }
0x98: {  	v52 =	vadd.f32 v1, v11;
	v19 =	vmul.u32 $0x18, v19;
	v16 =	vnsel vm11, $0x17, v16;
	s11 =	sshra.s32 s11, $0x1F;
	s5 =	sadd.s32 s28, s19;
	s19 =	smul.u32 $0x92492493, s13  }
0x99: {  	vm11 =	vlt.s32 v21, $0x17;
	s6 =	spop (v2sf);
	s17 =	sshra.s32 s25, $0x1F;
	v15 =	vadd.s32 v16, v17;
	v17 =	vadd.s32 v20, v22;
	s2 =	smul.u32 $0x92492493, s2  }
0x9a: {  	v20 =	vshll.u32 v26, $0x1E;
	v11 =	vnsel vm11, $0x17, v21;
	v22 =	vmul.u32 $0xFFFFFFE4, v2;
	s14 =	sadd.s32 s19, s14;
	s19 =	sadd.s32 s3, s8;
	s3 =	smul.u32 $0x92492493, s11  }
0x9b: {  	v63 =	vadd.s32 v16, v19;
	s24 =	spop (v2sf);
	v1 =	vor.u32 v20, v51;
	s20 =	smulhi.u32 $0x92492493, s6;
	s13 =	sadd.s32 s16, s31;
	v20 =	vmov s5  }
0x9c: {  	s7 =	smul.u32 $0x92492493, s17;
	s26 =	sshra.s32 s24, $0x1F;
	vm11 =	vgt.u32 v1, $0x9249249;
	vm12 =	vne.s32 v22, v56;
	v20 =	vnsel vm0, $0x0, v20;
	s9 =	sadd.s32 s3, s9  }
0x9d: {  	s15 =	sadd.s32 s10, s15;
	s10 =	rddreg [dreg:$0x3];
	vm10 =	vmand vm10, vm11;
	s31 =	smul.u32 $0x92492493, s26;
	vm11 =	vlt.s32 v8, $0x1;
	v20 =	vsel vm1, s9, v20  }
0x9e: {  	v58 =	vmov s14;
	s14 =	smulhi.u32 $0x92492493, s0;
	vm11 =	vmand vm11, vm12;
	s29 =	spop (v2sf);
	v20 =	vsel vm2, s19, v20;
	s19 =	simm.s32 $0x0  }
0x9f: {  	s4 =	ssub.s32 s1, s4;
	v15 =	vadd.s32 $0x2A0, v15;
	v17 =	vmul.u32 $0x18, v17;
	v59 =	vsel vm11, $0xFFFFFFFF, v31;
	s16 =	spop (v2sf);
	v14 =	vld.idx.msk [tilespmem:v14+s19+$0x0], $0xffff;
	s19 =	smulhi.u32 $0x92492493, s24  }
0xa0: {  	s26 =	smov.u32 s10;
	v55 =	vmov s15;
	vm12 =	vmand vm13, vm14;
	v2 =	vadd.s32 v59, v2;
	s10 =	sshra.s32 s16, $0x1F;
	s15 =	smulhi.u32 $0x92492493, s16  }
0xa1: {  	v60 =	vsel vm12, $0xFFFFFFFF, v31;
	s0 =	ssub.s32 s14, s0;
	v22 =	vmul.u32 $0xFFFFFFE4, v2;
	v2 =	vmul.u32 $0x18, v2;
	s5 =	spop (v2sf);
	s10 =	smul.u32 $0x92492493, s10  }
0xa2: {  	v1 =	vadd.s32 v11, v24;
	v61 =	vsel vm10, $0xFFFFFFFF, v31;
	v12 =	vadd.s32 v60, v12;
	s8 =	smulhi.u32 $0x92492493, s5;
	s9 =	ssub.s32 s15, s16;
	s15 =	rddreg [dreg:$0x4]  }
0xa3: {  	v24 =	vmul.u32 $0xFFFFFFE7, v12;
	v2 =	vadd.s32 v2, v53;
	s17 =	spop (v2sf);
	(v2sf) =	vpush v12, $0xF;
	s16 =	simm.s32 $0x0;
	s14 =	smul.u32 $0x92492493, s15  }
0xa4: {  	s3 =	ssub.s32 s20, s6;
	v2 =	vadd.s32 $0x2A0, v2;
	s11 =	sshra.s32 s5, $0x1F;
	s20 =	smulhi.u32 $0x92492493, s17;
	v62 =	vld.idx.msk [tilespmem:v13+s16+$0x0], $0xffff;
	(v2sf) =	vpush v12, $0xE;
	v13 =	vadd.s32 v8, v22  }
0xa5: {  	s28 =	sshra.s32 s6, $0x1F;
	s11 =	smul.u32 $0x92492493, s11;
	v8 =	vmovc v10;
	v10 =	vmovc v12;
	(v2sf) =	vpush v12, $0xD;
	v13 =	vmul.u32 $0x18, v13;
	v12 =	vadd.s32 v3, v24;
	s4 =	sadd.s32 s14, s4  }
0xa6: {  	s15 =	sshra.s32 s17, $0x1F;
	s6 =	ssub.s32 s20, s17;
	s17 =	smulhi.u32 $0x92492493, s25;
	(v2sf) =	vpush v10, $0xC;
	vm10 =	vlt.s32 v12, $0x17;
	v3 =	vsel vm1, s4, v58  }
0xa7: {  	s1 =	smov.u32 s18;
	s30 =	sshra.s32 s29, $0x1F;
	s20 =	smulhi.u32 $0x92492493, s29;
	(v2sf) =	vpush v10, $0x8;
	v21 =	vadd.s32 v53, v13;
	v13 =	vadd.s32 v61, v18  }
0xa8: {  	s0 =	sadd.s32 s2, s0;
	s14 =	ssub.s32 s17, s25;
	v3 =	vsel vm2, s13, v3;
	(v2sf) =	vpush v10, $0x2;
	s25 =	smul.u32 $0x92492493, s30;
	v18 =	vmul.u32 $0xFFFFFFE4, v13  }
0xa9: {  	s20 =	ssub.s32 s20, s29;
	v13 =	vmul.u32 $0x18, v13;
	s30 =	smul.u32 $0x92492493, s28;
	s4 =	sadd.s32 s7, s14;
	(v2sf) =	vpush v10, $0x1;
	v19 =	vadd.f32 v14, v62  }
0xaa: {  	s9 =	sadd.s32 s10, s9;
	s16 =	simm.s32 $0x0;
	v3 =	vsel vm3, s23, v3;
	(v2sf) =	vpush v10, $0x0;
	s7 =	sadd.s32 s25, s20;
	v20 =	vsel vm3, s4, v20  }
0xab: {  	s17 =	smul.u32 $0x92492493, s15;
	s29 =	ssub.s32 s19, s24;
	s3 =	sadd.s32 s30, s3;
	v0 =	vadd.s32 v0, v18;
	v16 =	vsel vm1, s7, v55;
	(v2sf) =	vpush v10, $0xA  }
.Ltmp0:
0xac: {  	s5 =	ssub.s32 s8, s5;
	s31 =	sadd.s32 s31, s29;
	v14 =	vld.idx.msk [tilespmem:v2+s16+$0x0], $0xffff;
	v20 =	vsel vm4, s3, v20;
	[tilespmem:s1+$0xFFFFFFF0] =	vst v19;
	v19 =	vadd.s32 v4, v5;
	v2 =	vsel vm2, s0, v16;
	(pc) =	sbr.rel @p0 .LBB2_2-.Ltmp0, $4  }
0xad: {  	s5 =	sadd.s32 s11, s5;
	v0 =	vmul.u32 $0x18, v0;
	v20 =	vsel vm5, s9, v20;
	v2 =	vsel vm3, s31, v2  }
0xae: {  	s6 =	sadd.s32 s17, s6;
	v5 =	vld.idx.msk [tilespmem:v15+s16+$0x0], $0xffff;
	(v2sf) =	vpush v10, $0x3;
	v2 =	vcombine.low v2, v3;
	v3 =	vsel vm6, s5, v20  }
0xaf: {  	v15 =	vld.idx.msk [tilespmem:v63+s16+$0x0], $0xffff;
	vm11 =	vlt.s32 v19, $0x17;
	(v2sf) =	vpush v10, $0x4;
	v3 =	vsel vm7, s6, v3  }
0xb0: {  	s22 =	sadd.s32 $0x40, s22;
	[tilespmem:s18+$0x0] =	vst v52;
	s18 =	sadd.s32 $0x40, s18;
	[dreg:$0x3] =	wrdreg s1;
	v16 =	vld.idx.msk [tilespmem:v21+s16+$0x0], $0xffff;
	(v2sf) =	vpush v10, $0xB;
	v2 =	vperm.xlane v2, v32;
	v3 =	vperm.xlane v3, v33  }
0xb1: {  	_ = 	snop  }
0xb2: {  	s0 =	spop (v2sf)  }
0xb3: {  	s2 =	spop (v2sf);
	s3 =	smulhi.u32 $0x92492493, s0  }
0xb4: {  	s6 =	sshra.s32 s0, $0x1F;
	s5 =	smulhi.u32 $0x92492493, s2  }
0xb5: {  	s6 =	smul.u32 $0x92492493, s6;
	s14 =	sshra.s32 s2, $0x1F  }
0xb6: {  	s4 =	spop (v2sf);
	s14 =	smul.u32 $0x92492493, s14  }
0xb7: {  	s7 =	spop (v2sf);
	s23 =	smulhi.u32 $0x92492493, s4  }
0xb8: {  	s8 =	spop (v2sf);
	s9 =	smulhi.u32 $0x92492493, s7  }
0xb9: {  	(v2sf) =	vpush v10, $0x9;
	s10 =	spop (v2sf);
	s15 =	smulhi.u32 $0x92492493, s8  }
0xba: {  	(v2sf) =	vpush v10, $0x5;
	s16 =	sshra.s32 s8, $0x1F;
	s13 =	smulhi.u32 $0x92492493, s10  }
0xbb: {  	s23 =	ssub.s32 s23, s4;
	s4 =	sshra.s32 s4, $0x1F;
	s16 =	smul.u32 $0x92492493, s16  }
0xbc: {  	(v2sf) =	vpush v10, $0x6;
	s11 =	sshra.s32 s10, $0x1F;
	s4 =	smul.u32 $0x92492493, s4  }
0xbd: {  	s0 =	ssub.s32 s3, s0;
	s17 =	spop (v2sf);
	s3 =	smul.u32 $0x92492493, s11  }
0xbe: {  	s31 =	sshra.s32 s7, $0x1F;
	s0 =	sadd.s32 s6, s0;
	s19 =	smulhi.u32 $0x92492493, s17  }
0xbf: {  	s7 =	ssub.s32 s9, s7;
	s1 =	spop (v2sf);
	s11 =	smul.u32 $0x92492493, s31  }
0xc0: {  	s20 =	sshra.s32 s1, $0x1F;
	s21 =	spop (v2sf);
	s22 =	smulhi.u32 $0x92492493, s1  }
0xc1: {  	(v2sf) =	vpush v10, $0x7;
	s20 =	smul.u32 $0x92492493, s20;
	s19 =	ssub.s32 s19, s17;
	s17 =	sshra.s32 s17, $0x1F  }
0xc2: {  	s10 =	ssub.s32 s13, s10;
	s4 =	sadd.s32 s4, s23;
	s17 =	smul.u32 $0x92492493, s17  }
0xc3: {  	s7 =	sadd.s32 s11, s7;
	s23 =	sshra.s32 s21, $0x1F;
	s13 =	spop (v2sf)  }
0xc4: {  	s24 =	spop (v2sf);
	s11 =	sadd.s32 s17, s19;
	s17 =	smul.u32 $0x92492493, s23  }
0xc5: {  	s9 =	ssub.s32 s22, s1;
	s28 =	sshra.s32 s13, $0x1F;
	s6 =	smulhi.u32 $0x92492493, s24  }
0xc6: {  	s9 =	sadd.s32 s20, s9;
	s25 =	spop (v2sf);
	s20 =	smul.u32 $0x92492493, s28  }
0xc7: {  	s28 =	smulhi.u32 $0x92492493, s13;
	s29 =	sshra.s32 s25, $0x1F  }
0xc8: {  	s8 =	ssub.s32 s15, s8;
	s15 =	spop (v2sf);
	s22 =	smul.u32 $0x92492493, s29  }
0xc9: {  	s2 =	ssub.s32 s5, s2;
	s30 =	spop (v2sf);
	s29 =	smulhi.u32 $0x92492493, s15  }
0xca: {  	s8 =	sadd.s32 s16, s8;
	s31 =	smulhi.u32 $0x92492493, s30;
	s1 =	sshra.s32 s30, $0x1F  }
0xcb: {  	s3 =	sadd.s32 s3, s10;
	s10 =	spop (v2sf);
	s16 =	smul.u32 $0x92492493, s1  }
0xcc: {  	s2 =	sadd.s32 s14, s2;
	s13 =	ssub.s32 s28, s13;
	s19 =	smulhi.u32 $0x92492493, s10  }
0xcd: {  	s6 =	ssub.s32 s6, s24;
	s5 =	ssub.s32 s31, s30;
	s30 =	smulhi.u32 $0x92492493, s25  }
0xce: {  	s24 =	sshra.s32 s24, $0x1F;
	s31 =	smulhi.u32 $0x92492493, s21;
	s5 =	sadd.s32 s16, s5  }
0xcf: {  	v4 =	vmov s9;
	s16 =	ssub.s32 s29, s15;
	s15 =	sshra.s32 s15, $0x1F;
	s29 =	smul.u32 $0x92492493, s24  }
0xd0: {  	v4 =	vnsel vm0, $0x0, v4;
	s13 =	sadd.s32 s20, s13;
	s28 =	spop (v2sf);
	s15 =	smul.u32 $0x92492493, s15  }
0xd1: {  	v4 =	vsel vm1, s11, v4;
	s14 =	ssub.s32 s30, s25;
	s1 =	ssub.s32 s31, s21;
	s30 =	sshra.s32 s10, $0x1F  }
0xd2: {  	v18 =	vmov s8;
	v20 =	vmov s7;
	v4 =	vsel vm2, s3, v4;
	s31 =	sadd.s32 s17, s1;
	s1 =	smulhi.u32 $0x92492493, s28;
	s25 =	sadd.s32 s15, s16  }
0xd3: {  	v20 =	vsel vm1, s4, v20;
	v4 =	vsel vm3, s13, v4;
	s9 =	sshra.s32 s28, $0x1F;
	s3 =	smul.u32 $0x92492493, s30;
	s6 =	sadd.s32 s29, s6;
	v18 =	vsel vm1, s25, v18  }
0xd4: {  	v20 =	vsel vm2, s2, v20;
	s11 =	ssub.s32 s19, s10;
	s13 =	sadd.s32 s22, s14;
	s14 =	smul.u32 $0x92492493, s9;
	v4 =	vsel vm4, s6, v4;
	v18 =	vsel vm2, s31, v18  }
0xd5: {  	v20 =	vsel vm3, s0, v20;
	s15 =	ssub.s32 s1, s28;
	s3 =	sadd.s32 s3, s11;
	v4 =	vsel vm5, s5, v4;
	v18 =	vsel vm3, s13, v18  }
0xd6: {  	s17 =	sadd.s32 s14, s15;
	v4 =	vsel vm6, s3, v4;
	v18 =	vcombine.low v18, v20  }
0xd7: {  	v1 =	vadd.s32 $0x2A0, v1;
	v4 =	vsel vm7, s17, v4  }
0xd8: {  	v2 =	vsel vm8, v3, v2;
	v4 =	vperm.xlane v4, v33;
	v18 =	vperm.xlane v18, v32  }
0xd9: {  	vm9 =	vmmov vm9;
	vm10 =	vmmov vm10;
	v2 =	vadd.s32 v8, v2  }
0xda: {  	v3 =	vsel vm8, v4, v18;
	v4 =	vshrl.u32 v2, $0x1F;
	v2 =	vshra.s32 v2, $0x4  }
0xdb: {  	v11 =	vadd.s32 v11, v17;
	v3 =	vadd.s32 v10, v3;
	v2 =	vadd.s32 v4, v2  }
0xdc: {  	v4 =	vshrl.u32 v3, $0x1F;
	v3 =	vshra.s32 v3, $0x4;
	v18 =	vmul.u32 $0xFFFFFFE4, v2  }
0xdd: {  	v3 =	vadd.s32 v4, v3;
	v4 =	vnsel vm11, $0x17, v19;
	v19 =	vsub.s32 $0x0, v8  }
0xde: {  	vm11 =	vlt.s32 v8, $0x1;
	v20 =	vmul.u32 $0xFFFFFFE4, v3;
	vm12 =	vne.s32 v18, v19  }
0xdf: {  	v9 =	vnsel vm9, $0x17, v9;
	v18 =	vsub.s32 $0x0, v10;
	vm11 =	vmand vm11, vm12  }
0xe0: {  	vm12 =	vlt.s32 v10, $0x1;
	vm13 =	vne.s32 v20, v18;
	v18 =	vsel vm11, $0xFFFFFFFF, v31  }
0xe1: {  	v13 =	vadd.s32 v13, v4;
	vm11 =	vmand vm12, vm13;
	v2 =	vadd.s32 v18, v2  }
0xe2: {  	v0 =	vadd.s32 v4, v0;
	v4 =	vmul.u32 $0xFFFFFFE4, v2;
	v17 =	vsel vm11, $0xFFFFFFFF, v31  }
0xe3: {  	vm9 =	vmmov vm10;
	v2 =	vmul.u32 $0x18, v2;
	v3 =	vadd.s32 v17, v3  }
0xe4: {  	v13 =	vadd.s32 $0x2A0, v13;
	v4 =	vadd.s32 v8, v4;
	v8 =	vmul.u32 $0xFFFFFFE4, v3  }
0xe5: {  	v2 =	vadd.s32 v2, v9;
	v3 =	vmul.u32 $0x18, v3;
	v4 =	vmul.u32 $0x18, v4  }
0xe6: {  	v12 =	vnsel vm9, $0x17, v12;
	s16 =	simm.s32 $0x0;
	v2 =	vadd.s32 $0x2A0, v2;
	v8 =	vadd.s32 v10, v8  }
0xe7: {  	v1 =	vld.idx.msk [tilespmem:v1+s16+$0x0], $0xffff;
	v3 =	vadd.s32 v3, v12;
	v4 =	vadd.s32 v9, v4;
	v8 =	vmul.u32 $0x18, v8  }
0xe8: {  	v0 =	vld.idx.msk [tilespmem:v0+s16+$0x0], $0xffff;
	v3 =	vadd.s32 $0x2A0, v3  }
0xe9: {  	v10 =	vld.idx.msk [tilespmem:v13+s16+$0x0], $0xffff;
	v8 =	vadd.s32 v12, v8  }
0xea: {  	v9 =	vld.idx.msk [tilespmem:v11+s16+$0x0], $0xffff  }
0xeb: {  	v2 =	vld.idx.msk [tilespmem:v2+s16+$0x0], $0xffff  }
0xec: {  	v4 =	vld.idx.msk [tilespmem:v4+s16+$0x0], $0xffff  }
0xed: {  	v5 =	vadd.f32 v5, v15;
	v3 =	vld.idx.msk [tilespmem:v3+s16+$0x0], $0xffff  }
0xee: {  	v11 =	vadd.f32 v14, v16;
	v8 =	vld.idx.msk [tilespmem:v8+s16+$0x0], $0xffff  }
0xef: {  	[tilespmem:s18+$0x10] =	vst v5;
	v0 =	vadd.f32 v10, v0  }
0xf0: {  	[tilespmem:s26+$0xFFFFFFE0] =	vst v11;
	v1 =	vadd.f32 v1, v9  }
0xf1: {  	[tilespmem:s18+$0xFFFFFFF0] =	vst v0  }
0xf2: {  	[tilespmem:s18+$0x0] =	vst v1;
	v1 =	vadd.f32 v2, v4  }
0xf3: {  	s19 =	rddreg [dreg:$0x3];
	v0 =	vadd.f32 v3, v8  }
0xf4: {  	[tilespmem:s19+$0xFFFFFFE0] =	vst v1  }
0xf5: {  	[tilespmem:s18+$0xFFFFFFE0] =	vst v0  }
0xf6: {  	v0 =	vld [tilespmem:$0x1FFC0]  }
0xf7: {  	v1 =	vld [tilespmem:$0x1FFD0];
	_ =	sdelay $0x5  }
0xf8: {  	s20 =	simm.s32 $0x0  }
0xf9: {  	v0 =	vld.idx.msk [tilespmem:v0+s20+$0x0], $0xffff  }
0xfa: {  	v1 =	vld.idx.msk [tilespmem:v1+s20+$0x0], $0xffff;
	_ =	sdelay $0x2  }
0xfb: {  	v38 =	vlaneseq.u32;
	s1 =	simm.s32 $0x10  }
0xfc: {  	v2 =	vor.u32 s1, v38  }
0xfd: {  	v0 =	vadd.f32 v1, v0;
	v1 =	vmulhi.u32 $0xAAAAAAAB, v2;
	_ =	sdelay $0x1  }
0xfe: {  	s21 =	simm.s32 $0x2510;
	[tilespmem:$0x24C0] =	vst v0;
	v0 =	vshrl.u32 v1, $0x3  }
0xff: {  	v0 =	vmul.u32 $0xC, v0;
	v1 =	vld [tilespmem:s21+$0x0];
	_ =	sdelay $0x1  }
0x100: {  	v0 =	vsub.s32 v2, v0  }
0x101: {  	v0 =	vmul.u32 $0x1C, v0  }
0x102: {  	v2 =	vor.u32 s20, v38  }
0x103: {  	v3 =	vmulhi.u32 $0xAAAAAAAB, v2;
	v0 =	vadd.s32 v0, v1  }
0x104: {  	v4 =	vmul.u32 $0x19, v0  }
0x105: {  	v0 =	vshrl.u32 v3, $0x3  }
0x106: {  	v1 =	vld [tilespmem:s21+$0xFFFFFFF0];
	v0 =	vmul.u32 $0xC, v0;
	v3 =	vbroadcast v4, $0x0;
	_ =	sdelay $0x1  }
0x107: {  	v0 =	vsub.s32 v2, v0;
	v2 =	vadd.s32 v38, v3  }
0x108: {  	v0 =	vmul.u32 $0x1C, v0;
	_ =	sdelay $0x1  }
0x109: {  	v0 =	vadd.s32 v0, v1;
	v1 =	vbroadcast v4, $0x1  }
0x10a: {  	v8 =	vmul.u32 $0x19, v0  }
0x10b: {  	v0 =	vsel vm8, v3, v1;
	v2 =	vld.idx.msk [tilespmem:v2+s12+$0x0], $0xffff  }
0x10c: {  	v3 =	vbroadcast v8, $0x0;
	v0 =	vadd.s32 v6, v0;
	_ =	sdelay $0x1  }
0x10d: {  	v5 =	vadd.s32 v38, v3  }
0x10e: {  	s18 =	simm.s32 $0x3E80  }
0x10f: {  	[tilespmem:s18+$0x0] =	vst v2  }
0x110: {  	v2 =	vbroadcast v8, $0x1;
	v0 =	vld.idx.msk [tilespmem:v0+s12+$0x0], $0xffff  }
0x111: {  	v1 =	vadd.s32 v7, v1  }
0x112: {  	v5 =	vld.idx.msk [tilespmem:v5+s12+$0x0], $0xffff;
	v3 =	vsel vm8, v3, v2  }
0x113: {  	v3 =	vadd.s32 v6, v3;
	_ =	sdelay $0x1  }
0x114: {  	v9 =	vbroadcast v4, $0x2;
	[tilespmem:s18+$0x10] =	vst v0  }
0x115: {  	v0 =	vld.idx.msk [tilespmem:v1+s12+$0x0], $0xffff  }
0x116: {  	[tilespmem:s18+$0xFFFFFE80] =	vst v5;
	v1 =	vadd.s32 v38, v9  }
0x117: {  	v3 =	vld.idx.msk [tilespmem:v3+s12+$0x0], $0xffff  }
0x118: {  	v2 =	vadd.s32 v7, v2  }
0x119: {  	v5 =	vbroadcast v4, $0x3  }
0x11a: {  	[tilespmem:s18+$0x20] =	vst v0  }
0x11b: {  	v0 =	vsel vm8, v9, v5;
	v1 =	vld.idx.msk [tilespmem:v1+s12+$0x0], $0xffff  }
0x11c: {  	v9 =	vbroadcast v8, $0x2;
	v0 =	vadd.s32 v6, v0;
	[tilespmem:s18+$0xFFFFFE90] =	vst v3  }
0x11d: {  	v2 =	vld.idx.msk [tilespmem:v2+s12+$0x0], $0xffff  }
0x11e: {  	s22 =	simm.s32 $0x30;
	v3 =	vadd.s32 v38, v9  }
0x11f: {  	v10 =	vor.u32 s22, v38  }
0x120: {  	v11 =	vmulhi.u32 $0xAAAAAAAB, v10;
	[tilespmem:s18+$0x30] =	vst v1  }
0x121: {  	s23 =	simm.s32 $0x2530;
	v1 =	vbroadcast v8, $0x3;
	v0 =	vld.idx.msk [tilespmem:v0+s12+$0x0], $0xffff  }
0x122: {  	v11 =	vshrl.u32 v11, $0x3;
	v12 =	vld [tilespmem:s23+$0x0];
	v5 =	vadd.s32 v7, v5;
	[tilespmem:s18+$0xFFFFFEA0] =	vst v2  }
0x123: {  	v2 =	vsel vm8, v9, v1;
	v9 =	vmul.u32 $0xC, v11;
	v3 =	vld.idx.msk [tilespmem:v3+s12+$0x0], $0xffff  }
0x124: {  	v11 =	vadd.s32 v6, v2  }
0x125: {  	v2 =	vsub.s32 v10, v9  }
0x126: {  	v9 =	vbroadcast v4, $0x4;
	v2 =	vmul.u32 $0x1C, v2;
	[tilespmem:s18+$0x40] =	vst v0  }
0x127: {  	v0 =	vld.idx.msk [tilespmem:v5+s12+$0x0], $0xffff  }
0x128: {  	s24 =	simm.s32 $0x20;
	v5 =	vadd.s32 v38, v9;
	v2 =	vadd.s32 v2, v12;
	[tilespmem:s18+$0xFFFFFEB0] =	vst v3  }
0x129: {  	v3 =	vor.u32 s24, v38;
	v2 =	vmul.u32 $0x19, v2;
	v10 =	vld.idx.msk [tilespmem:v11+s12+$0x0], $0xffff  }
0x12a: {  	v1 =	vadd.s32 v7, v1;
	v11 =	vmulhi.u32 $0xAAAAAAAB, v3  }
0x12b: {  	v12 =	vbroadcast v4, $0x5;
	v13 =	vbroadcast v2, $0x0  }
0x12c: {  	v14 =	vld [tilespmem:s23+$0xFFFFFFF0];
	v11 =	vshrl.u32 v11, $0x3;
	[tilespmem:s18+$0x50] =	vst v0  }
0x12d: {  	v0 =	vsel vm8, v9, v12;
	v9 =	vmul.u32 $0xC, v11;
	v11 =	vadd.s32 v38, v13;
	v5 =	vld.idx.msk [tilespmem:v5+s12+$0x0], $0xffff  }
0x12e: {  	v15 =	vbroadcast v8, $0x4;
	v0 =	vadd.s32 v6, v0;
	[tilespmem:s18+$0xFFFFFEC0] =	vst v10  }
0x12f: {  	v3 =	vsub.s32 v3, v9;
	v1 =	vld.idx.msk [tilespmem:v1+s12+$0x0], $0xffff  }
0x130: {  	v16 =	vbroadcast v2, $0x1;
	v9 =	vadd.s32 v38, v15;
	v3 =	vmul.u32 $0x1C, v3;
	_ =	sdelay $0x1  }
0x131: {  	v13 =	vsel vm8, v13, v16;
	v3 =	vadd.s32 v3, v14;
	[tilespmem:s18+$0x60] =	vst v5;
	v5 =	vld.idx.msk [tilespmem:v11+s12+$0x0], $0xffff  }
0x132: {  	v11 =	vbroadcast v8, $0x5;
	v10 =	vmul.u32 $0x19, v3;
	v3 =	vadd.s32 v6, v13;
	v0 =	vld.idx.msk [tilespmem:v0+s12+$0x0], $0xffff  }
0x133: {  	v12 =	vadd.s32 v7, v12;
	[tilespmem:s18+$0xFFFFFED0] =	vst v1  }
0x134: {  	v1 =	vsel vm8, v15, v11;
	v13 =	vbroadcast v10, $0x0;
	v9 =	vld.idx.msk [tilespmem:v9+s12+$0x0], $0xffff  }
0x135: {  	s19 =	simm.s32 $0x4180;
	v1 =	vadd.s32 v6, v1  }
0x136: {  	v14 =	vadd.s32 v38, v13;
	[tilespmem:s19+$0x0] =	vst v5  }
0x137: {  	v5 =	vbroadcast v4, $0x6;
	[tilespmem:s18+$0x70] =	vst v0;
	v0 =	vld.idx.msk [tilespmem:v3+s12+$0x0], $0xffff  }
0x138: {  	v3 =	vld.idx.msk [tilespmem:v12+s12+$0x0], $0xffff;
	v12 =	vadd.s32 v7, v16  }
0x139: {  	v15 =	vbroadcast v10, $0x1;
	v16 =	vadd.s32 v38, v5;
	[tilespmem:s18+$0xFFFFFEE0] =	vst v9  }
0x13a: {  	v1 =	vld.idx.msk [tilespmem:v1+s12+$0x0], $0xffff  }
0x13b: {  	v11 =	vadd.s32 v7, v11;
	v13 =	vsel vm8, v13, v15;
	v9 =	vld.idx.msk [tilespmem:v14+s12+$0x0], $0xffff  }
0x13c: {  	v17 =	vbroadcast v2, $0x2;
	v13 =	vadd.s32 v6, v13;
	v14 =	vbroadcast v4, $0x7;
	[tilespmem:s19+$0x10] =	vst v0  }
0x13d: {  	[tilespmem:s18+$0x80] =	vst v3;
	v0 =	vld.idx.msk [tilespmem:v12+s12+$0x0], $0xffff  }
0x13e: {  	v3 =	vsel vm8, v5, v14;
	v12 =	vadd.s32 v38, v17;
	v5 =	vld.idx.msk [tilespmem:v16+s12+$0x0], $0xffff  }
0x13f: {  	v16 =	vbroadcast v8, $0x6;
	[tilespmem:s18+$0xFFFFFEF0] =	vst v1  }
0x140: {  	v3 =	vadd.s32 v6, v3;
	[tilespmem:s19+$0xFFFFFE80] =	vst v9;
	v1 =	vld.idx.msk [tilespmem:v11+s12+$0x0], $0xffff  }
0x141: {  	v11 =	vadd.s32 v38, v16;
	v13 =	vld.idx.msk [tilespmem:v13+s12+$0x0], $0xffff  }
0x142: {  	v9 =	vbroadcast v2, $0x3;
	[tilespmem:s19+$0x20] =	vst v0;
	v0 =	vadd.s32 v7, v15  }
0x143: {  	[tilespmem:s18+$0x90] =	vst v5;
	v5 =	vld.idx.msk [tilespmem:v12+s12+$0x0], $0xffff  }
0x144: {  	v15 =	vsel vm8, v17, v9;
	v12 =	vbroadcast v8, $0x7  }
0x145: {  	v15 =	vadd.s32 v6, v15;
	v3 =	vld.idx.msk [tilespmem:v3+s12+$0x0], $0xffff;
	[tilespmem:s18+$0xFFFFFF00] =	vst v1  }
0x146: {  	v14 =	vadd.s32 v7, v14;
	v1 =	vbroadcast v10, $0x2;
	v16 =	vsel vm8, v16, v12;
	v11 =	vld.idx.msk [tilespmem:v11+s12+$0x0], $0xffff;
	[tilespmem:s19+$0xFFFFFE90] =	vst v13  }
0x147: {  	s25 =	simm.s32 $0x50;
	v13 =	vadd.s32 v6, v16;
	v0 =	vld.idx.msk [tilespmem:v0+s12+$0x0], $0xffff  }
0x148: {  	s26 =	simm.s32 $0x2550;
	v16 =	vor.u32 s25, v38;
	[tilespmem:s19+$0x30] =	vst v5;
	v5 =	vadd.s32 v38, v1  }
0x149: {  	v19 =	vld [tilespmem:s26+$0x0];
	v17 =	vmulhi.u32 $0xAAAAAAAB, v16  }
0x14a: {  	v15 =	vld.idx.msk [tilespmem:v15+s12+$0x0], $0xffff;
	[tilespmem:s18+$0xA0] =	vst v3;
	v3 =	vbroadcast v4, $0x8  }
0x14b: {  	v18 =	vbroadcast v10, $0x3;
	v9 =	vadd.s32 v7, v9;
	v17 =	vshrl.u32 v17, $0x3;
	v14 =	vld.idx.msk [tilespmem:v14+s12+$0x0], $0xffff;
	[tilespmem:s18+$0xFFFFFF10] =	vst v11  }
0x14c: {  	v11 =	vmul.u32 $0xC, v17;
	v17 =	vadd.s32 v38, v3;
	v13 =	vld.idx.msk [tilespmem:v13+s12+$0x0], $0xffff;
	[tilespmem:s19+$0xFFFFFEA0] =	vst v0  }
0x14d: {  	v0 =	vsel vm8, v1, v18;
	v1 =	vadd.s32 v7, v12;
	v12 =	vld.idx.msk [tilespmem:v5+s12+$0x0], $0xffff  }
0x14e: {  	v21 =	vbroadcast v4, $0x9;
	v5 =	vsub.s32 v16, v11;
	v0 =	vadd.s32 v6, v0  }
0x14f: {  	v11 =	vbroadcast v2, $0x4;
	v16 =	vmul.u32 $0x1C, v5;
	[tilespmem:s19+$0x40] =	vst v15  }
0x150: {  	v15 =	vsel vm8, v3, v21;
	v9 =	vld.idx.msk [tilespmem:v9+s12+$0x0], $0xffff;
	[tilespmem:s18+$0xB0] =	vst v14  }
0x151: {  	s28 =	simm.s32 $0x40;
	v14 =	vbroadcast v8, $0x8;
	v22 =	vadd.s32 v38, v11;
	v3 =	vadd.s32 v16, v19;
	v16 =	vld.idx.msk [tilespmem:v17+s12+$0x0], $0xffff;
	[tilespmem:s18+$0xFFFFFF20] =	vst v13  }
0x152: {  	v15 =	vadd.s32 v6, v15;
	v17 =	vor.u32 s28, v38;
	v3 =	vmul.u32 $0x19, v3;
	v1 =	vld.idx.msk [tilespmem:v1+s12+$0x0], $0xffff;
	[tilespmem:s19+$0xFFFFFEB0] =	vst v12  }
0x153: {  	v19 =	vadd.s32 v38, v14;
	v23 =	vmulhi.u32 $0xAAAAAAAB, v17;
	v0 =	vld.idx.msk [tilespmem:v0+s12+$0x0], $0xffff  }
0x154: {  	v12 =	vbroadcast v2, $0x5;
	v24 =	vbroadcast v3, $0x0  }
0x155: {  	v26 =	vld [tilespmem:s26+$0xFFFFFFF0];
	v25 =	vbroadcast v8, $0x9;
	v18 =	vadd.s32 v7, v18;
	[tilespmem:s19+$0x50] =	vst v9  }
0x156: {  	v9 =	vsel vm8, v11, v12;
	v11 =	vshrl.u32 v23, $0x3;
	v22 =	vld.idx.msk [tilespmem:v22+s12+$0x0], $0xffff;
	[tilespmem:s18+$0xC0] =	vst v16;
	v23 =	vadd.s32 v38, v24  }
0x157: {  	v11 =	vmul.u32 $0xC, v11;
	v9 =	vadd.s32 v6, v9;
	v15 =	vld.idx.msk [tilespmem:v15+s12+$0x0], $0xffff;
	[tilespmem:s18+$0xFFFFFF30] =	vst v1  }
0x158: {  	v29 =	vbroadcast v4, $0xA;
	v14 =	vsel vm8, v14, v25;
	v19 =	vld.idx.msk [tilespmem:v19+s12+$0x0], $0xffff;
	[tilespmem:s19+$0xFFFFFEC0] =	vst v0;
	v0 =	vadd.s32 v7, v21  }
0x159: {  	v27 =	vbroadcast v10, $0x4;
	v1 =	vsub.s32 v17, v11;
	v11 =	vadd.s32 v6, v14  }
0x15a: {  	v30 =	vbroadcast v4, $0xB;
	v17 =	vbroadcast v3, $0x1;
	v18 =	vld.idx.msk [tilespmem:v18+s12+$0x0], $0xffff  }
0x15b: {  	v54 =	vbroadcast v4, $0xF;
	v1 =	vmul.u32 $0x1C, v1;
	v21 =	vadd.s32 v38, v27;
	[tilespmem:s19+$0x60] =	vst v22;
	v22 =	vld.idx.msk [tilespmem:v23+s12+$0x0], $0xffff  }
0x15c: {  	v44 =	vbroadcast v8, $0xF;
	v20 =	vbroadcast v8, $0xB;
	v24 =	vsel vm8, v24, v17;
	v9 =	vld.idx.msk [tilespmem:v9+s12+$0x0], $0xffff;
	[tilespmem:s18+$0xD0] =	vst v15  }
0x15d: {  	v42 =	vbroadcast v2, $0x6;
	v1 =	vadd.s32 v1, v26;
	v15 =	vadd.s32 v6, v24;
	[tilespmem:s18+$0xFFFFFF40] =	vst v19;
	v19 =	vld.idx.msk [tilespmem:v0+s12+$0x0], $0xffff  }
0x15e: {  	v26 =	vadd.s32 v7, v12;
	v24 =	vbroadcast v10, $0x5;
	v1 =	vmul.u32 $0x19, v1;
	v31 =	vld.idx.msk [tilespmem:v11+s12+$0x0], $0xffff  }
0x15f: {  	s20 =	simm.s32 $0x4480;
	v5 =	vbroadcast v8, $0xD;
	v13 =	vbroadcast v8, $0xA;
	[tilespmem:s19+$0xFFFFFED0] =	vst v18;
	v18 =	vadd.s32 v38, v29  }
0x160: {  	v25 =	vadd.s32 v7, v25;
	v11 =	vsel vm8, v27, v24;
	v27 =	vbroadcast v1, $0x0;
	v21 =	vld.idx.msk [tilespmem:v21+s12+$0x0], $0xffff;
	[tilespmem:s20+$0x0] =	vst v22  }
0x161: {  	v16 =	vbroadcast v8, $0xC;
	v41 =	vadd.s32 v6, v11;
	v11 =	vbroadcast v4, $0xE;
	[tilespmem:s19+$0x70] =	vst v9  }
0x162: {  	v17 =	vadd.s32 v7, v17;
	v23 =	vbroadcast v4, $0xC;
	v34 =	vadd.s32 v38, v27;
	v15 =	vld.idx.msk [tilespmem:v15+s12+$0x0], $0xffff;
	[tilespmem:s18+$0xE0] =	vst v19  }
0x163: {  	v12 =	vbroadcast v8, $0xE;
	v0 =	vbroadcast v4, $0xD;
	v8 =	vsel vm8, v11, v54;
	v4 =	vld.idx.msk [tilespmem:v26+s12+$0x0], $0xffff;
	[tilespmem:s18+$0xFFFFFF50] =	vst v31  }
0x164: {  	v29 =	vsel vm8, v29, v30;
	v19 =	vadd.s32 v38, v42;
	v18 =	vld.idx.msk [tilespmem:v18+s12+$0x0], $0xffff;
	[tilespmem:$0x1FD70] =	vst v8  }
0x165: {  	[tilespmem:s19+$0xFFFFFEE0] =	vst v21;
	v21 =	vld.idx.msk [tilespmem:v25+s12+$0x0], $0xffff;
	v25 =	vadd.s32 v6, v29  }
0x166: {  	v43 =	vadd.s32 v38, v13;
	v26 =	vbroadcast v1, $0x1;
	v31 =	vld.idx.msk [tilespmem:v41+s12+$0x0], $0xffff  }
0x167: {  	v28 =	vsel vm8, v13, v20;
	v35 =	vbroadcast v3, $0x2;
	v34 =	vld.idx.msk [tilespmem:v34+s12+$0x0], $0xffff;
	[tilespmem:s20+$0x10] =	vst v15  }
0x168: {  	v24 =	vadd.s32 v7, v24;
	v13 =	vsel vm8, v27, v26;
	v29 =	vbroadcast v2, $0x7;
	[tilespmem:s19+$0x80] =	vst v4;
	v4 =	vld.idx.msk [tilespmem:v17+s12+$0x0], $0xffff  }
0x169: {  	v36 =	vadd.s32 v6, v13;
	v19 =	vld.idx.msk [tilespmem:v19+s12+$0x0], $0xffff;
	[tilespmem:s18+$0xF0] =	vst v18  }
0x16a: {  	v17 =	vsel vm8, v42, v29;
	v18 =	vadd.s32 v38, v35;
	[tilespmem:s18+$0xFFFFFF60] =	vst v21;
	v25 =	vld.idx.msk [tilespmem:v25+s12+$0x0], $0xffff  }
0x16b: {  	v37 =	vadd.s32 v6, v17;
	[tilespmem:s19+$0xFFFFFEF0] =	vst v31;
	v31 =	vld.idx.msk [tilespmem:v43+s12+$0x0], $0xffff  }
0x16c: {  	v45 =	vbroadcast v10, $0xF;
	v47 =	vbroadcast v10, $0x6;
	v30 =	vadd.s32 v7, v30;
	[tilespmem:s20+$0xFFFFFE80] =	vst v34  }
0x16d: {  	v46 =	vbroadcast v10, $0xD;
	v32 =	vbroadcast v3, $0x3;
	v28 =	vadd.s32 v6, v28;
	v24 =	vld.idx.msk [tilespmem:v24+s12+$0x0], $0xffff;
	[tilespmem:s20+$0x20] =	vst v4  }
0x16e: {  	v50 =	vbroadcast v10, $0xB;
	v48 =	vbroadcast v10, $0xC;
	v40 =	vadd.s32 v38, v47;
	v36 =	vld.idx.msk [tilespmem:v36+s12+$0x0], $0xffff;
	[tilespmem:s19+$0x90] =	vst v19  }
0x16f: {  	v26 =	vadd.s32 v7, v26;
	v4 =	vsel vm8, v35, v32;
	v61 =	vld.idx.msk [tilespmem:v18+s12+$0x0], $0xffff;
	v18 =	vbroadcast v2, $0xD;
	[tilespmem:s18+$0x100] =	vst v25  }
0x170: {  	v55 =	vbroadcast v10, $0xE;
	v27 =	vbroadcast v10, $0x8;
	v4 =	vadd.s32 v6, v4;
	v37 =	vld.idx.msk [tilespmem:v37+s12+$0x0], $0xffff;
	[tilespmem:s18+$0xFFFFFF70] =	vst v31  }
0x171: {  	s29 =	simm.s32 $0x60;
	v20 =	vadd.s32 v7, v20;
	v13 =	vbroadcast v10, $0xA;
	v41 =	vbroadcast v10, $0x7;
	v30 =	vld.idx.msk [tilespmem:v30+s12+$0x0], $0xffff;
	[tilespmem:$0x1FDA0] =	vst v18  }
0x172: {  	v15 =	vbroadcast v10, $0x9;
	v29 =	vadd.s32 v7, v29;
	[tilespmem:s19+$0xFFFFFF00] =	vst v24;
	v10 =	vld.idx.msk [tilespmem:v28+s12+$0x0], $0xffff;
	v24 =	vor.u32 s29, v38  }
0x173: {  	v63 =	vbroadcast v1, $0x2;
	v28 =	vsel vm8, v47, v41;
	[tilespmem:s20+$0xFFFFFE90] =	vst v36;
	v31 =	vld.idx.msk [tilespmem:v40+s12+$0x0], $0xffff;
	v62 =	vmulhi.u32 $0xAAAAAAAB, v24  }
0x174: {  	v28 =	vadd.s32 v6, v28;
	v26 =	vld.idx.msk [tilespmem:v26+s12+$0x0], $0xffff;
	[tilespmem:s20+$0x30] =	vst v61  }
0x175: {  	s30 =	simm.s32 $0x2570;
	v49 =	vadd.s32 v38, v63;
	v4 =	vld.idx.msk [tilespmem:v4+s12+$0x0], $0xffff;
	v33 =	vshrl.u32 v62, $0x3  }
0x176: {  	v60 =	vbroadcast v2, $0x8;
	v32 =	vadd.s32 v7, v32;
	v47 =	vld [tilespmem:s30+$0xFFFFFFF0];
	[tilespmem:s19+$0xA0] =	vst v37;
	v33 =	vmul.u32 $0xC, v33  }
0x177: {  	s31 =	simm.s32 $0x70;
	v39 =	vbroadcast v2, $0x9;
	v51 =	vbroadcast v1, $0x3;
	v22 =	vsel vm8, v23, v0;
	v29 =	vld.idx.msk [tilespmem:v29+s12+$0x0], $0xffff;
	[tilespmem:s18+$0xFFFFFF80] =	vst v10  }
0x178: {  	v23 =	vadd.s32 v38, v23;
	v42 =	vor.u32 s31, v38;
	v24 =	vsub.s32 v24, v33;
	[tilespmem:s19+$0xFFFFFF10] =	vst v31;
	v20 =	vld.idx.msk [tilespmem:v20+s12+$0x0], $0xffff  }
0x179: {  	v43 =	vmulhi.u32 $0xAAAAAAAB, v42;
	v10 =	vadd.s32 v38, v60;
	[tilespmem:s20+$0xFFFFFEA0] =	vst v26;
	v24 =	vmul.u32 $0x1C, v24;
	v28 =	vld.idx.msk [tilespmem:v28+s12+$0x0], $0xffff  }
0x17a: {  	v53 =	vadd.s32 v7, v41;
	v34 =	vbroadcast v3, $0x4;
	v58 =	vld.idx.msk [tilespmem:v49+s12+$0x0], $0xffff;
	[tilespmem:s20+$0x40] =	vst v4;
	v4 =	vadd.s32 v38, v16  }
0x17b: {  	v57 =	vshrl.u32 v43, $0x3;
	[tilespmem:s18+$0x110] =	vst v30;
	v31 =	vsel vm8, v63, v51;
	v30 =	vld.idx.msk [tilespmem:v32+s12+$0x0], $0xffff;
	v24 =	vadd.s32 v24, v47  }
0x17c: {  	v33 =	vld [tilespmem:s30+$0x0];
	v26 =	vmul.u32 $0xC, v57;
	[tilespmem:s19+$0xB0] =	vst v29;
	v61 =	vmul.u32 $0x19, v24;
	v24 =	vadd.s32 v6, v31  }
0x17d: {  	v22 =	vadd.s32 v6, v22;
	v25 =	vsel vm8, v60, v39;
	v23 =	vld.idx.msk [tilespmem:v23+s12+$0x0], $0xffff;
	[tilespmem:s18+$0xFFFFFF90] =	vst v20  }
0x17e: {  	v26 =	vsub.s32 v42, v26;
	v47 =	vadd.s32 v38, v34;
	v10 =	vld.idx.msk [tilespmem:v10+s12+$0x0], $0xffff;
	[tilespmem:s19+$0xFFFFFF20] =	vst v28  }
0x17f: {  	v18 =	vbroadcast v1, $0xA;
	v26 =	vmul.u32 $0x1C, v26;
	v29 =	vbroadcast v61, $0x0;
	[tilespmem:s20+$0xFFFFFEB0] =	vst v58;
	v4 =	vld.idx.msk [tilespmem:v4+s12+$0x0], $0xffff  }
0x180: {  	v25 =	vadd.s32 v6, v25;
	v36 =	vld.idx.msk [tilespmem:v53+s12+$0x0], $0xffff;
	[tilespmem:s20+$0x50] =	vst v30  }
0x181: {  	v20 =	vadd.s32 v26, v33;
	v26 =	vadd.s32 v38, v29;
	v24 =	vld.idx.msk [tilespmem:v24+s12+$0x0], $0xffff;
	[tilespmem:$0x1FDF0] =	vst v18  }
0x182: {  	v59 =	vbroadcast v2, $0xC;
	v14 =	vsel vm8, v16, v5;
	[tilespmem:s18+$0x120] =	vst v23  }
0x183: {  	v21 =	vsel vm8, v27, v15;
	v27 =	vadd.s32 v38, v27;
	v33 =	vbroadcast v3, $0x5;
	v32 =	vld.idx.msk [tilespmem:v47+s12+$0x0], $0xffff;
	[tilespmem:s19+$0xC0] =	vst v10  }
0x184: {  	v14 =	vadd.s32 v6, v14;
	v20 =	vmul.u32 $0x19, v20;
	v10 =	vld.idx.msk [tilespmem:v22+s12+$0x0], $0xffff;
	[tilespmem:s18+$0xFFFFFFA0] =	vst v4;
	v4 =	vbroadcast v3, $0x9  }
0x185: {  	v56 =	vbroadcast v2, $0xE;
	v16 =	vadd.s32 v7, v51;
	v23 =	vsel vm8, v34, v33;
	v25 =	vld.idx.msk [tilespmem:v25+s12+$0x0], $0xffff;
	[tilespmem:s19+$0xFFFFFF30] =	vst v36  }
0x186: {  	v52 =	vbroadcast v2, $0xF;
	v34 =	vbroadcast v20, $0x0;
	v23 =	vadd.s32 v6, v23;
	v26 =	vld.idx.msk [tilespmem:v26+s12+$0x0], $0xffff;
	[tilespmem:$0x1FD80] =	vst v4  }
0x187: {  	v8 =	vbroadcast v2, $0xB;
	v4 =	vbroadcast v3, $0xC;
	[tilespmem:s20+$0xFFFFFEC0] =	vst v24  }
0x188: {  	v17 =	vbroadcast v2, $0xA;
	v35 =	vbroadcast v3, $0x6;
	v53 =	vadd.s32 v38, v34;
	v27 =	vld.idx.msk [tilespmem:v27+s12+$0x0], $0xffff;
	[tilespmem:s20+$0x60] =	vst v32  }
0x189: {  	v2 =	vbroadcast v1, $0x5;
	v37 =	vbroadcast v3, $0x8;
	v24 =	vadd.s32 v7, v39;
	v14 =	vld.idx.msk [tilespmem:v14+s12+$0x0], $0xffff;
	[tilespmem:$0x1FE10] =	vst v4  }
0x18a: {  	v21 =	vadd.s32 v6, v21;
	v40 =	vbroadcast v3, $0xF;
	v31 =	vbroadcast v1, $0x4;
	v39 =	vld.idx.msk [tilespmem:v16+s12+$0x0], $0xffff;
	[tilespmem:s18+$0x130] =	vst v10  }
0x18b: {  	s22 =	simm.s32 $0x4780;
	v5 =	vadd.s32 v7, v5;
	v60 =	vbroadcast v3, $0xB;
	v32 =	vbroadcast v20, $0x1;
	v23 =	vld.idx.msk [tilespmem:v23+s12+$0x0], $0xffff;
	[tilespmem:s19+$0xD0] =	vst v25  }
0x18c: {  	v57 =	vbroadcast v3, $0xD;
	v28 =	vsel vm8, v31, v2;
	v10 =	vadd.s32 v38, v31;
	[tilespmem:s22+$0xFFFFFE80] =	vst v26  }
0x18d: {  	v18 =	vbroadcast v3, $0xA;
	v22 =	vbroadcast v3, $0x7;
	v16 =	vsel vm8, v34, v32;
	v25 =	vld.idx.msk [tilespmem:v53+s12+$0x0], $0xffff;
	[tilespmem:s19+$0xFFFFFF40] =	vst v27  }
0x18e: {  	v53 =	vbroadcast v3, $0xE;
	v24 =	vld.idx.msk [tilespmem:v24+s12+$0x0], $0xffff;
	v27 =	vadd.s32 v6, v28;
	v28 =	vbroadcast v61, $0x3;
	[tilespmem:s18+$0xFFFFFFB0] =	vst v14  }
0x18f: {  	v26 =	vadd.s32 v7, v33;
	v3 =	vadd.s32 v6, v16;
	v16 =	vbroadcast v61, $0x2;
	v21 =	vld.idx.msk [tilespmem:v21+s12+$0x0], $0xffff;
	[tilespmem:s20+$0xFFFFFED0] =	vst v39  }
0x190: {  	v5 =	vld.idx.msk [tilespmem:v5+s12+$0x0], $0xffff;
	v4 =	vadd.s32 v7, v28;
	[tilespmem:s20+$0x70] =	vst v23  }
0x191: {  	v39 =	vld.idx.msk [tilespmem:v10+s12+$0x0], $0xffff;
	[tilespmem:$0x1FD20] =	vst v4;
	v4 =	vsel vm8, v16, v28  }
0x192: {  	v0 =	vadd.s32 v7, v0;
	[tilespmem:$0x1FD30] =	vst v4  }
0x193: {  	v62 =	vadd.s32 v7, v15;
	v15 =	vbroadcast v20, $0x8;
	[tilespmem:s22+$0x0] =	vst v25  }
0x194: {  	v23 =	vld.idx.msk [tilespmem:v26+s12+$0x0], $0xffff;
	[tilespmem:s19+$0xE0] =	vst v24  }
0x195: {  	v3 =	vld.idx.msk [tilespmem:v3+s12+$0x0], $0xffff;
	[tilespmem:$0x1FE80] =	vst v15;
	v15 =	vbroadcast v20, $0x9  }
0x196: {  	v58 =	vadd.s32 v38, v17;
	[tilespmem:s19+$0xFFFFFF50] =	vst v21  }
0x197: {  	v0 =	vld.idx.msk [tilespmem:v0+s12+$0x0], $0xffff;
	[tilespmem:$0x1FF20] =	vst v15;
	v15 =	vbroadcast v20, $0xA;
	_ =	sdelay $0x1  }
0x198: {  	v4 =	vbroadcast v20, $0x6;
	v25 =	vbroadcast v20, $0x7;
	[tilespmem:$0x1FF50] =	vst v15  }
0x199: {  	[tilespmem:s18+$0xFFFFFFC0] =	vst v5  }
0x19a: {  	v21 =	vadd.s32 v7, v2;
	v2 =	vld.idx.msk [tilespmem:v58+s12+$0x0], $0xffff;
	[tilespmem:$0x1FD40] =	vst v4;
	v4 =	vsel vm8, v4, v25  }
0x19b: {  	v9 =	vsel vm8, v12, v44;
	v12 =	vadd.s32 v38, v12;
	[tilespmem:$0x1FD50] =	vst v4  }
0x19c: {  	[tilespmem:s20+$0xFFFFFEE0] =	vst v39  }
0x19d: {  	v19 =	vsel vm8, v17, v8;
	v17 =	vbroadcast v20, $0x3;
	[tilespmem:s20+$0x80] =	vst v23  }
0x19e: {  	v43 =	vbroadcast v20, $0xC;
	v31 =	vbroadcast v20, $0x2;
	v5 =	vld.idx.msk [tilespmem:v62+s12+$0x0], $0xffff;
	[tilespmem:s22+$0x10] =	vst v3;
	v3 =	vadd.s32 v7, v25  }
0x19f: {  	v14 =	vbroadcast v20, $0x4;
	v10 =	vbroadcast v20, $0x5;
	v23 =	vld.idx.msk [tilespmem:v27+s12+$0x0], $0xffff;
	[tilespmem:$0x1FD60] =	vst v3  }
0x1a0: {  	v28 =	vbroadcast v20, $0xF;
	v15 =	vbroadcast v20, $0xD;
	v3 =	vld.idx.msk [tilespmem:v12+s12+$0x0], $0xffff  }
0x1a1: {  	v58 =	vbroadcast v20, $0xE;
	v4 =	vbroadcast v20, $0xB;
	v20 =	vadd.s32 v38, v35;
	[tilespmem:s18+$0x140] =	vst v0  }
0x1a2: {  	[tilespmem:s19+$0xF0] =	vst v2;
	v2 =	vadd.s32 v38, v11  }
0x1a3: {  	v41 =	vsel vm8, v35, v22;
	v12 =	vadd.s32 v7, v32;
	[tilespmem:s19+$0xFFFFFF60] =	vst v5  }
0x1a4: {  	v11 =	vsel vm8, v13, v50;
	v5 =	vadd.s32 v38, v13;
	v13 =	vadd.s32 v6, v19;
	[tilespmem:s20+$0xFFFFFEF0] =	vst v23  }
0x1a5: {  	[tilespmem:s18+$0xFFFFFFD0] =	vst v3;
	v3 =	vadd.s32 v6, v41;
	v41 =	vadd.s32 v7, v8;
	v8 =	vadd.s32 v6, v11  }
0x1a6: {  	v20 =	vld.idx.msk [tilespmem:v20+s12+$0x0], $0xffff;
	[tilespmem:$0x1FF60] =	vst v8  }
0x1a7: {  	v11 =	vld.idx.msk [tilespmem:v2+s12+$0x0], $0xffff;
	v2 =	vsel vm8, v48, v46  }
0x1a8: {  	v63 =	vbroadcast v1, $0x9;
	v51 =	vbroadcast v1, $0x8;
	v8 =	vld.idx.msk [tilespmem:v12+s12+$0x0], $0xffff;
	[tilespmem:$0x1FD90] =	vst v2;
	v2 =	vsel vm8, v55, v45  }
0x1a9: {  	[tilespmem:$0x1FDB0] =	vst v2  }
0x1aa: {  	v2 =	vsel vm8, v51, v63;
	v12 =	vld.idx.msk [tilespmem:v13+s12+$0x0], $0xffff  }
0x1ab: {  	[tilespmem:$0x1FDE0] =	vst v2;
	v2 =	vld [tilespmem:$0x1FDF0];
	_ =	sdelay $0x2  }
0x1ac: {  	v47 =	vbroadcast v1, $0xB  }
0x1ad: {  	[tilespmem:$0x1FDC0] =	vst v63  }
0x1ae: {  	v49 =	vbroadcast v1, $0xD;
	v25 =	vbroadcast v1, $0xC;
	[tilespmem:$0x1FDD0] =	vst v51;
	v2 =	vsel vm8, v2, v47  }
0x1af: {  	v51 =	vld [tilespmem:$0x1FE10];
	[tilespmem:$0x1FE00] =	vst v2  }
0x1b0: {  	v34 =	vbroadcast v61, $0x1;
	v2 =	vsel vm8, v25, v49;
	v5 =	vld.idx.msk [tilespmem:v5+s12+$0x0], $0xffff;
	[tilespmem:$0x1FE20] =	vst v25  }
0x1b1: {  	v42 =	vbroadcast v1, $0xF;
	v30 =	vbroadcast v1, $0x6;
	[tilespmem:$0x1FE30] =	vst v2  }
0x1b2: {  	v24 =	vsel vm8, v29, v34;
	v62 =	vbroadcast v1, $0xE;
	v1 =	vbroadcast v1, $0x7;
	[tilespmem:$0x1FE40] =	vst v37  }
0x1b3: {  	v9 =	vadd.s32 v6, v9;
	v24 =	vadd.s32 v6, v24;
	v23 =	vld [tilespmem:$0x1FD70];
	[tilespmem:$0x1FE50] =	vst v18;
	v2 =	vsel vm8, v18, v60  }
0x1b4: {  	v0 =	vsel vm8, v30, v1;
	v29 =	vadd.s32 v7, v1;
	v19 =	vsel vm8, v31, v17;
	v1 =	vld [tilespmem:$0x1FD80];
	[tilespmem:$0x1FE60] =	vst v2  }
0x1b5: {  	v35 =	vadd.s32 v6, v19;
	v19 =	vld [tilespmem:$0x1FDA0];
	v2 =	vsel vm8, v51, v57;
	[tilespmem:s20+$0x90] =	vst v20  }
0x1b6: {  	v36 =	vadd.s32 v7, v34;
	v34 =	vld.idx.msk [tilespmem:v21+s12+$0x0], $0xffff;
	[tilespmem:$0x1FE70] =	vst v2  }
0x1b7: {  	v27 =	vadd.s32 v38, v30;
	v30 =	vadd.s32 v38, v31;
	[tilespmem:s22+$0x20] =	vst v8  }
0x1b8: {  	v32 =	vadd.s32 v6, v23;
	v23 =	vbroadcast v61, $0x4;
	v2 =	vbroadcast v61, $0x5;
	v31 =	vld.idx.msk [tilespmem:v24+s12+$0x0], $0xffff;
	[tilespmem:s18+$0x150] =	vst v11  }
0x1b9: {  	v9 =	vld.idx.msk [tilespmem:v9+s12+$0x0], $0xffff;
	[tilespmem:s19+$0x100] =	vst v12  }
0x1ba: {  	v33 =	vld.idx.msk [tilespmem:v3+s12+$0x0], $0xffff;
	[tilespmem:$0x1FE90] =	vst v2;
	v2 =	vsel vm8, v23, v2  }
0x1bb: {  	v20 =	vbroadcast v61, $0x8;
	v11 =	vbroadcast v61, $0x9;
	[tilespmem:$0x1FEA0] =	vst v2  }
0x1bc: {  	v12 =	vld [tilespmem:$0x1FE80];
	[tilespmem:s19+$0xFFFFFF70] =	vst v5  }
0x1bd: {  	v25 =	vsel vm8, v37, v1;
	v37 =	vld.idx.msk [tilespmem:v30+s12+$0x0], $0xffff;
	v5 =	vsel vm8, v20, v11;
	[tilespmem:$0x1FEB0] =	vst v11  }
0x1be: {  	v2 =	vbroadcast v61, $0xA;
	[tilespmem:$0x1FEC0] =	vst v5  }
0x1bf: {  	v24 =	vbroadcast v61, $0xB;
	[tilespmem:s20+$0xFFFFFF00] =	vst v34  }
0x1c0: {  	v21 =	vbroadcast v61, $0xC;
	v32 =	vld.idx.msk [tilespmem:v32+s12+$0x0], $0xffff;
	[tilespmem:$0x1FED0] =	vst v2  }
0x1c1: {  	v8 =	vbroadcast v61, $0xD;
	v11 =	vsel vm8, v2, v24;
	[tilespmem:$0x1FEE0] =	vst v24;
	v2 =	vsel vm8, v14, v10  }
0x1c2: {  	[tilespmem:$0x1FEF0] =	vst v2  }
0x1c3: {  	v5 =	vsel vm8, v21, v8;
	v34 =	vld.idx.msk [tilespmem:v41+s12+$0x0], $0xffff  }
0x1c4: {  	[tilespmem:$0x1FF10] =	vst v5;
	v5 =	vld [tilespmem:$0x1FF20];
	_ =	sdelay $0x4  }
0x1c5: {  	v5 =	vsel vm8, v12, v5  }
0x1c6: {  	[tilespmem:$0x1FF30] =	vst v5;
	v5 =	vld [tilespmem:$0x1FF50];
	_ =	sdelay $0x4  }
0x1c7: {  	[tilespmem:$0x1FF40] =	vst v4;
	v24 =	vsel vm8, v5, v4;
	v4 =	vld [tilespmem:$0x1FF60];
	_ =	sdelay $0x6  }
0x1c8: {  	[tilespmem:$0x1FF00] =	vst v8  }
0x1c9: {  	v2 =	vbroadcast v61, $0xE;
	v30 =	vld.idx.msk [tilespmem:v4+s12+$0x0], $0xffff;
	[tilespmem:$0x1FF70] =	vst v15  }
0x1ca: {  	v22 =	vadd.s32 v7, v22;
	v39 =	vsel vm8, v56, v52;
	v18 =	vbroadcast v61, $0xF;
	[tilespmem:$0x1FF80] =	vst v43  }
0x1cb: {  	v0 =	vadd.s32 v6, v0;
	v38 =	vsel vm8, v53, v40;
	v4 =	vsel vm8, v43, v15;
	[tilespmem:$0x1FFA0] =	vst v2  }
0x1cc: {  	s23 =	simm.s32 $0x6;
	v13 =	vbroadcast v61, $0x6;
	v26 =	vsel vm8, v59, v19;
	v2 =	vsel vm8, v2, v18;
	[tilespmem:$0x1FF90] =	vst v4  }
0x1cd: {  	s21 =	simm.s32 $0x4780;
	s24 =	simm.s32 $0x80;
	s25 =	simm.s32 $0x2590;
	v63 =	vmovc v19;
	v19 =	vsel vm8, v62, v42;
	v3 =	vmov v61;
	v41 =	vsel vm8, v58, v28;
	[tilespmem:$0x1FFB0] =	vst v2  }
.LBB2_4:
0x1ce: {  	v5 =	vmov v45;
	_ =	sdelay $0x2  }
0x1cf: {  	[tilespmem:$0x1FCB0] =	vst v5;
	v5 =	vmov v18  }
0x1d0: {  	[tilespmem:$0x1FC70] =	vst v5;
	v5 =	vld [tilespmem:$0x1FD30];
	_ =	sdelay $0x1  }
0x1d1: {  	[tilespmem:s22+$0x30] =	vst v37  }
0x1d2: {  	v35 =	vld.idx.msk [tilespmem:v35+s12+$0x0], $0xffff;
	[tilespmem:s20+$0xA0] =	vst v33  }
0x1d3: {  	[tilespmem:s19+$0x110] =	vst v34  }
0x1d4: {  	v17 =	vadd.s32 v7, v17;
	v34 =	vld.idx.msk [tilespmem:v22+s12+$0x0], $0xffff;
	v15 =	vadd.s32 v6, v5;
	v5 =	vmov v49  }
0x1d5: {  	[tilespmem:$0x1FCE0] =	vst v5;
	v5 =	vld [tilespmem:$0x1FD90]  }
0x1d6: {  	[tilespmem:$0x1FC30] =	vst v39;
	v39 =	vld.idx.msk [tilespmem:v27+s12+$0x0], $0xffff  }
0x1d7: {  	v27 =	vadd.s32 v7, v44;
	v44 =	vld [tilespmem:s25+$0x0];
	[tilespmem:s18+$0x160] =	vst v32  }
0x1d8: {  	[tilespmem:s22+$0x40] =	vst v35  }
0x1d9: {  	v17 =	vld.idx.msk [tilespmem:v17+s12+$0x0], $0xffff  }
0x1da: {  	[tilespmem:s20+$0xB0] =	vst v34;
	v34 =	vadd.s32 v6, v5;
	v5 =	vld [tilespmem:$0x1FF00]  }
0x1db: {  	v2 =	vlaneseq.u32  }
0x1dc: {  	[tilespmem:$0x1FC90] =	vst v38;
	v38 =	vor.u32 s24, v2  }
0x1dd: {  	v61 =	vmulhi.u32 $0xAAAAAAAB, v38;
	_ =	sdelay $0x1  }
0x1de: {  	[tilespmem:$0x1FCA0] =	vst v41;
	v41 =	vshrl.u32 v61, $0x3;
	v61 =	vadd.s32 v7, v50;
	v50 =	vmov v5;
	v5 =	vld [tilespmem:$0x1FEA0];
	_ =	sdelay $0x4  }
0x1df: {  	v32 =	vadd.s32 v6, v5;
	v5 =	vmov v47  }
0x1e0: {  	[tilespmem:$0x1FD10] =	vst v5;
	v5 =	vld [tilespmem:$0x1FEE0];
	_ =	sdelay $0x4  }
0x1e1: {  	[tilespmem:$0x1FC40] =	vst v11;
	v11 =	vmov v5;
	v5 =	vld [tilespmem:$0x1FE20]  }
0x1e2: {  	[tilespmem:$0x1FC60] =	vst v40;
	s0 =	sadd.s32 $0x10, s24  }
0x1e3: {  	[tilespmem:s22+$0xFFFFFE90] =	vst v31;
	v40 =	vor.u32 s0, v2  }
0x1e4: {  	v36 =	vld.idx.msk [tilespmem:v36+s12+$0x0], $0xffff;
	v31 =	vmulhi.u32 $0xAAAAAAAB, v40  }
0x1e5: {  	v37 =	vadd.s32 v7, v54;
	v54 =	vadd.s32 v6, v26;
	v26 =	vld [tilespmem:s25+$0xFFFFFFF0]  }
0x1e6: {  	v31 =	vshrl.u32 v31, $0x3;
	v4 =	vmov v42;
	[tilespmem:s19+$0xFFFFFF80] =	vst v30;
	v8 =	vmov v5;
	v5 =	vld [tilespmem:$0x1FEF0]  }
0x1e7: {  	[tilespmem:$0x1FCC0] =	vst v4;
	v31 =	vmul.u32 $0xC, v31  }
0x1e8: {  	[tilespmem:s20+$0xFFFFFF10] =	vst v39;
	v4 =	vld [tilespmem:$0x1FE40]  }
0x1e9: {  	v16 =	vadd.s32 v2, v16;
	v40 =	vsub.s32 v40, v31;
	v31 =	vadd.s32 v2, v23;
	v23 =	vld.idx.msk [tilespmem:v0+s12+$0x0], $0xffff  }
0x1ea: {  	v0 =	vld [tilespmem:$0x1FDD0]  }
0x1eb: {  	v41 =	vmul.u32 $0xC, v41;
	[tilespmem:$0x1FD00] =	vst v8;
	v8 =	vld [tilespmem:$0x1FEC0];
	v43 =	vadd.s32 v6, v5;
	v5 =	vmov v21  }
0x1ec: {  	v45 =	vadd.s32 v2, v59;
	[tilespmem:$0x1FE20] =	vst v5;
	v5 =	vld [tilespmem:$0x1FDE0]  }
0x1ed: {  	v30 =	vsub.s32 v38, v41;
	[tilespmem:s22+$0xFFFFFEA0] =	vst v36  }
0x1ee: {  	[tilespmem:$0x1FC20] =	vst v24;
	v30 =	vmul.u32 $0x1C, v30;
	v16 =	vld.idx.msk [tilespmem:v16+s12+$0x0], $0xffff  }
0x1ef: {  	v24 =	vmovc v20;
	v22 =	vadd.s32 v7, v46;
	v46 =	vmul.u32 $0x1C, v40;
	v33 =	vld.idx.msk [tilespmem:v61+s12+$0x0], $0xffff;
	v4 =	vadd.s32 v2, v4  }
0x1f0: {  	v14 =	vadd.s32 v2, v14;
	[tilespmem:$0x1FDD0] =	vst v24;
	v36 =	vadd.s32 v2, v0;
	v0 =	vadd.s32 v30, v26  }
0x1f1: {  	v35 =	vld.idx.msk [tilespmem:v45+s12+$0x0], $0xffff;
	v30 =	vadd.s32 v46, v44;
	[tilespmem:s20+$0xFFFFFF20] =	vst v23;
	v44 =	vadd.s32 v6, v5;
	v5 =	vmov v8  }
0x1f2: {  	v26 =	vadd.s32 v2, v48;
	v0 =	vmul.u32 $0x19, v0;
	[tilespmem:$0x1FDE0] =	vst v5;
	v5 =	vld [tilespmem:$0x1FE30]  }
0x1f3: {  	v42 =	vld.idx.msk [tilespmem:v29+s12+$0x0], $0xffff;
	[tilespmem:s22+$0xFFFFFEB0] =	vst v16  }
0x1f4: {  	[tilespmem:s19+$0xFFFFFF90] =	vst v33;
	v39 =	vbroadcast v0, $0x0;
	v4 =	vld.idx.msk [tilespmem:v4+s12+$0x0], $0xffff  }
0x1f5: {  	v20 =	vld.idx.msk [tilespmem:v37+s12+$0x0], $0xffff;
	v41 =	vbroadcast v0, $0x5;
	v23 =	vbroadcast v0, $0x4;
	[tilespmem:s22+$0x50] =	vst v17  }
0x1f6: {  	v25 =	vadd.s32 v6, v25;
	v46 =	vld.idx.msk [tilespmem:v14+s12+$0x0], $0xffff;
	[tilespmem:s19+$0x120] =	vst v35  }
0x1f7: {  	v24 =	vld.idx.msk [tilespmem:v26+s12+$0x0], $0xffff;
	[tilespmem:$0x1FC80] =	vst v11;
	v11 =	vadd.s32 v2, v39;
	v8 =	vmov v5;
	v5 =	vsel vm8, v23, v41  }
0x1f8: {  	[tilespmem:$0x1FEA0] =	vst v5;
	v5 =	vld [tilespmem:$0x1FF10]  }
0x1f9: {  	v59 =	vld.idx.msk [tilespmem:v15+s12+$0x0], $0xffff;
	[tilespmem:s20+$0xC0] =	vst v4  }
0x1fa: {  	v48 =	vld.idx.msk [tilespmem:v54+s12+$0x0], $0xffff  }
0x1fb: {  	v25 =	vld.idx.msk [tilespmem:v25+s12+$0x0], $0xffff;
	[tilespmem:s18+$0x170] =	vst v20  }
0x1fc: {  	v38 =	vmul.u32 $0x19, v30;
	v20 =	vbroadcast v0, $0x8;
	v47 =	vld.idx.msk [tilespmem:v11+s12+$0x0], $0xffff;
	[tilespmem:s20+$0xFFFFFF30] =	vst v42;
	v42 =	vbroadcast v0, $0x9  }
0x1fd: {  	[tilespmem:s22+$0x60] =	vst v46;
	v15 =	vmov v5;
	v5 =	vmov v12  }
0x1fe: {  	v30 =	vbroadcast v38, $0x0;
	[tilespmem:$0x1FE40] =	vst v5;
	v5 =	vsel vm8, v20, v42  }
0x1ff: {  	[tilespmem:$0x1FEC0] =	vst v5;
	v5 =	vld [tilespmem:$0x1FD20]  }
0x200: {  	v49 =	vadd.s32 v2, v30;
	v36 =	vld.idx.msk [tilespmem:v36+s12+$0x0], $0xffff;
	[tilespmem:s19+$0xFFFFFFA0] =	vst v24  }
0x201: {  	[tilespmem:s22+$0xFFFFFEC0] =	vst v59  }
0x202: {  	v33 =	vbroadcast v38, $0x1;
	v43 =	vld.idx.msk [tilespmem:v43+s12+$0x0], $0xffff;
	[tilespmem:s19+$0x130] =	vst v48  }
0x203: {  	v40 =	vadd.s32 v7, v63;
	v63 =	vmovc v3;
	v3 =	vmovc v55;
	v17 =	vbroadcast v38, $0x3;
	v26 =	vbroadcast v38, $0x2;
	[tilespmem:s20+$0xD0] =	vst v25  }
0x204: {  	v45 =	vsel vm8, v30, v33;
	v55 =	vld.idx.msk [tilespmem:v34+s12+$0x0], $0xffff;
	[tilespmem:$0x1FD90] =	vst v8;
	v8 =	vmov v53;
	v53 =	vadd.s32 v7, v1  }
0x205: {  	v4 =	vsel vm8, v26, v17;
	v25 =	vadd.s32 v6, v45;
	v45 =	vld.idx.msk [tilespmem:v49+s12+$0x0], $0xffff  }
0x206: {  	[tilespmem:$0x1FCD0] =	vst v4;
	s22 =	sadd.s32 $0x300, s22;
	v1 =	vld [tilespmem:$0x1FF20]  }
0x207: {  	v10 =	vadd.s32 v7, v10;
	v12 =	vmov v57;
	v57 =	vld.idx.msk [tilespmem:v5+s12+$0x0], $0xffff;
	[tilespmem:s22+$0xFFFFFE80] =	vst v47  }
0x208: {  	v40 =	vld.idx.msk [tilespmem:v40+s12+$0x0], $0xffff;
	[tilespmem:s20+$0xFFFFFF40] =	vst v36  }
0x209: {  	v36 =	vld.idx.msk [tilespmem:v53+s12+$0x0], $0xffff;
	[tilespmem:s21+$0x70] =	vst v43  }
0x20a: {  	v37 =	vbroadcast v0, $0x3;
	[tilespmem:s22+$0x0] =	vst v45  }
0x20b: {  	v61 =	vbroadcast v38, $0x7;
	v4 =	vmovc v1;
	v1 =	vmov v56;
	v56 =	vbroadcast v38, $0x6;
	v44 =	vld.idx.msk [tilespmem:v44+s12+$0x0], $0xffff;
	[tilespmem:s19+$0xFFFFFFB0] =	vst v55  }
0x20c: {  	v35 =	vadd.s32 v7, v37;
	v45 =	vld.idx.msk [tilespmem:v10+s12+$0x0], $0xffff;
	[tilespmem:s21+$0xFFFFFED0] =	vst v57  }
0x20d: {  	v49 =	vsel vm8, v56, v61;
	v5 =	vmov v35;
	v35 =	vadd.s32 v7, v61;
	v61 =	vld.idx.msk [tilespmem:v31+s12+$0x0], $0xffff  }
0x20e: {  	v31 =	vld [tilespmem:$0x1FEB0]  }
0x20f: {  	v42 =	vmov v42;
	v22 =	vld.idx.msk [tilespmem:v22+s12+$0x0], $0xffff;
	[tilespmem:s18+$0xFFFFFFE0] =	vst v9  }
0x210: {  	v29 =	vbroadcast v0, $0x1;
	[tilespmem:$0x1FEB0] =	vst v42;
	v42 =	vld.idx.msk [tilespmem:v25+s12+$0x0], $0xffff  }
0x211: {  	[tilespmem:s20+$0xE0] =	vst v36;
	v36 =	vadd.s32 v2, v3;
	v3 =	vld [tilespmem:$0x1FD40]  }
0x212: {  	v39 =	vsel vm8, v39, v29;
	v43 =	vld.idx.msk [tilespmem:v27+s12+$0x0], $0xffff  }
0x213: {  	v16 =	vbroadcast v0, $0x2;
	v39 =	vadd.s32 v6, v39;
	v27 =	vmovc v41;
	v41 =	vmov v31;
	v31 =	vld [tilespmem:$0x1FF50];
	_ =	sdelay $0x1  }
0x214: {  	v11 =	vbroadcast v0, $0xB;
	v21 =	vsel vm8, v16, v37;
	v37 =	vbroadcast v0, $0xA  }
0x215: {  	v46 =	vbroadcast v38, $0xA  }
0x216: {  	[tilespmem:$0x1FEE0] =	vst v11;
	v34 =	vsel vm8, v37, v11;
	v11 =	vld [tilespmem:$0x1FE90]  }
0x217: {  	[tilespmem:$0x1FE90] =	vst v27;
	v27 =	vmov v31;
	v31 =	vld.idx.msk [tilespmem:v39+s12+$0x0], $0xffff;
	v39 =	vadd.s32 v2, v3;
	v3 =	vmov v46  }
0x218: {  	[tilespmem:$0x1FF50] =	vst v3;
	v3 =	vld [tilespmem:$0x1FF80];
	_ =	sdelay $0x1  }
0x219: {  	v14 =	vbroadcast v38, $0x4;
	v30 =	vmov v52;
	v52 =	vbroadcast v38, $0x5  }
0x21a: {  	[tilespmem:$0x1FCF0] =	vst v50;
	v50 =	vbroadcast v38, $0xC;
	v48 =	vadd.s32 v7, v11;
	v11 =	vmovc v58;
	v58 =	vbroadcast v38, $0xD  }
0x21b: {  	v18 =	vbroadcast v0, $0xD;
	v24 =	vbroadcast v0, $0xC;
	[tilespmem:$0x1FD20] =	vst v5;
	v5 =	vsel vm8, v14, v52  }
0x21c: {  	v59 =	vmovc v51;
	v9 =	vsel vm8, v50, v58;
	v51 =	vmovc v3;
	v3 =	vmov v50;
	v50 =	vadd.s32 v2, v1;
	v1 =	vld [tilespmem:$0x1FD60]  }
0x21d: {  	[tilespmem:$0x1FEF0] =	vst v5;
	v5 =	vsel vm8, v24, v18  }
0x21e: {  	[tilespmem:$0x1FF10] =	vst v5;
	v5 =	vbroadcast v38, $0x9  }
0x21f: {  	[tilespmem:$0x1FD30] =	vst v21;
	v21 =	vbroadcast v38, $0x8  }
0x220: {  	[tilespmem:$0x1FF20] =	vst v5  }
0x221: {  	v55 =	vsel vm8, v21, v5;
	v5 =	vld [tilespmem:$0x1FDC0];
	[tilespmem:s19+$0xFFFFFFC0] =	vst v22;
	v22 =	vmov v1;
	v1 =	vmov v35  }
0x222: {  	[tilespmem:$0x1FD60] =	vst v1;
	v1 =	vld [tilespmem:$0x1FF30];
	_ =	sdelay $0x3  }
0x223: {  	[tilespmem:$0x1FC50] =	vst v19;
	v57 =	vadd.s32 v7, v5;
	v5 =	vld [tilespmem:$0x1FE50]  }
0x224: {  	v19 =	vbroadcast v0, $0xF;
	[tilespmem:$0x1FF00] =	vst v18;
	v25 =	vmov v1;
	v1 =	vld [tilespmem:$0x1FDF0]  }
0x225: {  	v54 =	vbroadcast v0, $0x6;
	v47 =	vmovc v28;
	v28 =	vbroadcast v0, $0xE;
	[tilespmem:$0x1FF80] =	vst v3;
	v3 =	vmovc v0;
	v0 =	vmov v55  }
0x226: {  	[tilespmem:$0x1FF30] =	vst v0;
	v0 =	vld [tilespmem:$0x1FF70]  }
0x227: {  	[tilespmem:$0x1FE30] =	vst v15  }
0x228: {  	v15 =	vmov v62;
	v53 =	vbroadcast v38, $0xB;
	v62 =	vadd.s32 v2, v5;
	[tilespmem:s21+$0xFFFFFEE0] =	vst v61;
	v61 =	vld [tilespmem:$0x1FED0]  }
0x229: {  	[tilespmem:s20+$0xFFFFFF50] =	vst v44;
	v35 =	vadd.s32 v2, v1;
	v1 =	vld [tilespmem:$0x1FE60]  }
0x22a: {  	v37 =	vmov v37;
	v18 =	vmov v60;
	v60 =	vsel vm8, v46, v53;
	[tilespmem:$0x1FDC0] =	vst v41;
	v46 =	vld.idx.msk [tilespmem:v57+s12+$0x0], $0xffff  }
0x22b: {  	[tilespmem:$0x1FED0] =	vst v37;
	v32 =	vld.idx.msk [tilespmem:v32+s12+$0x0], $0xffff;
	v57 =	vmov v0;
	v0 =	vmov v58  }
0x22c: {  	v33 =	vadd.s32 v7, v33;
	[tilespmem:$0x1FF70] =	vst v0;
	v0 =	vld [tilespmem:$0x1FFA0]  }
0x22d: {  	v10 =	vmov v52;
	[tilespmem:s18+$0xFFFFFFF0] =	vst v43;
	s18 =	smov.u32 s19;
	s19 =	smov.u32 s20;
	s20 =	smov.u32 s21;
	v52 =	vld.idx.msk [tilespmem:v62+s12+$0x0], $0xffff  }
0x22e: {  	[tilespmem:s20+$0x80] =	vst v45;
	v62 =	vmov v61;
	v1 =	vadd.s32 v6, v1  }
0x22f: {  	[tilespmem:s22+$0x10] =	vst v42  }
0x230: {  	v37 =	vld.idx.msk [tilespmem:v39+s12+$0x0], $0xffff;
	[tilespmem:$0x1FDF0] =	vst v62  }
0x231: {  	v41 =	vsel vm8, v28, v19;
	v62 =	vmov v0;
	v0 =	vmov v28;
	v28 =	vld.idx.msk [tilespmem:v33+s12+$0x0], $0xffff;
	[tilespmem:s18+$0x140] =	vst v40  }
0x232: {  	[tilespmem:s19+$0xF0] =	vst v52  }
0x233: {  	v45 =	vld.idx.msk [tilespmem:v1+s12+$0x0], $0xffff  }
0x234: {  	v1 =	vmov v4;
	v4 =	vld [tilespmem:$0x1FC20];
	_ =	sdelay $0x4  }
0x235: {  	[tilespmem:$0x1FE50] =	vst v27;
	v27 =	vadd.s32 v2, v13;
	v42 =	vadd.s32 v2, v26;
	v2 =	vmov v4  }
0x236: {  	[tilespmem:$0x1FE60] =	vst v2;
	v2 =	vld [tilespmem:$0x1FE70];
	_ =	sdelay $0x3  }
0x237: {  	v4 =	vld [tilespmem:$0x1FF90]  }
0x238: {  	v26 =	vmov v2;
	v2 =	vld [tilespmem:$0x1FC30];
	_ =	sdelay $0x2  }
0x239: {  	v43 =	vbroadcast v63, $0x7;
	v63 =	vmov v12;
	v12 =	vld [tilespmem:$0x1FDB0]  }
0x23a: {  	v36 =	vld.idx.msk [tilespmem:v36+s12+$0x0], $0xffff;
	[tilespmem:s20+$0xFFFFFEF0] =	vst v32;
	v4 =	vmov v4  }
0x23b: {  	[tilespmem:$0x1FE70] =	vst v4;
	v4 =	vld [tilespmem:$0x1FC40];
	v32 =	vadd.s32 v6, v2;
	v2 =	vmov v9  }
0x23c: {  	[tilespmem:$0x1FF90] =	vst v2;
	v2 =	vld [tilespmem:$0x1FF40]  }
0x23d: {  	v56 =	vmov v56;
	_ =	sdelay $0x2  }
0x23e: {  	[tilespmem:$0x1FD40] =	vst v56;
	v56 =	vmov v8;
	v33 =	vadd.s32 v6, v12;
	v12 =	vmov v21  }
0x23f: {  	v21 =	vmovc v24;
	v24 =	vmovc v60;
	v8 =	vmov v4;
	v4 =	vld [tilespmem:$0x1FC50];
	v60 =	vmov v2;
	v2 =	vmov v53  }
0x240: {  	[tilespmem:$0x1FF40] =	vst v2;
	v2 =	vld [tilespmem:$0x1FE00];
	_ =	sdelay $0x4  }
0x241: {  	v55 =	vmov v15;
	v15 =	vld [tilespmem:$0x1FD50];
	v61 =	vadd.s32 v6, v2;
	v2 =	vmov v4  }
0x242: {  	[tilespmem:$0x1FDB0] =	vst v2;
	v2 =	vld [tilespmem:$0x1FFB0];
	_ =	sdelay $0x3  }
0x243: {  	v39 =	vadd.s32 v6, v15  }
0x244: {  	[tilespmem:s19+$0xFFFFFF60] =	vst v46;
	v15 =	vmovc v49;
	v49 =	vadd.s32 v7, v18;
	v18 =	vmovc v19;
	v19 =	vmov v2;
	v2 =	vmov v41  }
0x245: {  	[tilespmem:$0x1FFB0] =	vst v2;
	v2 =	vld [tilespmem:$0x1FC60]  }
0x246: {  	v48 =	vld.idx.msk [tilespmem:v48+s12+$0x0], $0xffff  }
0x247: {  	v40 =	vld.idx.msk [tilespmem:v50+s12+$0x0], $0xffff  }
0x248: {  	v50 =	vld [tilespmem:$0x1FD10]  }
0x249: {  	v46 =	vld.idx.msk [tilespmem:v35+s12+$0x0], $0xffff;
	[tilespmem:s20+$0x90] =	vst v37  }
0x24a: {  	[tilespmem:s22+$0x20] =	vst v28;
	v52 =	vmov v2;
	v2 =	vld [tilespmem:$0x1FC90]  }
0x24b: {  	v37 =	vld.idx.msk [tilespmem:v42+s12+$0x0], $0xffff  }
0x24c: {  	[tilespmem:s18+$0xFFFFFFD0] =	vst v36;
	v42 =	vld [tilespmem:$0x1FC70]  }
0x24d: {  	v9 =	vld.idx.msk [tilespmem:v33+s12+$0x0], $0xffff  }
0x24e: {  	v33 =	vld.idx.msk [tilespmem:v39+s12+$0x0], $0xffff  }
0x24f: {  	v39 =	vmov v2;
	v2 =	vld [tilespmem:$0x1FCA0]  }
0x250: {  	v5 =	vbroadcast v38, $0xE;
	v38 =	vbroadcast v38, $0xF;
	[tilespmem:s18+$0x150] =	vst v40;
	v40 =	vmov v47;
	v47 =	vld [tilespmem:$0x1FC80]  }
0x251: {  	[tilespmem:s19+$0x100] =	vst v45;
	v45 =	vld [tilespmem:$0x1FCC0]  }
0x252: {  	[tilespmem:s19+$0xFFFFFF70] =	vst v46;
	v46 =	vld [tilespmem:$0x1FCE0]  }
0x253: {  	s23 =	sadd.s32 $0x2, s23;
	[tilespmem:s20+$0xFFFFFF00] =	vst v48;
	v48 =	vld [tilespmem:$0x1FD00]  }
0x254: {  	p0 =	slt.u32 s23, $0x5E;
	v44 =	vsel vm8, v5, v38;
	v28 =	vmov v38;
	v38 =	vmov v2;
	v2 =	vld [tilespmem:$0x1FCD0]  }
.Ltmp1:
0x255: {  	v32 =	vld.idx.msk [tilespmem:v32+s12+$0x0], $0xffff;
	(pc) =	sbr.rel @p0 .LBB2_4-.Ltmp1, $4  }
0x256: {  	[tilespmem:$0x1FD50] =	vst v15;
	v53 =	vmov v11;
	v11 =	vmov v34;
	v34 =	vld.idx.msk [tilespmem:v49+s12+$0x0], $0xffff  }
0x257: {  	[tilespmem:$0x1FFA0] =	vst v0;
	v0 =	vsel vm8, v13, v43;
	v49 =	vld [tilespmem:$0x1FCF0]  }
0x258: {  	v13 =	vmovc v54;
	v54 =	vmov v30;
	v0 =	vadd.s32 v6, v0;
	v36 =	vadd.s32 v7, v29;
	v30 =	vld.idx.msk [tilespmem:v61+s12+$0x0], $0xffff  }
0x259: {  	s24 =	sadd.s32 $0x20, s24;
	s25 =	sadd.s32 $0x20, s25;
	s21 =	smov.u32 s22;
	v58 =	vmovc v5;
	v29 =	vadd.s32 v7, v43;
	[tilespmem:$0x1FE00] =	vst v8;
	v41 =	vmov v44;
	v44 =	vld [tilespmem:$0x1FCB0];
	v35 =	vadd.s32 v6, v2  }
0x25a: {  	_ =	sdelay $0x2  }
0x25b: {  	[tilespmem:s22+$0xFFFFFE90] =	vst v31  }
0x25c: {  	v5 =	vld.idx.msk [tilespmem:v36+s12+$0x0], $0xffff;
	_ =	sdelay $0x3  }
0x25d: {  	v61 =	vlaneseq.u32  }
0x25e: {  	v16 =	vadd.s32 v61, v16;
	[tilespmem:s22+$0xFFFFFEA0] =	vst v5  }
0x25f: {  	v2 =	vld [tilespmem:$0x1FD30];
	_ =	sdelay $0x3  }
0x260: {  	v5 =	vld.idx.msk [tilespmem:v16+s12+$0x0], $0xffff  }
0x261: {  	v15 =	vadd.s32 v6, v2;
	_ =	sdelay $0x2  }
0x262: {  	[tilespmem:s22+$0x30] =	vst v37  }
0x263: {  	[tilespmem:s22+$0xFFFFFEB0] =	vst v5;
	v5 =	vld.idx.msk [tilespmem:v35+s12+$0x0], $0xffff  }
0x264: {  	v15 =	vld.idx.msk [tilespmem:v15+s12+$0x0], $0xffff;
	_ =	sdelay $0x3  }
0x265: {  	[tilespmem:s22+$0x40] =	vst v5  }
0x266: {  	[tilespmem:s22+$0xFFFFFEC0] =	vst v15  }
0x267: {  	v2 =	vld [tilespmem:$0x1FD20];
	_ =	sdelay $0x1  }
0x268: {  	v16 =	vadd.s32 v7, v17;
	_ =	sdelay $0x4  }
0x269: {  	v5 =	vld.idx.msk [tilespmem:v16+s12+$0x0], $0xffff  }
0x26a: {  	v15 =	vld.idx.msk [tilespmem:v2+s12+$0x0], $0xffff;
	_ =	sdelay $0x3  }
0x26b: {  	[tilespmem:s22+$0x50] =	vst v5  }
0x26c: {  	v14 =	vadd.s32 v61, v14;
	[tilespmem:s21+$0xFFFFFED0] =	vst v15  }
0x26d: {  	v2 =	vld [tilespmem:$0x1FEF0]  }
0x26e: {  	v16 =	vadd.s32 v61, v23;
	_ =	sdelay $0x2  }
0x26f: {  	v5 =	vld.idx.msk [tilespmem:v14+s12+$0x0], $0xffff  }
0x270: {  	v14 =	vadd.s32 v6, v2;
	v2 =	vld [tilespmem:$0x1FEA0]  }
0x271: {  	v15 =	vld.idx.msk [tilespmem:v16+s12+$0x0], $0xffff;
	_ =	sdelay $0x3  }
0x272: {  	[tilespmem:s22+$0x60] =	vst v5;
	v16 =	vadd.s32 v6, v2  }
0x273: {  	[tilespmem:s21+$0xFFFFFEE0] =	vst v15  }
0x274: {  	v2 =	vld [tilespmem:$0x1FE90];
	_ =	sdelay $0x1  }
0x275: {  	v5 =	vld.idx.msk [tilespmem:v14+s12+$0x0], $0xffff  }
0x276: {  	v10 =	vadd.s32 v7, v10;
	v14 =	vld.idx.msk [tilespmem:v16+s12+$0x0], $0xffff;
	_ =	sdelay $0x1  }
0x277: {  	v15 =	vadd.s32 v7, v2;
	_ =	sdelay $0x1  }
0x278: {  	[tilespmem:s21+$0x70] =	vst v5  }
0x279: {  	v5 =	vld.idx.msk [tilespmem:v10+s12+$0x0], $0xffff;
	[tilespmem:s21+$0xFFFFFEF0] =	vst v14  }
0x27a: {  	v2 =	vld [tilespmem:$0x1FD40]  }
0x27b: {  	v14 =	vld.idx.msk [tilespmem:v15+s12+$0x0], $0xffff;
	_ =	sdelay $0x3  }
0x27c: {  	[tilespmem:s21+$0x80] =	vst v5  }
0x27d: {  	v10 =	vadd.s32 v61, v2;
	[tilespmem:s21+$0xFFFFFF00] =	vst v14  }
0x27e: {  	v2 =	vld [tilespmem:$0x1FD50];
	_ =	sdelay $0x2  }
0x27f: {  	v15 =	vadd.s32 v61, v13;
	v5 =	vld.idx.msk [tilespmem:v27+s12+$0x0], $0xffff  }
0x280: {  	v10 =	vld.idx.msk [tilespmem:v10+s12+$0x0], $0xffff  }
0x281: {  	v14 =	vadd.s32 v6, v2;
	_ =	sdelay $0x1  }
0x282: {  	v16 =	vbroadcast v3, $0x7  }
0x283: {  	v15 =	vld.idx.msk [tilespmem:v15+s12+$0x0], $0xffff;
	[tilespmem:s20+$0xFFFFFF10] =	vst v5  }
0x284: {  	v13 =	vsel vm8, v13, v16;
	v0 =	vld.idx.msk [tilespmem:v0+s12+$0x0], $0xffff;
	[tilespmem:s21+$0x90] =	vst v10  }
0x285: {  	v13 =	vadd.s32 v6, v13;
	v5 =	vld.idx.msk [tilespmem:v14+s12+$0x0], $0xffff;
	_ =	sdelay $0x1  }
0x286: {  	[tilespmem:s20+$0xA0] =	vst v33  }
0x287: {  	[tilespmem:s21+$0xFFFFFF10] =	vst v15  }
0x288: {  	[tilespmem:s20+$0xFFFFFF20] =	vst v0  }
0x289: {  	v10 =	vld.idx.msk [tilespmem:v13+s12+$0x0], $0xffff;
	[tilespmem:s21+$0xA0] =	vst v5  }
0x28a: {  	v2 =	vld [tilespmem:$0x1FE40];
	_ =	sdelay $0x3  }
0x28b: {  	[tilespmem:s21+$0xFFFFFF20] =	vst v10  }
0x28c: {  	v4 =	vadd.s32 v61, v2;
	v2 =	vld [tilespmem:$0x1FDD0];
	_ =	sdelay $0x4  }
0x28d: {  	v10 =	vadd.s32 v61, v2;
	v2 =	vld [tilespmem:$0x1FD60];
	_ =	sdelay $0x1  }
0x28e: {  	v13 =	vadd.s32 v7, v16;
	_ =	sdelay $0x2  }
0x28f: {  	v0 =	vld.idx.msk [tilespmem:v22+s12+$0x0], $0xffff  }
0x290: {  	v5 =	vld.idx.msk [tilespmem:v29+s12+$0x0], $0xffff  }
0x291: {  	v13 =	vld.idx.msk [tilespmem:v13+s12+$0x0], $0xffff  }
0x292: {  	v14 =	vld.idx.msk [tilespmem:v2+s12+$0x0], $0xffff;
	_ =	sdelay $0x1  }
0x293: {  	[tilespmem:s20+$0xB0] =	vst v0  }
0x294: {  	v15 =	vadd.s32 v61, v12;
	[tilespmem:s20+$0xFFFFFF30] =	vst v5  }
0x295: {  	v16 =	vadd.s32 v61, v20;
	[tilespmem:s21+$0xFFFFFF30] =	vst v13  }
0x296: {  	v0 =	vld.idx.msk [tilespmem:v4+s12+$0x0], $0xffff;
	[tilespmem:s21+$0xB0] =	vst v14  }
0x297: {  	v3 =	vld [tilespmem:$0x1FF30]  }
0x298: {  	v5 =	vld.idx.msk [tilespmem:v10+s12+$0x0], $0xffff  }
0x299: {  	v10 =	vld.idx.msk [tilespmem:v15+s12+$0x0], $0xffff  }
0x29a: {  	v4 =	vadd.s32 v6, v25;
	v13 =	vld.idx.msk [tilespmem:v16+s12+$0x0], $0xffff  }
0x29b: {  	v2 =	vld [tilespmem:$0x1FDE0]  }
0x29c: {  	v12 =	vadd.s32 v6, v3;
	v3 =	vld [tilespmem:$0x1FEC0];
	[tilespmem:s20+$0xC0] =	vst v0  }
0x29d: {  	[tilespmem:s20+$0xFFFFFF40] =	vst v5  }
0x29e: {  	[tilespmem:s21+$0xC0] =	vst v10  }
0x29f: {  	[tilespmem:s21+$0xFFFFFF40] =	vst v13;
	v0 =	vld.idx.msk [tilespmem:v4+s12+$0x0], $0xffff  }
0x2a0: {  	v4 =	vadd.s32 v7, v1;
	v1 =	vld [tilespmem:$0x1FDC0];
	_ =	sdelay $0x2  }
0x2a1: {  	v2 =	vadd.s32 v6, v2;
	_ =	sdelay $0x1  }
0x2a2: {  	v5 =	vadd.s32 v7, v1;
	v1 =	vld [tilespmem:$0x1FF20];
	_ =	sdelay $0x2  }
0x2a3: {  	v2 =	vld.idx.msk [tilespmem:v2+s12+$0x0], $0xffff  }
0x2a4: {  	v14 =	vadd.s32 v6, v3;
	v10 =	vld.idx.msk [tilespmem:v12+s12+$0x0], $0xffff  }
0x2a5: {  	v12 =	vadd.s32 v7, v1;
	v1 =	vld [tilespmem:$0x1FEB0];
	_ =	sdelay $0x1  }
0x2a6: {  	[tilespmem:s20+$0xD0] =	vst v0  }
0x2a7: {  	[tilespmem:s20+$0xFFFFFF50] =	vst v2  }
0x2a8: {  	v13 =	vld.idx.msk [tilespmem:v14+s12+$0x0], $0xffff;
	[tilespmem:s21+$0xD0] =	vst v10  }
0x2a9: {  	v8 =	vadd.s32 v7, v1;
	v1 =	vld [tilespmem:$0x1FE50];
	_ =	sdelay $0x3  }
0x2aa: {  	[tilespmem:s21+$0xFFFFFF50] =	vst v13  }
0x2ab: {  	v2 =	vadd.s32 v61, v1;
	v1 =	vld [tilespmem:$0x1FDF0];
	_ =	sdelay $0x2  }
0x2ac: {  	v0 =	vld.idx.msk [tilespmem:v4+s12+$0x0], $0xffff  }
0x2ad: {  	v4 =	vld.idx.msk [tilespmem:v5+s12+$0x0], $0xffff  }
0x2ae: {  	v5 =	vadd.s32 v61, v1;
	v1 =	vld [tilespmem:$0x1FF50];
	_ =	sdelay $0x2  }
0x2af: {  	v10 =	vld.idx.msk [tilespmem:v12+s12+$0x0], $0xffff  }
0x2b0: {  	v8 =	vld.idx.msk [tilespmem:v8+s12+$0x0], $0xffff;
	[tilespmem:s19+$0x110] =	vst v34  }
0x2b1: {  	v12 =	vadd.s32 v61, v1;
	v1 =	vld [tilespmem:$0x1FED0];
	_ =	sdelay $0x1  }
0x2b2: {  	[tilespmem:s20+$0xE0] =	vst v0  }
0x2b3: {  	[tilespmem:s20+$0xFFFFFF60] =	vst v4  }
0x2b4: {  	[tilespmem:s21+$0xE0] =	vst v10  }
0x2b5: {  	v0 =	vadd.s32 v7, v50;
	v3 =	vadd.s32 v61, v1;
	v1 =	vld [tilespmem:$0x1FE60];
	[tilespmem:s21+$0xFFFFFF60] =	vst v8  }
0x2b6: {  	v8 =	vld [tilespmem:$0x1FE00]  }
0x2b7: {  	v2 =	vld.idx.msk [tilespmem:v2+s12+$0x0], $0xffff  }
0x2b8: {  	v4 =	vadd.s32 v61, v59;
	v10 =	vld.idx.msk [tilespmem:v12+s12+$0x0], $0xffff  }
0x2b9: {  	v5 =	vld.idx.msk [tilespmem:v5+s12+$0x0], $0xffff;
	v12 =	vadd.s32 v6, v24;
	[tilespmem:s19+$0xFFFFFF80] =	vst v30  }
0x2ba: {  	v0 =	vld.idx.msk [tilespmem:v0+s12+$0x0], $0xffff;
	v1 =	vadd.s32 v6, v1  }
0x2bb: {  	[tilespmem:s18+$0x160] =	vst v32;
	v3 =	vld.idx.msk [tilespmem:v3+s12+$0x0], $0xffff;
	v8 =	vadd.s32 v6, v8  }
0x2bc: {  	[tilespmem:s20+$0xF0] =	vst v2  }
0x2bd: {  	v13 =	vadd.s32 v6, v11;
	v4 =	vld.idx.msk [tilespmem:v4+s12+$0x0], $0xffff;
	[tilespmem:s21+$0xF0] =	vst v10  }
0x2be: {  	v14 =	vadd.s32 v7, v54;
	[tilespmem:s20+$0xFFFFFF70] =	vst v5;
	v12 =	vld.idx.msk [tilespmem:v12+s12+$0x0], $0xffff  }
0x2bf: {  	[tilespmem:s19+$0xFFFFFF90] =	vst v0;
	v1 =	vld.idx.msk [tilespmem:v1+s12+$0x0], $0xffff  }
0x2c0: {  	v2 =	vadd.s32 v61, v48;
	[tilespmem:s21+$0xFFFFFF70] =	vst v3;
	v8 =	vld.idx.msk [tilespmem:v8+s12+$0x0], $0xffff  }
0x2c1: {  	v0 =	vld [tilespmem:$0x1FF40]  }
0x2c2: {  	v5 =	vadd.s32 v7, v60;
	v3 =	vld.idx.msk [tilespmem:v13+s12+$0x0], $0xffff  }
0x2c3: {  	v13 =	vld.idx.msk [tilespmem:v14+s12+$0x0], $0xffff;
	[tilespmem:s19+$0x120] =	vst v4  }
0x2c4: {  	v10 =	vadd.s32 v7, v47;
	v4 =	vld [tilespmem:$0x1FEE0]  }
0x2c5: {  	v2 =	vld.idx.msk [tilespmem:v2+s12+$0x0], $0xffff;
	[tilespmem:s20+$0x100] =	vst v1  }
0x2c6: {  	v1 =	vld [tilespmem:$0x1FD90];
	[tilespmem:s20+$0xFFFFFF80] =	vst v8  }
0x2c7: {  	v11 =	vadd.s32 v6, v26;
	v5 =	vld.idx.msk [tilespmem:v5+s12+$0x0], $0xffff;
	[tilespmem:s21+$0x100] =	vst v12  }
0x2c8: {  	v0 =	vadd.s32 v7, v0;
	v12 =	vld [tilespmem:$0x1FE20];
	[tilespmem:s21+$0xFFFFFF80] =	vst v3  }
0x2c9: {  	v4 =	vadd.s32 v7, v4;
	v10 =	vld.idx.msk [tilespmem:v10+s12+$0x0], $0xffff;
	[tilespmem:s18+$0x170] =	vst v13  }
0x2ca: {  	v8 =	vadd.s32 v61, v51;
	v3 =	vld [tilespmem:$0x1FF80];
	_ =	sdelay $0x1  }
0x2cb: {  	v11 =	vld.idx.msk [tilespmem:v11+s12+$0x0], $0xffff;
	v1 =	vadd.s32 v6, v1  }
0x2cc: {  	[tilespmem:s19+$0xFFFFFFA0] =	vst v2;
	v0 =	vld.idx.msk [tilespmem:v0+s12+$0x0], $0xffff;
	v12 =	vadd.s32 v61, v12  }
0x2cd: {  	[tilespmem:s20+$0x110] =	vst v5;
	v4 =	vld.idx.msk [tilespmem:v4+s12+$0x0], $0xffff  }
0x2ce: {  	v8 =	vld.idx.msk [tilespmem:v8+s12+$0x0], $0xffff;
	[tilespmem:s20+$0xFFFFFF90] =	vst v10;
	v3 =	vadd.s32 v61, v3  }
0x2cf: {  	v10 =	vld [tilespmem:$0x1FE70]  }
0x2d0: {  	v2 =	vadd.s32 v61, v21;
	v1 =	vld.idx.msk [tilespmem:v1+s12+$0x0], $0xffff  }
0x2d1: {  	[tilespmem:s21+$0x110] =	vst v0;
	v12 =	vld.idx.msk [tilespmem:v12+s12+$0x0], $0xffff  }
0x2d2: {  	v5 =	vadd.s32 v7, v46;
	v0 =	vld [tilespmem:$0x1FE30];
	[tilespmem:s21+$0xFFFFFF90] =	vst v4  }
0x2d3: {  	[tilespmem:s19+$0x130] =	vst v11;
	v3 =	vld.idx.msk [tilespmem:v3+s12+$0x0], $0xffff  }
0x2d4: {  	v11 =	vadd.s32 v7, v63;
	v4 =	vld [tilespmem:$0x1FF90]  }
0x2d5: {  	v10 =	vadd.s32 v6, v10;
	v2 =	vld.idx.msk [tilespmem:v2+s12+$0x0], $0xffff;
	[tilespmem:s19+$0xFFFFFFB0] =	vst v1  }
0x2d6: {  	v1 =	vld [tilespmem:$0x1FF10];
	[tilespmem:s20+$0x120] =	vst v8  }
0x2d7: {  	v0 =	vadd.s32 v6, v0;
	v5 =	vld.idx.msk [tilespmem:v5+s12+$0x0], $0xffff;
	[tilespmem:s20+$0xFFFFFFA0] =	vst v12  }
0x2d8: {  	[tilespmem:s18+$0xFFFFFFE0] =	vst v9  }
0x2d9: {  	v8 =	vadd.s32 v7, v44;
	v9 =	vld.idx.msk [tilespmem:v11+s12+$0x0], $0xffff;
	[tilespmem:s21+$0x120] =	vst v3  }
0x2da: {  	v4 =	vadd.s32 v6, v4;
	v10 =	vld.idx.msk [tilespmem:v10+s12+$0x0], $0xffff;
	[tilespmem:s21+$0xFFFFFFA0] =	vst v2  }
0x2db: {  	v2 =	vld [tilespmem:$0x1FF70]  }
0x2dc: {  	v1 =	vadd.s32 v6, v1;
	v0 =	vld.idx.msk [tilespmem:v0+s12+$0x0], $0xffff;
	[tilespmem:s19+$0xFFFFFFC0] =	vst v5  }
0x2dd: {  	v12 =	vadd.s32 v7, v57;
	v5 =	vld [tilespmem:$0x1FF00]  }
0x2de: {  	v11 =	vadd.s32 v61, v56;
	v8 =	vld.idx.msk [tilespmem:v8+s12+$0x0], $0xffff  }
0x2df: {  	v3 =	vadd.s32 v7, v49;
	v4 =	vld.idx.msk [tilespmem:v4+s12+$0x0], $0xffff  }
0x2e0: {  	[tilespmem:s20+$0x130] =	vst v10;
	v2 =	vadd.s32 v7, v2  }
0x2e1: {  	v10 =	vadd.s32 v61, v55;
	[tilespmem:s19+$0x140] =	vst v9;
	v1 =	vld.idx.msk [tilespmem:v1+s12+$0x0], $0xffff  }
0x2e2: {  	v12 =	vld.idx.msk [tilespmem:v12+s12+$0x0], $0xffff;
	[tilespmem:s20+$0xFFFFFFB0] =	vst v0;
	v5 =	vadd.s32 v7, v5  }
0x2e3: {  	[tilespmem:s18+$0xFFFFFFF0] =	vst v8;
	v8 =	vld.idx.msk [tilespmem:v11+s12+$0x0], $0xffff  }
0x2e4: {  	v0 =	vld.idx.msk [tilespmem:v3+s12+$0x0], $0xffff;
	[tilespmem:s21+$0x130] =	vst v4  }
0x2e5: {  	v3 =	vadd.s32 v61, v53;
	v2 =	vld.idx.msk [tilespmem:v2+s12+$0x0], $0xffff  }
0x2e6: {  	v4 =	vadd.s32 v61, v62;
	v10 =	vld.idx.msk [tilespmem:v10+s12+$0x0], $0xffff;
	[tilespmem:s21+$0xFFFFFFB0] =	vst v1  }
0x2e7: {  	v1 =	vld.idx.msk [tilespmem:v5+s12+$0x0], $0xffff  }
0x2e8: {  	v9 =	vld [tilespmem:$0x1FFA0];
	[tilespmem:s20+$0x140] =	vst v12  }
0x2e9: {  	v12 =	vld [tilespmem:$0x1FDB0];
	[tilespmem:s20+$0xFFFFFFC0] =	vst v0  }
0x2ea: {  	v5 =	vadd.s32 v61, v58;
	v0 =	vld.idx.msk [tilespmem:v3+s12+$0x0], $0xffff;
	[tilespmem:s21+$0x140] =	vst v2  }
0x2eb: {  	[tilespmem:s19+$0x150] =	vst v8;
	v3 =	vld.idx.msk [tilespmem:v4+s12+$0x0], $0xffff;
	v4 =	vadd.s32 v6, v38  }
0x2ec: {  	v2 =	vadd.s32 v6, v19;
	[tilespmem:s19+$0xFFFFFFD0] =	vst v10  }
0x2ed: {  	v9 =	vadd.s32 v61, v9;
	[tilespmem:s21+$0xFFFFFFC0] =	vst v1  }
0x2ee: {  	v11 =	vadd.s32 v6, v39;
	v10 =	vld [tilespmem:$0x1FFB0]  }
0x2ef: {  	v1 =	vld.idx.msk [tilespmem:v5+s12+$0x0], $0xffff;
	v12 =	vadd.s32 v6, v12;
	[tilespmem:s20+$0x150] =	vst v0  }
0x2f0: {  	[tilespmem:s20+$0xFFFFFFD0] =	vst v3;
	v3 =	vld.idx.msk [tilespmem:v4+s12+$0x0], $0xffff  }
0x2f1: {  	v2 =	vld.idx.msk [tilespmem:v2+s12+$0x0], $0xffff  }
0x2f2: {  	v8 =	vadd.s32 v6, v41;
	v5 =	vld.idx.msk [tilespmem:v9+s12+$0x0], $0xffff  }
0x2f3: {  	v9 =	vld.idx.msk [tilespmem:v11+s12+$0x0], $0xffff;
	v10 =	vadd.s32 v6, v10  }
0x2f4: {  	v4 =	vadd.s32 v7, v40;
	[tilespmem:s21+$0x150] =	vst v1;
	v11 =	vld.idx.msk [tilespmem:v12+s12+$0x0], $0xffff  }
0x2f5: {  	v1 =	vadd.s32 v7, v42;
	[tilespmem:s20+$0x160] =	vst v3  }
0x2f6: {  	v12 =	vadd.s32 v7, v52;
	[tilespmem:s20+$0xFFFFFFE0] =	vst v2  }
0x2f7: {  	v0 =	vadd.s32 v7, v45;
	[tilespmem:s21+$0xFFFFFFD0] =	vst v5;
	v5 =	vld.idx.msk [tilespmem:v8+s12+$0x0], $0xffff  }
0x2f8: {  	[tilespmem:s19+$0x160] =	vst v9;
	v9 =	vadd.s32 v7, v28;
	v8 =	vld.idx.msk [tilespmem:v10+s12+$0x0], $0xffff  }
0x2f9: {  	v3 =	vld.idx.msk [tilespmem:v4+s12+$0x0], $0xffff;
	[tilespmem:s19+$0xFFFFFFE0] =	vst v11;
	v11 =	vadd.s32 v7, v18  }
0x2fa: {  	v1 =	vld.idx.msk [tilespmem:v1+s12+$0x0], $0xffff  }
0x2fb: {  	v10 =	vld.idx.msk [tilespmem:v12+s12+$0x0], $0xffff  }
0x2fc: {  	v0 =	vld.idx.msk [tilespmem:v0+s12+$0x0], $0xffff;
	[tilespmem:s21+$0x160] =	vst v5  }
0x2fd: {  	v2 =	vld.idx.msk [tilespmem:v9+s12+$0x0], $0xffff;
	[tilespmem:s21+$0xFFFFFFE0] =	vst v8  }
0x2fe: {  	[tilespmem:s20+$0x170] =	vst v3;
	v4 =	vld.idx.msk [tilespmem:v11+s12+$0x0], $0xffff  }
0x2ff: {  	[tilespmem:s20+$0xFFFFFFF0] =	vst v1  }
0x300: {  	[tilespmem:s19+$0x170] =	vst v10  }
0x301: {  	[tilespmem:s19+$0xFFFFFFF0] =	vst v0  }
0x302: {  	[tilespmem:s21+$0x170] =	vst v2  }
0x303: {  	s0 =	simm.s32 $0x610;
	[tilespmem:s21+$0xFFFFFFF0] =	vst v4  }
0x304: {  	s4 =	simm.s32 $0x3D00;
	s15 =	simm.s32 $0x10;
	v0 =	vor.u32 s0, v61;
	s1 =	rddreg [dreg:$0x7]  }
0x305: {  	v1 =	vmulhi.u32 $0xAAAAAAAB, v0;
	[hbm4b:s1+s16] =	stream.linear.scatter [tilespmem:s4], [sflag:$0x1], $0x9000, $0x38;
	[tilespmem:$0x15D00] =	vst v63  }
0x306: {  	s0 =	sand.u32 $0xF80, s0;
	s1 =	sand.u32 $0x70, s15  }
0x307: {  	v1 =	vshrl.u32 v1, $0x3;
	s0 =	sor.u32 s1, s0  }
0x308: {  	v1 =	vmul.u32 $0xC, v1;
	v2 =	vld [tilespmem:s0+$0x2500];
	_ =	sdelay $0x1  }
0x309: {  	v0 =	vsub.s32 v0, v1  }
0x30a: {  	v0 =	vmul.u32 $0x1C, v0;
	_ =	sdelay $0x1  }
0x30b: {  	s17 =	simm.s32 $0x600;
	v0 =	vadd.s32 v0, v2  }
0x30c: {  	v18 =	vmul.u32 $0x19, v0;
	v0 =	vor.u32 s17, v61  }
0x30d: {  	s18 =	simm.s32 $0x0;
	v1 =	vmulhi.u32 $0xAAAAAAAB, v0  }
0x30e: {  	s1 =	sand.u32 $0x60, s18;
	s0 =	sand.u32 $0xF80, s17;
	v2 =	vbroadcast v18, $0x0  }
0x30f: {  	s0 =	sor.u32 s1, s0;
	v1 =	vshrl.u32 v1, $0x3  }
0x310: {  	v4 =	vld [tilespmem:s0+$0x2500];
	v3 =	vadd.s32 v61, v2;
	v1 =	vmul.u32 $0xC, v1;
	_ =	sdelay $0x1  }
0x311: {  	v0 =	vsub.s32 v0, v1  }
0x312: {  	v1 =	vbroadcast v18, $0x1;
	v0 =	vmul.u32 $0x1C, v0;
	_ =	sdelay $0x1  }
0x313: {  	v2 =	vsel vm8, v2, v1;
	v3 =	vld.idx.msk [tilespmem:v3+s12+$0x0], $0xffff;
	v0 =	vadd.s32 v0, v4  }
0x314: {  	v2 =	vadd.s32 v6, v2;
	v0 =	vmul.u32 $0x19, v0;
	_ =	sdelay $0x1  }
0x315: {  	v4 =	vbroadcast v0, $0x0  }
0x316: {  	s18 =	simm.s32 $0xCE80  }
0x317: {  	[tilespmem:s18+$0x0] =	vst v3;
	v3 =	vadd.s32 v61, v4  }
0x318: {  	v2 =	vld.idx.msk [tilespmem:v2+s12+$0x0], $0xffff  }
0x319: {  	v1 =	vadd.s32 v7, v1  }
0x31a: {  	v5 =	vbroadcast v0, $0x1;
	_ =	sdelay $0x1  }
0x31b: {  	v4 =	vsel vm8, v4, v5;
	v3 =	vld.idx.msk [tilespmem:v3+s12+$0x0], $0xffff  }
0x31c: {  	v4 =	vadd.s32 v6, v4;
	[tilespmem:s18+$0x10] =	vst v2;
	v2 =	vbroadcast v18, $0x2  }
0x31d: {  	v1 =	vld.idx.msk [tilespmem:v1+s12+$0x0], $0xffff  }
0x31e: {  	v8 =	vadd.s32 v61, v2;
	_ =	sdelay $0x1  }
0x31f: {  	[tilespmem:s18+$0xFFFFFE80] =	vst v3  }
0x320: {  	v3 =	vbroadcast v18, $0x3;
	v4 =	vld.idx.msk [tilespmem:v4+s12+$0x0], $0xffff  }
0x321: {  	[tilespmem:s18+$0x20] =	vst v1;
	v1 =	vadd.s32 v7, v5  }
0x322: {  	v2 =	vsel vm8, v2, v3;
	v5 =	vld.idx.msk [tilespmem:v8+s12+$0x0], $0xffff  }
0x323: {  	v2 =	vadd.s32 v6, v2;
	_ =	sdelay $0x1  }
0x324: {  	v8 =	vbroadcast v0, $0x2;
	[tilespmem:s18+$0xFFFFFE90] =	vst v4  }
0x325: {  	v1 =	vld.idx.msk [tilespmem:v1+s12+$0x0], $0xffff  }
0x326: {  	v4 =	vadd.s32 v61, v8;
	[tilespmem:s18+$0x30] =	vst v5  }
0x327: {  	v2 =	vld.idx.msk [tilespmem:v2+s12+$0x0], $0xffff  }
0x328: {  	s19 =	simm.s32 $0x630;
	v3 =	vadd.s32 v7, v3  }
0x329: {  	s20 =	simm.s32 $0x30;
	v9 =	vor.u32 s19, v61;
	v5 =	vbroadcast v0, $0x3  }
0x32a: {  	s1 =	sand.u32 $0x70, s20;
	s0 =	sand.u32 $0xF80, s19;
	[tilespmem:s18+$0xFFFFFEA0] =	vst v1;
	v1 =	vmulhi.u32 $0xAAAAAAAB, v9  }
0x32b: {  	s0 =	sor.u32 s1, s0;
	v8 =	vsel vm8, v8, v5;
	v4 =	vld.idx.msk [tilespmem:v4+s12+$0x0], $0xffff  }
0x32c: {  	v10 =	vbroadcast v18, $0x4;
	[tilespmem:s18+$0x40] =	vst v2;
	v2 =	vadd.s32 v6, v8;
	v1 =	vshrl.u32 v1, $0x3;
	v8 =	vld [tilespmem:s0+$0x2500]  }
0x32d: {  	s21 =	simm.s32 $0x620;
	v3 =	vld.idx.msk [tilespmem:v3+s12+$0x0], $0xffff;
	v1 =	vmul.u32 $0xC, v1  }
0x32e: {  	s22 =	simm.s32 $0x20;
	v11 =	vor.u32 s21, v61;
	v12 =	vadd.s32 v61, v10  }
0x32f: {  	v13 =	vmulhi.u32 $0xAAAAAAAB, v11;
	s1 =	sand.u32 $0xF80, s21;
	s0 =	sand.u32 $0x60, s22;
	v1 =	vsub.s32 v9, v1  }
0x330: {  	s0 =	sor.u32 s0, s1;
	v1 =	vmul.u32 $0x1C, v1  }
0x331: {  	v9 =	vbroadcast v18, $0x5;
	[tilespmem:s18+$0xFFFFFEB0] =	vst v4;
	v4 =	vshrl.u32 v13, $0x3;
	v13 =	vld [tilespmem:s0+$0x2500]  }
0x332: {  	v2 =	vld.idx.msk [tilespmem:v2+s12+$0x0], $0xffff;
	v4 =	vmul.u32 $0xC, v4;
	[tilespmem:s18+$0x50] =	vst v3;
	v1 =	vadd.s32 v1, v8  }
0x333: {  	v3 =	vadd.s32 v7, v5;
	v5 =	vld.idx.msk [tilespmem:v12+s12+$0x0], $0xffff;
	v8 =	vmul.u32 $0x19, v1;
	v1 =	vsel vm8, v10, v9  }
0x334: {  	v4 =	vsub.s32 v11, v4;
	v1 =	vadd.s32 v6, v1  }
0x335: {  	v4 =	vmul.u32 $0x1C, v4;
	v10 =	vbroadcast v8, $0x0;
	_ =	sdelay $0x1  }
0x336: {  	v11 =	vbroadcast v0, $0x4;
	[tilespmem:s18+$0xFFFFFEC0] =	vst v2;
	v2 =	vadd.s32 v4, v13;
	v4 =	vadd.s32 v61, v10  }
0x337: {  	v12 =	vld.idx.msk [tilespmem:v3+s12+$0x0], $0xffff;
	v3 =	vmul.u32 $0x19, v2;
	[tilespmem:s18+$0x60] =	vst v5  }
0x338: {  	v2 =	vadd.s32 v61, v11;
	v1 =	vld.idx.msk [tilespmem:v1+s12+$0x0], $0xffff  }
0x339: {  	v9 =	vadd.s32 v7, v9;
	v13 =	vbroadcast v8, $0x1;
	v5 =	vbroadcast v3, $0x0;
	_ =	sdelay $0x1  }
0x33a: {  	v14 =	vbroadcast v0, $0x5;
	v10 =	vsel vm8, v10, v13;
	v15 =	vadd.s32 v61, v5;
	v4 =	vld.idx.msk [tilespmem:v4+s12+$0x0], $0xffff  }
0x33b: {  	v10 =	vadd.s32 v6, v10;
	[tilespmem:s18+$0xFFFFFED0] =	vst v12  }
0x33c: {  	v11 =	vsel vm8, v11, v14;
	v2 =	vld.idx.msk [tilespmem:v2+s12+$0x0], $0xffff;
	[tilespmem:s18+$0x70] =	vst v1;
	v1 =	vbroadcast v18, $0x6  }
0x33d: {  	v11 =	vadd.s32 v6, v11;
	v12 =	vbroadcast v3, $0x1;
	v9 =	vld.idx.msk [tilespmem:v9+s12+$0x0], $0xffff  }
0x33e: {  	s19 =	simm.s32 $0xD180;
	v16 =	vadd.s32 v61, v1  }
0x33f: {  	v5 =	vsel vm8, v5, v12;
	v15 =	vld.idx.msk [tilespmem:v15+s12+$0x0], $0xffff;
	[tilespmem:s19+$0x0] =	vst v4  }
0x340: {  	v4 =	vadd.s32 v6, v5;
	v5 =	vld.idx.msk [tilespmem:v10+s12+$0x0], $0xffff  }
0x341: {  	[tilespmem:s18+$0xFFFFFEE0] =	vst v2;
	v2 =	vadd.s32 v7, v13;
	v10 =	vbroadcast v18, $0x7  }
0x342: {  	v11 =	vld.idx.msk [tilespmem:v11+s12+$0x0], $0xffff;
	[tilespmem:s18+$0x80] =	vst v9  }
0x343: {  	v9 =	vadd.s32 v7, v14;
	v1 =	vsel vm8, v1, v10;
	v13 =	vld.idx.msk [tilespmem:v16+s12+$0x0], $0xffff  }
0x344: {  	[tilespmem:s19+$0xFFFFFE80] =	vst v15;
	v1 =	vadd.s32 v6, v1  }
0x345: {  	v4 =	vld.idx.msk [tilespmem:v4+s12+$0x0], $0xffff;
	[tilespmem:s19+$0x10] =	vst v5;
	v5 =	vbroadcast v8, $0x2  }
0x346: {  	v12 =	vadd.s32 v7, v12;
	v2 =	vld.idx.msk [tilespmem:v2+s12+$0x0], $0xffff  }
0x347: {  	v14 =	vbroadcast v0, $0x6;
	[tilespmem:s18+$0xFFFFFEF0] =	vst v11;
	v11 =	vadd.s32 v61, v5  }
0x348: {  	v9 =	vld.idx.msk [tilespmem:v9+s12+$0x0], $0xffff;
	[tilespmem:s18+$0x90] =	vst v13  }
0x349: {  	v15 =	vadd.s32 v61, v14;
	v13 =	vbroadcast v0, $0x7;
	v1 =	vld.idx.msk [tilespmem:v1+s12+$0x0], $0xffff  }
0x34a: {  	v10 =	vadd.s32 v7, v10;
	v16 =	vbroadcast v3, $0x2;
	[tilespmem:s19+$0xFFFFFE90] =	vst v4;
	v4 =	vbroadcast v8, $0x3  }
0x34b: {  	v17 =	vbroadcast v0, $0x8;
	v19 =	vbroadcast v0, $0x9;
	v14 =	vsel vm8, v14, v13;
	v12 =	vld.idx.msk [tilespmem:v12+s12+$0x0], $0xffff;
	[tilespmem:s19+$0x20] =	vst v2  }
0x34c: {  	v2 =	vadd.s32 v7, v13;
	v13 =	vadd.s32 v61, v16;
	v5 =	vsel vm8, v5, v4;
	v11 =	vld.idx.msk [tilespmem:v11+s12+$0x0], $0xffff  }
0x34d: {  	v20 =	vbroadcast v0, $0xB;
	v24 =	vbroadcast v0, $0xC;
	[tilespmem:s18+$0xFFFFFF00] =	vst v9;
	v5 =	vadd.s32 v6, v5  }
0x34e: {  	v25 =	vbroadcast v0, $0xD;
	v15 =	vld.idx.msk [tilespmem:v15+s12+$0x0], $0xffff;
	[tilespmem:s18+$0xA0] =	vst v1;
	v1 =	vbroadcast v18, $0x8  }
0x34f: {  	v22 =	vadd.s32 v61, v17;
	v23 =	vbroadcast v3, $0x3;
	v9 =	vadd.s32 v6, v14;
	v10 =	vld.idx.msk [tilespmem:v10+s12+$0x0], $0xffff  }
0x350: {  	v17 =	vsel vm8, v17, v19;
	v27 =	vadd.s32 v7, v19;
	[tilespmem:s19+$0xFFFFFEA0] =	vst v12;
	v12 =	vadd.s32 v61, v1  }
0x351: {  	s23 =	simm.s32 $0x650;
	v30 =	vbroadcast v0, $0xE;
	v21 =	vadd.s32 v7, v20;
	v16 =	vsel vm8, v16, v23;
	v26 =	vld.idx.msk [tilespmem:v13+s12+$0x0], $0xffff;
	[tilespmem:s19+$0x30] =	vst v11  }
0x352: {  	v14 =	vbroadcast v0, $0xA;
	v11 =	vadd.s32 v6, v16;
	v16 =	vor.u32 s23, v61;
	v5 =	vld.idx.msk [tilespmem:v5+s12+$0x0], $0xffff  }
0x353: {  	s24 =	simm.s32 $0x640;
	s2 =	simm.s32 $0x50;
	v4 =	vadd.s32 v7, v4;
	[tilespmem:s18+$0xFFFFFF10] =	vst v15;
	v15 =	vbroadcast v18, $0x9;
	v19 =	vmulhi.u32 $0xAAAAAAAB, v16  }
0x354: {  	s2 =	sand.u32 $0x70, s2;
	v31 =	vadd.s32 v61, v30;
	s0 =	sand.u32 $0xF80, s23;
	v13 =	vadd.s32 v61, v14;
	v9 =	vld.idx.msk [tilespmem:v9+s12+$0x0], $0xffff;
	[tilespmem:s18+$0xB0] =	vst v10;
	v10 =	vor.u32 s24, v61  }
0x355: {  	s0 =	sor.u32 s2, s0;
	v1 =	vsel vm8, v1, v15;
	v28 =	vld.idx.msk [tilespmem:v12+s12+$0x0], $0xffff;
	v29 =	vmulhi.u32 $0xAAAAAAAB, v10;
	v12 =	vshrl.u32 v19, $0x3  }
0x356: {  	s25 =	simm.s32 $0x40;
	v14 =	vsel vm8, v14, v20;
	[tilespmem:s19+$0xFFFFFEB0] =	vst v26;
	v1 =	vadd.s32 v6, v1;
	v19 =	vld [tilespmem:s0+$0x2500];
	v20 =	vmul.u32 $0xC, v12  }
0x357: {  	s26 =	sand.u32 $0xF80, s24;
	s28 =	sand.u32 $0x60, s25;
	v12 =	vadd.s32 v6, v14;
	v11 =	vld.idx.msk [tilespmem:v11+s12+$0x0], $0xffff;
	v14 =	vbroadcast v8, $0x4;
	[tilespmem:s19+$0x40] =	vst v5;
	v5 =	vshrl.u32 v29, $0x3  }
0x358: {  	v23 =	vadd.s32 v7, v23;
	s0 =	sor.u32 s28, s26;
	v4 =	vld.idx.msk [tilespmem:v4+s12+$0x0], $0xffff;
	v5 =	vmul.u32 $0xC, v5;
	v16 =	vsub.s32 v16, v20  }
0x359: {  	v26 =	vsel vm8, v24, v25;
	v29 =	vld [tilespmem:s0+$0x2500];
	[tilespmem:s18+$0xFFFFFF20] =	vst v9;
	v9 =	vadd.s32 v61, v14;
	v16 =	vmul.u32 $0x1C, v16  }
0x35a: {  	v20 =	vadd.s32 v61, v24;
	v2 =	vld.idx.msk [tilespmem:v2+s12+$0x0], $0xffff;
	v5 =	vsub.s32 v10, v5;
	[tilespmem:s18+$0xC0] =	vst v28  }
0x35b: {  	v24 =	vbroadcast v3, $0x4;
	v5 =	vmul.u32 $0x1C, v5;
	v28 =	vld.idx.msk [tilespmem:v1+s12+$0x0], $0xffff;
	v1 =	vadd.s32 v16, v19  }
0x35c: {  	[tilespmem:s19+$0xFFFFFEC0] =	vst v11;
	v16 =	vbroadcast v8, $0x5;
	v11 =	vadd.s32 v7, v15;
	v10 =	vmul.u32 $0x19, v1  }
0x35d: {  	v17 =	vadd.s32 v6, v17;
	v0 =	vbroadcast v0, $0xF;
	v15 =	vadd.s32 v61, v24;
	v23 =	vld.idx.msk [tilespmem:v23+s12+$0x0], $0xffff;
	[tilespmem:s19+$0x50] =	vst v4  }
0x35e: {  	v5 =	vadd.s32 v5, v29;
	v4 =	vld.idx.msk [tilespmem:v9+s12+$0x0], $0xffff;
	v9 =	vsel vm8, v14, v16;
	v14 =	vbroadcast v10, $0x0  }
0x35f: {  	v19 =	vadd.s32 v6, v26;
	[tilespmem:s18+$0xFFFFFF30] =	vst v2;
	v2 =	vmul.u32 $0x19, v5;
	v5 =	vadd.s32 v6, v9  }
0x360: {  	v1 =	vadd.s32 v7, v25;
	v25 =	vbroadcast v18, $0xA;
	v22 =	vld.idx.msk [tilespmem:v22+s12+$0x0], $0xffff;
	[tilespmem:s18+$0xD0] =	vst v28;
	v26 =	vadd.s32 v61, v14  }
0x361: {  	v9 =	vsel vm8, v30, v0;
	v28 =	vbroadcast v3, $0x5;
	v29 =	vbroadcast v2, $0x0;
	v30 =	vld.idx.msk [tilespmem:v11+s12+$0x0], $0xffff  }
0x362: {  	v62 =	vadd.s32 v7, v0;
	v0 =	vadd.s32 v61, v25;
	[tilespmem:s19+$0xFFFFFED0] =	vst v23  }
0x363: {  	v23 =	vsel vm8, v24, v28;
	v15 =	vld.idx.msk [tilespmem:v15+s12+$0x0], $0xffff;
	v24 =	vadd.s32 v61, v29;
	[tilespmem:s19+$0x60] =	vst v4;
	v4 =	vbroadcast v10, $0x1  }
0x364: {  	v23 =	vadd.s32 v6, v23;
	v5 =	vld.idx.msk [tilespmem:v5+s12+$0x0], $0xffff  }
0x365: {  	v16 =	vadd.s32 v7, v16;
	[tilespmem:s18+$0xFFFFFF40] =	vst v22;
	v22 =	vld.idx.msk [tilespmem:v26+s12+$0x0], $0xffff;
	v26 =	vbroadcast v18, $0xB;
	v14 =	vsel vm8, v14, v4  }
0x366: {  	v44 =	vbroadcast v2, $0x1;
	v17 =	vld.idx.msk [tilespmem:v17+s12+$0x0], $0xffff;
	[tilespmem:s18+$0xE0] =	vst v30;
	v14 =	vadd.s32 v6, v14  }
0x367: {  	v0 =	vld.idx.msk [tilespmem:v0+s12+$0x0], $0xffff;
	v25 =	vsel vm8, v25, v26  }
0x368: {  	v29 =	vsel vm8, v29, v44;
	[tilespmem:s19+$0xFFFFFEE0] =	vst v15;
	v15 =	vld.idx.msk [tilespmem:v24+s12+$0x0], $0xffff;
	v24 =	vadd.s32 v6, v25  }
0x369: {  	s20 =	simm.s32 $0xD480;
	v29 =	vadd.s32 v6, v29;
	v25 =	vbroadcast v3, $0x8;
	v46 =	vld.idx.msk [tilespmem:v23+s12+$0x0], $0xffff;
	[tilespmem:s19+$0x70] =	vst v5  }
0x36a: {  	v47 =	vbroadcast v8, $0x6;
	v28 =	vadd.s32 v7, v28;
	v5 =	vbroadcast v3, $0x9;
	v16 =	vld.idx.msk [tilespmem:v16+s12+$0x0], $0xffff;
	[tilespmem:s20+$0x0] =	vst v22  }
0x36b: {  	v23 =	vadd.s32 v61, v25;
	[tilespmem:s18+$0xFFFFFF50] =	vst v17;
	v14 =	vld.idx.msk [tilespmem:v14+s12+$0x0], $0xffff  }
0x36c: {  	v17 =	vadd.s32 v61, v47;
	v22 =	vsel vm8, v25, v5;
	v25 =	vld.idx.msk [tilespmem:v27+s12+$0x0], $0xffff;
	[tilespmem:s18+$0xF0] =	vst v0  }
0x36d: {  	v4 =	vadd.s32 v7, v4;
	[tilespmem:s20+$0xFFFFFE80] =	vst v15;
	v15 =	vld.idx.msk [tilespmem:v24+s12+$0x0], $0xffff  }
0x36e: {  	v24 =	vld.idx.msk [tilespmem:v29+s12+$0x0], $0xffff;
	[tilespmem:s19+$0xFFFFFEF0] =	vst v46  }
0x36f: {  	v42 =	vbroadcast v3, $0x6;
	v26 =	vadd.s32 v7, v26;
	v28 =	vld.idx.msk [tilespmem:v28+s12+$0x0], $0xffff;
	[tilespmem:s19+$0x80] =	vst v16  }
0x370: {  	v48 =	vbroadcast v3, $0xA;
	v34 =	vadd.s32 v7, v44;
	v27 =	vbroadcast v3, $0xB;
	[tilespmem:s20+$0x10] =	vst v14  }
0x371: {  	v54 =	vbroadcast v18, $0xC;
	v45 =	vadd.s32 v61, v42;
	v29 =	vbroadcast v8, $0x7;
	v51 =	vld.idx.msk [tilespmem:v17+s12+$0x0], $0xffff;
	[tilespmem:s18+$0xFFFFFF60] =	vst v25  }
0x372: {  	v50 =	vbroadcast v3, $0xD;
	v32 =	vadd.s32 v7, v27;
	v16 =	vsel vm8, v48, v27;
	v27 =	vld.idx.msk [tilespmem:v4+s12+$0x0], $0xffff;
	[tilespmem:s18+$0x100] =	vst v15  }
0x373: {  	v63 =	vadd.s32 v6, v9;
	v17 =	vsel vm8, v47, v29;
	v14 =	vbroadcast v10, $0x2;
	v53 =	vld.idx.msk [tilespmem:v13+s12+$0x0], $0xffff;
	[tilespmem:s20+$0xFFFFFE90] =	vst v24  }
0x374: {  	v52 =	vbroadcast v3, $0xE;
	v9 =	vadd.s32 v7, v50;
	v25 =	vadd.s32 v6, v17;
	v24 =	vld.idx.msk [tilespmem:v26+s12+$0x0], $0xffff;
	[tilespmem:s19+$0xFFFFFF00] =	vst v28  }
0x375: {  	v43 =	vbroadcast v3, $0x7;
	v56 =	vbroadcast v2, $0x2;
	v55 =	vadd.s32 v61, v14;
	v26 =	vld.idx.msk [tilespmem:v34+s12+$0x0], $0xffff;
	[tilespmem:$0x1FBD0] =	vst v9  }
0x376: {  	v49 =	vbroadcast v3, $0xC;
	v3 =	vbroadcast v3, $0xF;
	v9 =	vadd.s32 v61, v52;
	[tilespmem:s19+$0x90] =	vst v51  }
0x377: {  	v57 =	vadd.s32 v61, v56;
	v30 =	vsel vm8, v42, v43;
	v35 =	vld.idx.msk [tilespmem:v45+s12+$0x0], $0xffff;
	[tilespmem:$0x1FBE0] =	vst v9  }
0x378: {  	v30 =	vadd.s32 v6, v30;
	v59 =	vsel vm8, v52, v3;
	v28 =	vadd.s32 v61, v54;
	[tilespmem:s20+$0x20] =	vst v27  }
0x379: {  	v58 =	vbroadcast v10, $0x3;
	v0 =	vadd.s32 v7, v5;
	v9 =	vadd.s32 v6, v59;
	v25 =	vld.idx.msk [tilespmem:v25+s12+$0x0], $0xffff;
	[tilespmem:s18+$0xFFFFFF70] =	vst v53  }
0x37a: {  	v60 =	vbroadcast v18, $0xD;
	v5 =	vadd.s32 v61, v48;
	v27 =	vadd.s32 v7, v29;
	v29 =	vld.idx.msk [tilespmem:v55+s12+$0x0], $0xffff;
	[tilespmem:$0x1FBF0] =	vst v9  }
0x37b: {  	v3 =	vadd.s32 v7, v3;
	v13 =	vsel vm8, v49, v50;
	v47 =	vsel vm8, v14, v58;
	[tilespmem:s18+$0x110] =	vst v24  }
0x37c: {  	v48 =	vbroadcast v2, $0x3;
	v17 =	vadd.s32 v61, v49;
	v49 =	vld.idx.msk [tilespmem:v12+s12+$0x0], $0xffff;
	v24 =	vadd.s32 v6, v47;
	[tilespmem:$0x1FC00] =	vst v3  }
0x37d: {  	[tilespmem:s20+$0xFFFFFEA0] =	vst v26;
	v26 =	vld.idx.msk [tilespmem:v28+s12+$0x0], $0xffff;
	v28 =	vsel vm8, v54, v60  }
0x37e: {  	v38 =	vsel vm8, v56, v48;
	[tilespmem:s19+$0xFFFFFF10] =	vst v35;
	v51 =	vld.idx.msk [tilespmem:v57+s12+$0x0], $0xffff;
	v28 =	vadd.s32 v6, v28  }
0x37f: {  	s30 =	simm.s32 $0x660;
	v52 =	vadd.s32 v6, v38;
	v30 =	vld.idx.msk [tilespmem:v30+s12+$0x0], $0xffff;
	[tilespmem:s19+$0xA0] =	vst v25;
	v25 =	vbroadcast v8, $0x8  }
0x380: {  	v37 =	vadd.s32 v7, v43;
	v44 =	vbroadcast v10, $0x4;
	v56 =	vor.u32 s30, v61;
	v27 =	vld.idx.msk [tilespmem:v27+s12+$0x0], $0xffff;
	[tilespmem:s20+$0x30] =	vst v29  }
0x381: {  	v53 =	vbroadcast v2, $0x6;
	v29 =	vbroadcast v2, $0x7;
	[tilespmem:s18+$0xFFFFFF80] =	vst v49;
	v54 =	vadd.s32 v61, v25;
	v24 =	vld.idx.msk [tilespmem:v24+s12+$0x0], $0xffff  }
0x382: {  	s29 =	simm.s32 $0x670;
	v22 =	vadd.s32 v6, v22;
	v50 =	vbroadcast v2, $0x5;
	v59 =	vmulhi.u32 $0xAAAAAAAB, v56;
	v21 =	vld.idx.msk [tilespmem:v21+s12+$0x0], $0xffff;
	[tilespmem:s18+$0x120] =	vst v26  }
0x383: {  	v3 =	vbroadcast v2, $0x4;
	v35 =	vor.u32 s29, v61;
	v55 =	vsel vm8, v53, v29;
	[tilespmem:s20+$0xFFFFFEB0] =	vst v51;
	v28 =	vld.idx.msk [tilespmem:v28+s12+$0x0], $0xffff  }
0x384: {  	s31 =	simm.s32 $0x70;
	v45 =	vadd.s32 v7, v29;
	v26 =	vadd.s32 v7, v58;
	[tilespmem:s19+$0xFFFFFF20] =	vst v30;
	v30 =	vbroadcast v8, $0x9;
	v29 =	vld.idx.msk [tilespmem:v52+s12+$0x0], $0xffff  }
0x385: {  	s3 =	simm.s32 $0x60;
	s2 =	sand.u32 $0x70, s31;
	s0 =	sand.u32 $0xF80, s29;
	v38 =	vadd.s32 v7, v48;
	v57 =	vmulhi.u32 $0xAAAAAAAB, v35;
	v37 =	vld.idx.msk [tilespmem:v37+s12+$0x0], $0xffff;
	[tilespmem:s19+$0xB0] =	vst v27;
	v27 =	vadd.s32 v7, v60  }
0x386: {  	s3 =	sand.u32 $0x60, s3;
	s1 =	sand.u32 $0xF80, s30;
	s0 =	sor.u32 s2, s0;
	v42 =	vshrl.u32 v59, $0x3;
	v43 =	vadd.s32 v61, v3;
	v58 =	vld.idx.msk [tilespmem:v54+s12+$0x0], $0xffff;
	v25 =	vsel vm8, v25, v30  }
0x387: {  	s1 =	sor.u32 s3, s1;
	v3 =	vsel vm8, v3, v50;
	v41 =	vshrl.u32 v57, $0x3;
	v60 =	vld [tilespmem:s0+$0x2500];
	v25 =	vadd.s32 v6, v25  }
0x388: {  	v34 =	vadd.s32 v6, v3;
	v3 =	vadd.s32 v61, v53;
	v41 =	vmul.u32 $0xC, v41;
	[tilespmem:s20+$0x40] =	vst v24;
	v54 =	vld [tilespmem:s1+$0x2500]  }
0x389: {  	v53 =	vbroadcast v18, $0xE;
	v36 =	vadd.s32 v6, v55;
	v26 =	vld.idx.msk [tilespmem:v26+s12+$0x0], $0xffff;
	[tilespmem:s18+$0x130] =	vst v28;
	v28 =	vmul.u32 $0xC, v42  }
0x38a: {  	v39 =	vbroadcast v18, $0xF;
	v55 =	vadd.s32 v61, v44;
	[tilespmem:s18+$0xFFFFFF90] =	vst v21;
	v21 =	vld.idx.msk [tilespmem:v27+s12+$0x0], $0xffff;
	v27 =	vsub.s32 v35, v41  }
0x38b: {  	v20 =	vld.idx.msk [tilespmem:v20+s12+$0x0], $0xffff;
	v28 =	vsub.s32 v56, v28;
	[tilespmem:s19+$0xC0] =	vst v58;
	v56 =	vadd.s32 v61, v53;
	v57 =	vmul.u32 $0x1C, v27  }
0x38c: {  	v52 =	vbroadcast v2, $0x9;
	v24 =	vbroadcast v2, $0x8;
	[tilespmem:s20+$0xFFFFFEC0] =	vst v29;
	v28 =	vmul.u32 $0x1C, v28;
	v25 =	vld.idx.msk [tilespmem:v25+s12+$0x0], $0xffff  }
0x38d: {  	[tilespmem:s19+$0xFFFFFF30] =	vst v37;
	v37 =	vbroadcast v10, $0x5;
	v29 =	vld.idx.msk [tilespmem:v38+s12+$0x0], $0xffff;
	v58 =	vadd.s32 v7, v30;
	v30 =	vadd.s32 v57, v60  }
0x38e: {  	v27 =	vadd.s32 v61, v24;
	v23 =	vld.idx.msk [tilespmem:v23+s12+$0x0], $0xffff;
	[tilespmem:s20+$0x50] =	vst v26;
	v26 =	vadd.s32 v28, v54;
	v18 =	vmul.u32 $0x19, v30  }
0x38f: {  	v24 =	vsel vm8, v24, v52;
	v59 =	vld.idx.msk [tilespmem:v55+s12+$0x0], $0xffff;
	[tilespmem:s18+$0x140] =	vst v21;
	v21 =	vsel vm8, v44, v37;
	v40 =	vmul.u32 $0x19, v26  }
0x390: {  	[tilespmem:s18+$0xFFFFFFA0] =	vst v20;
	v26 =	vsel vm8, v53, v39;
	v20 =	vld.idx.msk [tilespmem:v56+s12+$0x0], $0xffff;
	v21 =	vadd.s32 v6, v21;
	v60 =	vbroadcast v18, $0x0  }
0x391: {  	v42 =	vbroadcast v8, $0xA;
	v30 =	vadd.s32 v6, v24;
	v19 =	vld.idx.msk [tilespmem:v19+s12+$0x0], $0xffff;
	v24 =	vadd.s32 v6, v26;
	[tilespmem:s19+$0xD0] =	vst v25  }
0x392: {  	[tilespmem:s20+$0xFFFFFED0] =	vst v29;
	v38 =	vld.idx.msk [tilespmem:v58+s12+$0x0], $0xffff;
	v54 =	vadd.s32 v61, v60  }
0x393: {  	v49 =	vbroadcast v2, $0xA;
	[tilespmem:s19+$0xFFFFFF40] =	vst v23;
	v56 =	vadd.s32 v61, v42;
	v44 =	vbroadcast v40, $0x0;
	v43 =	vld.idx.msk [tilespmem:v43+s12+$0x0], $0xffff  }
0x394: {  	v4 =	vadd.s32 v6, v16;
	v51 =	vbroadcast v2, $0xD;
	v41 =	vbroadcast v2, $0xB;
	v22 =	vld.idx.msk [tilespmem:v22+s12+$0x0], $0xffff;
	[tilespmem:s20+$0x60] =	vst v59  }
0x395: {  	v28 =	vadd.s32 v7, v52;
	v55 =	vbroadcast v2, $0xC;
	v57 =	vadd.s32 v61, v44;
	v21 =	vld.idx.msk [tilespmem:v21+s12+$0x0], $0xffff;
	[tilespmem:s18+$0x150] =	vst v20  }
0x396: {  	v37 =	vadd.s32 v7, v37;
	v23 =	vsel vm8, v49, v41;
	v46 =	vbroadcast v18, $0x1;
	[tilespmem:s18+$0xFFFFFFB0] =	vst v19;
	v58 =	vld.idx.msk [tilespmem:v24+s12+$0x0], $0xffff  }
0x397: {  	v26 =	vadd.s32 v6, v23;
	v20 =	vsel vm8, v55, v51;
	v19 =	vld.idx.msk [tilespmem:v54+s12+$0x0], $0xffff;
	[tilespmem:s19+$0xE0] =	vst v38  }
0x398: {  	v23 =	vadd.s32 v6, v20;
	v20 =	vsel vm8, v60, v46;
	[tilespmem:s20+$0xFFFFFEE0] =	vst v43;
	v38 =	vbroadcast v8, $0xB;
	v60 =	vld.idx.msk [tilespmem:v56+s12+$0x0], $0xffff  }
0x399: {  	v39 =	vadd.s32 v7, v39;
	v59 =	vbroadcast v40, $0x1;
	v24 =	vadd.s32 v61, v55;
	[tilespmem:s19+$0xFFFFFF50] =	vst v22  }
0x39a: {  	v52 =	vbroadcast v2, $0xE;
	v54 =	vadd.s32 v6, v20;
	v53 =	vld.idx.msk [tilespmem:v57+s12+$0x0], $0xffff;
	v20 =	vsel vm8, v42, v38;
	[tilespmem:s20+$0x70] =	vst v21  }
0x39b: {  	s22 =	simm.s32 $0xD780;
	v2 =	vbroadcast v2, $0xF;
	v55 =	vsel vm8, v44, v59;
	v34 =	vld.idx.msk [tilespmem:v34+s12+$0x0], $0xffff;
	v56 =	vadd.s32 v6, v20;
	[tilespmem:s18+$0x160] =	vst v58  }
0x39c: {  	v15 =	vadd.s32 v6, v13;
	v0 =	vld.idx.msk [tilespmem:v0+s12+$0x0], $0xffff;
	v42 =	vadd.s32 v6, v55;
	[tilespmem:s22+$0x0] =	vst v19  }
0x39d: {  	v20 =	vsel vm8, v52, v2;
	v2 =	vadd.s32 v7, v2;
	v37 =	vld.idx.msk [tilespmem:v37+s12+$0x0], $0xffff;
	[tilespmem:s19+$0xF0] =	vst v60  }
0x39e: {  	v33 =	vadd.s32 v7, v50;
	v50 =	vbroadcast v10, $0x6;
	v29 =	vadd.s32 v61, v49;
	v39 =	vld.idx.msk [tilespmem:v39+s12+$0x0], $0xffff;
	[tilespmem:$0x1FC10] =	vst v2  }
0x39f: {  	v25 =	vadd.s32 v7, v41;
	v47 =	vadd.s32 v7, v59;
	v49 =	vld.idx.msk [tilespmem:v54+s12+$0x0], $0xffff;
	[tilespmem:s22+$0xFFFFFE80] =	vst v53  }
0x3a0: {  	v48 =	vbroadcast v10, $0x7;
	v22 =	vadd.s32 v7, v51;
	v57 =	vadd.s32 v61, v50;
	v44 =	vld.idx.msk [tilespmem:v56+s12+$0x0], $0xffff;
	[tilespmem:s20+$0xFFFFFEF0] =	vst v34  }
0x3a1: {  	v46 =	vadd.s32 v7, v46;
	v43 =	vbroadcast v40, $0x6;
	v58 =	vbroadcast v40, $0x3;
	[tilespmem:s19+$0xFFFFFF60] =	vst v0;
	v1 =	vld.idx.msk [tilespmem:v1+s12+$0x0], $0xffff  }
0x3a2: {  	v38 =	vadd.s32 v7, v38;
	v21 =	vadd.s32 v61, v52;
	v2 =	vbroadcast v40, $0x2;
	v42 =	vld.idx.msk [tilespmem:v42+s12+$0x0], $0xffff;
	[tilespmem:s20+$0x80] =	vst v37  }
0x3a3: {  	v20 =	vadd.s32 v6, v20;
	v60 =	vbroadcast v40, $0x4;
	v41 =	vadd.s32 v7, v58;
	v33 =	vld.idx.msk [tilespmem:v33+s12+$0x0], $0xffff;
	[tilespmem:s18+$0x170] =	vst v39  }
0x3a4: {  	v55 =	vbroadcast v40, $0x5;
	v59 =	vsel vm8, v2, v58;
	v2 =	vadd.s32 v61, v2;
	v5 =	vld.idx.msk [tilespmem:v5+s12+$0x0], $0xffff;
	[tilespmem:s22+$0x10] =	vst v49  }
0x3a5: {  	v37 =	vadd.s32 v61, v60;
	v56 =	vld.idx.msk [tilespmem:v57+s12+$0x0], $0xffff;
	v57 =	vsel vm8, v50, v48;
	v49 =	vbroadcast v18, $0x2;
	[tilespmem:s19+$0x100] =	vst v44  }
0x3a6: {  	v58 =	vsel vm8, v60, v55;
	v50 =	vbroadcast v8, $0xC;
	v0 =	vadd.s32 v6, v57;
	[tilespmem:s18+$0xFFFFFFC0] =	vst v1;
	v46 =	vld.idx.msk [tilespmem:v46+s12+$0x0], $0xffff  }
0x3a7: {  	v53 =	vadd.s32 v6, v59;
	v59 =	vbroadcast v40, $0x7;
	[tilespmem:s22+$0xFFFFFE90] =	vst v42;
	v42 =	vld.idx.msk [tilespmem:v38+s12+$0x0], $0xffff;
	v57 =	vadd.s32 v61, v49  }
0x3a8: {  	v51 =	vbroadcast v18, $0x3;
	v35 =	vadd.s32 v6, v58;
	v54 =	vadd.s32 v61, v50;
	[tilespmem:s20+$0xFFFFFF00] =	vst v33;
	v60 =	vld.idx.msk [tilespmem:v47+s12+$0x0], $0xffff  }
0x3a9: {  	v48 =	vadd.s32 v7, v48;
	v58 =	vsel vm8, v43, v59;
	v44 =	vbroadcast v40, $0x9;
	[tilespmem:s19+$0xFFFFFF70] =	vst v5;
	v52 =	vld.idx.msk [tilespmem:v3+s12+$0x0], $0xffff  }
0x3aa: {  	v38 =	vadd.s32 v7, v55;
	[tilespmem:s20+$0x90] =	vst v56;
	v3 =	vadd.s32 v7, v59;
	v59 =	vbroadcast v40, $0x8;
	v4 =	vld.idx.msk [tilespmem:v4+s12+$0x0], $0xffff  }
0x3ab: {  	v33 =	vadd.s32 v61, v43;
	v5 =	vadd.s32 v6, v58;
	v58 =	vbroadcast v40, $0xE;
	v0 =	vld.idx.msk [tilespmem:v0+s12+$0x0], $0xffff;
	[tilespmem:s22+$0x20] =	vst v46  }
0x3ac: {  	v56 =	vbroadcast v8, $0xD;
	v34 =	vadd.s32 v7, v44;
	v43 =	vadd.s32 v61, v59;
	[tilespmem:s19+$0x110] =	vst v42;
	v42 =	vld.idx.msk [tilespmem:v57+s12+$0x0], $0xffff  }
0x3ad: {  	v47 =	vbroadcast v40, $0xB;
	v39 =	vsel vm8, v59, v44;
	[tilespmem:s22+$0xFFFFFEA0] =	vst v60;
	v60 =	vsel vm8, v49, v51;
	v49 =	vld.idx.msk [tilespmem:v54+s12+$0x0], $0xffff  }
0x3ae: {  	v46 =	vbroadcast v40, $0xA;
	[tilespmem:s20+$0xFFFFFF10] =	vst v52;
	v54 =	vld.idx.msk [tilespmem:v2+s12+$0x0], $0xffff;
	v55 =	vadd.s32 v6, v60;
	v2 =	vsel vm8, v50, v56  }
0x3af: {  	v39 =	vadd.s32 v6, v39;
	v52 =	vbroadcast v40, $0xC;
	[tilespmem:s19+$0xFFFFFF80] =	vst v4;
	v57 =	vld.idx.msk [tilespmem:v36+s12+$0x0], $0xffff;
	v36 =	vadd.s32 v6, v2  }
0x3b0: {  	v4 =	vadd.s32 v7, v47;
	[tilespmem:s20+$0xA0] =	vst v0;
	v0 =	vbroadcast v40, $0xD;
	v1 =	vsel vm8, v46, v47;
	v47 =	vld.idx.msk [tilespmem:v32+s12+$0x0], $0xffff  }
0x3b1: {  	v60 =	vbroadcast v40, $0xF;
	v2 =	vadd.s32 v61, v46;
	v59 =	vld.idx.msk [tilespmem:v48+s12+$0x0], $0xffff;
	v1 =	vadd.s32 v6, v1;
	[tilespmem:s22+$0x30] =	vst v42  }
0x3b2: {  	v50 =	vbroadcast v10, $0x8;
	v48 =	vld.idx.msk [tilespmem:v31+s12+$0x0], $0xffff;
	v44 =	vadd.s32 v61, v52;
	v31 =	vsel vm8, v52, v0;
	[tilespmem:s19+$0x120] =	vst v49  }
0x3b3: {  	v46 =	vsel vm8, v58, v60;
	v32 =	vadd.s32 v7, v0;
	[tilespmem:s22+$0xFFFFFEB0] =	vst v54;
	v54 =	vld.idx.msk [tilespmem:v55+s12+$0x0], $0xffff  }
0x3b4: {  	v52 =	vadd.s32 v61, v50;
	v0 =	vadd.s32 v7, v56;
	v42 =	vadd.s32 v6, v46;
	v46 =	vld.idx.msk [tilespmem:v36+s12+$0x0], $0xffff  }
0x3b5: {  	s5 =	simm.s32 $0xCD00;
	s6 =	simm.s32 $0x1;
	v40 =	vadd.s32 v6, v31;
	v31 =	vadd.s32 v61, v58;
	[tilespmem:s20+$0xFFFFFF20] =	vst v57;
	v53 =	vld.idx.msk [tilespmem:v53+s12+$0x0], $0xffff  }
0x3b6: {  	s21 =	simm.s32 $0xD780;
	s23 =	simm.s32 $0x6;
	s24 =	simm.s32 $0x680;
	v55 =	vadd.s32 v7, v51;
	v36 =	vadd.s32 v7, v60;
	v51 =	vld.idx.msk [tilespmem:v45+s12+$0x0], $0xffff;
	[tilespmem:s20+$0xB0] =	vst v59;
	v45 =	vbroadcast v10, $0x9  }
.LBB2_6:
0x3b7: {  	_ =	sdelay $0x1  }
0x3b8: {  	v52 =	vld.idx.msk [tilespmem:v52+s12+$0x0], $0xffff  }
0x3b9: {  	v9 =	vld [tilespmem:$0x1FBF0];
	[tilespmem:s18+$0xFFFFFFD0] =	vst v48  }
0x3ba: {  	v14 =	vlaneseq.u32;
	s1 =	sadd.s32 $0x10, s24;
	v11 =	vld [tilespmem:$0x1FC10];
	[tilespmem:s19+$0xFFFFFF90] =	vst v47  }
0x3bb: {  	s0 =	sadd.s32 $0xFFFFFA00, s24;
	v56 =	vor.u32 s1, v14;
	v47 =	vld.idx.msk [tilespmem:v63+s12+$0x0], $0xffff  }
0x3bc: {  	s2 =	sand.u32 $0xF80, s24;
	s31 =	sadd.s32 $0xFFFFFA10, s24;
	v49 =	vor.u32 s24, v14;
	s0 =	sand.u32 $0x60, s0;
	v50 =	vsel vm8, v50, v45;
	v57 =	vmulhi.u32 $0xAAAAAAAB, v56;
	[tilespmem:s22+$0x40] =	vst v54;
	v54 =	vld.idx.msk [tilespmem:v17+s12+$0x0], $0xffff  }
0x3bd: {  	s1 =	sand.u32 $0xF80, s1;
	v60 =	vmulhi.u32 $0xAAAAAAAB, v49;
	s0 =	sor.u32 s0, s2;
	v50 =	vadd.s32 v6, v50;
	s2 =	sand.u32 $0x70, s31;
	v48 =	vld.idx.msk [tilespmem:v55+s12+$0x0], $0xffff;
	[tilespmem:s19+$0x130] =	vst v46  }
0x3be: {  	s1 =	sor.u32 s2, s1;
	[tilespmem:s22+$0xFFFFFEC0] =	vst v53;
	v55 =	vbroadcast v18, $0x4;
	v59 =	vshrl.u32 v57, $0x3;
	v0 =	vld.idx.msk [tilespmem:v0+s12+$0x0], $0xffff  }
0x3bf: {  	v19 =	vmovc v24;
	v24 =	vmov v44;
	v61 =	vshrl.u32 v60, $0x3;
	[tilespmem:s20+$0xFFFFFF30] =	vst v51;
	v60 =	vld [tilespmem:s1+$0x2500];
	v44 =	vmul.u32 $0xC, v59  }
0x3c0: {  	v46 =	vbroadcast v8, $0xE;
	v16 =	vmovc v9;
	v9 =	vmovc v20;
	v63 =	vmul.u32 $0xC, v61;
	v51 =	vld [tilespmem:s0+$0x2500];
	[tilespmem:s20+$0xC0] =	vst v52;
	v61 =	vadd.s32 v14, v55  }
0x3c1: {  	v20 =	vmov v42;
	[tilespmem:$0x1FBF0] =	vst v9;
	v9 =	vld [tilespmem:$0x1FC00];
	v44 =	vsub.s32 v56, v44  }
0x3c2: {  	v42 =	vsub.s32 v49, v63;
	v63 =	vadd.s32 v14, v46;
	v50 =	vld.idx.msk [tilespmem:v50+s12+$0x0], $0xffff;
	[tilespmem:s18+$0xFFFFFFE0] =	vst v47;
	v44 =	vmul.u32 $0x1C, v44  }
0x3c3: {  	v58 =	vadd.s32 v7, v45;
	v53 =	vbroadcast v8, $0xF;
	v47 =	vbroadcast v18, $0x5;
	v41 =	vld.idx.msk [tilespmem:v41+s12+$0x0], $0xffff;
	[tilespmem:s19+$0xFFFFFFA0] =	vst v54  }
0x3c4: {  	v8 =	vmovc v10;
	v11 =	vmov v11;
	v42 =	vmul.u32 $0x1C, v42;
	[tilespmem:s22+$0x50] =	vst v48;
	v48 =	vld.idx.msk [tilespmem:v27+s12+$0x0], $0xffff;
	v59 =	vadd.s32 v44, v60  }
0x3c5: {  	v10 =	vmovc v18;
	[tilespmem:$0x1FC00] =	vst v11;
	v27 =	vmov v43;
	v60 =	vsel vm8, v55, v47;
	v44 =	vld.idx.msk [tilespmem:v61+s12+$0x0], $0xffff;
	v18 =	vmul.u32 $0x19, v59  }
0x3c6: {  	[tilespmem:s19+$0x140] =	vst v0;
	v0 =	vadd.s32 v42, v51;
	v42 =	vld.idx.msk [tilespmem:v15+s12+$0x0], $0xffff;
	v61 =	vsel vm8, v46, v53;
	v15 =	vmov v9  }
0x3c7: {  	v9 =	vmovc v36;
	v43 =	vld.idx.msk [tilespmem:v63+s12+$0x0], $0xffff;
	v51 =	vmul.u32 $0x19, v0;
	v0 =	vadd.s32 v6, v60;
	[tilespmem:s20+$0xD0] =	vst v50;
	v49 =	vbroadcast v18, $0x0  }
0x3c8: {  	v17 =	vmov v23;
	v54 =	vbroadcast v8, $0xA;
	v45 =	vld.idx.msk [tilespmem:v62+s12+$0x0], $0xffff;
	v50 =	vadd.s32 v6, v61;
	[tilespmem:$0x1FC10] =	vst v9  }
0x3c9: {  	v23 =	vmovc v40;
	v52 =	vld.idx.msk [tilespmem:v58+s12+$0x0], $0xffff;
	v40 =	vbroadcast v51, $0x0;
	[tilespmem:s22+$0xFFFFFED0] =	vst v41;
	v62 =	vbroadcast v51, $0x1;
	v63 =	vadd.s32 v14, v49  }
0x3ca: {  	v47 =	vadd.s32 v7, v47;
	v61 =	vadd.s32 v14, v54;
	v41 =	vbroadcast v51, $0x2;
	v56 =	vld.idx.msk [tilespmem:v37+s12+$0x0], $0xffff;
	[tilespmem:s20+$0xFFFFFF40] =	vst v48  }
0x3cb: {  	v48 =	vadd.s32 v14, v40;
	[tilespmem:s22+$0x60] =	vst v44;
	v44 =	vld.idx.msk [tilespmem:v30+s12+$0x0], $0xffff;
	v9 =	vsel vm8, v40, v62  }
0x3cc: {  	v60 =	vbroadcast v51, $0x3;
	v36 =	vadd.s32 v7, v62;
	v46 =	vadd.s32 v14, v41;
	v58 =	vld.idx.msk [tilespmem:v0+s12+$0x0], $0xffff;
	[tilespmem:s19+$0x150] =	vst v43  }
0x3cd: {  	v62 =	vbroadcast v51, $0x4;
	[tilespmem:s19+$0xFFFFFFB0] =	vst v42;
	v30 =	vmovc v39;
	v59 =	vadd.s32 v6, v9;
	v43 =	vld.idx.msk [tilespmem:v50+s12+$0x0], $0xffff;
	v50 =	vbroadcast v18, $0x1  }
0x3ce: {  	v42 =	vbroadcast v8, $0xB;
	v0 =	vsel vm8, v41, v60;
	v41 =	vadd.s32 v7, v60;
	v39 =	vld.idx.msk [tilespmem:v63+s12+$0x0], $0xffff;
	[tilespmem:s20+$0xE0] =	vst v52  }
0x3cf: {  	v52 =	vadd.s32 v7, v53;
	v63 =	vbroadcast v51, $0x5;
	v49 =	vsel vm8, v49, v50;
	[tilespmem:s22+$0xFFFFFEE0] =	vst v56;
	v55 =	vld.idx.msk [tilespmem:v61+s12+$0x0], $0xffff  }
0x3d0: {  	v60 =	vbroadcast v51, $0x6;
	v37 =	vadd.s32 v14, v62;
	v48 =	vld.idx.msk [tilespmem:v48+s12+$0x0], $0xffff;
	v57 =	vadd.s32 v6, v49;
	[tilespmem:s20+$0xFFFFFF50] =	vst v44  }
0x3d1: {  	v61 =	vsel vm8, v54, v42;
	v40 =	vsel vm8, v62, v63;
	v62 =	vbroadcast v51, $0x7;
	v54 =	vld.idx.msk [tilespmem:v35+s12+$0x0], $0xffff;
	[tilespmem:s22+$0x70] =	vst v58  }
0x3d2: {  	v44 =	vadd.s32 v6, v61;
	v53 =	vadd.s32 v7, v63;
	v35 =	vadd.s32 v6, v40;
	v40 =	vld.idx.msk [tilespmem:v47+s12+$0x0], $0xffff  }
0x3d3: {  	s22 =	sadd.s32 $0x300, s22;
	v47 =	vbroadcast v10, $0x6;
	[tilespmem:s19+$0x160] =	vst v43;
	v63 =	vsel vm8, v60, v62;
	v49 =	vadd.s32 v7, v62;
	v62 =	vld.idx.msk [tilespmem:v28+s12+$0x0], $0xffff  }
0x3d4: {  	v52 =	vld.idx.msk [tilespmem:v52+s12+$0x0], $0xffff;
	[tilespmem:s22+$0x0] =	vst v39  }
0x3d5: {  	v56 =	vadd.s32 v14, v60;
	v60 =	vbroadcast v51, $0x8;
	v61 =	vadd.s32 v14, v47;
	v57 =	vld.idx.msk [tilespmem:v57+s12+$0x0], $0xffff;
	[tilespmem:s20+$0xF0] =	vst v55  }
0x3d6: {  	v50 =	vadd.s32 v7, v50;
	v58 =	vadd.s32 v6, v63;
	v63 =	vbroadcast v51, $0x9;
	[tilespmem:s22+$0xFFFFFE80] =	vst v48  }
0x3d7: {  	v9 =	vbroadcast v51, $0xA;
	v42 =	vadd.s32 v7, v42;
	v43 =	vadd.s32 v14, v60;
	v59 =	vld.idx.msk [tilespmem:v59+s12+$0x0], $0xffff;
	[tilespmem:s21+$0xFFFFFEF0] =	vst v54  }
0x3d8: {  	v48 =	vbroadcast v51, $0xB;
	v55 =	vbroadcast v51, $0xC;
	v11 =	vld.idx.msk [tilespmem:v44+s12+$0x0], $0xffff;
	v44 =	vsel vm8, v60, v63;
	[tilespmem:s21+$0x80] =	vst v40  }
0x3d9: {  	v28 =	vmovc v34;
	v60 =	vbroadcast v51, $0xD;
	v54 =	vbroadcast v10, $0x7;
	v34 =	vadd.s32 v7, v63;
	v38 =	vld.idx.msk [tilespmem:v38+s12+$0x0], $0xffff;
	[tilespmem:s20+$0xFFFFFF60] =	vst v62  }
0x3da: {  	v12 =	vbroadcast v51, $0xE;
	v63 =	vadd.s32 v14, v9;
	v9 =	vsel vm8, v9, v48;
	v61 =	vld.idx.msk [tilespmem:v61+s12+$0x0], $0xffff;
	[tilespmem:s19+$0x170] =	vst v52  }
0x3db: {  	v52 =	vsel vm8, v47, v54;
	v47 =	vbroadcast v51, $0xF;
	v51 =	vld.idx.msk [tilespmem:v29+s12+$0x0], $0xffff;
	v29 =	vsel vm8, v55, v60;
	[tilespmem:s22+$0x10] =	vst v57  }
0x3dc: {  	v13 =	vadd.s32 v7, v48;
	v48 =	vadd.s32 v6, v52;
	v52 =	vbroadcast v18, $0x2;
	v50 =	vld.idx.msk [tilespmem:v50+s12+$0x0], $0xffff;
	[tilespmem:s22+$0xFFFFFE90] =	vst v59  }
0x3dd: {  	v39 =	vadd.s32 v6, v44;
	[tilespmem:s20+$0x100] =	vst v11;
	v59 =	vld.idx.msk [tilespmem:v36+s12+$0x0], $0xffff  }
0x3de: {  	v40 =	vadd.s32 v6, v29;
	v62 =	vadd.s32 v14, v52;
	[tilespmem:s21+$0xFFFFFF00] =	vst v38;
	v29 =	vmov v2;
	v2 =	vld [tilespmem:$0x1FBD0]  }
0x3df: {  	v44 =	vadd.s32 v14, v55;
	v11 =	vadd.s32 v7, v60;
	v38 =	vmov v53;
	v53 =	vld.idx.msk [tilespmem:v33+s12+$0x0], $0xffff;
	[tilespmem:s18+$0xFFFFFFF0] =	vst v45  }
0x3e0: {  	v57 =	vbroadcast v8, $0xC;
	v60 =	vadd.s32 v14, v12;
	v12 =	vsel vm8, v12, v47;
	v55 =	vld.idx.msk [tilespmem:v42+s12+$0x0], $0xffff;
	s18 =	smov.u32 s19;
	s19 =	smov.u32 s20;
	[tilespmem:s21+$0x90] =	vst v61  }
0x3e1: {  	v42 =	vadd.s32 v6, v12;
	[tilespmem:s19+$0xFFFFFF70] =	vst v51;
	v12 =	vld.idx.msk [tilespmem:v48+s12+$0x0], $0xffff  }
0x3e2: {  	v9 =	vadd.s32 v6, v9;
	v61 =	vadd.s32 v14, v57;
	v48 =	vld.idx.msk [tilespmem:v26+s12+$0x0], $0xffff;
	[tilespmem:s22+$0x20] =	vst v50  }
0x3e3: {  	v26 =	vmov v1;
	v1 =	vmov v9;
	v9 =	vld.idx.msk [tilespmem:v62+s12+$0x0], $0xffff  }
0x3e4: {  	v62 =	vmov v15;
	v15 =	vld [tilespmem:$0x1FBE0]  }
0x3e5: {  	[tilespmem:s19+$0x110] =	vst v55  }
0x3e6: {  	v36 =	vadd.s32 v7, v47;
	v47 =	vadd.s32 v7, v54;
	s20 =	smov.u32 s21;
	v45 =	vld.idx.msk [tilespmem:v2+s12+$0x0], $0xffff;
	v2 =	vmov v63;
	[tilespmem:s22+$0xFFFFFEA0] =	vst v59  }
0x3e7: {  	v51 =	vld.idx.msk [tilespmem:v61+s12+$0x0], $0xffff;
	v63 =	vmovc v16;
	v16 =	vmovc v22;
	v22 =	vmov v32;
	v32 =	vmov v11;
	v11 =	vbroadcast v18, $0x3;
	[tilespmem:s20+$0xA0] =	vst v12  }
0x3e8: {  	v33 =	vmov v56;
	v56 =	vbroadcast v8, $0xD;
	[tilespmem:$0x1FBD0] =	vst v16;
	v46 =	vld.idx.msk [tilespmem:v46+s12+$0x0], $0xffff  }
0x3e9: {  	v0 =	vadd.s32 v6, v0;
	[tilespmem:s20+$0xFFFFFF10] =	vst v53;
	v54 =	vsel vm8, v52, v11  }
0x3ea: {  	v55 =	vsel vm8, v57, v56;
	v57 =	vld.idx.msk [tilespmem:v5+s12+$0x0], $0xffff;
	[tilespmem:s19+$0xFFFFFF80] =	vst v48;
	v54 =	vadd.s32 v6, v54  }
0x3eb: {  	s23 =	sadd.s32 $0x2, s23;
	v61 =	vld.idx.msk [tilespmem:v47+s12+$0x0], $0xffff;
	[tilespmem:s18+$0xFFFFFFC0] =	vst v45  }
0x3ec: {  	p0 =	slt.u32 s23, $0x5E;
	v12 =	vadd.s32 v6, v55;
	[tilespmem:s22+$0x30] =	vst v9;
	v48 =	vld.idx.msk [tilespmem:v15+s12+$0x0], $0xffff  }
.Ltmp2:
0x3ed: {  	v50 =	vbroadcast v10, $0x8;
	v16 =	vmov v21;
	v47 =	vld.idx.msk [tilespmem:v25+s12+$0x0], $0xffff;
	[tilespmem:s22+$0xFFFFFEB0] =	vst v46;
	(pc) =	sbr.rel @p0 .LBB2_6-.Ltmp2, $4  }
0x3ee: {  	[tilespmem:$0x1FBE0] =	vst v16;
	v53 =	vld.idx.msk [tilespmem:v0+s12+$0x0], $0xffff  }
0x3ef: {  	v5 =	vmov v58;
	v52 =	vadd.s32 v14, v50;
	v55 =	vadd.s32 v7, v11;
	[tilespmem:s20+$0xFFFFFF20] =	vst v57;
	v54 =	vld.idx.msk [tilespmem:v54+s12+$0x0], $0xffff  }
0x3f0: {  	v21 =	vmovc v31;
	v31 =	vmovc v60;
	v45 =	vbroadcast v10, $0x9;
	v15 =	vmov v17;
	v17 =	vmov v19;
	[tilespmem:s19+$0x120] =	vst v51;
	v51 =	vld.idx.msk [tilespmem:v3+s12+$0x0], $0xffff  }
0x3f1: {  	s24 =	sadd.s32 $0x20, s24;
	s21 =	smov.u32 s22;
	v25 =	vmovc v4;
	v4 =	vmov v13;
	v0 =	vadd.s32 v7, v56;
	v3 =	vmov v49;
	v46 =	vld.idx.msk [tilespmem:v12+s12+$0x0], $0xffff;
	[tilespmem:s20+$0xB0] =	vst v61  }
0x3f2: {  	_ =	sdelay $0x2  }
0x3f3: {  	v9 =	vbroadcast v18, $0x4;
	[tilespmem:s22+$0x40] =	vst v54  }
0x3f4: {  	v61 =	vlaneseq.u32;
	v11 =	vld.idx.msk [tilespmem:v55+s12+$0x0], $0xffff  }
0x3f5: {  	[tilespmem:s22+$0xFFFFFEC0] =	vst v53;
	v12 =	vadd.s32 v61, v9  }
0x3f6: {  	v13 =	vld.idx.msk [tilespmem:v41+s12+$0x0], $0xffff;
	_ =	sdelay $0x1  }
0x3f7: {  	v60 =	vbroadcast v18, $0x5  }
0x3f8: {  	[tilespmem:s22+$0x50] =	vst v11  }
0x3f9: {  	v9 =	vsel vm8, v9, v60;
	v11 =	vld.idx.msk [tilespmem:v12+s12+$0x0], $0xffff  }
0x3fa: {  	v9 =	vadd.s32 v6, v9;
	[tilespmem:s22+$0xFFFFFED0] =	vst v13  }
0x3fb: {  	v12 =	vld.idx.msk [tilespmem:v37+s12+$0x0], $0xffff;
	_ =	sdelay $0x2  }
0x3fc: {  	[tilespmem:s22+$0x60] =	vst v11  }
0x3fd: {  	v9 =	vld.idx.msk [tilespmem:v9+s12+$0x0], $0xffff  }
0x3fe: {  	v11 =	vadd.s32 v7, v60;
	[tilespmem:s22+$0xFFFFFEE0] =	vst v12  }
0x3ff: {  	v12 =	vld.idx.msk [tilespmem:v35+s12+$0x0], $0xffff;
	_ =	sdelay $0x2  }
0x400: {  	[tilespmem:s22+$0x70] =	vst v9;
	v9 =	vbroadcast v18, $0x6  }
0x401: {  	v11 =	vld.idx.msk [tilespmem:v11+s12+$0x0], $0xffff  }
0x402: {  	[tilespmem:s21+$0xFFFFFEF0] =	vst v12;
	v13 =	vadd.s32 v61, v9  }
0x403: {  	v12 =	vld.idx.msk [tilespmem:v38+s12+$0x0], $0xffff;
	_ =	sdelay $0x1  }
0x404: {  	v38 =	vbroadcast v18, $0x7  }
0x405: {  	[tilespmem:s21+$0x80] =	vst v11  }
0x406: {  	v9 =	vsel vm8, v9, v38;
	v11 =	vld.idx.msk [tilespmem:v13+s12+$0x0], $0xffff  }
0x407: {  	v9 =	vadd.s32 v6, v9;
	[tilespmem:s21+$0xFFFFFF00] =	vst v12  }
0x408: {  	v12 =	vld.idx.msk [tilespmem:v33+s12+$0x0], $0xffff;
	_ =	sdelay $0x2  }
0x409: {  	[tilespmem:s21+$0x90] =	vst v11  }
0x40a: {  	v9 =	vld.idx.msk [tilespmem:v9+s12+$0x0], $0xffff  }
0x40b: {  	v11 =	vadd.s32 v7, v38;
	[tilespmem:s21+$0xFFFFFF10] =	vst v12  }
0x40c: {  	v5 =	vld.idx.msk [tilespmem:v5+s12+$0x0], $0xffff;
	_ =	sdelay $0x2  }
0x40d: {  	[tilespmem:s21+$0xA0] =	vst v9;
	v9 =	vbroadcast v18, $0x8  }
0x40e: {  	v11 =	vld.idx.msk [tilespmem:v11+s12+$0x0], $0xffff  }
0x40f: {  	[tilespmem:s21+$0xFFFFFF20] =	vst v5;
	v12 =	vadd.s32 v61, v9  }
0x410: {  	v3 =	vld.idx.msk [tilespmem:v3+s12+$0x0], $0xffff  }
0x411: {  	v13 =	vsel vm8, v50, v45;
	v5 =	vld.idx.msk [tilespmem:v52+s12+$0x0], $0xffff  }
0x412: {  	v41 =	vbroadcast v18, $0x9;
	v13 =	vadd.s32 v6, v13  }
0x413: {  	[tilespmem:s21+$0xB0] =	vst v11  }
0x414: {  	[tilespmem:s20+$0xFFFFFF30] =	vst v51;
	v9 =	vsel vm8, v9, v41;
	v11 =	vld.idx.msk [tilespmem:v12+s12+$0x0], $0xffff  }
0x415: {  	v9 =	vadd.s32 v6, v9;
	[tilespmem:s21+$0xFFFFFF30] =	vst v3;
	v12 =	vld.idx.msk [tilespmem:v27+s12+$0x0], $0xffff  }
0x416: {  	[tilespmem:s20+$0xC0] =	vst v5;
	v3 =	vld.idx.msk [tilespmem:v43+s12+$0x0], $0xffff  }
0x417: {  	v5 =	vld.idx.msk [tilespmem:v13+s12+$0x0], $0xffff  }
0x418: {  	v13 =	vadd.s32 v7, v45  }
0x419: {  	[tilespmem:s21+$0xC0] =	vst v11  }
0x41a: {  	[tilespmem:s20+$0xFFFFFF40] =	vst v12;
	v9 =	vld.idx.msk [tilespmem:v9+s12+$0x0], $0xffff  }
0x41b: {  	v12 =	vadd.s32 v7, v41;
	[tilespmem:s21+$0xFFFFFF40] =	vst v3;
	v11 =	vld.idx.msk [tilespmem:v30+s12+$0x0], $0xffff  }
0x41c: {  	[tilespmem:s20+$0xD0] =	vst v5;
	v5 =	vbroadcast v10, $0xA;
	v3 =	vld.idx.msk [tilespmem:v39+s12+$0x0], $0xffff  }
0x41d: {  	v13 =	vld.idx.msk [tilespmem:v13+s12+$0x0], $0xffff  }
0x41e: {  	v27 =	vadd.s32 v61, v5  }
0x41f: {  	[tilespmem:s21+$0xD0] =	vst v9;
	v9 =	vbroadcast v18, $0xA  }
0x420: {  	[tilespmem:s20+$0xFFFFFF50] =	vst v11;
	v11 =	vld.idx.msk [tilespmem:v12+s12+$0x0], $0xffff  }
0x421: {  	[tilespmem:s21+$0xFFFFFF50] =	vst v3;
	v3 =	vbroadcast v10, $0xB;
	v12 =	vld.idx.msk [tilespmem:v28+s12+$0x0], $0xffff;
	v28 =	vadd.s32 v61, v9  }
0x422: {  	[tilespmem:s20+$0xE0] =	vst v13;
	v30 =	vld.idx.msk [tilespmem:v34+s12+$0x0], $0xffff  }
0x423: {  	v13 =	vld.idx.msk [tilespmem:v27+s12+$0x0], $0xffff;
	v5 =	vsel vm8, v5, v3  }
0x424: {  	v27 =	vbroadcast v18, $0xB;
	v5 =	vadd.s32 v6, v5  }
0x425: {  	[tilespmem:s21+$0xE0] =	vst v11  }
0x426: {  	v9 =	vsel vm8, v9, v27;
	[tilespmem:s20+$0xFFFFFF60] =	vst v12;
	v11 =	vld.idx.msk [tilespmem:v28+s12+$0x0], $0xffff  }
0x427: {  	v9 =	vadd.s32 v6, v9;
	[tilespmem:s21+$0xFFFFFF60] =	vst v30;
	v12 =	vld.idx.msk [tilespmem:v29+s12+$0x0], $0xffff  }
0x428: {  	[tilespmem:s20+$0xF0] =	vst v13;
	v2 =	vld.idx.msk [tilespmem:v2+s12+$0x0], $0xffff  }
0x429: {  	v5 =	vld.idx.msk [tilespmem:v5+s12+$0x0], $0xffff  }
0x42a: {  	[tilespmem:s18+$0xFFFFFFD0] =	vst v48;
	v3 =	vadd.s32 v7, v3  }
0x42b: {  	[tilespmem:s21+$0xF0] =	vst v11  }
0x42c: {  	[tilespmem:s20+$0xFFFFFF70] =	vst v12;
	v9 =	vld.idx.msk [tilespmem:v9+s12+$0x0], $0xffff  }
0x42d: {  	v12 =	vadd.s32 v7, v27;
	[tilespmem:s21+$0xFFFFFF70] =	vst v2;
	v11 =	vld.idx.msk [tilespmem:v26+s12+$0x0], $0xffff  }
0x42e: {  	v2 =	vbroadcast v10, $0xC;
	v1 =	vld.idx.msk [tilespmem:v1+s12+$0x0], $0xffff;
	[tilespmem:s20+$0x100] =	vst v5  }
0x42f: {  	[tilespmem:s19+$0xFFFFFF90] =	vst v47;
	v3 =	vld.idx.msk [tilespmem:v3+s12+$0x0], $0xffff  }
0x430: {  	v17 =	vld.idx.msk [tilespmem:v17+s12+$0x0], $0xffff;
	[tilespmem:s19+$0x130] =	vst v46;
	v5 =	vadd.s32 v61, v2  }
0x431: {  	v0 =	vld.idx.msk [tilespmem:v0+s12+$0x0], $0xffff;
	[tilespmem:s21+$0x100] =	vst v9;
	v9 =	vbroadcast v18, $0xC  }
0x432: {  	[tilespmem:s20+$0xFFFFFF80] =	vst v11;
	v11 =	vld.idx.msk [tilespmem:v12+s12+$0x0], $0xffff  }
0x433: {  	[tilespmem:s21+$0xFFFFFF80] =	vst v1;
	v1 =	vbroadcast v10, $0xD;
	v12 =	vld.idx.msk [tilespmem:v25+s12+$0x0], $0xffff;
	v13 =	vadd.s32 v61, v9  }
0x434: {  	v4 =	vld.idx.msk [tilespmem:v4+s12+$0x0], $0xffff;
	[tilespmem:s20+$0x110] =	vst v3  }
0x435: {  	[tilespmem:s19+$0xFFFFFFA0] =	vst v17;
	v3 =	vld.idx.msk [tilespmem:v5+s12+$0x0], $0xffff;
	v2 =	vsel vm8, v2, v1  }
0x436: {  	v16 =	vld.idx.msk [tilespmem:v15+s12+$0x0], $0xffff;
	[tilespmem:s19+$0x140] =	vst v0;
	v2 =	vadd.s32 v6, v2  }
0x437: {  	v25 =	vld.idx.msk [tilespmem:v63+s12+$0x0], $0xffff;
	[tilespmem:s21+$0x110] =	vst v11  }
0x438: {  	[tilespmem:s20+$0xFFFFFF90] =	vst v12;
	v11 =	vld.idx.msk [tilespmem:v13+s12+$0x0], $0xffff  }
0x439: {  	[tilespmem:s21+$0xFFFFFF90] =	vst v4;
	v12 =	vld.idx.msk [tilespmem:v24+s12+$0x0], $0xffff  }
0x43a: {  	v13 =	vld.idx.msk [tilespmem:v44+s12+$0x0], $0xffff;
	[tilespmem:s20+$0x120] =	vst v3  }
0x43b: {  	[tilespmem:s19+$0xFFFFFFB0] =	vst v16;
	v2 =	vld.idx.msk [tilespmem:v2+s12+$0x0], $0xffff  }
0x43c: {  	v5 =	vbroadcast v18, $0xD;
	[tilespmem:s18+$0xFFFFFFE0] =	vst v25  }
0x43d: {  	[tilespmem:s21+$0x120] =	vst v11  }
0x43e: {  	v9 =	vsel vm8, v9, v5;
	[tilespmem:s20+$0xFFFFFFA0] =	vst v12  }
0x43f: {  	v9 =	vadd.s32 v6, v9;
	[tilespmem:s21+$0xFFFFFFA0] =	vst v13  }
0x440: {  	v4 =	vbroadcast v8, $0xE;
	[tilespmem:s20+$0x130] =	vst v2  }
0x441: {  	v12 =	vld [tilespmem:$0x1FBD0]  }
0x442: {  	v3 =	vadd.s32 v61, v4  }
0x443: {  	v1 =	vadd.s32 v7, v1  }
0x444: {  	v9 =	vld.idx.msk [tilespmem:v9+s12+$0x0], $0xffff  }
0x445: {  	v11 =	vld.idx.msk [tilespmem:v23+s12+$0x0], $0xffff  }
0x446: {  	v0 =	vld.idx.msk [tilespmem:v40+s12+$0x0], $0xffff  }
0x447: {  	v3 =	vld.idx.msk [tilespmem:v3+s12+$0x0], $0xffff  }
0x448: {  	v1 =	vld.idx.msk [tilespmem:v1+s12+$0x0], $0xffff  }
0x449: {  	[tilespmem:s21+$0x130] =	vst v9;
	v12 =	vld.idx.msk [tilespmem:v12+s12+$0x0], $0xffff  }
0x44a: {  	[tilespmem:s20+$0xFFFFFFB0] =	vst v11  }
0x44b: {  	[tilespmem:s21+$0xFFFFFFB0] =	vst v0  }
0x44c: {  	[tilespmem:s19+$0x150] =	vst v3  }
0x44d: {  	v5 =	vadd.s32 v7, v5;
	v8 =	vbroadcast v8, $0xF;
	[tilespmem:s20+$0x140] =	vst v1  }
0x44e: {  	[tilespmem:s19+$0xFFFFFFC0] =	vst v12  }
0x44f: {  	v4 =	vsel vm8, v4, v8;
	v2 =	vbroadcast v10, $0xE;
	v12 =	vld [tilespmem:$0x1FBE0]  }
0x450: {  	v4 =	vadd.s32 v6, v4  }
0x451: {  	v13 =	vadd.s32 v61, v2  }
0x452: {  	v5 =	vld.idx.msk [tilespmem:v5+s12+$0x0], $0xffff  }
0x453: {  	v11 =	vld.idx.msk [tilespmem:v22+s12+$0x0], $0xffff  }
0x454: {  	v3 =	vld.idx.msk [tilespmem:v32+s12+$0x0], $0xffff  }
0x455: {  	v4 =	vld.idx.msk [tilespmem:v4+s12+$0x0], $0xffff  }
0x456: {  	v1 =	vadd.s32 v7, v8;
	v8 =	vld.idx.msk [tilespmem:v13+s12+$0x0], $0xffff  }
0x457: {  	[tilespmem:s21+$0x140] =	vst v5;
	v12 =	vld.idx.msk [tilespmem:v12+s12+$0x0], $0xffff  }
0x458: {  	[tilespmem:s20+$0xFFFFFFC0] =	vst v11  }
0x459: {  	v9 =	vbroadcast v18, $0xE;
	[tilespmem:s21+$0xFFFFFFC0] =	vst v3  }
0x45a: {  	[tilespmem:s19+$0x160] =	vst v4  }
0x45b: {  	v15 =	vadd.s32 v61, v9;
	[tilespmem:s20+$0x150] =	vst v8  }
0x45c: {  	v0 =	vbroadcast v10, $0xF;
	[tilespmem:s19+$0xFFFFFFD0] =	vst v12  }
0x45d: {  	v4 =	vld [tilespmem:$0x1FBF0]  }
0x45e: {  	v10 =	vbroadcast v18, $0xF;
	v2 =	vsel vm8, v2, v0  }
0x45f: {  	v2 =	vadd.s32 v6, v2  }
0x460: {  	v9 =	vsel vm8, v9, v10;
	v5 =	vld.idx.msk [tilespmem:v15+s12+$0x0], $0xffff  }
0x461: {  	v9 =	vadd.s32 v6, v9;
	v11 =	vld.idx.msk [tilespmem:v21+s12+$0x0], $0xffff  }
0x462: {  	v3 =	vld.idx.msk [tilespmem:v31+s12+$0x0], $0xffff  }
0x463: {  	v1 =	vld.idx.msk [tilespmem:v1+s12+$0x0], $0xffff  }
0x464: {  	v2 =	vld.idx.msk [tilespmem:v2+s12+$0x0], $0xffff  }
0x465: {  	[tilespmem:s21+$0x150] =	vst v5;
	v4 =	vld.idx.msk [tilespmem:v4+s12+$0x0], $0xffff  }
0x466: {  	[tilespmem:s20+$0xFFFFFFD0] =	vst v11;
	v5 =	vld.idx.msk [tilespmem:v9+s12+$0x0], $0xffff  }
0x467: {  	[tilespmem:s21+$0xFFFFFFD0] =	vst v3;
	v8 =	vld.idx.msk [tilespmem:v20+s12+$0x0], $0xffff  }
0x468: {  	[tilespmem:s19+$0x170] =	vst v1  }
0x469: {  	[tilespmem:s20+$0x160] =	vst v2  }
0x46a: {  	[tilespmem:s19+$0xFFFFFFE0] =	vst v4  }
0x46b: {  	v2 =	vld [tilespmem:$0x1FC00];
	[tilespmem:s21+$0x160] =	vst v5  }
0x46c: {  	v0 =	vadd.s32 v7, v0;
	v1 =	vld.idx.msk [tilespmem:v42+s12+$0x0], $0xffff;
	[tilespmem:s20+$0xFFFFFFE0] =	vst v8  }
0x46d: {  	v9 =	vadd.s32 v7, v10;
	v5 =	vld [tilespmem:$0x1FC10];
	_ =	sdelay $0x2  }
0x46e: {  	v3 =	vld.idx.msk [tilespmem:v62+s12+$0x0], $0xffff  }
0x46f: {  	v0 =	vld.idx.msk [tilespmem:v0+s12+$0x0], $0xffff  }
0x470: {  	v4 =	vld.idx.msk [tilespmem:v9+s12+$0x0], $0xffff;
	[tilespmem:s21+$0xFFFFFFE0] =	vst v1  }
0x471: {  	v1 =	vld.idx.msk [tilespmem:v36+s12+$0x0], $0xffff  }
0x472: {  	v2 =	vld.idx.msk [tilespmem:v2+s12+$0x0], $0xffff  }
0x473: {  	[tilespmem:s18+$0xFFFFFFF0] =	vst v3;
	v5 =	vld.idx.msk [tilespmem:v5+s12+$0x0], $0xffff  }
0x474: {  	[tilespmem:s20+$0x170] =	vst v0  }
0x475: {  	[tilespmem:s21+$0x170] =	vst v4  }
0x476: {  	[tilespmem:s21+$0xFFFFFFF0] =	vst v1  }
0x477: {  	[tilespmem:s19+$0xFFFFFFF0] =	vst v2  }
0x478: {  	[tilespmem:s20+$0xFFFFFFF0] =	vst v5  }
0x479: {  	s0 =	simm.s32 $0xC10;
	s1 =	rddreg [dreg:$0x8]  }
0x47a: {  	v0 =	vor.u32 s0, v61;
	[hbm4b:s1+s16] =	stream.linear.scatter [tilespmem:s5], [sflag:$0x2], $0x9000, $0x38;
	[tilespmem:$0x15D00] =	vst v63  }
0x47b: {  	s15 =	simm.s32 $0x10;
	v1 =	vmulhi.u32 $0xAAAAAAAB, v0;
	_ =	swait.ge [sflag:s6], $0x9000  }
0x47c: {  	s0 =	sand.u32 $0x1F80, s0;
	s1 =	sand.u32 $0x70, s15;
	[sflag:s6] =	ssyncset.done $0x0  }
0x47d: {  	v1 =	vshrl.u32 v1, $0x3;
	s0 =	sor.u32 s1, s0;
	[sflag:s6] =	ssyncadd.s32 $0xFFFF7000  }
0x47e: {  	v1 =	vmul.u32 $0xC, v1;
	v2 =	vld [tilespmem:s0+$0x2500];
	_ =	sdelay $0x1  }
0x47f: {  	v0 =	vsub.s32 v0, v1  }
0x480: {  	v0 =	vmul.u32 $0x1C, v0;
	_ =	sdelay $0x1  }
0x481: {  	s17 =	simm.s32 $0xC00;
	v0 =	vadd.s32 v0, v2  }
0x482: {  	v18 =	vmul.u32 $0x19, v0;
	v0 =	vor.u32 s17, v61  }
0x483: {  	s18 =	simm.s32 $0x0;
	v1 =	vmulhi.u32 $0xAAAAAAAB, v0  }
0x484: {  	s1 =	sand.u32 $0x60, s18;
	s0 =	sand.u32 $0x1F80, s17;
	v2 =	vbroadcast v18, $0x0  }
0x485: {  	s0 =	sor.u32 s1, s0;
	v1 =	vshrl.u32 v1, $0x3  }
0x486: {  	v4 =	vld [tilespmem:s0+$0x2500];
	v3 =	vadd.s32 v61, v2;
	v1 =	vmul.u32 $0xC, v1;
	_ =	sdelay $0x1  }
0x487: {  	v0 =	vsub.s32 v0, v1  }
0x488: {  	v1 =	vbroadcast v18, $0x1;
	v0 =	vmul.u32 $0x1C, v0;
	_ =	sdelay $0x1  }
0x489: {  	v2 =	vsel vm8, v2, v1;
	v3 =	vld.idx.msk [tilespmem:v3+s12+$0x0], $0xffff;
	v0 =	vadd.s32 v0, v4  }
0x48a: {  	v2 =	vadd.s32 v6, v2;
	v0 =	vmul.u32 $0x19, v0;
	_ =	sdelay $0x1  }
0x48b: {  	v4 =	vbroadcast v0, $0x0  }
0x48c: {  	s18 =	simm.s32 $0x3E80  }
0x48d: {  	[tilespmem:s18+$0x0] =	vst v3;
	v3 =	vadd.s32 v61, v4  }
0x48e: {  	v2 =	vld.idx.msk [tilespmem:v2+s12+$0x0], $0xffff  }
0x48f: {  	v1 =	vadd.s32 v7, v1  }
0x490: {  	v5 =	vbroadcast v0, $0x1;
	_ =	sdelay $0x1  }
0x491: {  	v4 =	vsel vm8, v4, v5;
	v3 =	vld.idx.msk [tilespmem:v3+s12+$0x0], $0xffff  }
0x492: {  	v4 =	vadd.s32 v6, v4;
	[tilespmem:s18+$0x10] =	vst v2;
	v2 =	vbroadcast v18, $0x2  }
0x493: {  	v1 =	vld.idx.msk [tilespmem:v1+s12+$0x0], $0xffff  }
0x494: {  	v8 =	vadd.s32 v61, v2;
	_ =	sdelay $0x1  }
0x495: {  	[tilespmem:s18+$0xFFFFFE80] =	vst v3  }
0x496: {  	v3 =	vbroadcast v18, $0x3;
	v4 =	vld.idx.msk [tilespmem:v4+s12+$0x0], $0xffff  }
0x497: {  	[tilespmem:s18+$0x20] =	vst v1;
	v1 =	vadd.s32 v7, v5  }
0x498: {  	v2 =	vsel vm8, v2, v3;
	v5 =	vld.idx.msk [tilespmem:v8+s12+$0x0], $0xffff  }
0x499: {  	v2 =	vadd.s32 v6, v2;
	_ =	sdelay $0x1  }
0x49a: {  	v8 =	vbroadcast v0, $0x2;
	[tilespmem:s18+$0xFFFFFE90] =	vst v4  }
0x49b: {  	v1 =	vld.idx.msk [tilespmem:v1+s12+$0x0], $0xffff  }
0x49c: {  	v4 =	vadd.s32 v61, v8;
	[tilespmem:s18+$0x30] =	vst v5  }
0x49d: {  	v2 =	vld.idx.msk [tilespmem:v2+s12+$0x0], $0xffff  }
0x49e: {  	s19 =	simm.s32 $0xC30;
	v3 =	vadd.s32 v7, v3  }
0x49f: {  	v9 =	vor.u32 s19, v61;
	s20 =	simm.s32 $0x30;
	v5 =	vbroadcast v0, $0x3  }
0x4a0: {  	s1 =	sand.u32 $0x70, s20;
	s0 =	sand.u32 $0x1F80, s19;
	[tilespmem:s18+$0xFFFFFEA0] =	vst v1;
	v1 =	vmulhi.u32 $0xAAAAAAAB, v9  }
0x4a1: {  	s0 =	sor.u32 s1, s0;
	v8 =	vsel vm8, v8, v5;
	v4 =	vld.idx.msk [tilespmem:v4+s12+$0x0], $0xffff  }
0x4a2: {  	v10 =	vbroadcast v18, $0x4;
	[tilespmem:s18+$0x40] =	vst v2;
	v2 =	vadd.s32 v6, v8;
	v1 =	vshrl.u32 v1, $0x3;
	v8 =	vld [tilespmem:s0+$0x2500]  }
0x4a3: {  	s21 =	simm.s32 $0xC20;
	v3 =	vld.idx.msk [tilespmem:v3+s12+$0x0], $0xffff;
	v1 =	vmul.u32 $0xC, v1  }
0x4a4: {  	s22 =	simm.s32 $0x20;
	v11 =	vor.u32 s21, v61;
	v12 =	vadd.s32 v61, v10  }
0x4a5: {  	v13 =	vmulhi.u32 $0xAAAAAAAB, v11;
	s1 =	sand.u32 $0x1F80, s21;
	s0 =	sand.u32 $0x60, s22;
	v1 =	vsub.s32 v9, v1  }
0x4a6: {  	s0 =	sor.u32 s0, s1;
	v1 =	vmul.u32 $0x1C, v1  }
0x4a7: {  	v9 =	vbroadcast v18, $0x5;
	[tilespmem:s18+$0xFFFFFEB0] =	vst v4;
	v4 =	vshrl.u32 v13, $0x3;
	v13 =	vld [tilespmem:s0+$0x2500]  }
0x4a8: {  	v2 =	vld.idx.msk [tilespmem:v2+s12+$0x0], $0xffff;
	v4 =	vmul.u32 $0xC, v4;
	[tilespmem:s18+$0x50] =	vst v3;
	v1 =	vadd.s32 v1, v8  }
0x4a9: {  	v3 =	vadd.s32 v7, v5;
	v5 =	vld.idx.msk [tilespmem:v12+s12+$0x0], $0xffff;
	v8 =	vmul.u32 $0x19, v1;
	v1 =	vsel vm8, v10, v9  }
0x4aa: {  	v4 =	vsub.s32 v11, v4;
	v1 =	vadd.s32 v6, v1  }
0x4ab: {  	v4 =	vmul.u32 $0x1C, v4;
	v10 =	vbroadcast v8, $0x0;
	_ =	sdelay $0x1  }
0x4ac: {  	v11 =	vbroadcast v0, $0x4;
	[tilespmem:s18+$0xFFFFFEC0] =	vst v2;
	v2 =	vadd.s32 v4, v13;
	v4 =	vadd.s32 v61, v10  }
0x4ad: {  	v12 =	vld.idx.msk [tilespmem:v3+s12+$0x0], $0xffff;
	v3 =	vmul.u32 $0x19, v2;
	[tilespmem:s18+$0x60] =	vst v5  }
0x4ae: {  	v2 =	vadd.s32 v61, v11;
	v1 =	vld.idx.msk [tilespmem:v1+s12+$0x0], $0xffff  }
0x4af: {  	v9 =	vadd.s32 v7, v9;
	v13 =	vbroadcast v8, $0x1;
	v5 =	vbroadcast v3, $0x0;
	_ =	sdelay $0x1  }
0x4b0: {  	v14 =	vbroadcast v0, $0x5;
	v10 =	vsel vm8, v10, v13;
	v15 =	vadd.s32 v61, v5;
	v4 =	vld.idx.msk [tilespmem:v4+s12+$0x0], $0xffff  }
0x4b1: {  	v10 =	vadd.s32 v6, v10;
	[tilespmem:s18+$0xFFFFFED0] =	vst v12  }
0x4b2: {  	v11 =	vsel vm8, v11, v14;
	v2 =	vld.idx.msk [tilespmem:v2+s12+$0x0], $0xffff;
	[tilespmem:s18+$0x70] =	vst v1;
	v1 =	vbroadcast v18, $0x6  }
0x4b3: {  	v11 =	vadd.s32 v6, v11;
	v12 =	vbroadcast v3, $0x1;
	v9 =	vld.idx.msk [tilespmem:v9+s12+$0x0], $0xffff  }
0x4b4: {  	s19 =	simm.s32 $0x4180;
	v16 =	vadd.s32 v61, v1  }
0x4b5: {  	v5 =	vsel vm8, v5, v12;
	v15 =	vld.idx.msk [tilespmem:v15+s12+$0x0], $0xffff;
	[tilespmem:s19+$0x0] =	vst v4  }
0x4b6: {  	v4 =	vadd.s32 v6, v5;
	v5 =	vld.idx.msk [tilespmem:v10+s12+$0x0], $0xffff  }
0x4b7: {  	[tilespmem:s18+$0xFFFFFEE0] =	vst v2;
	v2 =	vadd.s32 v7, v13;
	v10 =	vbroadcast v18, $0x7  }
0x4b8: {  	v11 =	vld.idx.msk [tilespmem:v11+s12+$0x0], $0xffff;
	[tilespmem:s18+$0x80] =	vst v9  }
0x4b9: {  	v9 =	vadd.s32 v7, v14;
	v1 =	vsel vm8, v1, v10;
	v13 =	vld.idx.msk [tilespmem:v16+s12+$0x0], $0xffff  }
0x4ba: {  	[tilespmem:s19+$0xFFFFFE80] =	vst v15;
	v1 =	vadd.s32 v6, v1  }
0x4bb: {  	v4 =	vld.idx.msk [tilespmem:v4+s12+$0x0], $0xffff;
	[tilespmem:s19+$0x10] =	vst v5;
	v5 =	vbroadcast v8, $0x2  }
0x4bc: {  	v12 =	vadd.s32 v7, v12;
	v2 =	vld.idx.msk [tilespmem:v2+s12+$0x0], $0xffff  }
0x4bd: {  	v14 =	vbroadcast v0, $0x6;
	[tilespmem:s18+$0xFFFFFEF0] =	vst v11;
	v11 =	vadd.s32 v61, v5  }
0x4be: {  	v9 =	vld.idx.msk [tilespmem:v9+s12+$0x0], $0xffff;
	[tilespmem:s18+$0x90] =	vst v13  }
0x4bf: {  	v15 =	vadd.s32 v61, v14;
	v13 =	vbroadcast v0, $0x7;
	v1 =	vld.idx.msk [tilespmem:v1+s12+$0x0], $0xffff  }
0x4c0: {  	v10 =	vadd.s32 v7, v10;
	v16 =	vbroadcast v3, $0x2;
	[tilespmem:s19+$0xFFFFFE90] =	vst v4;
	v4 =	vbroadcast v8, $0x3  }
0x4c1: {  	v17 =	vbroadcast v0, $0x8;
	v19 =	vbroadcast v0, $0x9;
	v14 =	vsel vm8, v14, v13;
	v12 =	vld.idx.msk [tilespmem:v12+s12+$0x0], $0xffff;
	[tilespmem:s19+$0x20] =	vst v2  }
0x4c2: {  	v2 =	vadd.s32 v7, v13;
	v13 =	vadd.s32 v61, v16;
	v5 =	vsel vm8, v5, v4;
	v11 =	vld.idx.msk [tilespmem:v11+s12+$0x0], $0xffff  }
0x4c3: {  	v20 =	vbroadcast v0, $0xB;
	v24 =	vbroadcast v0, $0xC;
	[tilespmem:s18+$0xFFFFFF00] =	vst v9;
	v5 =	vadd.s32 v6, v5  }
0x4c4: {  	v25 =	vbroadcast v0, $0xD;
	v15 =	vld.idx.msk [tilespmem:v15+s12+$0x0], $0xffff;
	[tilespmem:s18+$0xA0] =	vst v1;
	v1 =	vbroadcast v18, $0x8  }
0x4c5: {  	v22 =	vadd.s32 v61, v17;
	v23 =	vbroadcast v3, $0x3;
	v9 =	vadd.s32 v6, v14;
	v10 =	vld.idx.msk [tilespmem:v10+s12+$0x0], $0xffff  }
0x4c6: {  	v17 =	vsel vm8, v17, v19;
	v27 =	vadd.s32 v7, v19;
	[tilespmem:s19+$0xFFFFFEA0] =	vst v12;
	v12 =	vadd.s32 v61, v1  }
0x4c7: {  	s23 =	simm.s32 $0xC50;
	v30 =	vbroadcast v0, $0xE;
	v21 =	vadd.s32 v7, v20;
	v16 =	vsel vm8, v16, v23;
	v26 =	vld.idx.msk [tilespmem:v13+s12+$0x0], $0xffff;
	[tilespmem:s19+$0x30] =	vst v11  }
0x4c8: {  	v14 =	vbroadcast v0, $0xA;
	v11 =	vadd.s32 v6, v16;
	v16 =	vor.u32 s23, v61;
	v5 =	vld.idx.msk [tilespmem:v5+s12+$0x0], $0xffff  }
0x4c9: {  	s24 =	simm.s32 $0xC40;
	s2 =	simm.s32 $0x50;
	v4 =	vadd.s32 v7, v4;
	[tilespmem:s18+$0xFFFFFF10] =	vst v15;
	v15 =	vbroadcast v18, $0x9;
	v19 =	vmulhi.u32 $0xAAAAAAAB, v16  }
0x4ca: {  	s2 =	sand.u32 $0x70, s2;
	v31 =	vadd.s32 v61, v30;
	s0 =	sand.u32 $0x1F80, s23;
	v13 =	vadd.s32 v61, v14;
	v9 =	vld.idx.msk [tilespmem:v9+s12+$0x0], $0xffff;
	[tilespmem:s18+$0xB0] =	vst v10;
	v10 =	vor.u32 s24, v61  }
0x4cb: {  	s0 =	sor.u32 s2, s0;
	v1 =	vsel vm8, v1, v15;
	v28 =	vld.idx.msk [tilespmem:v12+s12+$0x0], $0xffff;
	v29 =	vmulhi.u32 $0xAAAAAAAB, v10;
	v12 =	vshrl.u32 v19, $0x3  }
0x4cc: {  	s25 =	simm.s32 $0x40;
	v14 =	vsel vm8, v14, v20;
	[tilespmem:s19+$0xFFFFFEB0] =	vst v26;
	v1 =	vadd.s32 v6, v1;
	v19 =	vld [tilespmem:s0+$0x2500];
	v20 =	vmul.u32 $0xC, v12  }
0x4cd: {  	s26 =	sand.u32 $0x1F80, s24;
	s28 =	sand.u32 $0x60, s25;
	v12 =	vadd.s32 v6, v14;
	v11 =	vld.idx.msk [tilespmem:v11+s12+$0x0], $0xffff;
	v14 =	vbroadcast v8, $0x4;
	[tilespmem:s19+$0x40] =	vst v5;
	v5 =	vshrl.u32 v29, $0x3  }
0x4ce: {  	v23 =	vadd.s32 v7, v23;
	s0 =	sor.u32 s28, s26;
	v4 =	vld.idx.msk [tilespmem:v4+s12+$0x0], $0xffff;
	v5 =	vmul.u32 $0xC, v5;
	v16 =	vsub.s32 v16, v20  }
0x4cf: {  	v26 =	vsel vm8, v24, v25;
	v29 =	vld [tilespmem:s0+$0x2500];
	[tilespmem:s18+$0xFFFFFF20] =	vst v9;
	v9 =	vadd.s32 v61, v14;
	v16 =	vmul.u32 $0x1C, v16  }
0x4d0: {  	v20 =	vadd.s32 v61, v24;
	v2 =	vld.idx.msk [tilespmem:v2+s12+$0x0], $0xffff;
	v5 =	vsub.s32 v10, v5;
	[tilespmem:s18+$0xC0] =	vst v28  }
0x4d1: {  	v24 =	vbroadcast v3, $0x4;
	v5 =	vmul.u32 $0x1C, v5;
	v28 =	vld.idx.msk [tilespmem:v1+s12+$0x0], $0xffff;
	v1 =	vadd.s32 v16, v19  }
0x4d2: {  	[tilespmem:s19+$0xFFFFFEC0] =	vst v11;
	v16 =	vbroadcast v8, $0x5;
	v11 =	vadd.s32 v7, v15;
	v10 =	vmul.u32 $0x19, v1  }
0x4d3: {  	v17 =	vadd.s32 v6, v17;
	v0 =	vbroadcast v0, $0xF;
	v15 =	vadd.s32 v61, v24;
	v23 =	vld.idx.msk [tilespmem:v23+s12+$0x0], $0xffff;
	[tilespmem:s19+$0x50] =	vst v4  }
0x4d4: {  	v5 =	vadd.s32 v5, v29;
	v4 =	vld.idx.msk [tilespmem:v9+s12+$0x0], $0xffff;
	v9 =	vsel vm8, v14, v16;
	v14 =	vbroadcast v10, $0x0  }
0x4d5: {  	v19 =	vadd.s32 v6, v26;
	[tilespmem:s18+$0xFFFFFF30] =	vst v2;
	v2 =	vmul.u32 $0x19, v5;
	v5 =	vadd.s32 v6, v9  }
0x4d6: {  	v1 =	vadd.s32 v7, v25;
	v25 =	vbroadcast v18, $0xA;
	v22 =	vld.idx.msk [tilespmem:v22+s12+$0x0], $0xffff;
	[tilespmem:s18+$0xD0] =	vst v28;
	v26 =	vadd.s32 v61, v14  }
0x4d7: {  	v9 =	vsel vm8, v30, v0;
	v28 =	vbroadcast v3, $0x5;
	v29 =	vbroadcast v2, $0x0;
	v30 =	vld.idx.msk [tilespmem:v11+s12+$0x0], $0xffff  }
0x4d8: {  	v62 =	vadd.s32 v7, v0;
	v0 =	vadd.s32 v61, v25;
	[tilespmem:s19+$0xFFFFFED0] =	vst v23  }
0x4d9: {  	v23 =	vsel vm8, v24, v28;
	v15 =	vld.idx.msk [tilespmem:v15+s12+$0x0], $0xffff;
	v24 =	vadd.s32 v61, v29;
	[tilespmem:s19+$0x60] =	vst v4;
	v4 =	vbroadcast v10, $0x1  }
0x4da: {  	v23 =	vadd.s32 v6, v23;
	v5 =	vld.idx.msk [tilespmem:v5+s12+$0x0], $0xffff  }
0x4db: {  	v16 =	vadd.s32 v7, v16;
	[tilespmem:s18+$0xFFFFFF40] =	vst v22;
	v22 =	vld.idx.msk [tilespmem:v26+s12+$0x0], $0xffff;
	v26 =	vbroadcast v18, $0xB;
	v14 =	vsel vm8, v14, v4  }
0x4dc: {  	v44 =	vbroadcast v2, $0x1;
	v17 =	vld.idx.msk [tilespmem:v17+s12+$0x0], $0xffff;
	[tilespmem:s18+$0xE0] =	vst v30;
	v14 =	vadd.s32 v6, v14  }
0x4dd: {  	v0 =	vld.idx.msk [tilespmem:v0+s12+$0x0], $0xffff;
	v25 =	vsel vm8, v25, v26  }
0x4de: {  	v29 =	vsel vm8, v29, v44;
	[tilespmem:s19+$0xFFFFFEE0] =	vst v15;
	v15 =	vld.idx.msk [tilespmem:v24+s12+$0x0], $0xffff;
	v24 =	vadd.s32 v6, v25  }
0x4df: {  	s20 =	simm.s32 $0x4480;
	v29 =	vadd.s32 v6, v29;
	v25 =	vbroadcast v3, $0x8;
	v46 =	vld.idx.msk [tilespmem:v23+s12+$0x0], $0xffff;
	[tilespmem:s19+$0x70] =	vst v5  }
0x4e0: {  	v47 =	vbroadcast v8, $0x6;
	v28 =	vadd.s32 v7, v28;
	v5 =	vbroadcast v3, $0x9;
	v16 =	vld.idx.msk [tilespmem:v16+s12+$0x0], $0xffff;
	[tilespmem:s20+$0x0] =	vst v22  }
0x4e1: {  	v23 =	vadd.s32 v61, v25;
	[tilespmem:s18+$0xFFFFFF50] =	vst v17;
	v14 =	vld.idx.msk [tilespmem:v14+s12+$0x0], $0xffff  }
0x4e2: {  	v17 =	vadd.s32 v61, v47;
	v22 =	vsel vm8, v25, v5;
	v25 =	vld.idx.msk [tilespmem:v27+s12+$0x0], $0xffff;
	[tilespmem:s18+$0xF0] =	vst v0  }
0x4e3: {  	v4 =	vadd.s32 v7, v4;
	[tilespmem:s20+$0xFFFFFE80] =	vst v15;
	v15 =	vld.idx.msk [tilespmem:v24+s12+$0x0], $0xffff  }
0x4e4: {  	v24 =	vld.idx.msk [tilespmem:v29+s12+$0x0], $0xffff;
	[tilespmem:s19+$0xFFFFFEF0] =	vst v46  }
0x4e5: {  	v42 =	vbroadcast v3, $0x6;
	v26 =	vadd.s32 v7, v26;
	v28 =	vld.idx.msk [tilespmem:v28+s12+$0x0], $0xffff;
	[tilespmem:s19+$0x80] =	vst v16  }
0x4e6: {  	v48 =	vbroadcast v3, $0xA;
	v34 =	vadd.s32 v7, v44;
	v27 =	vbroadcast v3, $0xB;
	[tilespmem:s20+$0x10] =	vst v14  }
0x4e7: {  	v54 =	vbroadcast v18, $0xC;
	v45 =	vadd.s32 v61, v42;
	v29 =	vbroadcast v8, $0x7;
	v51 =	vld.idx.msk [tilespmem:v17+s12+$0x0], $0xffff;
	[tilespmem:s18+$0xFFFFFF60] =	vst v25  }
0x4e8: {  	v50 =	vbroadcast v3, $0xD;
	v32 =	vadd.s32 v7, v27;
	v16 =	vsel vm8, v48, v27;
	v27 =	vld.idx.msk [tilespmem:v4+s12+$0x0], $0xffff;
	[tilespmem:s18+$0x100] =	vst v15  }
0x4e9: {  	v63 =	vadd.s32 v6, v9;
	v17 =	vsel vm8, v47, v29;
	v14 =	vbroadcast v10, $0x2;
	v53 =	vld.idx.msk [tilespmem:v13+s12+$0x0], $0xffff;
	[tilespmem:s20+$0xFFFFFE90] =	vst v24  }
0x4ea: {  	v52 =	vbroadcast v3, $0xE;
	v9 =	vadd.s32 v7, v50;
	v25 =	vadd.s32 v6, v17;
	v24 =	vld.idx.msk [tilespmem:v26+s12+$0x0], $0xffff;
	[tilespmem:s19+$0xFFFFFF00] =	vst v28  }
0x4eb: {  	v43 =	vbroadcast v3, $0x7;
	v56 =	vbroadcast v2, $0x2;
	v55 =	vadd.s32 v61, v14;
	v26 =	vld.idx.msk [tilespmem:v34+s12+$0x0], $0xffff;
	[tilespmem:$0x1FB80] =	vst v9  }
0x4ec: {  	v49 =	vbroadcast v3, $0xC;
	v3 =	vbroadcast v3, $0xF;
	v9 =	vadd.s32 v61, v52;
	[tilespmem:s19+$0x90] =	vst v51  }
0x4ed: {  	v57 =	vadd.s32 v61, v56;
	v30 =	vsel vm8, v42, v43;
	v35 =	vld.idx.msk [tilespmem:v45+s12+$0x0], $0xffff;
	[tilespmem:$0x1FB90] =	vst v9  }
0x4ee: {  	v30 =	vadd.s32 v6, v30;
	v59 =	vsel vm8, v52, v3;
	v28 =	vadd.s32 v61, v54;
	[tilespmem:s20+$0x20] =	vst v27  }
0x4ef: {  	v58 =	vbroadcast v10, $0x3;
	v0 =	vadd.s32 v7, v5;
	v9 =	vadd.s32 v6, v59;
	v25 =	vld.idx.msk [tilespmem:v25+s12+$0x0], $0xffff;
	[tilespmem:s18+$0xFFFFFF70] =	vst v53  }
0x4f0: {  	v60 =	vbroadcast v18, $0xD;
	v5 =	vadd.s32 v61, v48;
	v27 =	vadd.s32 v7, v29;
	v29 =	vld.idx.msk [tilespmem:v55+s12+$0x0], $0xffff;
	[tilespmem:$0x1FBA0] =	vst v9  }
0x4f1: {  	v3 =	vadd.s32 v7, v3;
	v13 =	vsel vm8, v49, v50;
	v47 =	vsel vm8, v14, v58;
	[tilespmem:s18+$0x110] =	vst v24  }
0x4f2: {  	v48 =	vbroadcast v2, $0x3;
	v17 =	vadd.s32 v61, v49;
	v49 =	vld.idx.msk [tilespmem:v12+s12+$0x0], $0xffff;
	v24 =	vadd.s32 v6, v47;
	[tilespmem:$0x1FBB0] =	vst v3  }
0x4f3: {  	[tilespmem:s20+$0xFFFFFEA0] =	vst v26;
	v26 =	vld.idx.msk [tilespmem:v28+s12+$0x0], $0xffff;
	v28 =	vsel vm8, v54, v60  }
0x4f4: {  	v38 =	vsel vm8, v56, v48;
	[tilespmem:s19+$0xFFFFFF10] =	vst v35;
	v51 =	vld.idx.msk [tilespmem:v57+s12+$0x0], $0xffff;
	v28 =	vadd.s32 v6, v28  }
0x4f5: {  	s30 =	simm.s32 $0xC60;
	v52 =	vadd.s32 v6, v38;
	v30 =	vld.idx.msk [tilespmem:v30+s12+$0x0], $0xffff;
	[tilespmem:s19+$0xA0] =	vst v25;
	v25 =	vbroadcast v8, $0x8  }
0x4f6: {  	v37 =	vadd.s32 v7, v43;
	v44 =	vbroadcast v10, $0x4;
	v56 =	vor.u32 s30, v61;
	v27 =	vld.idx.msk [tilespmem:v27+s12+$0x0], $0xffff;
	[tilespmem:s20+$0x30] =	vst v29  }
0x4f7: {  	v53 =	vbroadcast v2, $0x6;
	v29 =	vbroadcast v2, $0x7;
	[tilespmem:s18+$0xFFFFFF80] =	vst v49;
	v54 =	vadd.s32 v61, v25;
	v24 =	vld.idx.msk [tilespmem:v24+s12+$0x0], $0xffff  }
0x4f8: {  	s29 =	simm.s32 $0xC70;
	v22 =	vadd.s32 v6, v22;
	v50 =	vbroadcast v2, $0x5;
	v59 =	vmulhi.u32 $0xAAAAAAAB, v56;
	v21 =	vld.idx.msk [tilespmem:v21+s12+$0x0], $0xffff;
	[tilespmem:s18+$0x120] =	vst v26  }
0x4f9: {  	v3 =	vbroadcast v2, $0x4;
	v35 =	vor.u32 s29, v61;
	v55 =	vsel vm8, v53, v29;
	[tilespmem:s20+$0xFFFFFEB0] =	vst v51;
	v28 =	vld.idx.msk [tilespmem:v28+s12+$0x0], $0xffff  }
0x4fa: {  	s31 =	simm.s32 $0x70;
	v45 =	vadd.s32 v7, v29;
	v26 =	vadd.s32 v7, v58;
	[tilespmem:s19+$0xFFFFFF20] =	vst v30;
	v30 =	vbroadcast v8, $0x9;
	v29 =	vld.idx.msk [tilespmem:v52+s12+$0x0], $0xffff  }
0x4fb: {  	s3 =	simm.s32 $0x60;
	s2 =	sand.u32 $0x70, s31;
	s0 =	sand.u32 $0x1F80, s29;
	v38 =	vadd.s32 v7, v48;
	v57 =	vmulhi.u32 $0xAAAAAAAB, v35;
	v37 =	vld.idx.msk [tilespmem:v37+s12+$0x0], $0xffff;
	[tilespmem:s19+$0xB0] =	vst v27;
	v27 =	vadd.s32 v7, v60  }
0x4fc: {  	s3 =	sand.u32 $0x60, s3;
	s1 =	sand.u32 $0x1F80, s30;
	s0 =	sor.u32 s2, s0;
	v42 =	vshrl.u32 v59, $0x3;
	v43 =	vadd.s32 v61, v3;
	v58 =	vld.idx.msk [tilespmem:v54+s12+$0x0], $0xffff;
	v25 =	vsel vm8, v25, v30  }
0x4fd: {  	s1 =	sor.u32 s3, s1;
	v3 =	vsel vm8, v3, v50;
	v41 =	vshrl.u32 v57, $0x3;
	v60 =	vld [tilespmem:s0+$0x2500];
	v25 =	vadd.s32 v6, v25  }
0x4fe: {  	v34 =	vadd.s32 v6, v3;
	v3 =	vadd.s32 v61, v53;
	v41 =	vmul.u32 $0xC, v41;
	[tilespmem:s20+$0x40] =	vst v24;
	v54 =	vld [tilespmem:s1+$0x2500]  }
0x4ff: {  	v53 =	vbroadcast v18, $0xE;
	v36 =	vadd.s32 v6, v55;
	v26 =	vld.idx.msk [tilespmem:v26+s12+$0x0], $0xffff;
	[tilespmem:s18+$0x130] =	vst v28;
	v28 =	vmul.u32 $0xC, v42  }
0x500: {  	v39 =	vbroadcast v18, $0xF;
	v55 =	vadd.s32 v61, v44;
	[tilespmem:s18+$0xFFFFFF90] =	vst v21;
	v21 =	vld.idx.msk [tilespmem:v27+s12+$0x0], $0xffff;
	v27 =	vsub.s32 v35, v41  }
0x501: {  	v20 =	vld.idx.msk [tilespmem:v20+s12+$0x0], $0xffff;
	v28 =	vsub.s32 v56, v28;
	[tilespmem:s19+$0xC0] =	vst v58;
	v56 =	vadd.s32 v61, v53;
	v57 =	vmul.u32 $0x1C, v27  }
0x502: {  	v52 =	vbroadcast v2, $0x9;
	v24 =	vbroadcast v2, $0x8;
	[tilespmem:s20+$0xFFFFFEC0] =	vst v29;
	v28 =	vmul.u32 $0x1C, v28;
	v25 =	vld.idx.msk [tilespmem:v25+s12+$0x0], $0xffff  }
0x503: {  	[tilespmem:s19+$0xFFFFFF30] =	vst v37;
	v37 =	vbroadcast v10, $0x5;
	v29 =	vld.idx.msk [tilespmem:v38+s12+$0x0], $0xffff;
	v58 =	vadd.s32 v7, v30;
	v30 =	vadd.s32 v57, v60  }
0x504: {  	v27 =	vadd.s32 v61, v24;
	v23 =	vld.idx.msk [tilespmem:v23+s12+$0x0], $0xffff;
	[tilespmem:s20+$0x50] =	vst v26;
	v26 =	vadd.s32 v28, v54;
	v18 =	vmul.u32 $0x19, v30  }
0x505: {  	v24 =	vsel vm8, v24, v52;
	v59 =	vld.idx.msk [tilespmem:v55+s12+$0x0], $0xffff;
	[tilespmem:s18+$0x140] =	vst v21;
	v21 =	vsel vm8, v44, v37;
	v40 =	vmul.u32 $0x19, v26  }
0x506: {  	[tilespmem:s18+$0xFFFFFFA0] =	vst v20;
	v26 =	vsel vm8, v53, v39;
	v20 =	vld.idx.msk [tilespmem:v56+s12+$0x0], $0xffff;
	v21 =	vadd.s32 v6, v21;
	v60 =	vbroadcast v18, $0x0  }
0x507: {  	v42 =	vbroadcast v8, $0xA;
	v30 =	vadd.s32 v6, v24;
	v19 =	vld.idx.msk [tilespmem:v19+s12+$0x0], $0xffff;
	v24 =	vadd.s32 v6, v26;
	[tilespmem:s19+$0xD0] =	vst v25  }
0x508: {  	[tilespmem:s20+$0xFFFFFED0] =	vst v29;
	v38 =	vld.idx.msk [tilespmem:v58+s12+$0x0], $0xffff;
	v54 =	vadd.s32 v61, v60  }
0x509: {  	v49 =	vbroadcast v2, $0xA;
	[tilespmem:s19+$0xFFFFFF40] =	vst v23;
	v56 =	vadd.s32 v61, v42;
	v44 =	vbroadcast v40, $0x0;
	v43 =	vld.idx.msk [tilespmem:v43+s12+$0x0], $0xffff  }
0x50a: {  	v4 =	vadd.s32 v6, v16;
	v51 =	vbroadcast v2, $0xD;
	v41 =	vbroadcast v2, $0xB;
	v22 =	vld.idx.msk [tilespmem:v22+s12+$0x0], $0xffff;
	[tilespmem:s20+$0x60] =	vst v59  }
0x50b: {  	v28 =	vadd.s32 v7, v52;
	v55 =	vbroadcast v2, $0xC;
	v57 =	vadd.s32 v61, v44;
	v21 =	vld.idx.msk [tilespmem:v21+s12+$0x0], $0xffff;
	[tilespmem:s18+$0x150] =	vst v20  }
0x50c: {  	v37 =	vadd.s32 v7, v37;
	v23 =	vsel vm8, v49, v41;
	v46 =	vbroadcast v18, $0x1;
	[tilespmem:s18+$0xFFFFFFB0] =	vst v19;
	v58 =	vld.idx.msk [tilespmem:v24+s12+$0x0], $0xffff  }
0x50d: {  	v26 =	vadd.s32 v6, v23;
	v20 =	vsel vm8, v55, v51;
	v19 =	vld.idx.msk [tilespmem:v54+s12+$0x0], $0xffff;
	[tilespmem:s19+$0xE0] =	vst v38  }
0x50e: {  	v23 =	vadd.s32 v6, v20;
	v20 =	vsel vm8, v60, v46;
	[tilespmem:s20+$0xFFFFFEE0] =	vst v43;
	v38 =	vbroadcast v8, $0xB;
	v60 =	vld.idx.msk [tilespmem:v56+s12+$0x0], $0xffff  }
0x50f: {  	v39 =	vadd.s32 v7, v39;
	v59 =	vbroadcast v40, $0x1;
	v24 =	vadd.s32 v61, v55;
	[tilespmem:s19+$0xFFFFFF50] =	vst v22  }
0x510: {  	v52 =	vbroadcast v2, $0xE;
	v54 =	vadd.s32 v6, v20;
	v53 =	vld.idx.msk [tilespmem:v57+s12+$0x0], $0xffff;
	v20 =	vsel vm8, v42, v38;
	[tilespmem:s20+$0x70] =	vst v21  }
0x511: {  	s22 =	simm.s32 $0x4780;
	v2 =	vbroadcast v2, $0xF;
	v55 =	vsel vm8, v44, v59;
	v34 =	vld.idx.msk [tilespmem:v34+s12+$0x0], $0xffff;
	v56 =	vadd.s32 v6, v20;
	[tilespmem:s18+$0x160] =	vst v58  }
0x512: {  	v15 =	vadd.s32 v6, v13;
	v0 =	vld.idx.msk [tilespmem:v0+s12+$0x0], $0xffff;
	v42 =	vadd.s32 v6, v55;
	[tilespmem:s22+$0x0] =	vst v19  }
0x513: {  	v20 =	vsel vm8, v52, v2;
	v2 =	vadd.s32 v7, v2;
	v37 =	vld.idx.msk [tilespmem:v37+s12+$0x0], $0xffff;
	[tilespmem:s19+$0xF0] =	vst v60  }
0x514: {  	v33 =	vadd.s32 v7, v50;
	v50 =	vbroadcast v10, $0x6;
	v29 =	vadd.s32 v61, v49;
	v39 =	vld.idx.msk [tilespmem:v39+s12+$0x0], $0xffff;
	[tilespmem:$0x1FBC0] =	vst v2  }
0x515: {  	v25 =	vadd.s32 v7, v41;
	v47 =	vadd.s32 v7, v59;
	v49 =	vld.idx.msk [tilespmem:v54+s12+$0x0], $0xffff;
	[tilespmem:s22+$0xFFFFFE80] =	vst v53  }
0x516: {  	v48 =	vbroadcast v10, $0x7;
	v22 =	vadd.s32 v7, v51;
	v57 =	vadd.s32 v61, v50;
	v44 =	vld.idx.msk [tilespmem:v56+s12+$0x0], $0xffff;
	[tilespmem:s20+$0xFFFFFEF0] =	vst v34  }
0x517: {  	v46 =	vadd.s32 v7, v46;
	v43 =	vbroadcast v40, $0x6;
	v58 =	vbroadcast v40, $0x3;
	[tilespmem:s19+$0xFFFFFF60] =	vst v0;
	v1 =	vld.idx.msk [tilespmem:v1+s12+$0x0], $0xffff  }
0x518: {  	v38 =	vadd.s32 v7, v38;
	v21 =	vadd.s32 v61, v52;
	v2 =	vbroadcast v40, $0x2;
	v42 =	vld.idx.msk [tilespmem:v42+s12+$0x0], $0xffff;
	[tilespmem:s20+$0x80] =	vst v37  }
0x519: {  	v20 =	vadd.s32 v6, v20;
	v60 =	vbroadcast v40, $0x4;
	v41 =	vadd.s32 v7, v58;
	v33 =	vld.idx.msk [tilespmem:v33+s12+$0x0], $0xffff;
	[tilespmem:s18+$0x170] =	vst v39  }
0x51a: {  	v55 =	vbroadcast v40, $0x5;
	v59 =	vsel vm8, v2, v58;
	v2 =	vadd.s32 v61, v2;
	v5 =	vld.idx.msk [tilespmem:v5+s12+$0x0], $0xffff;
	[tilespmem:s22+$0x10] =	vst v49  }
0x51b: {  	v37 =	vadd.s32 v61, v60;
	v56 =	vld.idx.msk [tilespmem:v57+s12+$0x0], $0xffff;
	v57 =	vsel vm8, v50, v48;
	v49 =	vbroadcast v18, $0x2;
	[tilespmem:s19+$0x100] =	vst v44  }
0x51c: {  	v58 =	vsel vm8, v60, v55;
	v50 =	vbroadcast v8, $0xC;
	v0 =	vadd.s32 v6, v57;
	[tilespmem:s18+$0xFFFFFFC0] =	vst v1;
	v46 =	vld.idx.msk [tilespmem:v46+s12+$0x0], $0xffff  }
0x51d: {  	v53 =	vadd.s32 v6, v59;
	v59 =	vbroadcast v40, $0x7;
	[tilespmem:s22+$0xFFFFFE90] =	vst v42;
	v42 =	vld.idx.msk [tilespmem:v38+s12+$0x0], $0xffff;
	v57 =	vadd.s32 v61, v49  }
0x51e: {  	v51 =	vbroadcast v18, $0x3;
	v35 =	vadd.s32 v6, v58;
	v54 =	vadd.s32 v61, v50;
	[tilespmem:s20+$0xFFFFFF00] =	vst v33;
	v60 =	vld.idx.msk [tilespmem:v47+s12+$0x0], $0xffff  }
0x51f: {  	v48 =	vadd.s32 v7, v48;
	v58 =	vsel vm8, v43, v59;
	v44 =	vbroadcast v40, $0x9;
	[tilespmem:s19+$0xFFFFFF70] =	vst v5;
	v52 =	vld.idx.msk [tilespmem:v3+s12+$0x0], $0xffff  }
0x520: {  	v38 =	vadd.s32 v7, v55;
	[tilespmem:s20+$0x90] =	vst v56;
	v3 =	vadd.s32 v7, v59;
	v59 =	vbroadcast v40, $0x8;
	v4 =	vld.idx.msk [tilespmem:v4+s12+$0x0], $0xffff  }
0x521: {  	v33 =	vadd.s32 v61, v43;
	v5 =	vadd.s32 v6, v58;
	v58 =	vbroadcast v40, $0xE;
	v0 =	vld.idx.msk [tilespmem:v0+s12+$0x0], $0xffff;
	[tilespmem:s22+$0x20] =	vst v46  }
0x522: {  	v56 =	vbroadcast v8, $0xD;
	v34 =	vadd.s32 v7, v44;
	v43 =	vadd.s32 v61, v59;
	[tilespmem:s19+$0x110] =	vst v42;
	v42 =	vld.idx.msk [tilespmem:v57+s12+$0x0], $0xffff  }
0x523: {  	v47 =	vbroadcast v40, $0xB;
	v39 =	vsel vm8, v59, v44;
	[tilespmem:s22+$0xFFFFFEA0] =	vst v60;
	v60 =	vsel vm8, v49, v51;
	v49 =	vld.idx.msk [tilespmem:v54+s12+$0x0], $0xffff  }
0x524: {  	v46 =	vbroadcast v40, $0xA;
	[tilespmem:s20+$0xFFFFFF10] =	vst v52;
	v54 =	vld.idx.msk [tilespmem:v2+s12+$0x0], $0xffff;
	v55 =	vadd.s32 v6, v60;
	v2 =	vsel vm8, v50, v56  }
0x525: {  	v39 =	vadd.s32 v6, v39;
	v52 =	vbroadcast v40, $0xC;
	[tilespmem:s19+$0xFFFFFF80] =	vst v4;
	v57 =	vld.idx.msk [tilespmem:v36+s12+$0x0], $0xffff;
	v36 =	vadd.s32 v6, v2  }
0x526: {  	v4 =	vadd.s32 v7, v47;
	[tilespmem:s20+$0xA0] =	vst v0;
	v0 =	vbroadcast v40, $0xD;
	v1 =	vsel vm8, v46, v47;
	v47 =	vld.idx.msk [tilespmem:v32+s12+$0x0], $0xffff  }
0x527: {  	v60 =	vbroadcast v40, $0xF;
	v2 =	vadd.s32 v61, v46;
	v59 =	vld.idx.msk [tilespmem:v48+s12+$0x0], $0xffff;
	v1 =	vadd.s32 v6, v1;
	[tilespmem:s22+$0x30] =	vst v42  }
0x528: {  	v50 =	vbroadcast v10, $0x8;
	v48 =	vld.idx.msk [tilespmem:v31+s12+$0x0], $0xffff;
	v44 =	vadd.s32 v61, v52;
	v31 =	vsel vm8, v52, v0;
	[tilespmem:s19+$0x120] =	vst v49  }
0x529: {  	v46 =	vsel vm8, v58, v60;
	v32 =	vadd.s32 v7, v0;
	[tilespmem:s22+$0xFFFFFEB0] =	vst v54;
	v54 =	vld.idx.msk [tilespmem:v55+s12+$0x0], $0xffff  }
0x52a: {  	v52 =	vadd.s32 v61, v50;
	v0 =	vadd.s32 v7, v56;
	v42 =	vadd.s32 v6, v46;
	v46 =	vld.idx.msk [tilespmem:v36+s12+$0x0], $0xffff  }
0x52b: {  	v40 =	vadd.s32 v6, v31;
	v31 =	vadd.s32 v61, v58;
	[tilespmem:s20+$0xFFFFFF20] =	vst v57;
	v53 =	vld.idx.msk [tilespmem:v53+s12+$0x0], $0xffff  }
0x52c: {  	s21 =	simm.s32 $0x4780;
	s23 =	simm.s32 $0x6;
	s24 =	simm.s32 $0xC80;
	v55 =	vadd.s32 v7, v51;
	v36 =	vadd.s32 v7, v60;
	v51 =	vld.idx.msk [tilespmem:v45+s12+$0x0], $0xffff;
	[tilespmem:s20+$0xB0] =	vst v59;
	v45 =	vbroadcast v10, $0x9  }
.LBB2_8:
0x52d: {  	_ =	sdelay $0x1  }
0x52e: {  	v52 =	vld.idx.msk [tilespmem:v52+s12+$0x0], $0xffff  }
0x52f: {  	v9 =	vld [tilespmem:$0x1FBA0];
	[tilespmem:s18+$0xFFFFFFD0] =	vst v48  }
0x530: {  	v14 =	vlaneseq.u32;
	s1 =	sadd.s32 $0x10, s24;
	v11 =	vld [tilespmem:$0x1FBC0];
	[tilespmem:s19+$0xFFFFFF90] =	vst v47  }
0x531: {  	s0 =	sadd.s32 $0xFFFFF400, s24;
	v56 =	vor.u32 s1, v14;
	v47 =	vld.idx.msk [tilespmem:v63+s12+$0x0], $0xffff  }
0x532: {  	s2 =	sand.u32 $0x1F80, s24;
	s31 =	sadd.s32 $0xFFFFF410, s24;
	v49 =	vor.u32 s24, v14;
	s0 =	sand.u32 $0x60, s0;
	v50 =	vsel vm8, v50, v45;
	v57 =	vmulhi.u32 $0xAAAAAAAB, v56;
	[tilespmem:s22+$0x40] =	vst v54;
	v54 =	vld.idx.msk [tilespmem:v17+s12+$0x0], $0xffff  }
0x533: {  	s1 =	sand.u32 $0x1F80, s1;
	v60 =	vmulhi.u32 $0xAAAAAAAB, v49;
	s0 =	sor.u32 s0, s2;
	v50 =	vadd.s32 v6, v50;
	s2 =	sand.u32 $0x70, s31;
	v48 =	vld.idx.msk [tilespmem:v55+s12+$0x0], $0xffff;
	[tilespmem:s19+$0x130] =	vst v46  }
0x534: {  	s1 =	sor.u32 s2, s1;
	[tilespmem:s22+$0xFFFFFEC0] =	vst v53;
	v55 =	vbroadcast v18, $0x4;
	v59 =	vshrl.u32 v57, $0x3;
	v0 =	vld.idx.msk [tilespmem:v0+s12+$0x0], $0xffff  }
0x535: {  	v19 =	vmovc v24;
	v24 =	vmov v44;
	v61 =	vshrl.u32 v60, $0x3;
	[tilespmem:s20+$0xFFFFFF30] =	vst v51;
	v60 =	vld [tilespmem:s1+$0x2500];
	v44 =	vmul.u32 $0xC, v59  }
0x536: {  	v46 =	vbroadcast v8, $0xE;
	v16 =	vmovc v9;
	v9 =	vmovc v20;
	v63 =	vmul.u32 $0xC, v61;
	v51 =	vld [tilespmem:s0+$0x2500];
	[tilespmem:s20+$0xC0] =	vst v52;
	v61 =	vadd.s32 v14, v55  }
0x537: {  	v20 =	vmov v42;
	[tilespmem:$0x1FBA0] =	vst v9;
	v9 =	vld [tilespmem:$0x1FBB0];
	v44 =	vsub.s32 v56, v44  }
0x538: {  	v42 =	vsub.s32 v49, v63;
	v63 =	vadd.s32 v14, v46;
	v50 =	vld.idx.msk [tilespmem:v50+s12+$0x0], $0xffff;
	[tilespmem:s18+$0xFFFFFFE0] =	vst v47;
	v44 =	vmul.u32 $0x1C, v44  }
0x539: {  	v58 =	vadd.s32 v7, v45;
	v53 =	vbroadcast v8, $0xF;
	v47 =	vbroadcast v18, $0x5;
	v41 =	vld.idx.msk [tilespmem:v41+s12+$0x0], $0xffff;
	[tilespmem:s19+$0xFFFFFFA0] =	vst v54  }
0x53a: {  	v8 =	vmovc v10;
	v11 =	vmov v11;
	v42 =	vmul.u32 $0x1C, v42;
	[tilespmem:s22+$0x50] =	vst v48;
	v48 =	vld.idx.msk [tilespmem:v27+s12+$0x0], $0xffff;
	v59 =	vadd.s32 v44, v60  }
0x53b: {  	v10 =	vmovc v18;
	[tilespmem:$0x1FBB0] =	vst v11;
	v27 =	vmov v43;
	v60 =	vsel vm8, v55, v47;
	v44 =	vld.idx.msk [tilespmem:v61+s12+$0x0], $0xffff;
	v18 =	vmul.u32 $0x19, v59  }
0x53c: {  	[tilespmem:s19+$0x140] =	vst v0;
	v0 =	vadd.s32 v42, v51;
	v42 =	vld.idx.msk [tilespmem:v15+s12+$0x0], $0xffff;
	v61 =	vsel vm8, v46, v53;
	v15 =	vmov v9  }
0x53d: {  	v9 =	vmovc v36;
	v43 =	vld.idx.msk [tilespmem:v63+s12+$0x0], $0xffff;
	v51 =	vmul.u32 $0x19, v0;
	v0 =	vadd.s32 v6, v60;
	[tilespmem:s20+$0xD0] =	vst v50;
	v49 =	vbroadcast v18, $0x0  }
0x53e: {  	v17 =	vmov v23;
	v54 =	vbroadcast v8, $0xA;
	v45 =	vld.idx.msk [tilespmem:v62+s12+$0x0], $0xffff;
	v50 =	vadd.s32 v6, v61;
	[tilespmem:$0x1FBC0] =	vst v9  }
0x53f: {  	v23 =	vmovc v40;
	v52 =	vld.idx.msk [tilespmem:v58+s12+$0x0], $0xffff;
	v40 =	vbroadcast v51, $0x0;
	[tilespmem:s22+$0xFFFFFED0] =	vst v41;
	v62 =	vbroadcast v51, $0x1;
	v63 =	vadd.s32 v14, v49  }
0x540: {  	v47 =	vadd.s32 v7, v47;
	v61 =	vadd.s32 v14, v54;
	v41 =	vbroadcast v51, $0x2;
	v56 =	vld.idx.msk [tilespmem:v37+s12+$0x0], $0xffff;
	[tilespmem:s20+$0xFFFFFF40] =	vst v48  }
0x541: {  	v48 =	vadd.s32 v14, v40;
	[tilespmem:s22+$0x60] =	vst v44;
	v44 =	vld.idx.msk [tilespmem:v30+s12+$0x0], $0xffff;
	v9 =	vsel vm8, v40, v62  }
0x542: {  	v60 =	vbroadcast v51, $0x3;
	v36 =	vadd.s32 v7, v62;
	v46 =	vadd.s32 v14, v41;
	v58 =	vld.idx.msk [tilespmem:v0+s12+$0x0], $0xffff;
	[tilespmem:s19+$0x150] =	vst v43  }
0x543: {  	v62 =	vbroadcast v51, $0x4;
	[tilespmem:s19+$0xFFFFFFB0] =	vst v42;
	v30 =	vmovc v39;
	v59 =	vadd.s32 v6, v9;
	v43 =	vld.idx.msk [tilespmem:v50+s12+$0x0], $0xffff;
	v50 =	vbroadcast v18, $0x1  }
0x544: {  	v42 =	vbroadcast v8, $0xB;
	v0 =	vsel vm8, v41, v60;
	v41 =	vadd.s32 v7, v60;
	v39 =	vld.idx.msk [tilespmem:v63+s12+$0x0], $0xffff;
	[tilespmem:s20+$0xE0] =	vst v52  }
0x545: {  	v52 =	vadd.s32 v7, v53;
	v63 =	vbroadcast v51, $0x5;
	v49 =	vsel vm8, v49, v50;
	[tilespmem:s22+$0xFFFFFEE0] =	vst v56;
	v55 =	vld.idx.msk [tilespmem:v61+s12+$0x0], $0xffff  }
0x546: {  	v60 =	vbroadcast v51, $0x6;
	v37 =	vadd.s32 v14, v62;
	v48 =	vld.idx.msk [tilespmem:v48+s12+$0x0], $0xffff;
	v57 =	vadd.s32 v6, v49;
	[tilespmem:s20+$0xFFFFFF50] =	vst v44  }
0x547: {  	v61 =	vsel vm8, v54, v42;
	v40 =	vsel vm8, v62, v63;
	v62 =	vbroadcast v51, $0x7;
	v54 =	vld.idx.msk [tilespmem:v35+s12+$0x0], $0xffff;
	[tilespmem:s22+$0x70] =	vst v58  }
0x548: {  	v44 =	vadd.s32 v6, v61;
	v53 =	vadd.s32 v7, v63;
	v35 =	vadd.s32 v6, v40;
	v40 =	vld.idx.msk [tilespmem:v47+s12+$0x0], $0xffff  }
0x549: {  	s22 =	sadd.s32 $0x300, s22;
	v47 =	vbroadcast v10, $0x6;
	[tilespmem:s19+$0x160] =	vst v43;
	v63 =	vsel vm8, v60, v62;
	v49 =	vadd.s32 v7, v62;
	v62 =	vld.idx.msk [tilespmem:v28+s12+$0x0], $0xffff  }
0x54a: {  	v52 =	vld.idx.msk [tilespmem:v52+s12+$0x0], $0xffff;
	[tilespmem:s22+$0x0] =	vst v39  }
0x54b: {  	v56 =	vadd.s32 v14, v60;
	v60 =	vbroadcast v51, $0x8;
	v61 =	vadd.s32 v14, v47;
	v57 =	vld.idx.msk [tilespmem:v57+s12+$0x0], $0xffff;
	[tilespmem:s20+$0xF0] =	vst v55  }
0x54c: {  	v50 =	vadd.s32 v7, v50;
	v58 =	vadd.s32 v6, v63;
	v63 =	vbroadcast v51, $0x9;
	[tilespmem:s22+$0xFFFFFE80] =	vst v48  }
0x54d: {  	v9 =	vbroadcast v51, $0xA;
	v42 =	vadd.s32 v7, v42;
	v43 =	vadd.s32 v14, v60;
	v59 =	vld.idx.msk [tilespmem:v59+s12+$0x0], $0xffff;
	[tilespmem:s21+$0xFFFFFEF0] =	vst v54  }
0x54e: {  	v48 =	vbroadcast v51, $0xB;
	v55 =	vbroadcast v51, $0xC;
	v11 =	vld.idx.msk [tilespmem:v44+s12+$0x0], $0xffff;
	v44 =	vsel vm8, v60, v63;
	[tilespmem:s21+$0x80] =	vst v40  }
0x54f: {  	v28 =	vmovc v34;
	v60 =	vbroadcast v51, $0xD;
	v54 =	vbroadcast v10, $0x7;
	v34 =	vadd.s32 v7, v63;
	v38 =	vld.idx.msk [tilespmem:v38+s12+$0x0], $0xffff;
	[tilespmem:s20+$0xFFFFFF60] =	vst v62  }
0x550: {  	v12 =	vbroadcast v51, $0xE;
	v63 =	vadd.s32 v14, v9;
	v9 =	vsel vm8, v9, v48;
	v61 =	vld.idx.msk [tilespmem:v61+s12+$0x0], $0xffff;
	[tilespmem:s19+$0x170] =	vst v52  }
0x551: {  	v52 =	vsel vm8, v47, v54;
	v47 =	vbroadcast v51, $0xF;
	v51 =	vld.idx.msk [tilespmem:v29+s12+$0x0], $0xffff;
	v29 =	vsel vm8, v55, v60;
	[tilespmem:s22+$0x10] =	vst v57  }
0x552: {  	v13 =	vadd.s32 v7, v48;
	v48 =	vadd.s32 v6, v52;
	v52 =	vbroadcast v18, $0x2;
	v50 =	vld.idx.msk [tilespmem:v50+s12+$0x0], $0xffff;
	[tilespmem:s22+$0xFFFFFE90] =	vst v59  }
0x553: {  	v39 =	vadd.s32 v6, v44;
	[tilespmem:s20+$0x100] =	vst v11;
	v59 =	vld.idx.msk [tilespmem:v36+s12+$0x0], $0xffff  }
0x554: {  	v40 =	vadd.s32 v6, v29;
	v62 =	vadd.s32 v14, v52;
	[tilespmem:s21+$0xFFFFFF00] =	vst v38;
	v29 =	vmov v2;
	v2 =	vld [tilespmem:$0x1FB80]  }
0x555: {  	v44 =	vadd.s32 v14, v55;
	v11 =	vadd.s32 v7, v60;
	v38 =	vmov v53;
	v53 =	vld.idx.msk [tilespmem:v33+s12+$0x0], $0xffff;
	[tilespmem:s18+$0xFFFFFFF0] =	vst v45  }
0x556: {  	v57 =	vbroadcast v8, $0xC;
	v60 =	vadd.s32 v14, v12;
	v12 =	vsel vm8, v12, v47;
	v55 =	vld.idx.msk [tilespmem:v42+s12+$0x0], $0xffff;
	s18 =	smov.u32 s19;
	s19 =	smov.u32 s20;
	[tilespmem:s21+$0x90] =	vst v61  }
0x557: {  	v42 =	vadd.s32 v6, v12;
	[tilespmem:s19+$0xFFFFFF70] =	vst v51;
	v12 =	vld.idx.msk [tilespmem:v48+s12+$0x0], $0xffff  }
0x558: {  	v9 =	vadd.s32 v6, v9;
	v61 =	vadd.s32 v14, v57;
	v48 =	vld.idx.msk [tilespmem:v26+s12+$0x0], $0xffff;
	[tilespmem:s22+$0x20] =	vst v50  }
0x559: {  	v26 =	vmov v1;
	v1 =	vmov v9;
	v9 =	vld.idx.msk [tilespmem:v62+s12+$0x0], $0xffff  }
0x55a: {  	v62 =	vmov v15;
	v15 =	vld [tilespmem:$0x1FB90]  }
0x55b: {  	[tilespmem:s19+$0x110] =	vst v55  }
0x55c: {  	v36 =	vadd.s32 v7, v47;
	v47 =	vadd.s32 v7, v54;
	s20 =	smov.u32 s21;
	v45 =	vld.idx.msk [tilespmem:v2+s12+$0x0], $0xffff;
	v2 =	vmov v63;
	[tilespmem:s22+$0xFFFFFEA0] =	vst v59  }
0x55d: {  	v51 =	vld.idx.msk [tilespmem:v61+s12+$0x0], $0xffff;
	v63 =	vmovc v16;
	v16 =	vmovc v22;
	v22 =	vmov v32;
	v32 =	vmov v11;
	v11 =	vbroadcast v18, $0x3;
	[tilespmem:s20+$0xA0] =	vst v12  }
0x55e: {  	v33 =	vmov v56;
	v56 =	vbroadcast v8, $0xD;
	[tilespmem:$0x1FB80] =	vst v16;
	v46 =	vld.idx.msk [tilespmem:v46+s12+$0x0], $0xffff  }
0x55f: {  	v0 =	vadd.s32 v6, v0;
	[tilespmem:s20+$0xFFFFFF10] =	vst v53;
	v54 =	vsel vm8, v52, v11  }
0x560: {  	v55 =	vsel vm8, v57, v56;
	v57 =	vld.idx.msk [tilespmem:v5+s12+$0x0], $0xffff;
	[tilespmem:s19+$0xFFFFFF80] =	vst v48;
	v54 =	vadd.s32 v6, v54  }
0x561: {  	s23 =	sadd.s32 $0x2, s23;
	v61 =	vld.idx.msk [tilespmem:v47+s12+$0x0], $0xffff;
	[tilespmem:s18+$0xFFFFFFC0] =	vst v45  }
0x562: {  	p0 =	slt.u32 s23, $0x5E;
	v12 =	vadd.s32 v6, v55;
	[tilespmem:s22+$0x30] =	vst v9;
	v48 =	vld.idx.msk [tilespmem:v15+s12+$0x0], $0xffff  }
.Ltmp3:
0x563: {  	v50 =	vbroadcast v10, $0x8;
	v16 =	vmov v21;
	v47 =	vld.idx.msk [tilespmem:v25+s12+$0x0], $0xffff;
	[tilespmem:s22+$0xFFFFFEB0] =	vst v46;
	(pc) =	sbr.rel @p0 .LBB2_8-.Ltmp3, $4  }
0x564: {  	[tilespmem:$0x1FB90] =	vst v16;
	v53 =	vld.idx.msk [tilespmem:v0+s12+$0x0], $0xffff  }
0x565: {  	v5 =	vmov v58;
	v52 =	vadd.s32 v14, v50;
	v55 =	vadd.s32 v7, v11;
	[tilespmem:s20+$0xFFFFFF20] =	vst v57;
	v54 =	vld.idx.msk [tilespmem:v54+s12+$0x0], $0xffff  }
0x566: {  	v21 =	vmovc v31;
	v31 =	vmovc v60;
	v45 =	vbroadcast v10, $0x9;
	v15 =	vmov v17;
	v17 =	vmov v19;
	[tilespmem:s19+$0x120] =	vst v51;
	v51 =	vld.idx.msk [tilespmem:v3+s12+$0x0], $0xffff  }
0x567: {  	s24 =	sadd.s32 $0x20, s24;
	s21 =	smov.u32 s22;
	v25 =	vmovc v4;
	v4 =	vmov v13;
	v0 =	vadd.s32 v7, v56;
	v3 =	vmov v49;
	v46 =	vld.idx.msk [tilespmem:v12+s12+$0x0], $0xffff;
	[tilespmem:s20+$0xB0] =	vst v61  }
0x568: {  	_ =	sdelay $0x2  }
0x569: {  	v9 =	vbroadcast v18, $0x4;
	[tilespmem:s22+$0x40] =	vst v54  }
0x56a: {  	v61 =	vlaneseq.u32;
	v11 =	vld.idx.msk [tilespmem:v55+s12+$0x0], $0xffff  }
0x56b: {  	[tilespmem:s22+$0xFFFFFEC0] =	vst v53;
	v12 =	vadd.s32 v61, v9  }
0x56c: {  	v13 =	vld.idx.msk [tilespmem:v41+s12+$0x0], $0xffff;
	_ =	sdelay $0x1  }
0x56d: {  	v60 =	vbroadcast v18, $0x5  }
0x56e: {  	[tilespmem:s22+$0x50] =	vst v11  }
0x56f: {  	v9 =	vsel vm8, v9, v60;
	v11 =	vld.idx.msk [tilespmem:v12+s12+$0x0], $0xffff  }
0x570: {  	v9 =	vadd.s32 v6, v9;
	[tilespmem:s22+$0xFFFFFED0] =	vst v13  }
0x571: {  	v12 =	vld.idx.msk [tilespmem:v37+s12+$0x0], $0xffff;
	_ =	sdelay $0x2  }
0x572: {  	[tilespmem:s22+$0x60] =	vst v11  }
0x573: {  	v9 =	vld.idx.msk [tilespmem:v9+s12+$0x0], $0xffff  }
0x574: {  	v11 =	vadd.s32 v7, v60;
	[tilespmem:s22+$0xFFFFFEE0] =	vst v12  }
0x575: {  	v12 =	vld.idx.msk [tilespmem:v35+s12+$0x0], $0xffff;
	_ =	sdelay $0x2  }
0x576: {  	[tilespmem:s22+$0x70] =	vst v9;
	v9 =	vbroadcast v18, $0x6  }
0x577: {  	v11 =	vld.idx.msk [tilespmem:v11+s12+$0x0], $0xffff  }
0x578: {  	[tilespmem:s21+$0xFFFFFEF0] =	vst v12;
	v13 =	vadd.s32 v61, v9  }
0x579: {  	v12 =	vld.idx.msk [tilespmem:v38+s12+$0x0], $0xffff;
	_ =	sdelay $0x1  }
0x57a: {  	v38 =	vbroadcast v18, $0x7  }
0x57b: {  	[tilespmem:s21+$0x80] =	vst v11  }
0x57c: {  	v9 =	vsel vm8, v9, v38;
	v11 =	vld.idx.msk [tilespmem:v13+s12+$0x0], $0xffff  }
0x57d: {  	v9 =	vadd.s32 v6, v9;
	[tilespmem:s21+$0xFFFFFF00] =	vst v12  }
0x57e: {  	v12 =	vld.idx.msk [tilespmem:v33+s12+$0x0], $0xffff;
	_ =	sdelay $0x2  }
0x57f: {  	[tilespmem:s21+$0x90] =	vst v11  }
0x580: {  	v9 =	vld.idx.msk [tilespmem:v9+s12+$0x0], $0xffff  }
0x581: {  	v11 =	vadd.s32 v7, v38;
	[tilespmem:s21+$0xFFFFFF10] =	vst v12  }
0x582: {  	v5 =	vld.idx.msk [tilespmem:v5+s12+$0x0], $0xffff;
	_ =	sdelay $0x2  }
0x583: {  	[tilespmem:s21+$0xA0] =	vst v9;
	v9 =	vbroadcast v18, $0x8  }
0x584: {  	v11 =	vld.idx.msk [tilespmem:v11+s12+$0x0], $0xffff  }
0x585: {  	[tilespmem:s21+$0xFFFFFF20] =	vst v5;
	v12 =	vadd.s32 v61, v9  }
0x586: {  	v3 =	vld.idx.msk [tilespmem:v3+s12+$0x0], $0xffff  }
0x587: {  	v13 =	vsel vm8, v50, v45;
	v5 =	vld.idx.msk [tilespmem:v52+s12+$0x0], $0xffff  }
0x588: {  	v41 =	vbroadcast v18, $0x9;
	v13 =	vadd.s32 v6, v13  }
0x589: {  	[tilespmem:s21+$0xB0] =	vst v11  }
0x58a: {  	[tilespmem:s20+$0xFFFFFF30] =	vst v51;
	v9 =	vsel vm8, v9, v41;
	v11 =	vld.idx.msk [tilespmem:v12+s12+$0x0], $0xffff  }
0x58b: {  	v9 =	vadd.s32 v6, v9;
	[tilespmem:s21+$0xFFFFFF30] =	vst v3;
	v12 =	vld.idx.msk [tilespmem:v27+s12+$0x0], $0xffff  }
0x58c: {  	[tilespmem:s20+$0xC0] =	vst v5;
	v3 =	vld.idx.msk [tilespmem:v43+s12+$0x0], $0xffff  }
0x58d: {  	v5 =	vld.idx.msk [tilespmem:v13+s12+$0x0], $0xffff  }
0x58e: {  	v13 =	vadd.s32 v7, v45  }
0x58f: {  	[tilespmem:s21+$0xC0] =	vst v11  }
0x590: {  	[tilespmem:s20+$0xFFFFFF40] =	vst v12;
	v9 =	vld.idx.msk [tilespmem:v9+s12+$0x0], $0xffff  }
0x591: {  	v12 =	vadd.s32 v7, v41;
	[tilespmem:s21+$0xFFFFFF40] =	vst v3;
	v11 =	vld.idx.msk [tilespmem:v30+s12+$0x0], $0xffff  }
0x592: {  	[tilespmem:s20+$0xD0] =	vst v5;
	v5 =	vbroadcast v10, $0xA;
	v3 =	vld.idx.msk [tilespmem:v39+s12+$0x0], $0xffff  }
0x593: {  	v13 =	vld.idx.msk [tilespmem:v13+s12+$0x0], $0xffff  }
0x594: {  	v27 =	vadd.s32 v61, v5  }
0x595: {  	[tilespmem:s21+$0xD0] =	vst v9;
	v9 =	vbroadcast v18, $0xA  }
0x596: {  	[tilespmem:s20+$0xFFFFFF50] =	vst v11;
	v11 =	vld.idx.msk [tilespmem:v12+s12+$0x0], $0xffff  }
0x597: {  	[tilespmem:s21+$0xFFFFFF50] =	vst v3;
	v3 =	vbroadcast v10, $0xB;
	v12 =	vld.idx.msk [tilespmem:v28+s12+$0x0], $0xffff;
	v28 =	vadd.s32 v61, v9  }
0x598: {  	[tilespmem:s20+$0xE0] =	vst v13;
	v30 =	vld.idx.msk [tilespmem:v34+s12+$0x0], $0xffff  }
0x599: {  	v13 =	vld.idx.msk [tilespmem:v27+s12+$0x0], $0xffff;
	v5 =	vsel vm8, v5, v3  }
0x59a: {  	v27 =	vbroadcast v18, $0xB;
	v5 =	vadd.s32 v6, v5  }
0x59b: {  	[tilespmem:s21+$0xE0] =	vst v11  }
0x59c: {  	v9 =	vsel vm8, v9, v27;
	[tilespmem:s20+$0xFFFFFF60] =	vst v12;
	v11 =	vld.idx.msk [tilespmem:v28+s12+$0x0], $0xffff  }
0x59d: {  	v9 =	vadd.s32 v6, v9;
	[tilespmem:s21+$0xFFFFFF60] =	vst v30;
	v12 =	vld.idx.msk [tilespmem:v29+s12+$0x0], $0xffff  }
0x59e: {  	[tilespmem:s20+$0xF0] =	vst v13;
	v2 =	vld.idx.msk [tilespmem:v2+s12+$0x0], $0xffff  }
0x59f: {  	v5 =	vld.idx.msk [tilespmem:v5+s12+$0x0], $0xffff  }
0x5a0: {  	[tilespmem:s18+$0xFFFFFFD0] =	vst v48;
	v3 =	vadd.s32 v7, v3  }
0x5a1: {  	[tilespmem:s21+$0xF0] =	vst v11  }
0x5a2: {  	[tilespmem:s20+$0xFFFFFF70] =	vst v12;
	v9 =	vld.idx.msk [tilespmem:v9+s12+$0x0], $0xffff  }
0x5a3: {  	v12 =	vadd.s32 v7, v27;
	[tilespmem:s21+$0xFFFFFF70] =	vst v2;
	v11 =	vld.idx.msk [tilespmem:v26+s12+$0x0], $0xffff  }
0x5a4: {  	v2 =	vbroadcast v10, $0xC;
	v1 =	vld.idx.msk [tilespmem:v1+s12+$0x0], $0xffff;
	[tilespmem:s20+$0x100] =	vst v5  }
0x5a5: {  	[tilespmem:s19+$0xFFFFFF90] =	vst v47;
	v3 =	vld.idx.msk [tilespmem:v3+s12+$0x0], $0xffff  }
0x5a6: {  	v17 =	vld.idx.msk [tilespmem:v17+s12+$0x0], $0xffff;
	[tilespmem:s19+$0x130] =	vst v46;
	v5 =	vadd.s32 v61, v2  }
0x5a7: {  	v0 =	vld.idx.msk [tilespmem:v0+s12+$0x0], $0xffff;
	[tilespmem:s21+$0x100] =	vst v9;
	v9 =	vbroadcast v18, $0xC  }
0x5a8: {  	[tilespmem:s20+$0xFFFFFF80] =	vst v11;
	v11 =	vld.idx.msk [tilespmem:v12+s12+$0x0], $0xffff  }
0x5a9: {  	[tilespmem:s21+$0xFFFFFF80] =	vst v1;
	v1 =	vbroadcast v10, $0xD;
	v12 =	vld.idx.msk [tilespmem:v25+s12+$0x0], $0xffff;
	v13 =	vadd.s32 v61, v9  }
0x5aa: {  	v4 =	vld.idx.msk [tilespmem:v4+s12+$0x0], $0xffff;
	[tilespmem:s20+$0x110] =	vst v3  }
0x5ab: {  	[tilespmem:s19+$0xFFFFFFA0] =	vst v17;
	v3 =	vld.idx.msk [tilespmem:v5+s12+$0x0], $0xffff;
	v2 =	vsel vm8, v2, v1  }
0x5ac: {  	v16 =	vld.idx.msk [tilespmem:v15+s12+$0x0], $0xffff;
	[tilespmem:s19+$0x140] =	vst v0;
	v2 =	vadd.s32 v6, v2  }
0x5ad: {  	v25 =	vld.idx.msk [tilespmem:v63+s12+$0x0], $0xffff;
	[tilespmem:s21+$0x110] =	vst v11  }
0x5ae: {  	[tilespmem:s20+$0xFFFFFF90] =	vst v12;
	v11 =	vld.idx.msk [tilespmem:v13+s12+$0x0], $0xffff  }
0x5af: {  	[tilespmem:s21+$0xFFFFFF90] =	vst v4;
	v12 =	vld.idx.msk [tilespmem:v24+s12+$0x0], $0xffff  }
0x5b0: {  	v13 =	vld.idx.msk [tilespmem:v44+s12+$0x0], $0xffff;
	[tilespmem:s20+$0x120] =	vst v3  }
0x5b1: {  	[tilespmem:s19+$0xFFFFFFB0] =	vst v16;
	v2 =	vld.idx.msk [tilespmem:v2+s12+$0x0], $0xffff  }
0x5b2: {  	v5 =	vbroadcast v18, $0xD;
	[tilespmem:s18+$0xFFFFFFE0] =	vst v25  }
0x5b3: {  	[tilespmem:s21+$0x120] =	vst v11  }
0x5b4: {  	v9 =	vsel vm8, v9, v5;
	[tilespmem:s20+$0xFFFFFFA0] =	vst v12  }
0x5b5: {  	v9 =	vadd.s32 v6, v9;
	[tilespmem:s21+$0xFFFFFFA0] =	vst v13  }
0x5b6: {  	v4 =	vbroadcast v8, $0xE;
	[tilespmem:s20+$0x130] =	vst v2  }
0x5b7: {  	v12 =	vld [tilespmem:$0x1FB80]  }
0x5b8: {  	v3 =	vadd.s32 v61, v4  }
0x5b9: {  	v1 =	vadd.s32 v7, v1  }
0x5ba: {  	v9 =	vld.idx.msk [tilespmem:v9+s12+$0x0], $0xffff  }
0x5bb: {  	v11 =	vld.idx.msk [tilespmem:v23+s12+$0x0], $0xffff  }
0x5bc: {  	v0 =	vld.idx.msk [tilespmem:v40+s12+$0x0], $0xffff  }
0x5bd: {  	v3 =	vld.idx.msk [tilespmem:v3+s12+$0x0], $0xffff  }
0x5be: {  	v1 =	vld.idx.msk [tilespmem:v1+s12+$0x0], $0xffff  }
0x5bf: {  	[tilespmem:s21+$0x130] =	vst v9;
	v12 =	vld.idx.msk [tilespmem:v12+s12+$0x0], $0xffff  }
0x5c0: {  	[tilespmem:s20+$0xFFFFFFB0] =	vst v11  }
0x5c1: {  	[tilespmem:s21+$0xFFFFFFB0] =	vst v0  }
0x5c2: {  	[tilespmem:s19+$0x150] =	vst v3  }
0x5c3: {  	v5 =	vadd.s32 v7, v5;
	v8 =	vbroadcast v8, $0xF;
	[tilespmem:s20+$0x140] =	vst v1  }
0x5c4: {  	[tilespmem:s19+$0xFFFFFFC0] =	vst v12  }
0x5c5: {  	v4 =	vsel vm8, v4, v8;
	v2 =	vbroadcast v10, $0xE;
	v12 =	vld [tilespmem:$0x1FB90]  }
0x5c6: {  	v4 =	vadd.s32 v6, v4  }
0x5c7: {  	v13 =	vadd.s32 v61, v2  }
0x5c8: {  	v5 =	vld.idx.msk [tilespmem:v5+s12+$0x0], $0xffff  }
0x5c9: {  	v11 =	vld.idx.msk [tilespmem:v22+s12+$0x0], $0xffff  }
0x5ca: {  	v3 =	vld.idx.msk [tilespmem:v32+s12+$0x0], $0xffff  }
0x5cb: {  	v4 =	vld.idx.msk [tilespmem:v4+s12+$0x0], $0xffff  }
0x5cc: {  	v1 =	vadd.s32 v7, v8;
	v8 =	vld.idx.msk [tilespmem:v13+s12+$0x0], $0xffff  }
0x5cd: {  	[tilespmem:s21+$0x140] =	vst v5;
	v12 =	vld.idx.msk [tilespmem:v12+s12+$0x0], $0xffff  }
0x5ce: {  	[tilespmem:s20+$0xFFFFFFC0] =	vst v11  }
0x5cf: {  	v9 =	vbroadcast v18, $0xE;
	[tilespmem:s21+$0xFFFFFFC0] =	vst v3  }
0x5d0: {  	[tilespmem:s19+$0x160] =	vst v4  }
0x5d1: {  	v15 =	vadd.s32 v61, v9;
	[tilespmem:s20+$0x150] =	vst v8  }
0x5d2: {  	v0 =	vbroadcast v10, $0xF;
	[tilespmem:s19+$0xFFFFFFD0] =	vst v12  }
0x5d3: {  	v4 =	vld [tilespmem:$0x1FBA0]  }
0x5d4: {  	v10 =	vbroadcast v18, $0xF;
	v2 =	vsel vm8, v2, v0  }
0x5d5: {  	v2 =	vadd.s32 v6, v2  }
0x5d6: {  	v9 =	vsel vm8, v9, v10;
	v5 =	vld.idx.msk [tilespmem:v15+s12+$0x0], $0xffff  }
0x5d7: {  	v9 =	vadd.s32 v6, v9;
	v11 =	vld.idx.msk [tilespmem:v21+s12+$0x0], $0xffff  }
0x5d8: {  	v3 =	vld.idx.msk [tilespmem:v31+s12+$0x0], $0xffff  }
0x5d9: {  	v1 =	vld.idx.msk [tilespmem:v1+s12+$0x0], $0xffff  }
0x5da: {  	v2 =	vld.idx.msk [tilespmem:v2+s12+$0x0], $0xffff  }
0x5db: {  	[tilespmem:s21+$0x150] =	vst v5;
	v4 =	vld.idx.msk [tilespmem:v4+s12+$0x0], $0xffff  }
0x5dc: {  	[tilespmem:s20+$0xFFFFFFD0] =	vst v11;
	v5 =	vld.idx.msk [tilespmem:v9+s12+$0x0], $0xffff  }
0x5dd: {  	[tilespmem:s21+$0xFFFFFFD0] =	vst v3;
	v8 =	vld.idx.msk [tilespmem:v20+s12+$0x0], $0xffff  }
0x5de: {  	[tilespmem:s19+$0x170] =	vst v1  }
0x5df: {  	[tilespmem:s20+$0x160] =	vst v2  }
0x5e0: {  	[tilespmem:s19+$0xFFFFFFE0] =	vst v4  }
0x5e1: {  	v2 =	vld [tilespmem:$0x1FBB0];
	[tilespmem:s21+$0x160] =	vst v5  }
0x5e2: {  	v0 =	vadd.s32 v7, v0;
	v1 =	vld.idx.msk [tilespmem:v42+s12+$0x0], $0xffff;
	[tilespmem:s20+$0xFFFFFFE0] =	vst v8  }
0x5e3: {  	v9 =	vadd.s32 v7, v10;
	v5 =	vld [tilespmem:$0x1FBC0];
	_ =	sdelay $0x2  }
0x5e4: {  	v3 =	vld.idx.msk [tilespmem:v62+s12+$0x0], $0xffff  }
0x5e5: {  	v0 =	vld.idx.msk [tilespmem:v0+s12+$0x0], $0xffff  }
0x5e6: {  	v4 =	vld.idx.msk [tilespmem:v9+s12+$0x0], $0xffff;
	[tilespmem:s21+$0xFFFFFFE0] =	vst v1  }
0x5e7: {  	v1 =	vld.idx.msk [tilespmem:v36+s12+$0x0], $0xffff  }
0x5e8: {  	v2 =	vld.idx.msk [tilespmem:v2+s12+$0x0], $0xffff  }
0x5e9: {  	[tilespmem:s18+$0xFFFFFFF0] =	vst v3;
	v5 =	vld.idx.msk [tilespmem:v5+s12+$0x0], $0xffff  }
0x5ea: {  	[tilespmem:s20+$0x170] =	vst v0  }
0x5eb: {  	[tilespmem:s21+$0x170] =	vst v4  }
0x5ec: {  	[tilespmem:s21+$0xFFFFFFF0] =	vst v1  }
0x5ed: {  	[tilespmem:s19+$0xFFFFFFF0] =	vst v2  }
0x5ee: {  	[tilespmem:s20+$0xFFFFFFF0] =	vst v5  }
0x5ef: {  	s0 =	simm.s32 $0x1210;
	s1 =	rddreg [dreg:$0x9]  }
0x5f0: {  	[hbm4b:s1+s16] =	stream.linear.scatter [tilespmem:s4], [sflag:$0x1], $0x9000, $0x38;
	[tilespmem:$0x15D00] =	vst v63  }
0x5f1: {  	v0 =	vor.u32 s0, v61;
	s4 =	simm.s32 $0x2  }
0x5f2: {  	s15 =	simm.s32 $0x10;
	v1 =	vmulhi.u32 $0xAAAAAAAB, v0;
	_ =	swait.ge [sflag:s4], $0x9000  }
0x5f3: {  	s0 =	sand.u32 $0x1F80, s0;
	s1 =	sand.u32 $0x70, s15;
	[sflag:s4] =	ssyncset.done $0x0  }
0x5f4: {  	v1 =	vshrl.u32 v1, $0x3;
	s0 =	sor.u32 s1, s0;
	[sflag:s4] =	ssyncadd.s32 $0xFFFF7000  }
0x5f5: {  	v1 =	vmul.u32 $0xC, v1;
	v2 =	vld [tilespmem:s0+$0x2500];
	_ =	sdelay $0x1  }
0x5f6: {  	v0 =	vsub.s32 v0, v1  }
0x5f7: {  	v0 =	vmul.u32 $0x1C, v0;
	_ =	sdelay $0x1  }
0x5f8: {  	s17 =	simm.s32 $0x1200;
	v0 =	vadd.s32 v0, v2  }
0x5f9: {  	v18 =	vmul.u32 $0x19, v0;
	v0 =	vor.u32 s17, v61  }
0x5fa: {  	s18 =	simm.s32 $0x0;
	v1 =	vmulhi.u32 $0xAAAAAAAB, v0  }
0x5fb: {  	s1 =	sand.u32 $0x60, s18;
	s0 =	sand.u32 $0x1F80, s17;
	v2 =	vbroadcast v18, $0x0  }
0x5fc: {  	s0 =	sor.u32 s1, s0;
	v1 =	vshrl.u32 v1, $0x3  }
0x5fd: {  	v4 =	vld [tilespmem:s0+$0x2500];
	v3 =	vadd.s32 v61, v2;
	v1 =	vmul.u32 $0xC, v1;
	_ =	sdelay $0x1  }
0x5fe: {  	v0 =	vsub.s32 v0, v1  }
0x5ff: {  	v1 =	vbroadcast v18, $0x1;
	v0 =	vmul.u32 $0x1C, v0;
	_ =	sdelay $0x1  }
0x600: {  	v2 =	vsel vm8, v2, v1;
	v3 =	vld.idx.msk [tilespmem:v3+s12+$0x0], $0xffff;
	v0 =	vadd.s32 v0, v4  }
0x601: {  	v2 =	vadd.s32 v6, v2;
	v0 =	vmul.u32 $0x19, v0;
	_ =	sdelay $0x1  }
0x602: {  	v4 =	vbroadcast v0, $0x0  }
0x603: {  	s18 =	simm.s32 $0xCE80  }
0x604: {  	[tilespmem:s18+$0x0] =	vst v3;
	v3 =	vadd.s32 v61, v4  }
0x605: {  	v2 =	vld.idx.msk [tilespmem:v2+s12+$0x0], $0xffff  }
0x606: {  	v1 =	vadd.s32 v7, v1  }
0x607: {  	v5 =	vbroadcast v0, $0x1;
	_ =	sdelay $0x1  }
0x608: {  	v4 =	vsel vm8, v4, v5;
	v3 =	vld.idx.msk [tilespmem:v3+s12+$0x0], $0xffff  }
0x609: {  	v4 =	vadd.s32 v6, v4;
	[tilespmem:s18+$0x10] =	vst v2;
	v2 =	vbroadcast v18, $0x2  }
0x60a: {  	v1 =	vld.idx.msk [tilespmem:v1+s12+$0x0], $0xffff  }
0x60b: {  	v8 =	vadd.s32 v61, v2;
	_ =	sdelay $0x1  }
0x60c: {  	[tilespmem:s18+$0xFFFFFE80] =	vst v3  }
0x60d: {  	v3 =	vbroadcast v18, $0x3;
	v4 =	vld.idx.msk [tilespmem:v4+s12+$0x0], $0xffff  }
0x60e: {  	[tilespmem:s18+$0x20] =	vst v1;
	v1 =	vadd.s32 v7, v5  }
0x60f: {  	v2 =	vsel vm8, v2, v3;
	v5 =	vld.idx.msk [tilespmem:v8+s12+$0x0], $0xffff  }
0x610: {  	v2 =	vadd.s32 v6, v2;
	_ =	sdelay $0x1  }
0x611: {  	v8 =	vbroadcast v0, $0x2;
	[tilespmem:s18+$0xFFFFFE90] =	vst v4  }
0x612: {  	v1 =	vld.idx.msk [tilespmem:v1+s12+$0x0], $0xffff  }
0x613: {  	v4 =	vadd.s32 v61, v8;
	[tilespmem:s18+$0x30] =	vst v5  }
0x614: {  	v2 =	vld.idx.msk [tilespmem:v2+s12+$0x0], $0xffff  }
0x615: {  	s19 =	simm.s32 $0x1230;
	v3 =	vadd.s32 v7, v3  }
0x616: {  	v9 =	vor.u32 s19, v61;
	s20 =	simm.s32 $0x30;
	v5 =	vbroadcast v0, $0x3  }
0x617: {  	s1 =	sand.u32 $0x70, s20;
	s0 =	sand.u32 $0x1F80, s19;
	[tilespmem:s18+$0xFFFFFEA0] =	vst v1;
	v1 =	vmulhi.u32 $0xAAAAAAAB, v9  }
0x618: {  	s0 =	sor.u32 s1, s0;
	v8 =	vsel vm8, v8, v5;
	v4 =	vld.idx.msk [tilespmem:v4+s12+$0x0], $0xffff  }
0x619: {  	v10 =	vbroadcast v18, $0x4;
	[tilespmem:s18+$0x40] =	vst v2;
	v2 =	vadd.s32 v6, v8;
	v1 =	vshrl.u32 v1, $0x3;
	v8 =	vld [tilespmem:s0+$0x2500]  }
0x61a: {  	s21 =	simm.s32 $0x1220;
	v3 =	vld.idx.msk [tilespmem:v3+s12+$0x0], $0xffff;
	v1 =	vmul.u32 $0xC, v1  }
0x61b: {  	s22 =	simm.s32 $0x20;
	v11 =	vor.u32 s21, v61;
	v12 =	vadd.s32 v61, v10  }
0x61c: {  	v13 =	vmulhi.u32 $0xAAAAAAAB, v11;
	s1 =	sand.u32 $0x1F80, s21;
	s0 =	sand.u32 $0x60, s22;
	v1 =	vsub.s32 v9, v1  }
0x61d: {  	s0 =	sor.u32 s0, s1;
	v1 =	vmul.u32 $0x1C, v1  }
0x61e: {  	v9 =	vbroadcast v18, $0x5;
	[tilespmem:s18+$0xFFFFFEB0] =	vst v4;
	v4 =	vshrl.u32 v13, $0x3;
	v13 =	vld [tilespmem:s0+$0x2500]  }
0x61f: {  	v2 =	vld.idx.msk [tilespmem:v2+s12+$0x0], $0xffff;
	v4 =	vmul.u32 $0xC, v4;
	[tilespmem:s18+$0x50] =	vst v3;
	v1 =	vadd.s32 v1, v8  }
0x620: {  	v3 =	vadd.s32 v7, v5;
	v5 =	vld.idx.msk [tilespmem:v12+s12+$0x0], $0xffff;
	v8 =	vmul.u32 $0x19, v1;
	v1 =	vsel vm8, v10, v9  }
0x621: {  	v4 =	vsub.s32 v11, v4;
	v1 =	vadd.s32 v6, v1  }
0x622: {  	v4 =	vmul.u32 $0x1C, v4;
	v10 =	vbroadcast v8, $0x0;
	_ =	sdelay $0x1  }
0x623: {  	v11 =	vbroadcast v0, $0x4;
	[tilespmem:s18+$0xFFFFFEC0] =	vst v2;
	v2 =	vadd.s32 v4, v13;
	v4 =	vadd.s32 v61, v10  }
0x624: {  	v12 =	vld.idx.msk [tilespmem:v3+s12+$0x0], $0xffff;
	v3 =	vmul.u32 $0x19, v2;
	[tilespmem:s18+$0x60] =	vst v5  }
0x625: {  	v2 =	vadd.s32 v61, v11;
	v1 =	vld.idx.msk [tilespmem:v1+s12+$0x0], $0xffff  }
0x626: {  	v9 =	vadd.s32 v7, v9;
	v13 =	vbroadcast v8, $0x1;
	v5 =	vbroadcast v3, $0x0;
	_ =	sdelay $0x1  }
0x627: {  	v14 =	vbroadcast v0, $0x5;
	v10 =	vsel vm8, v10, v13;
	v15 =	vadd.s32 v61, v5;
	v4 =	vld.idx.msk [tilespmem:v4+s12+$0x0], $0xffff  }
0x628: {  	v10 =	vadd.s32 v6, v10;
	[tilespmem:s18+$0xFFFFFED0] =	vst v12  }
0x629: {  	v11 =	vsel vm8, v11, v14;
	v2 =	vld.idx.msk [tilespmem:v2+s12+$0x0], $0xffff;
	[tilespmem:s18+$0x70] =	vst v1;
	v1 =	vbroadcast v18, $0x6  }
0x62a: {  	v11 =	vadd.s32 v6, v11;
	v12 =	vbroadcast v3, $0x1;
	v9 =	vld.idx.msk [tilespmem:v9+s12+$0x0], $0xffff  }
0x62b: {  	s19 =	simm.s32 $0xD180;
	v16 =	vadd.s32 v61, v1  }
0x62c: {  	v5 =	vsel vm8, v5, v12;
	v15 =	vld.idx.msk [tilespmem:v15+s12+$0x0], $0xffff;
	[tilespmem:s19+$0x0] =	vst v4  }
0x62d: {  	v4 =	vadd.s32 v6, v5;
	v5 =	vld.idx.msk [tilespmem:v10+s12+$0x0], $0xffff  }
0x62e: {  	[tilespmem:s18+$0xFFFFFEE0] =	vst v2;
	v2 =	vadd.s32 v7, v13;
	v10 =	vbroadcast v18, $0x7  }
0x62f: {  	v11 =	vld.idx.msk [tilespmem:v11+s12+$0x0], $0xffff;
	[tilespmem:s18+$0x80] =	vst v9  }
0x630: {  	v9 =	vadd.s32 v7, v14;
	v1 =	vsel vm8, v1, v10;
	v13 =	vld.idx.msk [tilespmem:v16+s12+$0x0], $0xffff  }
0x631: {  	[tilespmem:s19+$0xFFFFFE80] =	vst v15;
	v1 =	vadd.s32 v6, v1  }
0x632: {  	v4 =	vld.idx.msk [tilespmem:v4+s12+$0x0], $0xffff;
	[tilespmem:s19+$0x10] =	vst v5;
	v5 =	vbroadcast v8, $0x2  }
0x633: {  	v12 =	vadd.s32 v7, v12;
	v2 =	vld.idx.msk [tilespmem:v2+s12+$0x0], $0xffff  }
0x634: {  	v14 =	vbroadcast v0, $0x6;
	[tilespmem:s18+$0xFFFFFEF0] =	vst v11;
	v11 =	vadd.s32 v61, v5  }
0x635: {  	v9 =	vld.idx.msk [tilespmem:v9+s12+$0x0], $0xffff;
	[tilespmem:s18+$0x90] =	vst v13  }
0x636: {  	v15 =	vadd.s32 v61, v14;
	v13 =	vbroadcast v0, $0x7;
	v1 =	vld.idx.msk [tilespmem:v1+s12+$0x0], $0xffff  }
0x637: {  	v10 =	vadd.s32 v7, v10;
	v16 =	vbroadcast v3, $0x2;
	[tilespmem:s19+$0xFFFFFE90] =	vst v4;
	v4 =	vbroadcast v8, $0x3  }
0x638: {  	v17 =	vbroadcast v0, $0x8;
	v19 =	vbroadcast v0, $0x9;
	v14 =	vsel vm8, v14, v13;
	v12 =	vld.idx.msk [tilespmem:v12+s12+$0x0], $0xffff;
	[tilespmem:s19+$0x20] =	vst v2  }
0x639: {  	v2 =	vadd.s32 v7, v13;
	v13 =	vadd.s32 v61, v16;
	v5 =	vsel vm8, v5, v4;
	v11 =	vld.idx.msk [tilespmem:v11+s12+$0x0], $0xffff  }
0x63a: {  	v20 =	vbroadcast v0, $0xB;
	v24 =	vbroadcast v0, $0xC;
	[tilespmem:s18+$0xFFFFFF00] =	vst v9;
	v5 =	vadd.s32 v6, v5  }
0x63b: {  	v25 =	vbroadcast v0, $0xD;
	v15 =	vld.idx.msk [tilespmem:v15+s12+$0x0], $0xffff;
	[tilespmem:s18+$0xA0] =	vst v1;
	v1 =	vbroadcast v18, $0x8  }
0x63c: {  	v22 =	vadd.s32 v61, v17;
	v23 =	vbroadcast v3, $0x3;
	v9 =	vadd.s32 v6, v14;
	v10 =	vld.idx.msk [tilespmem:v10+s12+$0x0], $0xffff  }
0x63d: {  	v17 =	vsel vm8, v17, v19;
	v27 =	vadd.s32 v7, v19;
	[tilespmem:s19+$0xFFFFFEA0] =	vst v12;
	v12 =	vadd.s32 v61, v1  }
0x63e: {  	s23 =	simm.s32 $0x1250;
	v30 =	vbroadcast v0, $0xE;
	v21 =	vadd.s32 v7, v20;
	v16 =	vsel vm8, v16, v23;
	v26 =	vld.idx.msk [tilespmem:v13+s12+$0x0], $0xffff;
	[tilespmem:s19+$0x30] =	vst v11  }
0x63f: {  	v14 =	vbroadcast v0, $0xA;
	v11 =	vadd.s32 v6, v16;
	v16 =	vor.u32 s23, v61;
	v5 =	vld.idx.msk [tilespmem:v5+s12+$0x0], $0xffff  }
0x640: {  	s24 =	simm.s32 $0x1240;
	s2 =	simm.s32 $0x50;
	v4 =	vadd.s32 v7, v4;
	[tilespmem:s18+$0xFFFFFF10] =	vst v15;
	v15 =	vbroadcast v18, $0x9;
	v19 =	vmulhi.u32 $0xAAAAAAAB, v16  }
0x641: {  	s2 =	sand.u32 $0x70, s2;
	v31 =	vadd.s32 v61, v30;
	s0 =	sand.u32 $0x1F80, s23;
	v13 =	vadd.s32 v61, v14;
	v9 =	vld.idx.msk [tilespmem:v9+s12+$0x0], $0xffff;
	[tilespmem:s18+$0xB0] =	vst v10;
	v10 =	vor.u32 s24, v61  }
0x642: {  	s0 =	sor.u32 s2, s0;
	v1 =	vsel vm8, v1, v15;
	v28 =	vld.idx.msk [tilespmem:v12+s12+$0x0], $0xffff;
	v29 =	vmulhi.u32 $0xAAAAAAAB, v10;
	v12 =	vshrl.u32 v19, $0x3  }
0x643: {  	s25 =	simm.s32 $0x40;
	v14 =	vsel vm8, v14, v20;
	[tilespmem:s19+$0xFFFFFEB0] =	vst v26;
	v1 =	vadd.s32 v6, v1;
	v19 =	vld [tilespmem:s0+$0x2500];
	v20 =	vmul.u32 $0xC, v12  }
0x644: {  	s26 =	sand.u32 $0x1F80, s24;
	s28 =	sand.u32 $0x60, s25;
	v12 =	vadd.s32 v6, v14;
	v11 =	vld.idx.msk [tilespmem:v11+s12+$0x0], $0xffff;
	v14 =	vbroadcast v8, $0x4;
	[tilespmem:s19+$0x40] =	vst v5;
	v5 =	vshrl.u32 v29, $0x3  }
0x645: {  	v23 =	vadd.s32 v7, v23;
	s0 =	sor.u32 s28, s26;
	v4 =	vld.idx.msk [tilespmem:v4+s12+$0x0], $0xffff;
	v5 =	vmul.u32 $0xC, v5;
	v16 =	vsub.s32 v16, v20  }
0x646: {  	v26 =	vsel vm8, v24, v25;
	v29 =	vld [tilespmem:s0+$0x2500];
	[tilespmem:s18+$0xFFFFFF20] =	vst v9;
	v9 =	vadd.s32 v61, v14;
	v16 =	vmul.u32 $0x1C, v16  }
0x647: {  	v20 =	vadd.s32 v61, v24;
	v2 =	vld.idx.msk [tilespmem:v2+s12+$0x0], $0xffff;
	v5 =	vsub.s32 v10, v5;
	[tilespmem:s18+$0xC0] =	vst v28  }
0x648: {  	v24 =	vbroadcast v3, $0x4;
	v5 =	vmul.u32 $0x1C, v5;
	v28 =	vld.idx.msk [tilespmem:v1+s12+$0x0], $0xffff;
	v1 =	vadd.s32 v16, v19  }
0x649: {  	[tilespmem:s19+$0xFFFFFEC0] =	vst v11;
	v16 =	vbroadcast v8, $0x5;
	v11 =	vadd.s32 v7, v15;
	v10 =	vmul.u32 $0x19, v1  }
0x64a: {  	v17 =	vadd.s32 v6, v17;
	v0 =	vbroadcast v0, $0xF;
	v15 =	vadd.s32 v61, v24;
	v23 =	vld.idx.msk [tilespmem:v23+s12+$0x0], $0xffff;
	[tilespmem:s19+$0x50] =	vst v4  }
0x64b: {  	v5 =	vadd.s32 v5, v29;
	v4 =	vld.idx.msk [tilespmem:v9+s12+$0x0], $0xffff;
	v9 =	vsel vm8, v14, v16;
	v14 =	vbroadcast v10, $0x0  }
0x64c: {  	v19 =	vadd.s32 v6, v26;
	[tilespmem:s18+$0xFFFFFF30] =	vst v2;
	v2 =	vmul.u32 $0x19, v5;
	v5 =	vadd.s32 v6, v9  }
0x64d: {  	v1 =	vadd.s32 v7, v25;
	v25 =	vbroadcast v18, $0xA;
	v22 =	vld.idx.msk [tilespmem:v22+s12+$0x0], $0xffff;
	[tilespmem:s18+$0xD0] =	vst v28;
	v26 =	vadd.s32 v61, v14  }
0x64e: {  	v9 =	vsel vm8, v30, v0;
	v28 =	vbroadcast v3, $0x5;
	v29 =	vbroadcast v2, $0x0;
	v30 =	vld.idx.msk [tilespmem:v11+s12+$0x0], $0xffff  }
0x64f: {  	v62 =	vadd.s32 v7, v0;
	v0 =	vadd.s32 v61, v25;
	[tilespmem:s19+$0xFFFFFED0] =	vst v23  }
0x650: {  	v23 =	vsel vm8, v24, v28;
	v15 =	vld.idx.msk [tilespmem:v15+s12+$0x0], $0xffff;
	v24 =	vadd.s32 v61, v29;
	[tilespmem:s19+$0x60] =	vst v4;
	v4 =	vbroadcast v10, $0x1  }
0x651: {  	v23 =	vadd.s32 v6, v23;
	v5 =	vld.idx.msk [tilespmem:v5+s12+$0x0], $0xffff  }
0x652: {  	v16 =	vadd.s32 v7, v16;
	[tilespmem:s18+$0xFFFFFF40] =	vst v22;
	v22 =	vld.idx.msk [tilespmem:v26+s12+$0x0], $0xffff;
	v26 =	vbroadcast v18, $0xB;
	v14 =	vsel vm8, v14, v4  }
0x653: {  	v44 =	vbroadcast v2, $0x1;
	v17 =	vld.idx.msk [tilespmem:v17+s12+$0x0], $0xffff;
	[tilespmem:s18+$0xE0] =	vst v30;
	v14 =	vadd.s32 v6, v14  }
0x654: {  	v0 =	vld.idx.msk [tilespmem:v0+s12+$0x0], $0xffff;
	v25 =	vsel vm8, v25, v26  }
0x655: {  	v29 =	vsel vm8, v29, v44;
	[tilespmem:s19+$0xFFFFFEE0] =	vst v15;
	v15 =	vld.idx.msk [tilespmem:v24+s12+$0x0], $0xffff;
	v24 =	vadd.s32 v6, v25  }
0x656: {  	s20 =	simm.s32 $0xD480;
	v29 =	vadd.s32 v6, v29;
	v25 =	vbroadcast v3, $0x8;
	v46 =	vld.idx.msk [tilespmem:v23+s12+$0x0], $0xffff;
	[tilespmem:s19+$0x70] =	vst v5  }
0x657: {  	v47 =	vbroadcast v8, $0x6;
	v28 =	vadd.s32 v7, v28;
	v5 =	vbroadcast v3, $0x9;
	v16 =	vld.idx.msk [tilespmem:v16+s12+$0x0], $0xffff;
	[tilespmem:s20+$0x0] =	vst v22  }
0x658: {  	v23 =	vadd.s32 v61, v25;
	[tilespmem:s18+$0xFFFFFF50] =	vst v17;
	v14 =	vld.idx.msk [tilespmem:v14+s12+$0x0], $0xffff  }
0x659: {  	v17 =	vadd.s32 v61, v47;
	v22 =	vsel vm8, v25, v5;
	v25 =	vld.idx.msk [tilespmem:v27+s12+$0x0], $0xffff;
	[tilespmem:s18+$0xF0] =	vst v0  }
0x65a: {  	v4 =	vadd.s32 v7, v4;
	[tilespmem:s20+$0xFFFFFE80] =	vst v15;
	v15 =	vld.idx.msk [tilespmem:v24+s12+$0x0], $0xffff  }
0x65b: {  	v24 =	vld.idx.msk [tilespmem:v29+s12+$0x0], $0xffff;
	[tilespmem:s19+$0xFFFFFEF0] =	vst v46  }
0x65c: {  	v42 =	vbroadcast v3, $0x6;
	v26 =	vadd.s32 v7, v26;
	v28 =	vld.idx.msk [tilespmem:v28+s12+$0x0], $0xffff;
	[tilespmem:s19+$0x80] =	vst v16  }
0x65d: {  	v48 =	vbroadcast v3, $0xA;
	v34 =	vadd.s32 v7, v44;
	v27 =	vbroadcast v3, $0xB;
	[tilespmem:s20+$0x10] =	vst v14  }
0x65e: {  	v54 =	vbroadcast v18, $0xC;
	v45 =	vadd.s32 v61, v42;
	v29 =	vbroadcast v8, $0x7;
	v51 =	vld.idx.msk [tilespmem:v17+s12+$0x0], $0xffff;
	[tilespmem:s18+$0xFFFFFF60] =	vst v25  }
0x65f: {  	v50 =	vbroadcast v3, $0xD;
	v32 =	vadd.s32 v7, v27;
	v16 =	vsel vm8, v48, v27;
	v27 =	vld.idx.msk [tilespmem:v4+s12+$0x0], $0xffff;
	[tilespmem:s18+$0x100] =	vst v15  }
0x660: {  	v63 =	vadd.s32 v6, v9;
	v17 =	vsel vm8, v47, v29;
	v14 =	vbroadcast v10, $0x2;
	v53 =	vld.idx.msk [tilespmem:v13+s12+$0x0], $0xffff;
	[tilespmem:s20+$0xFFFFFE90] =	vst v24  }
0x661: {  	v52 =	vbroadcast v3, $0xE;
	v9 =	vadd.s32 v7, v50;
	v25 =	vadd.s32 v6, v17;
	v24 =	vld.idx.msk [tilespmem:v26+s12+$0x0], $0xffff;
	[tilespmem:s19+$0xFFFFFF00] =	vst v28  }
0x662: {  	v43 =	vbroadcast v3, $0x7;
	v56 =	vbroadcast v2, $0x2;
	v55 =	vadd.s32 v61, v14;
	v26 =	vld.idx.msk [tilespmem:v34+s12+$0x0], $0xffff;
	[tilespmem:$0x1FB30] =	vst v9  }
0x663: {  	v49 =	vbroadcast v3, $0xC;
	v3 =	vbroadcast v3, $0xF;
	v9 =	vadd.s32 v61, v52;
	[tilespmem:s19+$0x90] =	vst v51  }
0x664: {  	v57 =	vadd.s32 v61, v56;
	v30 =	vsel vm8, v42, v43;
	v35 =	vld.idx.msk [tilespmem:v45+s12+$0x0], $0xffff;
	[tilespmem:$0x1FB40] =	vst v9  }
0x665: {  	v30 =	vadd.s32 v6, v30;
	v59 =	vsel vm8, v52, v3;
	v28 =	vadd.s32 v61, v54;
	[tilespmem:s20+$0x20] =	vst v27  }
0x666: {  	v58 =	vbroadcast v10, $0x3;
	v0 =	vadd.s32 v7, v5;
	v9 =	vadd.s32 v6, v59;
	v25 =	vld.idx.msk [tilespmem:v25+s12+$0x0], $0xffff;
	[tilespmem:s18+$0xFFFFFF70] =	vst v53  }
0x667: {  	v60 =	vbroadcast v18, $0xD;
	v5 =	vadd.s32 v61, v48;
	v27 =	vadd.s32 v7, v29;
	v29 =	vld.idx.msk [tilespmem:v55+s12+$0x0], $0xffff;
	[tilespmem:$0x1FB50] =	vst v9  }
0x668: {  	v3 =	vadd.s32 v7, v3;
	v13 =	vsel vm8, v49, v50;
	v47 =	vsel vm8, v14, v58;
	[tilespmem:s18+$0x110] =	vst v24  }
0x669: {  	v48 =	vbroadcast v2, $0x3;
	v17 =	vadd.s32 v61, v49;
	v49 =	vld.idx.msk [tilespmem:v12+s12+$0x0], $0xffff;
	v24 =	vadd.s32 v6, v47;
	[tilespmem:$0x1FB60] =	vst v3  }
0x66a: {  	[tilespmem:s20+$0xFFFFFEA0] =	vst v26;
	v26 =	vld.idx.msk [tilespmem:v28+s12+$0x0], $0xffff;
	v28 =	vsel vm8, v54, v60  }
0x66b: {  	v38 =	vsel vm8, v56, v48;
	[tilespmem:s19+$0xFFFFFF10] =	vst v35;
	v51 =	vld.idx.msk [tilespmem:v57+s12+$0x0], $0xffff;
	v28 =	vadd.s32 v6, v28  }
0x66c: {  	s30 =	simm.s32 $0x1260;
	v52 =	vadd.s32 v6, v38;
	v30 =	vld.idx.msk [tilespmem:v30+s12+$0x0], $0xffff;
	[tilespmem:s19+$0xA0] =	vst v25;
	v25 =	vbroadcast v8, $0x8  }
0x66d: {  	v37 =	vadd.s32 v7, v43;
	v44 =	vbroadcast v10, $0x4;
	v56 =	vor.u32 s30, v61;
	v27 =	vld.idx.msk [tilespmem:v27+s12+$0x0], $0xffff;
	[tilespmem:s20+$0x30] =	vst v29  }
0x66e: {  	v53 =	vbroadcast v2, $0x6;
	v29 =	vbroadcast v2, $0x7;
	[tilespmem:s18+$0xFFFFFF80] =	vst v49;
	v54 =	vadd.s32 v61, v25;
	v24 =	vld.idx.msk [tilespmem:v24+s12+$0x0], $0xffff  }
0x66f: {  	s29 =	simm.s32 $0x1270;
	v22 =	vadd.s32 v6, v22;
	v50 =	vbroadcast v2, $0x5;
	v59 =	vmulhi.u32 $0xAAAAAAAB, v56;
	v21 =	vld.idx.msk [tilespmem:v21+s12+$0x0], $0xffff;
	[tilespmem:s18+$0x120] =	vst v26  }
0x670: {  	v3 =	vbroadcast v2, $0x4;
	v35 =	vor.u32 s29, v61;
	v55 =	vsel vm8, v53, v29;
	[tilespmem:s20+$0xFFFFFEB0] =	vst v51;
	v28 =	vld.idx.msk [tilespmem:v28+s12+$0x0], $0xffff  }
0x671: {  	s31 =	simm.s32 $0x70;
	v45 =	vadd.s32 v7, v29;
	v26 =	vadd.s32 v7, v58;
	[tilespmem:s19+$0xFFFFFF20] =	vst v30;
	v30 =	vbroadcast v8, $0x9;
	v29 =	vld.idx.msk [tilespmem:v52+s12+$0x0], $0xffff  }
0x672: {  	s3 =	simm.s32 $0x60;
	s2 =	sand.u32 $0x70, s31;
	s0 =	sand.u32 $0x1F80, s29;
	v38 =	vadd.s32 v7, v48;
	v57 =	vmulhi.u32 $0xAAAAAAAB, v35;
	v37 =	vld.idx.msk [tilespmem:v37+s12+$0x0], $0xffff;
	[tilespmem:s19+$0xB0] =	vst v27;
	v27 =	vadd.s32 v7, v60  }
0x673: {  	s3 =	sand.u32 $0x60, s3;
	s1 =	sand.u32 $0x1F80, s30;
	s0 =	sor.u32 s2, s0;
	v42 =	vshrl.u32 v59, $0x3;
	v43 =	vadd.s32 v61, v3;
	v58 =	vld.idx.msk [tilespmem:v54+s12+$0x0], $0xffff;
	v25 =	vsel vm8, v25, v30  }
0x674: {  	s1 =	sor.u32 s3, s1;
	v3 =	vsel vm8, v3, v50;
	v41 =	vshrl.u32 v57, $0x3;
	v60 =	vld [tilespmem:s0+$0x2500];
	v25 =	vadd.s32 v6, v25  }
0x675: {  	v34 =	vadd.s32 v6, v3;
	v3 =	vadd.s32 v61, v53;
	v41 =	vmul.u32 $0xC, v41;
	[tilespmem:s20+$0x40] =	vst v24;
	v54 =	vld [tilespmem:s1+$0x2500]  }
0x676: {  	v53 =	vbroadcast v18, $0xE;
	v36 =	vadd.s32 v6, v55;
	v26 =	vld.idx.msk [tilespmem:v26+s12+$0x0], $0xffff;
	[tilespmem:s18+$0x130] =	vst v28;
	v28 =	vmul.u32 $0xC, v42  }
0x677: {  	v39 =	vbroadcast v18, $0xF;
	v55 =	vadd.s32 v61, v44;
	[tilespmem:s18+$0xFFFFFF90] =	vst v21;
	v21 =	vld.idx.msk [tilespmem:v27+s12+$0x0], $0xffff;
	v27 =	vsub.s32 v35, v41  }
0x678: {  	v20 =	vld.idx.msk [tilespmem:v20+s12+$0x0], $0xffff;
	v28 =	vsub.s32 v56, v28;
	[tilespmem:s19+$0xC0] =	vst v58;
	v56 =	vadd.s32 v61, v53;
	v57 =	vmul.u32 $0x1C, v27  }
0x679: {  	v52 =	vbroadcast v2, $0x9;
	v24 =	vbroadcast v2, $0x8;
	[tilespmem:s20+$0xFFFFFEC0] =	vst v29;
	v28 =	vmul.u32 $0x1C, v28;
	v25 =	vld.idx.msk [tilespmem:v25+s12+$0x0], $0xffff  }
0x67a: {  	[tilespmem:s19+$0xFFFFFF30] =	vst v37;
	v37 =	vbroadcast v10, $0x5;
	v29 =	vld.idx.msk [tilespmem:v38+s12+$0x0], $0xffff;
	v58 =	vadd.s32 v7, v30;
	v30 =	vadd.s32 v57, v60  }
0x67b: {  	v27 =	vadd.s32 v61, v24;
	v23 =	vld.idx.msk [tilespmem:v23+s12+$0x0], $0xffff;
	[tilespmem:s20+$0x50] =	vst v26;
	v26 =	vadd.s32 v28, v54;
	v18 =	vmul.u32 $0x19, v30  }
0x67c: {  	v24 =	vsel vm8, v24, v52;
	v59 =	vld.idx.msk [tilespmem:v55+s12+$0x0], $0xffff;
	[tilespmem:s18+$0x140] =	vst v21;
	v21 =	vsel vm8, v44, v37;
	v40 =	vmul.u32 $0x19, v26  }
0x67d: {  	[tilespmem:s18+$0xFFFFFFA0] =	vst v20;
	v26 =	vsel vm8, v53, v39;
	v20 =	vld.idx.msk [tilespmem:v56+s12+$0x0], $0xffff;
	v21 =	vadd.s32 v6, v21;
	v60 =	vbroadcast v18, $0x0  }
0x67e: {  	v42 =	vbroadcast v8, $0xA;
	v30 =	vadd.s32 v6, v24;
	v19 =	vld.idx.msk [tilespmem:v19+s12+$0x0], $0xffff;
	v24 =	vadd.s32 v6, v26;
	[tilespmem:s19+$0xD0] =	vst v25  }
0x67f: {  	[tilespmem:s20+$0xFFFFFED0] =	vst v29;
	v38 =	vld.idx.msk [tilespmem:v58+s12+$0x0], $0xffff;
	v54 =	vadd.s32 v61, v60  }
0x680: {  	v49 =	vbroadcast v2, $0xA;
	[tilespmem:s19+$0xFFFFFF40] =	vst v23;
	v56 =	vadd.s32 v61, v42;
	v44 =	vbroadcast v40, $0x0;
	v43 =	vld.idx.msk [tilespmem:v43+s12+$0x0], $0xffff  }
0x681: {  	v4 =	vadd.s32 v6, v16;
	v51 =	vbroadcast v2, $0xD;
	v41 =	vbroadcast v2, $0xB;
	v22 =	vld.idx.msk [tilespmem:v22+s12+$0x0], $0xffff;
	[tilespmem:s20+$0x60] =	vst v59  }
0x682: {  	v28 =	vadd.s32 v7, v52;
	v55 =	vbroadcast v2, $0xC;
	v57 =	vadd.s32 v61, v44;
	v21 =	vld.idx.msk [tilespmem:v21+s12+$0x0], $0xffff;
	[tilespmem:s18+$0x150] =	vst v20  }
0x683: {  	v37 =	vadd.s32 v7, v37;
	v23 =	vsel vm8, v49, v41;
	v46 =	vbroadcast v18, $0x1;
	[tilespmem:s18+$0xFFFFFFB0] =	vst v19;
	v58 =	vld.idx.msk [tilespmem:v24+s12+$0x0], $0xffff  }
0x684: {  	v26 =	vadd.s32 v6, v23;
	v20 =	vsel vm8, v55, v51;
	v19 =	vld.idx.msk [tilespmem:v54+s12+$0x0], $0xffff;
	[tilespmem:s19+$0xE0] =	vst v38  }
0x685: {  	v23 =	vadd.s32 v6, v20;
	v20 =	vsel vm8, v60, v46;
	[tilespmem:s20+$0xFFFFFEE0] =	vst v43;
	v38 =	vbroadcast v8, $0xB;
	v60 =	vld.idx.msk [tilespmem:v56+s12+$0x0], $0xffff  }
0x686: {  	v39 =	vadd.s32 v7, v39;
	v59 =	vbroadcast v40, $0x1;
	v24 =	vadd.s32 v61, v55;
	[tilespmem:s19+$0xFFFFFF50] =	vst v22  }
0x687: {  	v52 =	vbroadcast v2, $0xE;
	v54 =	vadd.s32 v6, v20;
	v53 =	vld.idx.msk [tilespmem:v57+s12+$0x0], $0xffff;
	v20 =	vsel vm8, v42, v38;
	[tilespmem:s20+$0x70] =	vst v21  }
0x688: {  	s22 =	simm.s32 $0xD780;
	v2 =	vbroadcast v2, $0xF;
	v55 =	vsel vm8, v44, v59;
	v34 =	vld.idx.msk [tilespmem:v34+s12+$0x0], $0xffff;
	v56 =	vadd.s32 v6, v20;
	[tilespmem:s18+$0x160] =	vst v58  }
0x689: {  	v15 =	vadd.s32 v6, v13;
	v0 =	vld.idx.msk [tilespmem:v0+s12+$0x0], $0xffff;
	v42 =	vadd.s32 v6, v55;
	[tilespmem:s22+$0x0] =	vst v19  }
0x68a: {  	v20 =	vsel vm8, v52, v2;
	v2 =	vadd.s32 v7, v2;
	v37 =	vld.idx.msk [tilespmem:v37+s12+$0x0], $0xffff;
	[tilespmem:s19+$0xF0] =	vst v60  }
0x68b: {  	v33 =	vadd.s32 v7, v50;
	v50 =	vbroadcast v10, $0x6;
	v29 =	vadd.s32 v61, v49;
	v39 =	vld.idx.msk [tilespmem:v39+s12+$0x0], $0xffff;
	[tilespmem:$0x1FB70] =	vst v2  }
0x68c: {  	v25 =	vadd.s32 v7, v41;
	v47 =	vadd.s32 v7, v59;
	v49 =	vld.idx.msk [tilespmem:v54+s12+$0x0], $0xffff;
	[tilespmem:s22+$0xFFFFFE80] =	vst v53  }
0x68d: {  	v48 =	vbroadcast v10, $0x7;
	v22 =	vadd.s32 v7, v51;
	v57 =	vadd.s32 v61, v50;
	v44 =	vld.idx.msk [tilespmem:v56+s12+$0x0], $0xffff;
	[tilespmem:s20+$0xFFFFFEF0] =	vst v34  }
0x68e: {  	v46 =	vadd.s32 v7, v46;
	v43 =	vbroadcast v40, $0x6;
	v58 =	vbroadcast v40, $0x3;
	[tilespmem:s19+$0xFFFFFF60] =	vst v0;
	v1 =	vld.idx.msk [tilespmem:v1+s12+$0x0], $0xffff  }
0x68f: {  	v38 =	vadd.s32 v7, v38;
	v21 =	vadd.s32 v61, v52;
	v2 =	vbroadcast v40, $0x2;
	v42 =	vld.idx.msk [tilespmem:v42+s12+$0x0], $0xffff;
	[tilespmem:s20+$0x80] =	vst v37  }
0x690: {  	v20 =	vadd.s32 v6, v20;
	v60 =	vbroadcast v40, $0x4;
	v41 =	vadd.s32 v7, v58;
	v33 =	vld.idx.msk [tilespmem:v33+s12+$0x0], $0xffff;
	[tilespmem:s18+$0x170] =	vst v39  }
0x691: {  	v55 =	vbroadcast v40, $0x5;
	v59 =	vsel vm8, v2, v58;
	v2 =	vadd.s32 v61, v2;
	v5 =	vld.idx.msk [tilespmem:v5+s12+$0x0], $0xffff;
	[tilespmem:s22+$0x10] =	vst v49  }
0x692: {  	v37 =	vadd.s32 v61, v60;
	v56 =	vld.idx.msk [tilespmem:v57+s12+$0x0], $0xffff;
	v57 =	vsel vm8, v50, v48;
	v49 =	vbroadcast v18, $0x2;
	[tilespmem:s19+$0x100] =	vst v44  }
0x693: {  	v58 =	vsel vm8, v60, v55;
	v50 =	vbroadcast v8, $0xC;
	v0 =	vadd.s32 v6, v57;
	[tilespmem:s18+$0xFFFFFFC0] =	vst v1;
	v46 =	vld.idx.msk [tilespmem:v46+s12+$0x0], $0xffff  }
0x694: {  	v53 =	vadd.s32 v6, v59;
	v59 =	vbroadcast v40, $0x7;
	[tilespmem:s22+$0xFFFFFE90] =	vst v42;
	v42 =	vld.idx.msk [tilespmem:v38+s12+$0x0], $0xffff;
	v57 =	vadd.s32 v61, v49  }
0x695: {  	v51 =	vbroadcast v18, $0x3;
	v35 =	vadd.s32 v6, v58;
	v54 =	vadd.s32 v61, v50;
	[tilespmem:s20+$0xFFFFFF00] =	vst v33;
	v60 =	vld.idx.msk [tilespmem:v47+s12+$0x0], $0xffff  }
0x696: {  	v48 =	vadd.s32 v7, v48;
	v58 =	vsel vm8, v43, v59;
	v44 =	vbroadcast v40, $0x9;
	[tilespmem:s19+$0xFFFFFF70] =	vst v5;
	v52 =	vld.idx.msk [tilespmem:v3+s12+$0x0], $0xffff  }
0x697: {  	v38 =	vadd.s32 v7, v55;
	[tilespmem:s20+$0x90] =	vst v56;
	v3 =	vadd.s32 v7, v59;
	v59 =	vbroadcast v40, $0x8;
	v4 =	vld.idx.msk [tilespmem:v4+s12+$0x0], $0xffff  }
0x698: {  	v33 =	vadd.s32 v61, v43;
	v5 =	vadd.s32 v6, v58;
	v58 =	vbroadcast v40, $0xE;
	v0 =	vld.idx.msk [tilespmem:v0+s12+$0x0], $0xffff;
	[tilespmem:s22+$0x20] =	vst v46  }
0x699: {  	v56 =	vbroadcast v8, $0xD;
	v34 =	vadd.s32 v7, v44;
	v43 =	vadd.s32 v61, v59;
	[tilespmem:s19+$0x110] =	vst v42;
	v42 =	vld.idx.msk [tilespmem:v57+s12+$0x0], $0xffff  }
0x69a: {  	v47 =	vbroadcast v40, $0xB;
	v39 =	vsel vm8, v59, v44;
	[tilespmem:s22+$0xFFFFFEA0] =	vst v60;
	v60 =	vsel vm8, v49, v51;
	v49 =	vld.idx.msk [tilespmem:v54+s12+$0x0], $0xffff  }
0x69b: {  	v46 =	vbroadcast v40, $0xA;
	[tilespmem:s20+$0xFFFFFF10] =	vst v52;
	v54 =	vld.idx.msk [tilespmem:v2+s12+$0x0], $0xffff;
	v55 =	vadd.s32 v6, v60;
	v2 =	vsel vm8, v50, v56  }
0x69c: {  	v39 =	vadd.s32 v6, v39;
	v52 =	vbroadcast v40, $0xC;
	[tilespmem:s19+$0xFFFFFF80] =	vst v4;
	v57 =	vld.idx.msk [tilespmem:v36+s12+$0x0], $0xffff;
	v36 =	vadd.s32 v6, v2  }
0x69d: {  	v4 =	vadd.s32 v7, v47;
	[tilespmem:s20+$0xA0] =	vst v0;
	v0 =	vbroadcast v40, $0xD;
	v1 =	vsel vm8, v46, v47;
	v47 =	vld.idx.msk [tilespmem:v32+s12+$0x0], $0xffff  }
0x69e: {  	v60 =	vbroadcast v40, $0xF;
	v2 =	vadd.s32 v61, v46;
	v59 =	vld.idx.msk [tilespmem:v48+s12+$0x0], $0xffff;
	v1 =	vadd.s32 v6, v1;
	[tilespmem:s22+$0x30] =	vst v42  }
0x69f: {  	v50 =	vbroadcast v10, $0x8;
	v48 =	vld.idx.msk [tilespmem:v31+s12+$0x0], $0xffff;
	v44 =	vadd.s32 v61, v52;
	v31 =	vsel vm8, v52, v0;
	[tilespmem:s19+$0x120] =	vst v49  }
0x6a0: {  	v46 =	vsel vm8, v58, v60;
	v32 =	vadd.s32 v7, v0;
	[tilespmem:s22+$0xFFFFFEB0] =	vst v54;
	v54 =	vld.idx.msk [tilespmem:v55+s12+$0x0], $0xffff  }
0x6a1: {  	v52 =	vadd.s32 v61, v50;
	v0 =	vadd.s32 v7, v56;
	v42 =	vadd.s32 v6, v46;
	v46 =	vld.idx.msk [tilespmem:v36+s12+$0x0], $0xffff  }
0x6a2: {  	v40 =	vadd.s32 v6, v31;
	v31 =	vadd.s32 v61, v58;
	[tilespmem:s20+$0xFFFFFF20] =	vst v57;
	v53 =	vld.idx.msk [tilespmem:v53+s12+$0x0], $0xffff  }
0x6a3: {  	s21 =	simm.s32 $0xD780;
	s23 =	simm.s32 $0x6;
	s24 =	simm.s32 $0x1280;
	v55 =	vadd.s32 v7, v51;
	v36 =	vadd.s32 v7, v60;
	v51 =	vld.idx.msk [tilespmem:v45+s12+$0x0], $0xffff;
	[tilespmem:s20+$0xB0] =	vst v59;
	v45 =	vbroadcast v10, $0x9  }
.LBB2_10:
0x6a4: {  	_ =	sdelay $0x1  }
0x6a5: {  	v52 =	vld.idx.msk [tilespmem:v52+s12+$0x0], $0xffff  }
0x6a6: {  	v9 =	vld [tilespmem:$0x1FB50];
	[tilespmem:s18+$0xFFFFFFD0] =	vst v48  }
0x6a7: {  	v14 =	vlaneseq.u32;
	s1 =	sadd.s32 $0x10, s24;
	v11 =	vld [tilespmem:$0x1FB70];
	[tilespmem:s19+$0xFFFFFF90] =	vst v47  }
0x6a8: {  	s0 =	sadd.s32 $0xFFFFEE00, s24;
	v56 =	vor.u32 s1, v14;
	v47 =	vld.idx.msk [tilespmem:v63+s12+$0x0], $0xffff  }
0x6a9: {  	s2 =	sand.u32 $0x1F80, s24;
	s31 =	sadd.s32 $0xFFFFEE10, s24;
	v49 =	vor.u32 s24, v14;
	s0 =	sand.u32 $0x60, s0;
	v50 =	vsel vm8, v50, v45;
	v57 =	vmulhi.u32 $0xAAAAAAAB, v56;
	[tilespmem:s22+$0x40] =	vst v54;
	v54 =	vld.idx.msk [tilespmem:v17+s12+$0x0], $0xffff  }
0x6aa: {  	s1 =	sand.u32 $0x1F80, s1;
	v60 =	vmulhi.u32 $0xAAAAAAAB, v49;
	s0 =	sor.u32 s0, s2;
	v50 =	vadd.s32 v6, v50;
	s2 =	sand.u32 $0x70, s31;
	v48 =	vld.idx.msk [tilespmem:v55+s12+$0x0], $0xffff;
	[tilespmem:s19+$0x130] =	vst v46  }
0x6ab: {  	s1 =	sor.u32 s2, s1;
	[tilespmem:s22+$0xFFFFFEC0] =	vst v53;
	v55 =	vbroadcast v18, $0x4;
	v59 =	vshrl.u32 v57, $0x3;
	v0 =	vld.idx.msk [tilespmem:v0+s12+$0x0], $0xffff  }
0x6ac: {  	v19 =	vmovc v24;
	v24 =	vmov v44;
	v61 =	vshrl.u32 v60, $0x3;
	[tilespmem:s20+$0xFFFFFF30] =	vst v51;
	v60 =	vld [tilespmem:s1+$0x2500];
	v44 =	vmul.u32 $0xC, v59  }
0x6ad: {  	v46 =	vbroadcast v8, $0xE;
	v16 =	vmovc v9;
	v9 =	vmovc v20;
	v63 =	vmul.u32 $0xC, v61;
	v51 =	vld [tilespmem:s0+$0x2500];
	[tilespmem:s20+$0xC0] =	vst v52;
	v61 =	vadd.s32 v14, v55  }
0x6ae: {  	v20 =	vmov v42;
	[tilespmem:$0x1FB50] =	vst v9;
	v9 =	vld [tilespmem:$0x1FB60];
	v44 =	vsub.s32 v56, v44  }
0x6af: {  	v42 =	vsub.s32 v49, v63;
	v63 =	vadd.s32 v14, v46;
	v50 =	vld.idx.msk [tilespmem:v50+s12+$0x0], $0xffff;
	[tilespmem:s18+$0xFFFFFFE0] =	vst v47;
	v44 =	vmul.u32 $0x1C, v44  }
0x6b0: {  	v58 =	vadd.s32 v7, v45;
	v53 =	vbroadcast v8, $0xF;
	v47 =	vbroadcast v18, $0x5;
	v41 =	vld.idx.msk [tilespmem:v41+s12+$0x0], $0xffff;
	[tilespmem:s19+$0xFFFFFFA0] =	vst v54  }
0x6b1: {  	v8 =	vmovc v10;
	v11 =	vmov v11;
	v42 =	vmul.u32 $0x1C, v42;
	[tilespmem:s22+$0x50] =	vst v48;
	v48 =	vld.idx.msk [tilespmem:v27+s12+$0x0], $0xffff;
	v59 =	vadd.s32 v44, v60  }
0x6b2: {  	v10 =	vmovc v18;
	[tilespmem:$0x1FB60] =	vst v11;
	v27 =	vmov v43;
	v60 =	vsel vm8, v55, v47;
	v44 =	vld.idx.msk [tilespmem:v61+s12+$0x0], $0xffff;
	v18 =	vmul.u32 $0x19, v59  }
0x6b3: {  	[tilespmem:s19+$0x140] =	vst v0;
	v0 =	vadd.s32 v42, v51;
	v42 =	vld.idx.msk [tilespmem:v15+s12+$0x0], $0xffff;
	v61 =	vsel vm8, v46, v53;
	v15 =	vmov v9  }
0x6b4: {  	v9 =	vmovc v36;
	v43 =	vld.idx.msk [tilespmem:v63+s12+$0x0], $0xffff;
	v51 =	vmul.u32 $0x19, v0;
	v0 =	vadd.s32 v6, v60;
	[tilespmem:s20+$0xD0] =	vst v50;
	v49 =	vbroadcast v18, $0x0  }
0x6b5: {  	v17 =	vmov v23;
	v54 =	vbroadcast v8, $0xA;
	v45 =	vld.idx.msk [tilespmem:v62+s12+$0x0], $0xffff;
	v50 =	vadd.s32 v6, v61;
	[tilespmem:$0x1FB70] =	vst v9  }
0x6b6: {  	v23 =	vmovc v40;
	v52 =	vld.idx.msk [tilespmem:v58+s12+$0x0], $0xffff;
	v40 =	vbroadcast v51, $0x0;
	[tilespmem:s22+$0xFFFFFED0] =	vst v41;
	v62 =	vbroadcast v51, $0x1;
	v63 =	vadd.s32 v14, v49  }
0x6b7: {  	v47 =	vadd.s32 v7, v47;
	v61 =	vadd.s32 v14, v54;
	v41 =	vbroadcast v51, $0x2;
	v56 =	vld.idx.msk [tilespmem:v37+s12+$0x0], $0xffff;
	[tilespmem:s20+$0xFFFFFF40] =	vst v48  }
0x6b8: {  	v48 =	vadd.s32 v14, v40;
	[tilespmem:s22+$0x60] =	vst v44;
	v44 =	vld.idx.msk [tilespmem:v30+s12+$0x0], $0xffff;
	v9 =	vsel vm8, v40, v62  }
0x6b9: {  	v60 =	vbroadcast v51, $0x3;
	v36 =	vadd.s32 v7, v62;
	v46 =	vadd.s32 v14, v41;
	v58 =	vld.idx.msk [tilespmem:v0+s12+$0x0], $0xffff;
	[tilespmem:s19+$0x150] =	vst v43  }
0x6ba: {  	v62 =	vbroadcast v51, $0x4;
	[tilespmem:s19+$0xFFFFFFB0] =	vst v42;
	v30 =	vmovc v39;
	v59 =	vadd.s32 v6, v9;
	v43 =	vld.idx.msk [tilespmem:v50+s12+$0x0], $0xffff;
	v50 =	vbroadcast v18, $0x1  }
0x6bb: {  	v42 =	vbroadcast v8, $0xB;
	v0 =	vsel vm8, v41, v60;
	v41 =	vadd.s32 v7, v60;
	v39 =	vld.idx.msk [tilespmem:v63+s12+$0x0], $0xffff;
	[tilespmem:s20+$0xE0] =	vst v52  }
0x6bc: {  	v52 =	vadd.s32 v7, v53;
	v63 =	vbroadcast v51, $0x5;
	v49 =	vsel vm8, v49, v50;
	[tilespmem:s22+$0xFFFFFEE0] =	vst v56;
	v55 =	vld.idx.msk [tilespmem:v61+s12+$0x0], $0xffff  }
0x6bd: {  	v60 =	vbroadcast v51, $0x6;
	v37 =	vadd.s32 v14, v62;
	v48 =	vld.idx.msk [tilespmem:v48+s12+$0x0], $0xffff;
	v57 =	vadd.s32 v6, v49;
	[tilespmem:s20+$0xFFFFFF50] =	vst v44  }
0x6be: {  	v61 =	vsel vm8, v54, v42;
	v40 =	vsel vm8, v62, v63;
	v62 =	vbroadcast v51, $0x7;
	v54 =	vld.idx.msk [tilespmem:v35+s12+$0x0], $0xffff;
	[tilespmem:s22+$0x70] =	vst v58  }
0x6bf: {  	v44 =	vadd.s32 v6, v61;
	v53 =	vadd.s32 v7, v63;
	v35 =	vadd.s32 v6, v40;
	v40 =	vld.idx.msk [tilespmem:v47+s12+$0x0], $0xffff  }
0x6c0: {  	s22 =	sadd.s32 $0x300, s22;
	v47 =	vbroadcast v10, $0x6;
	[tilespmem:s19+$0x160] =	vst v43;
	v63 =	vsel vm8, v60, v62;
	v49 =	vadd.s32 v7, v62;
	v62 =	vld.idx.msk [tilespmem:v28+s12+$0x0], $0xffff  }
0x6c1: {  	v52 =	vld.idx.msk [tilespmem:v52+s12+$0x0], $0xffff;
	[tilespmem:s22+$0x0] =	vst v39  }
0x6c2: {  	v56 =	vadd.s32 v14, v60;
	v60 =	vbroadcast v51, $0x8;
	v61 =	vadd.s32 v14, v47;
	v57 =	vld.idx.msk [tilespmem:v57+s12+$0x0], $0xffff;
	[tilespmem:s20+$0xF0] =	vst v55  }
0x6c3: {  	v50 =	vadd.s32 v7, v50;
	v58 =	vadd.s32 v6, v63;
	v63 =	vbroadcast v51, $0x9;
	[tilespmem:s22+$0xFFFFFE80] =	vst v48  }
0x6c4: {  	v9 =	vbroadcast v51, $0xA;
	v42 =	vadd.s32 v7, v42;
	v43 =	vadd.s32 v14, v60;
	v59 =	vld.idx.msk [tilespmem:v59+s12+$0x0], $0xffff;
	[tilespmem:s21+$0xFFFFFEF0] =	vst v54  }
0x6c5: {  	v48 =	vbroadcast v51, $0xB;
	v55 =	vbroadcast v51, $0xC;
	v11 =	vld.idx.msk [tilespmem:v44+s12+$0x0], $0xffff;
	v44 =	vsel vm8, v60, v63;
	[tilespmem:s21+$0x80] =	vst v40  }
0x6c6: {  	v28 =	vmovc v34;
	v60 =	vbroadcast v51, $0xD;
	v54 =	vbroadcast v10, $0x7;
	v34 =	vadd.s32 v7, v63;
	v38 =	vld.idx.msk [tilespmem:v38+s12+$0x0], $0xffff;
	[tilespmem:s20+$0xFFFFFF60] =	vst v62  }
0x6c7: {  	v12 =	vbroadcast v51, $0xE;
	v63 =	vadd.s32 v14, v9;
	v9 =	vsel vm8, v9, v48;
	v61 =	vld.idx.msk [tilespmem:v61+s12+$0x0], $0xffff;
	[tilespmem:s19+$0x170] =	vst v52  }
0x6c8: {  	v52 =	vsel vm8, v47, v54;
	v47 =	vbroadcast v51, $0xF;
	v51 =	vld.idx.msk [tilespmem:v29+s12+$0x0], $0xffff;
	v29 =	vsel vm8, v55, v60;
	[tilespmem:s22+$0x10] =	vst v57  }
0x6c9: {  	v13 =	vadd.s32 v7, v48;
	v48 =	vadd.s32 v6, v52;
	v52 =	vbroadcast v18, $0x2;
	v50 =	vld.idx.msk [tilespmem:v50+s12+$0x0], $0xffff;
	[tilespmem:s22+$0xFFFFFE90] =	vst v59  }
0x6ca: {  	v39 =	vadd.s32 v6, v44;
	[tilespmem:s20+$0x100] =	vst v11;
	v59 =	vld.idx.msk [tilespmem:v36+s12+$0x0], $0xffff  }
0x6cb: {  	v40 =	vadd.s32 v6, v29;
	v62 =	vadd.s32 v14, v52;
	[tilespmem:s21+$0xFFFFFF00] =	vst v38;
	v29 =	vmov v2;
	v2 =	vld [tilespmem:$0x1FB30]  }
0x6cc: {  	v44 =	vadd.s32 v14, v55;
	v11 =	vadd.s32 v7, v60;
	v38 =	vmov v53;
	v53 =	vld.idx.msk [tilespmem:v33+s12+$0x0], $0xffff;
	[tilespmem:s18+$0xFFFFFFF0] =	vst v45  }
0x6cd: {  	v57 =	vbroadcast v8, $0xC;
	v60 =	vadd.s32 v14, v12;
	v12 =	vsel vm8, v12, v47;
	v55 =	vld.idx.msk [tilespmem:v42+s12+$0x0], $0xffff;
	s18 =	smov.u32 s19;
	s19 =	smov.u32 s20;
	[tilespmem:s21+$0x90] =	vst v61  }
0x6ce: {  	v42 =	vadd.s32 v6, v12;
	[tilespmem:s19+$0xFFFFFF70] =	vst v51;
	v12 =	vld.idx.msk [tilespmem:v48+s12+$0x0], $0xffff  }
0x6cf: {  	v9 =	vadd.s32 v6, v9;
	v61 =	vadd.s32 v14, v57;
	v48 =	vld.idx.msk [tilespmem:v26+s12+$0x0], $0xffff;
	[tilespmem:s22+$0x20] =	vst v50  }
0x6d0: {  	v26 =	vmov v1;
	v1 =	vmov v9;
	v9 =	vld.idx.msk [tilespmem:v62+s12+$0x0], $0xffff  }
0x6d1: {  	v62 =	vmov v15;
	v15 =	vld [tilespmem:$0x1FB40]  }
0x6d2: {  	[tilespmem:s19+$0x110] =	vst v55  }
0x6d3: {  	v36 =	vadd.s32 v7, v47;
	v47 =	vadd.s32 v7, v54;
	s20 =	smov.u32 s21;
	v45 =	vld.idx.msk [tilespmem:v2+s12+$0x0], $0xffff;
	v2 =	vmov v63;
	[tilespmem:s22+$0xFFFFFEA0] =	vst v59  }
0x6d4: {  	v51 =	vld.idx.msk [tilespmem:v61+s12+$0x0], $0xffff;
	v63 =	vmovc v16;
	v16 =	vmovc v22;
	v22 =	vmov v32;
	v32 =	vmov v11;
	v11 =	vbroadcast v18, $0x3;
	[tilespmem:s20+$0xA0] =	vst v12  }
0x6d5: {  	v33 =	vmov v56;
	v56 =	vbroadcast v8, $0xD;
	[tilespmem:$0x1FB30] =	vst v16;
	v46 =	vld.idx.msk [tilespmem:v46+s12+$0x0], $0xffff  }
0x6d6: {  	v0 =	vadd.s32 v6, v0;
	[tilespmem:s20+$0xFFFFFF10] =	vst v53;
	v54 =	vsel vm8, v52, v11  }
0x6d7: {  	v55 =	vsel vm8, v57, v56;
	v57 =	vld.idx.msk [tilespmem:v5+s12+$0x0], $0xffff;
	[tilespmem:s19+$0xFFFFFF80] =	vst v48;
	v54 =	vadd.s32 v6, v54  }
0x6d8: {  	s23 =	sadd.s32 $0x2, s23;
	v61 =	vld.idx.msk [tilespmem:v47+s12+$0x0], $0xffff;
	[tilespmem:s18+$0xFFFFFFC0] =	vst v45  }
0x6d9: {  	p0 =	slt.u32 s23, $0x5E;
	v12 =	vadd.s32 v6, v55;
	[tilespmem:s22+$0x30] =	vst v9;
	v48 =	vld.idx.msk [tilespmem:v15+s12+$0x0], $0xffff  }
.Ltmp4:
0x6da: {  	v50 =	vbroadcast v10, $0x8;
	v16 =	vmov v21;
	v47 =	vld.idx.msk [tilespmem:v25+s12+$0x0], $0xffff;
	[tilespmem:s22+$0xFFFFFEB0] =	vst v46;
	(pc) =	sbr.rel @p0 .LBB2_10-.Ltmp4, $4  }
0x6db: {  	[tilespmem:$0x1FB40] =	vst v16;
	v53 =	vld.idx.msk [tilespmem:v0+s12+$0x0], $0xffff  }
0x6dc: {  	v5 =	vmov v58;
	v52 =	vadd.s32 v14, v50;
	v55 =	vadd.s32 v7, v11;
	[tilespmem:s20+$0xFFFFFF20] =	vst v57;
	v54 =	vld.idx.msk [tilespmem:v54+s12+$0x0], $0xffff  }
0x6dd: {  	v21 =	vmovc v31;
	v31 =	vmovc v60;
	v45 =	vbroadcast v10, $0x9;
	v15 =	vmov v17;
	v17 =	vmov v19;
	[tilespmem:s19+$0x120] =	vst v51;
	v51 =	vld.idx.msk [tilespmem:v3+s12+$0x0], $0xffff  }
0x6de: {  	s24 =	sadd.s32 $0x20, s24;
	s21 =	smov.u32 s22;
	v25 =	vmovc v4;
	v4 =	vmov v13;
	v0 =	vadd.s32 v7, v56;
	v3 =	vmov v49;
	v46 =	vld.idx.msk [tilespmem:v12+s12+$0x0], $0xffff;
	[tilespmem:s20+$0xB0] =	vst v61  }
0x6df: {  	_ =	sdelay $0x2  }
0x6e0: {  	[tilespmem:s22+$0xFFFFFEC0] =	vst v53  }
0x6e1: {  	v9 =	vbroadcast v18, $0x4;
	[tilespmem:s22+$0x40] =	vst v54;
	v13 =	vld.idx.msk [tilespmem:v41+s12+$0x0], $0xffff  }
0x6e2: {  	v14 =	vlaneseq.u32;
	v11 =	vld.idx.msk [tilespmem:v55+s12+$0x0], $0xffff  }
0x6e3: {  	v12 =	vadd.s32 v14, v9;
	_ =	sdelay $0x2  }
0x6e4: {  	v59 =	vbroadcast v18, $0x5;
	[tilespmem:s22+$0xFFFFFED0] =	vst v13  }
0x6e5: {  	[tilespmem:s22+$0x50] =	vst v11;
	v60 =	vld.idx.msk [tilespmem:v37+s12+$0x0], $0xffff  }
0x6e6: {  	v9 =	vsel vm8, v9, v59;
	v11 =	vld.idx.msk [tilespmem:v12+s12+$0x0], $0xffff  }
0x6e7: {  	v9 =	vadd.s32 v6, v9;
	_ =	sdelay $0x2  }
0x6e8: {  	[tilespmem:s22+$0xFFFFFEE0] =	vst v60  }
0x6e9: {  	[tilespmem:s22+$0x60] =	vst v11;
	v12 =	vld.idx.msk [tilespmem:v35+s12+$0x0], $0xffff  }
0x6ea: {  	v9 =	vld.idx.msk [tilespmem:v9+s12+$0x0], $0xffff  }
0x6eb: {  	v61 =	vadd.s32 v7, v59;
	_ =	sdelay $0x2  }
0x6ec: {  	[tilespmem:s21+$0xFFFFFEF0] =	vst v12  }
0x6ed: {  	v16 =	vbroadcast v18, $0x6;
	[tilespmem:s22+$0x70] =	vst v9;
	v12 =	vld.idx.msk [tilespmem:v38+s12+$0x0], $0xffff  }
0x6ee: {  	v11 =	vld.idx.msk [tilespmem:v61+s12+$0x0], $0xffff  }
0x6ef: {  	v19 =	vadd.s32 v14, v16;
	_ =	sdelay $0x2  }
0x6f0: {  	v37 =	vbroadcast v18, $0x7;
	[tilespmem:s21+$0xFFFFFF00] =	vst v12  }
0x6f1: {  	[tilespmem:s21+$0x80] =	vst v11;
	v12 =	vld.idx.msk [tilespmem:v33+s12+$0x0], $0xffff  }
0x6f2: {  	v9 =	vsel vm8, v16, v37;
	v11 =	vld.idx.msk [tilespmem:v19+s12+$0x0], $0xffff  }
0x6f3: {  	v9 =	vadd.s32 v6, v9;
	_ =	sdelay $0x2  }
0x6f4: {  	[tilespmem:s21+$0xFFFFFF10] =	vst v12  }
0x6f5: {  	[tilespmem:s21+$0x90] =	vst v11;
	v5 =	vld.idx.msk [tilespmem:v5+s12+$0x0], $0xffff  }
0x6f6: {  	v9 =	vld.idx.msk [tilespmem:v9+s12+$0x0], $0xffff  }
0x6f7: {  	v38 =	vadd.s32 v7, v37;
	_ =	sdelay $0x2  }
0x6f8: {  	v53 =	vsel vm8, v50, v45;
	[tilespmem:s21+$0xFFFFFF20] =	vst v5;
	v5 =	vld.idx.msk [tilespmem:v52+s12+$0x0], $0xffff  }
0x6f9: {  	v41 =	vbroadcast v18, $0x8;
	v13 =	vadd.s32 v6, v53;
	[tilespmem:s21+$0xA0] =	vst v9;
	v3 =	vld.idx.msk [tilespmem:v3+s12+$0x0], $0xffff  }
0x6fa: {  	v11 =	vld.idx.msk [tilespmem:v38+s12+$0x0], $0xffff  }
0x6fb: {  	v49 =	vadd.s32 v14, v41  }
0x6fc: {  	[tilespmem:s20+$0xFFFFFF30] =	vst v51  }
0x6fd: {  	v55 =	vld.idx.msk [tilespmem:v27+s12+$0x0], $0xffff;
	[tilespmem:s20+$0xC0] =	vst v5  }
0x6fe: {  	v54 =	vbroadcast v18, $0x9;
	[tilespmem:s21+$0xFFFFFF30] =	vst v3;
	v5 =	vld.idx.msk [tilespmem:v13+s12+$0x0], $0xffff  }
0x6ff: {  	v56 =	vadd.s32 v7, v45;
	[tilespmem:s21+$0xB0] =	vst v11;
	v3 =	vld.idx.msk [tilespmem:v43+s12+$0x0], $0xffff  }
0x700: {  	v9 =	vsel vm8, v41, v54;
	v11 =	vld.idx.msk [tilespmem:v49+s12+$0x0], $0xffff  }
0x701: {  	v9 =	vadd.s32 v6, v9  }
0x702: {  	[tilespmem:s20+$0xFFFFFF40] =	vst v55  }
0x703: {  	v57 =	vld.idx.msk [tilespmem:v30+s12+$0x0], $0xffff;
	[tilespmem:s20+$0xD0] =	vst v5;
	v5 =	vbroadcast v10, $0xA  }
0x704: {  	[tilespmem:s21+$0xFFFFFF40] =	vst v3;
	v13 =	vld.idx.msk [tilespmem:v56+s12+$0x0], $0xffff  }
0x705: {  	[tilespmem:s21+$0xC0] =	vst v11;
	v3 =	vld.idx.msk [tilespmem:v39+s12+$0x0], $0xffff;
	v59 =	vadd.s32 v14, v5  }
0x706: {  	v9 =	vld.idx.msk [tilespmem:v9+s12+$0x0], $0xffff  }
0x707: {  	v58 =	vadd.s32 v7, v54  }
0x708: {  	[tilespmem:s20+$0xFFFFFF50] =	vst v57;
	v19 =	vbroadcast v10, $0xB  }
0x709: {  	v16 =	vld.idx.msk [tilespmem:v28+s12+$0x0], $0xffff;
	[tilespmem:s20+$0xE0] =	vst v13  }
0x70a: {  	v5 =	vsel vm8, v5, v19;
	[tilespmem:s21+$0xFFFFFF50] =	vst v3;
	v13 =	vld.idx.msk [tilespmem:v59+s12+$0x0], $0xffff  }
0x70b: {  	v60 =	vbroadcast v18, $0xA;
	v5 =	vadd.s32 v6, v5;
	[tilespmem:s21+$0xD0] =	vst v9;
	v30 =	vld.idx.msk [tilespmem:v34+s12+$0x0], $0xffff  }
0x70c: {  	v61 =	vld.idx.msk [tilespmem:v58+s12+$0x0], $0xffff  }
0x70d: {  	v28 =	vadd.s32 v14, v60  }
0x70e: {  	[tilespmem:s20+$0xFFFFFF60] =	vst v16  }
0x70f: {  	v12 =	vld.idx.msk [tilespmem:v29+s12+$0x0], $0xffff;
	[tilespmem:s20+$0xF0] =	vst v13  }
0x710: {  	v33 =	vbroadcast v18, $0xB;
	[tilespmem:s21+$0xFFFFFF60] =	vst v30;
	v5 =	vld.idx.msk [tilespmem:v5+s12+$0x0], $0xffff  }
0x711: {  	v3 =	vadd.s32 v7, v19;
	[tilespmem:s21+$0xE0] =	vst v61;
	v2 =	vld.idx.msk [tilespmem:v2+s12+$0x0], $0xffff  }
0x712: {  	v9 =	vsel vm8, v60, v33;
	v11 =	vld.idx.msk [tilespmem:v28+s12+$0x0], $0xffff  }
0x713: {  	[tilespmem:s18+$0xFFFFFFD0] =	vst v48;
	v9 =	vadd.s32 v6, v9  }
0x714: {  	[tilespmem:s20+$0xFFFFFF70] =	vst v12  }
0x715: {  	v37 =	vbroadcast v10, $0xC;
	v34 =	vld.idx.msk [tilespmem:v26+s12+$0x0], $0xffff;
	[tilespmem:s20+$0x100] =	vst v5  }
0x716: {  	[tilespmem:s21+$0xFFFFFF70] =	vst v2;
	v3 =	vld.idx.msk [tilespmem:v3+s12+$0x0], $0xffff  }
0x717: {  	v5 =	vadd.s32 v14, v37;
	[tilespmem:s21+$0xF0] =	vst v11;
	v1 =	vld.idx.msk [tilespmem:v1+s12+$0x0], $0xffff  }
0x718: {  	[tilespmem:s19+$0xFFFFFF90] =	vst v47;
	v9 =	vld.idx.msk [tilespmem:v9+s12+$0x0], $0xffff  }
0x719: {  	v47 =	vld.idx.msk [tilespmem:v63+s12+$0x0], $0xffff;
	[tilespmem:s19+$0x130] =	vst v46;
	v35 =	vadd.s32 v7, v33  }
0x71a: {  	v45 =	vbroadcast v10, $0xD;
	v17 =	vld.idx.msk [tilespmem:v17+s12+$0x0], $0xffff;
	[tilespmem:s20+$0xFFFFFF80] =	vst v34  }
0x71b: {  	v41 =	vld.idx.msk [tilespmem:v25+s12+$0x0], $0xffff;
	[tilespmem:s20+$0x110] =	vst v3  }
0x71c: {  	v2 =	vsel vm8, v37, v45;
	[tilespmem:s21+$0xFFFFFF80] =	vst v1;
	v3 =	vld.idx.msk [tilespmem:v5+s12+$0x0], $0xffff  }
0x71d: {  	v38 =	vbroadcast v18, $0xC;
	v2 =	vadd.s32 v6, v2;
	[tilespmem:s21+$0x100] =	vst v9;
	v4 =	vld.idx.msk [tilespmem:v4+s12+$0x0], $0xffff  }
0x71e: {  	[tilespmem:s18+$0xFFFFFFE0] =	vst v47;
	v39 =	vld.idx.msk [tilespmem:v35+s12+$0x0], $0xffff  }
0x71f: {  	v0 =	vld.idx.msk [tilespmem:v0+s12+$0x0], $0xffff;
	[tilespmem:s19+$0xFFFFFFA0] =	vst v17;
	v43 =	vadd.s32 v14, v38  }
0x720: {  	v16 =	vld.idx.msk [tilespmem:v15+s12+$0x0], $0xffff;
	[tilespmem:s20+$0xFFFFFF90] =	vst v41  }
0x721: {  	v12 =	vld.idx.msk [tilespmem:v24+s12+$0x0], $0xffff;
	[tilespmem:s20+$0x120] =	vst v3  }
0x722: {  	[tilespmem:s21+$0xFFFFFF90] =	vst v4;
	v2 =	vld.idx.msk [tilespmem:v2+s12+$0x0], $0xffff  }
0x723: {  	[tilespmem:s21+$0x110] =	vst v39;
	v48 =	vld.idx.msk [tilespmem:v44+s12+$0x0], $0xffff  }
0x724: {  	[tilespmem:s19+$0x140] =	vst v0;
	v11 =	vld.idx.msk [tilespmem:v43+s12+$0x0], $0xffff  }
0x725: {  	[tilespmem:s19+$0xFFFFFFB0] =	vst v16  }
0x726: {  	[tilespmem:s20+$0xFFFFFFA0] =	vst v12  }
0x727: {  	[tilespmem:s20+$0x130] =	vst v2  }
0x728: {  	[tilespmem:s21+$0xFFFFFFA0] =	vst v48  }
0x729: {  	v5 =	vbroadcast v18, $0xD;
	v1 =	vadd.s32 v7, v45;
	v4 =	vbroadcast v8, $0xE;
	[tilespmem:s21+$0x120] =	vst v11  }
0x72a: {  	v12 =	vld [tilespmem:$0x1FB30]  }
0x72b: {  	v9 =	vsel vm8, v38, v5;
	v49 =	vadd.s32 v14, v4  }
0x72c: {  	v9 =	vadd.s32 v6, v9  }
0x72d: {  	v50 =	vld.idx.msk [tilespmem:v23+s12+$0x0], $0xffff  }
0x72e: {  	v1 =	vld.idx.msk [tilespmem:v1+s12+$0x0], $0xffff  }
0x72f: {  	v51 =	vld.idx.msk [tilespmem:v40+s12+$0x0], $0xffff  }
0x730: {  	v3 =	vld.idx.msk [tilespmem:v49+s12+$0x0], $0xffff  }
0x731: {  	v9 =	vld.idx.msk [tilespmem:v9+s12+$0x0], $0xffff  }
0x732: {  	[tilespmem:s20+$0xFFFFFFB0] =	vst v50;
	v12 =	vld.idx.msk [tilespmem:v12+s12+$0x0], $0xffff  }
0x733: {  	[tilespmem:s20+$0x140] =	vst v1  }
0x734: {  	[tilespmem:s21+$0xFFFFFFB0] =	vst v51  }
0x735: {  	[tilespmem:s19+$0x150] =	vst v3  }
0x736: {  	v5 =	vadd.s32 v7, v5;
	v8 =	vbroadcast v8, $0xF;
	[tilespmem:s21+$0x130] =	vst v9  }
0x737: {  	[tilespmem:s19+$0xFFFFFFC0] =	vst v12  }
0x738: {  	v52 =	vbroadcast v10, $0xE;
	v4 =	vsel vm8, v4, v8;
	v12 =	vld [tilespmem:$0x1FB40]  }
0x739: {  	v4 =	vadd.s32 v6, v4  }
0x73a: {  	v53 =	vadd.s32 v14, v52  }
0x73b: {  	v5 =	vld.idx.msk [tilespmem:v5+s12+$0x0], $0xffff  }
0x73c: {  	v11 =	vld.idx.msk [tilespmem:v22+s12+$0x0], $0xffff  }
0x73d: {  	v57 =	vld.idx.msk [tilespmem:v32+s12+$0x0], $0xffff  }
0x73e: {  	v4 =	vld.idx.msk [tilespmem:v4+s12+$0x0], $0xffff  }
0x73f: {  	v58 =	vadd.s32 v7, v8;
	v8 =	vld.idx.msk [tilespmem:v53+s12+$0x0], $0xffff  }
0x740: {  	[tilespmem:s21+$0x140] =	vst v5;
	v12 =	vld.idx.msk [tilespmem:v12+s12+$0x0], $0xffff  }
0x741: {  	[tilespmem:s20+$0xFFFFFFC0] =	vst v11  }
0x742: {  	v54 =	vbroadcast v18, $0xE;
	[tilespmem:s21+$0xFFFFFFC0] =	vst v57  }
0x743: {  	[tilespmem:s19+$0x160] =	vst v4  }
0x744: {  	v55 =	vadd.s32 v14, v54;
	[tilespmem:s20+$0x150] =	vst v8  }
0x745: {  	v56 =	vbroadcast v10, $0xF;
	[tilespmem:s19+$0xFFFFFFD0] =	vst v12  }
0x746: {  	v4 =	vld [tilespmem:$0x1FB50]  }
0x747: {  	v59 =	vbroadcast v18, $0xF;
	v2 =	vsel vm8, v52, v56  }
0x748: {  	v2 =	vadd.s32 v6, v2  }
0x749: {  	v9 =	vsel vm8, v54, v59;
	v5 =	vld.idx.msk [tilespmem:v55+s12+$0x0], $0xffff  }
0x74a: {  	v9 =	vadd.s32 v6, v9;
	v11 =	vld.idx.msk [tilespmem:v21+s12+$0x0], $0xffff  }
0x74b: {  	v3 =	vld.idx.msk [tilespmem:v31+s12+$0x0], $0xffff  }
0x74c: {  	v1 =	vld.idx.msk [tilespmem:v58+s12+$0x0], $0xffff  }
0x74d: {  	v2 =	vld.idx.msk [tilespmem:v2+s12+$0x0], $0xffff  }
0x74e: {  	[tilespmem:s21+$0x150] =	vst v5;
	v4 =	vld.idx.msk [tilespmem:v4+s12+$0x0], $0xffff  }
0x74f: {  	[tilespmem:s20+$0xFFFFFFD0] =	vst v11;
	v5 =	vld.idx.msk [tilespmem:v9+s12+$0x0], $0xffff  }
0x750: {  	[tilespmem:s21+$0xFFFFFFD0] =	vst v3;
	v8 =	vld.idx.msk [tilespmem:v20+s12+$0x0], $0xffff  }
0x751: {  	[tilespmem:s19+$0x170] =	vst v1  }
0x752: {  	[tilespmem:s20+$0x160] =	vst v2  }
0x753: {  	[tilespmem:s19+$0xFFFFFFE0] =	vst v4  }
0x754: {  	v2 =	vld [tilespmem:$0x1FB60];
	[tilespmem:s21+$0x160] =	vst v5  }
0x755: {  	v0 =	vadd.s32 v7, v56;
	v61 =	vld.idx.msk [tilespmem:v42+s12+$0x0], $0xffff;
	[tilespmem:s20+$0xFFFFFFE0] =	vst v8  }
0x756: {  	v60 =	vadd.s32 v7, v59;
	v5 =	vld [tilespmem:$0x1FB70];
	_ =	sdelay $0x2  }
0x757: {  	v63 =	vld.idx.msk [tilespmem:v62+s12+$0x0], $0xffff  }
0x758: {  	v0 =	vld.idx.msk [tilespmem:v0+s12+$0x0], $0xffff  }
0x759: {  	v4 =	vld.idx.msk [tilespmem:v60+s12+$0x0], $0xffff;
	[tilespmem:s21+$0xFFFFFFE0] =	vst v61  }
0x75a: {  	v1 =	vld.idx.msk [tilespmem:v36+s12+$0x0], $0xffff  }
0x75b: {  	v2 =	vld.idx.msk [tilespmem:v2+s12+$0x0], $0xffff  }
0x75c: {  	[tilespmem:s18+$0xFFFFFFF0] =	vst v63;
	v5 =	vld.idx.msk [tilespmem:v5+s12+$0x0], $0xffff  }
0x75d: {  	[tilespmem:s20+$0x170] =	vst v0  }
0x75e: {  	[tilespmem:s21+$0x170] =	vst v4  }
0x75f: {  	[tilespmem:s21+$0xFFFFFFF0] =	vst v1  }
0x760: {  	[tilespmem:s19+$0xFFFFFFF0] =	vst v2  }
0x761: {  	[tilespmem:s20+$0xFFFFFFF0] =	vst v5  }
0x762: {  	s0 =	rddreg [dreg:$0xa]  }
0x763: {  	[hbm4b:s0+s16] =	stream.linear.scatter [tilespmem:s5], [sflag:$0x2], $0x9000, $0x38;
	[tilespmem:$0x15D00] =	vst v63  }
0x764: {  	_ =	swait.ge [sflag:s6], $0x9000  }
0x765: {  	[sflag:s6] =	ssyncset.done $0x0  }
0x766: {  	[sflag:s6] =	ssyncadd.s32 $0xFFFF7000  }
0x767: {  	_ =	swait.ge [sflag:s4], $0x9000  }
0x768: {  	s1 =	rddreg [dreg:$0xc]  }
0x769: {  	s31 =	rddreg [dreg:$0xb];
	s1 =	sadd.s32 $0x1, s1  }
0x76a: {  	p0 =	sne.s32 s1, s31  }
.Ltmp5:
0x76b: {  	_ = 	snop;
	(pc) =	sbr.rel @p0 .LBB2_1-.Ltmp5, $3  }
0x76c: {  	_ =	sdelay $0x1  }
0x76d: {  	[sflag:s4] =	ssyncset.done $0x0;
	v32 =	vld [tilespmem:$0x1FFE0]  }
0x76e: {  	v31 =	vimm.s32 $0x0;
	v33 =	vld [tilespmem:$0x1FFF0];
	[sflag:s4] =	ssyncadd.s32 $0xFFFF7000  }
0x76f: {  	_ =	sfence.sel $0x180000  }
0x770: {  	[bflag:$0x0] =	sbarrier.arrive $0xFFFF  }
0x771: {  	_ =	strace $0x90000047  }
0x772: {  	s0 =	stileid.u32;
	[bflag:$0x2] =	sbarrier.arrive $0xFFFF  }
0x773: {  	p0 =	sne.s32 s0, $0x0;
	s0 =	rddreg [dreg:$0x2]  }
0x774: {  	s0 =	sadd.s32 @!p0 $0x100000, s0  }
0x775: {  	[sflag:s0] =	ssyncadd.tile.s32 @!p0 $0x1;
	_ =	shalt  }
.Lfunc_end2:
_tile_overlayer_lowered:
.L_overlay_start_2:
0x776: {  	(tag) =	ssettag $0x2  }
0x777: {  	s0 =	rddreg [dreg:$0x0];
	s2 =	stileid.u32  }
0x778: {  	s1 =	rddreg [dreg:$0x1];
	p0 =	sne.s32 s2, $0x0  }
0x779: {  	s3 =	rddreg [dreg:$0x2];
	[bflag:$0x3] =	sbarrier.arrive $0xFFFF;
	s2 =	simm.s32 @!p0 $0x1C03  }
0x77a: {  	[timem:s3], [sflag:s2] =	dma.local @!p0 [hbm:s0], s1  }
0x77b: {  	s0 =	simm.s32 @!p0 $0x3  }
0x77c: {  	_ =	swait.ge @!p0 [sflag:s0], s1  }
0x77d: {  	s1 =	ssub.s32 @!p0 $0x0, s1;
	[sflag:s0] =	ssyncset.done @!p0 $0x0  }
0x77e: {  	[sflag:s0] =	ssyncadd.s32 @!p0 s1  }
0x77f: {  	[bflag:$0x3] =	sbarrier.arrive $0xFFFF  }
0x780: {  	_ =	shalt  }

</sc_bundles>
